<compile_context>
chip_gen: v7x
topology: tpu7x:2x2x1
jax: 0.10.2.dev20260603
libtpu: 0.0.44.dev20260713+nightly
codegen_flags: <defaults>
</compile_context>

<pallas_src>
import functools

import jax
import jax.numpy as jnp
from jax import lax
from jax.experimental import pallas as pl
from jax.experimental.pallas import tpu as pltpu
from jax.experimental.pallas import tpu_sc as plsc

N = 10000
E = 320000
H = 50
D = 64
NODE_IN = 128
EDGE_IN_DIM = 16

NC, NS = 2, 16
NW = NC * NS
C = 80
RCH = 80
NRCH = N // RCH
CPT = 8
BLK = 2560

EA = 163840
EB = E - EA

_f32 = jnp.float32


def _pad_lin(p, in_pad, out_pad):
    W, b = p
    W = jnp.pad(W, ((0, in_pad - W.shape[0]), (0, out_pad - W.shape[1])))
    b = jnp.pad(b, (0, out_pad - b.shape[0])).reshape(1, -1)
    return W, b



def _p1_body(nf, wl, bl, wr, br, wn, bn, t_out, nn_out):
    x = nf[...]
    left = x @ wl[...] + bl[...]
    right = x @ wr[...] + br[...]
    t_out[...] = jnp.concatenate([left, right], axis=1)
    nn_out[...] = jnp.maximum(x @ wn[...] + bn[...], 0.0)


def _p1(nf, wl, bl, wr, br, wn, bn):
    return pl.pallas_call(
        _p1_body,
        out_shape=(
            jax.ShapeDtypeStruct((N, 2 * D), _f32),
            jax.ShapeDtypeStruct((N, D), _f32),
        ),
    )(nf, wl, bl, wr, br, wn, bn)



@functools.lru_cache(maxsize=None)
def _make_p2(n_edges):
    epw = n_edges // NW
    nchunk = epw // C
    odd = nchunk % 2 == 1

    def body(t_hbm, src3_hbm, dst3_hbm, fs_hbm,
             sidx_all, didx_all,
             gs0, gd0, ob0, ss0, sd0, os0,
             gs1, gd1, ob1, ss1, sd1, os1):
        c = lax.axis_index("c")
        s = lax.axis_index("s")
        wid = s * NC + c
        base0 = wid * epw
        sets = ((gs0, gd0, ob0, ss0, sd0, os0),
                (gs1, gd1, ob1, ss1, sd1, os1))

        pltpu.sync_copy(src3_hbm.at[wid], sidx_all)
        pltpu.sync_copy(dst3_hbm.at[wid], didx_all)

        def start(k, S):
            pltpu.async_copy(t_hbm.at[sidx_all.at[k]], S[0], S[3])
            pltpu.async_copy(t_hbm.at[didx_all.at[k]], S[1], S[4])

        def wait(S):
            pltpu.make_async_copy(t_hbm.at[sidx_all.at[0]], S[0], S[3]).wait()
            pltpu.make_async_copy(t_hbm.at[didx_all.at[0]], S[1], S[4]).wait()

        def compute_write(k, S):
            gs, gd, ob, osem = S[0], S[1], S[2], S[5]

            @pl.when(k >= 2)
            def _():
                pltpu.make_async_copy(ob, fs_hbm.at[pl.ds(0, C)], osem).wait()

            def row(r, carry2):
                for h in range(D // 16):
                    a = gs[r, pl.ds(h * 16, 16)]
                    b = gd[r, pl.ds(D + h * 16, 16)]
                    ob[r, pl.ds(h * 16, 16)] = jnp.maximum(a + b, 0.0)
                    a2 = gs[r, pl.ds(D + h * 16, 16)]
                    b2 = gd[r, pl.ds(h * 16, 16)]
                    ob[r, pl.ds(D + h * 16, 16)] = jnp.maximum(a2 + b2, 0.0)
                return carry2

            lax.fori_loop(0, C, row, 0)
            pltpu.async_copy(ob, fs_hbm.at[pl.ds(base0 + k * C, C)], osem)

        start(0, sets[0])

        def lbody(tt, carry):
            j0 = 2 * tt
            wait(sets[0])
            start(j0 + 1, sets[1])
            compute_write(j0, sets[0])
            wait(sets[1])

            @pl.when(j0 + 2 < nchunk)
            def _():
                start(j0 + 2, sets[0])

            compute_write(j0 + 1, sets[1])
            return carry

        lax.fori_loop(0, nchunk // 2, lbody, 0)
        if odd:
            wait(sets[0])
            compute_write(nchunk - 1, sets[0])
        pltpu.make_async_copy(ob0, fs_hbm.at[pl.ds(0, C)], os0).wait()
        pltpu.make_async_copy(ob1, fs_hbm.at[pl.ds(0, C)], os1).wait()

    mesh = plsc.VectorSubcoreMesh(core_axis_name="c", subcore_axis_name="s")
    one_set = [
        pltpu.VMEM((C, 2 * D), _f32),
        pltpu.VMEM((C, 2 * D), _f32),
        pltpu.VMEM((C, 2 * D), _f32),
        pltpu.SemaphoreType.DMA,
        pltpu.SemaphoreType.DMA,
        pltpu.SemaphoreType.DMA,
    ]
    return functools.partial(
        pl.kernel,
        out_type=jax.ShapeDtypeStruct((n_edges, 2 * D), _f32),
        mesh=mesh,
        scratch_types=[pltpu.VMEM((nchunk, C), jnp.int32),
                       pltpu.VMEM((nchunk, C), jnp.int32)]
        + one_set + one_set,
    )(body)



def _p3_body(ef, fs, we2e, be2e, u12, u3, bu, we2n0, be2n0, we2n1, be2n1, z0):
    e = ef[...]
    f = fs[...]
    third = jnp.maximum(e @ we2e[...] + be2e[...], 0.0)
    ne = jnp.maximum(f @ u12[...] + third @ u3[...] + bu[...], 0.0)
    za = jnp.maximum(e @ we2n0[...] + be2n0[...], 0.0)
    zb = jnp.maximum(ne @ we2n1[...] + be2n1[...], 0.0)
    z0[...] = jnp.concatenate([za, zb], axis=1)


def _p3(ef, fs, we2e, be2e, u12, u3, bu, we2n0, be2n0, we2n1, be2n1):
    n_edges = ef.shape[0]
    grid = (n_edges // BLK,)
    full = lambda w: pl.BlockSpec(w.shape, lambda i: (0, 0))
    return pl.pallas_call(
        _p3_body,
        grid=grid,
        in_specs=[
            pl.BlockSpec((BLK, EDGE_IN_DIM), lambda i: (i, 0)),
            pl.BlockSpec((BLK, 2 * D), lambda i: (i, 0)),
            full(we2e), full(be2e), full(u12), full(u3), full(bu),
            full(we2n0), full(be2n0), full(we2n1), full(be2n1),
        ],
        out_specs=pl.BlockSpec((BLK, 2 * D), lambda i: (i, 0)),
        out_shape=jax.ShapeDtypeStruct((n_edges, 2 * D), _f32),
    )(ef, fs, we2e, be2e, u12, u3, bu, we2n0, be2n0, we2n1, be2n1)



@functools.lru_cache(maxsize=None)
def _make_p4(n_edges):
    epw = n_edges // NW
    nchunk = epw // C
    odd = nchunk % 2 == 1

    def body(z_hbm, dst3_hbm, p_hbm, didx_all, b0, sm0, b1, sm1, zb, acc):
        c = lax.axis_index("c")
        s = lax.axis_index("s")
        wid = s * NC + c

        rstart = s * CPT
        ncop = jnp.minimum(CPT, NRCH - rstart)

        def zrow(r, carry):
            for h in range(2 * D // 16):
                zb[r, pl.ds(h * 16, 16)] = jnp.zeros((16,), _f32)
            return carry

        lax.fori_loop(0, RCH, zrow, 0)

        def zcopy(k, carry):
            off = (rstart + k) * RCH
            pltpu.sync_copy(zb, acc.at[pl.ds(off, RCH)])
            return carry

        lax.fori_loop(0, ncop, zcopy, 0)
        plsc.subcore_barrier()

        pltpu.sync_copy(dst3_hbm.at[wid], didx_all)
        sets = ((b0, sm0), (b1, sm1))

        def start(k, S):
            base = wid * epw + k * C
            pltpu.async_copy(z_hbm.at[pl.ds(base, C)], S[0], S[1])

        def wait(S):
            pltpu.make_async_copy(z_hbm.at[pl.ds(0, C)], S[0], S[1]).wait()

        def scat(k, S):
            pltpu.sync_copy(S[0], acc.at[didx_all.at[k]], add=True)

        start(0, sets[0])

        def lbody(tt, carry):
            j0 = 2 * tt
            wait(sets[0])
            start(j0 + 1, sets[1])
            scat(j0, sets[0])
            wait(sets[1])

            @pl.when(j0 + 2 < nchunk)
            def _():
                start(j0 + 2, sets[0])

            scat(j0 + 1, sets[1])
            return carry

        lax.fori_loop(0, nchunk // 2, lbody, 0)
        if odd:
            wait(sets[0])
            scat(nchunk - 1, sets[0])
        plsc.subcore_barrier()

        def wcopy(k, carry):
            off = (rstart + k) * RCH
            pltpu.sync_copy(acc.at[pl.ds(off, RCH)], zb)
            pltpu.sync_copy(zb, p_hbm.at[c, pl.ds(off, RCH)])
            return carry

        lax.fori_loop(0, ncop, wcopy, 0)

    mesh = plsc.VectorSubcoreMesh(core_axis_name="c", subcore_axis_name="s")
    return functools.partial(
        pl.kernel,
        out_type=jax.ShapeDtypeStruct((NC, N, 2 * D), _f32),
        mesh=mesh,
        scratch_types=[
            pltpu.VMEM((nchunk, C), jnp.int32),
            pltpu.VMEM((C, 2 * D), _f32),
            pltpu.SemaphoreType.DMA,
            pltpu.VMEM((C, 2 * D), _f32),
            pltpu.SemaphoreType.DMA,
            pltpu.VMEM((RCH, 2 * D), _f32),
            pltpu.VMEM_SHARED((N, 2 * D), _f32),
        ],
    )(body)



def _p5_body(nn0, pa, pb, a1, a2, b0, wn1, bn1, c1, c2, b1, out):
    psum = pa[0] + pa[1] + pb[0] + pb[1]
    en0 = psum[:, :D]
    en1 = psum[:, D:]
    new_node0 = jnp.maximum(nn0[...] @ a1[...] + en0 @ a2[...] + b0[...], 0.0)
    node_node1 = jnp.maximum(new_node0 @ wn1[...] + bn1[...], 0.0)
    out[...] = jnp.maximum(node_node1 @ c1[...] + en1 @ c2[...] + b1[...], 0.0)


def _p5(nn0, pa, pb, a1, a2, b0, wn1, bn1, c1, c2, b1):
    return pl.pallas_call(
        _p5_body,
        out_shape=jax.ShapeDtypeStruct((N, D), _f32),
    )(nn0, pa, pb, a1, a2, b0, wn1, bn1, c1, c2, b1)



def kernel(node_feats, edge_feats, params, edge_index):
    l0, l1 = params[0], params[1]
    src, dst = edge_index[0], edge_index[1]

    wl, bl = _pad_lin(l0['left'], NODE_IN, D)
    wr, br = _pad_lin(l0['right'], NODE_IN, D)
    wn0, bn0 = _pad_lin(l0['n2n'], NODE_IN, D)

    we2e, be2e = _pad_lin(l0['e2e'], EDGE_IN_DIM, D)
    wu_raw, bu_raw = l0['upd_e']
    u1 = jnp.pad(wu_raw[0:H], ((0, D - H), (0, D - H)))
    u2 = jnp.pad(wu_raw[H:2 * H], ((0, D - H), (0, D - H)))
    u3 = jnp.pad(wu_raw[2 * H:3 * H], ((0, D - H), (0, D - H)))
    u12 = jnp.concatenate([u1, u2], axis=0)
    bu = jnp.pad(bu_raw, (0, D - H)).reshape(1, -1)
    we2n0, be2n0 = _pad_lin(l0['e2n'], EDGE_IN_DIM, D)
    we2n1, be2n1 = _pad_lin(l1['e2n'], D, D)

    wun0, bun0 = l0['upd_n']
    a1 = jnp.pad(wun0[0:H], ((0, D - H), (0, D - H)))
    a2 = jnp.pad(wun0[H:2 * H], ((0, D - H), (0, D - H)))
    b0 = jnp.pad(bun0, (0, D - H)).reshape(1, -1)
    wn1, bn1 = _pad_lin(l1['n2n'], D, D)
    wun1, bun1 = l1['upd_n']
    c1 = jnp.pad(wun1[0:H], ((0, D - H), (0, D - H)))
    c2 = jnp.pad(wun1[H:2 * H], ((0, D - H), (0, D - H)))
    b1 = jnp.pad(bun1, (0, D - H)).reshape(1, -1)

    t, nn0 = _p1(node_feats, wl, bl, wr, br, wn0, bn0)

    edge_w = (we2e, be2e, u12, u3, bu, we2n0, be2n0, we2n1, be2n1)
    parts = []
    for lo, ne in ((0, EA), (EA, EB)):
        s3 = src[lo:lo + ne].reshape(NW, ne // NW // C, C)
        d3 = dst[lo:lo + ne].reshape(NW, ne // NW // C, C)
        fs = _make_p2(ne)(t, s3, d3)
        z = _p3(edge_feats[lo:lo + ne], fs, *edge_w)
        parts.append(_make_p4(ne)(z, d3))

    out = _p5(nn0, parts[0], parts[1], a1, a2, b0, wn1, bn1, c1, c2, b1)
    return out[:, :H]

# --- scband reference (transcript-rebuilt; emitter-appended) ---
"""Pipeline reference for scband-weave-8160437862946 (READ-ONLY COPY).

The authoritative reference and input builder live on the scoring server;
editing this copy changes nothing except your own understanding.
"""

import jax, jax.numpy as jnp
import numpy as np

N_NODES = 10000
N_EDGES = 320000
NODE_IN = 128
EDGE_IN = 16
HIDDEN = 50
NUM_LAYERS = 2


def _linear_params(key, in_dim, out_dim):
    k1, k2 = jax.random.split(key)
    bound = 1.0 / np.sqrt(in_dim)
    W = jax.random.uniform(k1, (in_dim, out_dim), minval=-bound, maxval=bound, dtype=jnp.float32)
    b = jax.random.uniform(k2, (out_dim,), minval=-bound, maxval=bound, dtype=jnp.float32)
    return (W, b)


def setup_inputs(seed: int = 0) -> dict:
    key = jax.random.key(seed)
    ks = jax.random.split(key, 3)
    node_feats = jax.random.normal(ks[0], (N_NODES, NODE_IN), dtype=jnp.float32)
    edge_feats = jax.random.normal(ks[1], (N_EDGES, EDGE_IN), dtype=jnp.float32)
    edge_index = jax.random.randint(ks[2], (2, N_EDGES), 0, N_NODES, dtype=jnp.int32)

    pkey = jax.random.key(1)
    params = []
    in_n, in_e = NODE_IN, EDGE_IN
    for i in range(NUM_LAYERS):
        lk = jax.random.split(jax.random.fold_in(pkey, i), 7)
        layer = {
            'n2n': _linear_params(lk[0], in_n, HIDDEN),
            'e2n': _linear_params(lk[1], in_e, HIDDEN),
            'upd_n': _linear_params(lk[2], 2 * HIDDEN, HIDDEN),
            'left': _linear_params(lk[3], in_n, HIDDEN),
            'right': _linear_params(lk[4], in_n, HIDDEN),
            'e2e': _linear_params(lk[5], in_e, HIDDEN),
            'upd_e': _linear_params(lk[6], 3 * HIDDEN, HIDDEN),
        }
        params.append(layer)
        in_n, in_e = HIDDEN, HIDDEN
    return {'node_feats': node_feats, 'edge_feats': edge_feats, 'params': params, 'edge_index': edge_index}


def _lin(x, p):
    W, b = p
    return x @ W + b


def _weave_layer(layer, node_feats, edge_feats, src, dst, node_only):
    act = jax.nn.relu
    # node update: node_to_node + aggregated edge_to_node messages (copy_edge -> sum at dst)
    node_node = act(_lin(node_feats, layer['n2n']))
    e2n = act(_lin(edge_feats, layer['e2n']))
    edge_node = jax.ops.segment_sum(e2n, dst, num_segments=N_NODES)
    new_node = act(_lin(jnp.concatenate([node_node, edge_node], axis=1), layer['upd_n']))
    if node_only:
        return new_node, None
    # edge update: u_add_v combinations of left/right node projections + edge_to_edge
    left = _lin(node_feats, layer['left'])
    right = _lin(node_feats, layer['right'])
    first = act(left[src] + right[dst])
    second = act(right[src] + left[dst])
    third = act(_lin(edge_feats, layer['e2e']))
    new_edge = act(_lin(jnp.concatenate([first, second, third], axis=1), layer['upd_e']))
    return new_node, new_edge


def reference(node_feats, edge_feats, params, edge_index):
    src, dst = edge_index[0], edge_index[1]
    nf, ef = node_feats, edge_feats
    for i in range(NUM_LAYERS - 1):
        nf, ef = _weave_layer(params[i], nf, ef, src, dst, False)
    new_node = _weave_layer(params[NUM_LAYERS - 1], nf, ef, src, dst, True)[0]
    return new_node

if __name__ == "__main__":
    import jax
    _d = setup_inputs()
    print(jax.jit(kernel)(*tuple(_d.values())))

</pallas_src>

<mosaic_0001>
#map = affine_map<(d0, d1) -> (0, 0)>
#map1 = affine_map<(d0, d1) -> (0, 0, 0)>
module attributes {stable_mosaic.version = 14 : i64} {
  func.func @body(%arg0: i32, %arg1: i32, %arg2: memref<10000x128xf32, #tpu.memory_space<hbm>>, %arg3: memref<32x64x80xi32, #tpu.memory_space<hbm>>, %arg4: memref<32x64x80xi32, #tpu.memory_space<hbm>>, %arg5: memref<163840x128xf32, #tpu.memory_space<hbm>>, %arg6: memref<64x80xi32, #tpu.memory_space<vmem>>, %arg7: memref<64x80xi32, #tpu.memory_space<vmem>>, %arg8: memref<80x128xf32, #tpu.memory_space<vmem>>, %arg9: memref<80x128xf32, #tpu.memory_space<vmem>>, %arg10: memref<80x128xf32, #tpu.memory_space<vmem>>, %arg11: memref<!tpu.dma_semaphore, #tpu.memory_space<semaphore_mem>>, %arg12: memref<!tpu.dma_semaphore, #tpu.memory_space<semaphore_mem>>, %arg13: memref<!tpu.dma_semaphore, #tpu.memory_space<semaphore_mem>>, %arg14: memref<80x128xf32, #tpu.memory_space<vmem>>, %arg15: memref<80x128xf32, #tpu.memory_space<vmem>>, %arg16: memref<80x128xf32, #tpu.memory_space<vmem>>, %arg17: memref<!tpu.dma_semaphore, #tpu.memory_space<semaphore_mem>>, %arg18: memref<!tpu.dma_semaphore, #tpu.memory_space<semaphore_mem>>, %arg19: memref<!tpu.dma_semaphore, #tpu.memory_space<semaphore_mem>>) attributes {dimension_semantics = [#tpu.dimension_semantics<core_parallel>, #tpu.dimension_semantics<subcore_parallel>], iteration_bounds = array<i64: 2, 16>, scalar_prefetch = 0 : i64, scratch_operands = 14 : i64, tpu.core_type = #tpu.core_type<sc_vector_subcore>, window_params = [{transform_indices = #map}, {transform_indices = #map1}, {transform_indices = #map1}, {transform_indices = #map}]} {
    %mul3A = arith.constant 2 : i32
    %mul3A_0 = arith.muli %arg1, %mul3A : i32
    %add3A = arith.addi %mul3A_0, %arg0 : i32
    %mul3A_1 = arith.constant 5120 : i32
    %mul3A_2 = arith.muli %add3A, %mul3A_1 : i32
    "tpu.region"() ({
      %run_scoped3A = tpu.sem_alloc : memref<!tpu.dma_semaphore, #tpu.memory_space<semaphore_mem>>
      %dma_start3A_32 = arith.constant 0 : i32
      %dma_start3A_33 = arith.constant 0 : i32
      %dma_start3A_34 = tpu.memref_slice %arg3[%add3A, %dma_start3A_32, %dma_start3A_33] : memref<32x64x80xi32, #tpu.memory_space<hbm>> -> memref<1x64x80xi32, #tpu.memory_space<hbm>>
      %dma_start3A_35 = tpu.memref_squeeze %dma_start3A_34 : memref<1x64x80xi32, #tpu.memory_space<hbm>> -> memref<64x80xi32, #tpu.memory_space<hbm>>
      %dma_start3A_36 = arith.constant 0 : i32
      %dma_start3A_37 = arith.constant 0 : i32
      %dma_start3A_38 = tpu.memref_slice %arg3[%add3A, %dma_start3A_36, %dma_start3A_37] : memref<32x64x80xi32, #tpu.memory_space<hbm>> -> memref<1x64x80xi32, #tpu.memory_space<hbm>>
      %dma_start3A_39 = tpu.memref_squeeze %dma_start3A_38 : memref<1x64x80xi32, #tpu.memory_space<hbm>> -> memref<64x80xi32, #tpu.memory_space<hbm>>
      tpu.enqueue_dma source(%dma_start3A_39 : memref<64x80xi32, #tpu.memory_space<hbm>>) target(%arg6 : memref<64x80xi32, #tpu.memory_space<vmem>>) target_semaphore(%run_scoped3A : memref<!tpu.dma_semaphore, #tpu.memory_space<semaphore_mem>>)
      %dma_wait3A_40 = arith.constant 0 : i32
      %dma_wait3A_41 = arith.constant 0 : i32
      %dma_wait3A_42 = tpu.memref_slice %arg3[%add3A, %dma_wait3A_40, %dma_wait3A_41] : memref<32x64x80xi32, #tpu.memory_space<hbm>> -> memref<1x64x80xi32, #tpu.memory_space<hbm>>
      %dma_wait3A_43 = tpu.memref_squeeze %dma_wait3A_42 : memref<1x64x80xi32, #tpu.memory_space<hbm>> -> memref<64x80xi32, #tpu.memory_space<hbm>>
      %dma_wait3A_44 = arith.constant 0 : i32
      %dma_wait3A_45 = arith.constant 0 : i32
      %dma_wait3A_46 = tpu.memref_slice %arg3[%add3A, %dma_wait3A_44, %dma_wait3A_45] : memref<32x64x80xi32, #tpu.memory_space<hbm>> -> memref<1x64x80xi32, #tpu.memory_space<hbm>>
      %dma_wait3A_47 = tpu.memref_squeeze %dma_wait3A_46 : memref<1x64x80xi32, #tpu.memory_space<hbm>> -> memref<64x80xi32, #tpu.memory_space<hbm>>
      tpu.wait_dma2 semaphore(%run_scoped3A : memref<!tpu.dma_semaphore, #tpu.memory_space<semaphore_mem>>) src(%dma_wait3A_47 : memref<64x80xi32, #tpu.memory_space<hbm>>) dst(%arg6 : memref<64x80xi32, #tpu.memory_space<vmem>>)
      tpu.yield
    }) : () -> ()
    "tpu.region"() ({
      %run_scoped3A = tpu.sem_alloc : memref<!tpu.dma_semaphore, #tpu.memory_space<semaphore_mem>>
      %dma_start3A_32 = arith.constant 0 : i32
      %dma_start3A_33 = arith.constant 0 : i32
      %dma_start3A_34 = tpu.memref_slice %arg4[%add3A, %dma_start3A_32, %dma_start3A_33] : memref<32x64x80xi32, #tpu.memory_space<hbm>> -> memref<1x64x80xi32, #tpu.memory_space<hbm>>
      %dma_start3A_35 = tpu.memref_squeeze %dma_start3A_34 : memref<1x64x80xi32, #tpu.memory_space<hbm>> -> memref<64x80xi32, #tpu.memory_space<hbm>>
      %dma_start3A_36 = arith.constant 0 : i32
      %dma_start3A_37 = arith.constant 0 : i32
      %dma_start3A_38 = tpu.memref_slice %arg4[%add3A, %dma_start3A_36, %dma_start3A_37] : memref<32x64x80xi32, #tpu.memory_space<hbm>> -> memref<1x64x80xi32, #tpu.memory_space<hbm>>
      %dma_start3A_39 = tpu.memref_squeeze %dma_start3A_38 : memref<1x64x80xi32, #tpu.memory_space<hbm>> -> memref<64x80xi32, #tpu.memory_space<hbm>>
      tpu.enqueue_dma source(%dma_start3A_39 : memref<64x80xi32, #tpu.memory_space<hbm>>) target(%arg7 : memref<64x80xi32, #tpu.memory_space<vmem>>) target_semaphore(%run_scoped3A : memref<!tpu.dma_semaphore, #tpu.memory_space<semaphore_mem>>)
      %dma_wait3A_40 = arith.constant 0 : i32
      %dma_wait3A_41 = arith.constant 0 : i32
      %dma_wait3A_42 = tpu.memref_slice %arg4[%add3A, %dma_wait3A_40, %dma_wait3A_41] : memref<32x64x80xi32, #tpu.memory_space<hbm>> -> memref<1x64x80xi32, #tpu.memory_space<hbm>>
      %dma_wait3A_43 = tpu.memref_squeeze %dma_wait3A_42 : memref<1x64x80xi32, #tpu.memory_space<hbm>> -> memref<64x80xi32, #tpu.memory_space<hbm>>
      %dma_wait3A_44 = arith.constant 0 : i32
      %dma_wait3A_45 = arith.constant 0 : i32
      %dma_wait3A_46 = tpu.memref_slice %arg4[%add3A, %dma_wait3A_44, %dma_wait3A_45] : memref<32x64x80xi32, #tpu.memory_space<hbm>> -> memref<1x64x80xi32, #tpu.memory_space<hbm>>
      %dma_wait3A_47 = tpu.memref_squeeze %dma_wait3A_46 : memref<1x64x80xi32, #tpu.memory_space<hbm>> -> memref<64x80xi32, #tpu.memory_space<hbm>>
      tpu.wait_dma2 semaphore(%run_scoped3A : memref<!tpu.dma_semaphore, #tpu.memory_space<semaphore_mem>>) src(%dma_wait3A_47 : memref<64x80xi32, #tpu.memory_space<hbm>>) dst(%arg7 : memref<64x80xi32, #tpu.memory_space<vmem>>)
      tpu.yield
    }) : () -> ()
    %dma_start3A = arith.constant 0 : i32
    %dma_start3A_3 = arith.constant 0 : i32
    %dma_start3A_4 = tpu.memref_slice %arg6[%dma_start3A, %dma_start3A_3] : memref<64x80xi32, #tpu.memory_space<vmem>> -> memref<1x80xi32, #tpu.memory_space<vmem>>
    %dma_start3A_5 = tpu.memref_squeeze %dma_start3A_4 : memref<1x80xi32, #tpu.memory_space<vmem>> -> memref<80xi32, #tpu.memory_space<vmem>>
    %dma_start3A_6 = arith.constant 0 : i32
    %dma_start3A_7 = arith.constant 0 : i32
    %dma_start3A_8 = tpu.memref_slice %arg2[%dma_start3A_6, %dma_start3A_7] : memref<10000x128xf32, #tpu.memory_space<hbm>> -> memref<10000x128xf32, #tpu.memory_space<hbm>>
    tpu.enqueue_indirect_dma source(%dma_start3A_8 : memref<10000x128xf32, #tpu.memory_space<hbm>>) target(%arg8 : memref<80x128xf32, #tpu.memory_space<vmem>>) offsets(%dma_start3A_5 : memref<80xi32, #tpu.memory_space<vmem>>) semaphore(%arg11 : memref<!tpu.dma_semaphore, #tpu.memory_space<semaphore_mem>>)
    %dma_start3A_9 = arith.constant 0 : i32
    %dma_start3A_10 = arith.constant 0 : i32
    %dma_start3A_11 = tpu.memref_slice %arg7[%dma_start3A_9, %dma_start3A_10] : memref<64x80xi32, #tpu.memory_space<vmem>> -> memref<1x80xi32, #tpu.memory_space<vmem>>
    %dma_start3A_12 = tpu.memref_squeeze %dma_start3A_11 : memref<1x80xi32, #tpu.memory_space<vmem>> -> memref<80xi32, #tpu.memory_space<vmem>>
    %dma_start3A_13 = arith.constant 0 : i32
    %dma_start3A_14 = arith.constant 0 : i32
    %dma_start3A_15 = tpu.memref_slice %arg2[%dma_start3A_13, %dma_start3A_14] : memref<10000x128xf32, #tpu.memory_space<hbm>> -> memref<10000x128xf32, #tpu.memory_space<hbm>>
    tpu.enqueue_indirect_dma source(%dma_start3A_15 : memref<10000x128xf32, #tpu.memory_space<hbm>>) target(%arg9 : memref<80x128xf32, #tpu.memory_space<vmem>>) offsets(%dma_start3A_12 : memref<80xi32, #tpu.memory_space<vmem>>) semaphore(%arg12 : memref<!tpu.dma_semaphore, #tpu.memory_space<semaphore_mem>>)
    %scan3A = arith.constant 0 : i32
    %scan3A_16 = arith.constant 0 : i32
    %scan3A_17 = arith.constant 32 : i32
    %scan3A_18 = arith.addi %scan3A_16, %scan3A_17 : i32
    %scan3A_19 = arith.constant 1 : i32
    scf.for %scan3A_32 = %scan3A_16 to %scan3A_18 step %scan3A_19  : i32 {
      %mul3A_33 = arith.constant 2 : i32
      %mul3A_34 = arith.muli %mul3A_33, %scan3A_32 : i32
      %dma_wait3A_35 = arith.constant 0 : i32
      %dma_wait3A_36 = arith.constant 0 : i32
      %dma_wait3A_37 = tpu.memref_slice %arg6[%dma_wait3A_35, %dma_wait3A_36] : memref<64x80xi32, #tpu.memory_space<vmem>> -> memref<1x80xi32, #tpu.memory_space<vmem>>
      %dma_wait3A_38 = tpu.memref_squeeze %dma_wait3A_37 : memref<1x80xi32, #tpu.memory_space<vmem>> -> memref<80xi32, #tpu.memory_space<vmem>>
      %dma_wait3A_39 = arith.constant 0 : i32
      %dma_wait3A_40 = arith.constant 0 : i32
      %dma_wait3A_41 = tpu.memref_slice %arg2[%dma_wait3A_39, %dma_wait3A_40] : memref<10000x128xf32, #tpu.memory_space<hbm>> -> memref<10000x128xf32, #tpu.memory_space<hbm>>
      tpu.wait_indirect_dma semaphore(%arg11 : memref<!tpu.dma_semaphore, #tpu.memory_space<semaphore_mem>>) src(%dma_wait3A_41 : memref<10000x128xf32, #tpu.memory_space<hbm>>) dst(%arg8 : memref<80x128xf32, #tpu.memory_space<vmem>>)
      %dma_wait3A_42 = arith.constant 0 : i32
      %dma_wait3A_43 = arith.constant 0 : i32
      %dma_wait3A_44 = tpu.memref_slice %arg7[%dma_wait3A_42, %dma_wait3A_43] : memref<64x80xi32, #tpu.memory_space<vmem>> -> memref<1x80xi32, #tpu.memory_space<vmem>>
      %dma_wait3A_45 = tpu.memref_squeeze %dma_wait3A_44 : memref<1x80xi32, #tpu.memory_space<vmem>> -> memref<80xi32, #tpu.memory_space<vmem>>
      %dma_wait3A_46 = arith.constant 0 : i32
      %dma_wait3A_47 = arith.constant 0 : i32
      %dma_wait3A_48 = tpu.memref_slice %arg2[%dma_wait3A_46, %dma_wait3A_47] : memref<10000x128xf32, #tpu.memory_space<hbm>> -> memref<10000x128xf32, #tpu.memory_space<hbm>>
      tpu.wait_indirect_dma semaphore(%arg12 : memref<!tpu.dma_semaphore, #tpu.memory_space<semaphore_mem>>) src(%dma_wait3A_48 : memref<10000x128xf32, #tpu.memory_space<hbm>>) dst(%arg9 : memref<80x128xf32, #tpu.memory_space<vmem>>)
      %add3A_49 = arith.constant 1 : i32
      %add3A_50 = arith.addi %mul3A_34, %add3A_49 : i32
      %dma_start3A_51 = arith.constant 0 : i32
      %dma_start3A_52 = tpu.memref_slice %arg6[%add3A_50, %dma_start3A_51] : memref<64x80xi32, #tpu.memory_space<vmem>> -> memref<1x80xi32, #tpu.memory_space<vmem>>
      %dma_start3A_53 = tpu.memref_squeeze %dma_start3A_52 : memref<1x80xi32, #tpu.memory_space<vmem>> -> memref<80xi32, #tpu.memory_space<vmem>>
      %dma_start3A_54 = arith.constant 0 : i32
      %dma_start3A_55 = arith.constant 0 : i32
      %dma_start3A_56 = tpu.memref_slice %arg2[%dma_start3A_54, %dma_start3A_55] : memref<10000x128xf32, #tpu.memory_space<hbm>> -> memref<10000x128xf32, #tpu.memory_space<hbm>>
      tpu.enqueue_indirect_dma source(%dma_start3A_56 : memref<10000x128xf32, #tpu.memory_space<hbm>>) target(%arg14 : memref<80x128xf32, #tpu.memory_space<vmem>>) offsets(%dma_start3A_53 : memref<80xi32, #tpu.memory_space<vmem>>) semaphore(%arg17 : memref<!tpu.dma_semaphore, #tpu.memory_space<semaphore_mem>>)
      %dma_start3A_57 = arith.constant 0 : i32
      %dma_start3A_58 = tpu.memref_slice %arg7[%add3A_50, %dma_start3A_57] : memref<64x80xi32, #tpu.memory_space<vmem>> -> memref<1x80xi32, #tpu.memory_space<vmem>>
      %dma_start3A_59 = tpu.memref_squeeze %dma_start3A_58 : memref<1x80xi32, #tpu.memory_space<vmem>> -> memref<80xi32, #tpu.memory_space<vmem>>
      %dma_start3A_60 = arith.constant 0 : i32
      %dma_start3A_61 = arith.constant 0 : i32
      %dma_start3A_62 = tpu.memref_slice %arg2[%dma_start3A_60, %dma_start3A_61] : memref<10000x128xf32, #tpu.memory_space<hbm>> -> memref<10000x128xf32, #tpu.memory_space<hbm>>
      tpu.enqueue_indirect_dma source(%dma_start3A_62 : memref<10000x128xf32, #tpu.memory_space<hbm>>) target(%arg15 : memref<80x128xf32, #tpu.memory_space<vmem>>) offsets(%dma_start3A_59 : memref<80xi32, #tpu.memory_space<vmem>>) semaphore(%arg18 : memref<!tpu.dma_semaphore, #tpu.memory_space<semaphore_mem>>)
      %ge3A = arith.constant 2 : i32
      %ge3A_63 = arith.cmpi sge, %mul3A_34, %ge3A : i32
      %convert_element_type3A = arith.extui %ge3A_63 : i1 to i32
      %cond3A = arith.constant 0 : i32
      %cond3A_64 = arith.cmpi ne, %convert_element_type3A, %cond3A : i32
      scf.if %cond3A_64 {
        %dma_wait3A_118 = arith.constant 0 : i32
        %dma_wait3A_119 = arith.constant 0 : i32
        %dma_wait3A_120 = tpu.memref_slice %arg5[%dma_wait3A_118, %dma_wait3A_119] : memref<163840x128xf32, #tpu.memory_space<hbm>> -> memref<80x128xf32, #tpu.memory_space<hbm>>
        %dma_wait3A_121 = arith.constant 0 : i32
        %dma_wait3A_122 = arith.constant 0 : i32
        %dma_wait3A_123 = tpu.memref_slice %arg5[%dma_wait3A_121, %dma_wait3A_122] : memref<163840x128xf32, #tpu.memory_space<hbm>> -> memref<80x128xf32, #tpu.memory_space<hbm>>
        tpu.wait_dma2 semaphore(%arg13 : memref<!tpu.dma_semaphore, #tpu.memory_space<semaphore_mem>>) src(%arg10 : memref<80x128xf32, #tpu.memory_space<vmem>>) dst(%dma_wait3A_123 : memref<80x128xf32, #tpu.memory_space<hbm>>)
      } else {
      }
      %scan3A_65 = arith.constant 0 : i32
      %scan3A_66 = arith.constant 0 : i32
      %scan3A_67 = arith.constant 80 : i32
      %scan3A_68 = arith.addi %scan3A_66, %scan3A_67 : i32
      %scan3A_69 = arith.constant 1 : i32
      scf.for %scan3A_118 = %scan3A_66 to %scan3A_68 step %scan3A_69  : i32 {
        %get3A = arith.index_cast %scan3A_118 : i32 to index
        %get3A_119 = arith.constant 0 : index
        %get3A_120 = tpu.vector_load %arg8[%get3A, %get3A_119] {strides = array<i32>} : memref<80x128xf32, #tpu.memory_space<vmem>>, vector<1x16xf32>,
        %get3A_121 = vector.shape_cast %get3A_120 : vector<1x16xf32> to vector<16xf32>
        %get3A_122 = arith.index_cast %scan3A_118 : i32 to index
        %get3A_123 = arith.constant 64 : index
        %get3A_124 = tpu.vector_load %arg9[%get3A_122, %get3A_123] {strides = array<i32>} : memref<80x128xf32, #tpu.memory_space<vmem>>, vector<1x16xf32>,
        %get3A_125 = vector.shape_cast %get3A_124 : vector<1x16xf32> to vector<16xf32>
        %add3A_126 = arith.addf %get3A_121, %get3A_125 : vector<16xf32>
        %max3A = arith.constant 0.000000e+00 : f32
        %max3A_127 = vector.broadcast %max3A : f32 to vector<16xf32>
        %max3A_128 = arith.maximumf %add3A_126, %max3A_127 : vector<16xf32>
        %swap3A = arith.index_cast %scan3A_118 : i32 to index
        %swap3A_129 = arith.constant 0 : index
        %swap3A_130 = tpu.vector_load %arg10[%swap3A, %swap3A_129] {strides = array<i32>} : memref<80x128xf32, #tpu.memory_space<vmem>>, vector<1x16xf32>,
        %swap3A_131 = vector.shape_cast %swap3A_130 : vector<1x16xf32> to vector<16xf32>
        %swap3A_132 = vector.shape_cast %max3A_128 : vector<16xf32> to vector<1x16xf32>
        tpu.vector_store %arg10[%swap3A, %swap3A_129], %swap3A_132 {strides = array<i32>} : memref<80x128xf32, #tpu.memory_space<vmem>>, vector<1x16xf32>,
        %get3A_133 = arith.index_cast %scan3A_118 : i32 to index
        %get3A_134 = arith.constant 64 : index
        %get3A_135 = tpu.vector_load %arg8[%get3A_133, %get3A_134] {strides = array<i32>} : memref<80x128xf32, #tpu.memory_space<vmem>>, vector<1x16xf32>,
        %get3A_136 = vector.shape_cast %get3A_135 : vector<1x16xf32> to vector<16xf32>
        %get3A_137 = arith.index_cast %scan3A_118 : i32 to index
        %get3A_138 = arith.constant 0 : index
        %get3A_139 = tpu.vector_load %arg9[%get3A_137, %get3A_138] {strides = array<i32>} : memref<80x128xf32, #tpu.memory_space<vmem>>, vector<1x16xf32>,
        %get3A_140 = vector.shape_cast %get3A_139 : vector<1x16xf32> to vector<16xf32>
        %add3A_141 = arith.addf %get3A_136, %get3A_140 : vector<16xf32>
        %max3A_142 = arith.constant 0.000000e+00 : f32
        %max3A_143 = vector.broadcast %max3A_142 : f32 to vector<16xf32>
        %max3A_144 = arith.maximumf %add3A_141, %max3A_143 : vector<16xf32>
        %swap3A_145 = arith.index_cast %scan3A_118 : i32 to index
        %swap3A_146 = arith.constant 64 : index
        %swap3A_147 = tpu.vector_load %arg10[%swap3A_145, %swap3A_146] {strides = array<i32>} : memref<80x128xf32, #tpu.memory_space<vmem>>, vector<1x16xf32>,
        %swap3A_148 = vector.shape_cast %swap3A_147 : vector<1x16xf32> to vector<16xf32>
        %swap3A_149 = vector.shape_cast %max3A_144 : vector<16xf32> to vector<1x16xf32>
        tpu.vector_store %arg10[%swap3A_145, %swap3A_146], %swap3A_149 {strides = array<i32>} : memref<80x128xf32, #tpu.memory_space<vmem>>, vector<1x16xf32>,
        %get3A_150 = arith.index_cast %scan3A_118 : i32 to index
        %get3A_151 = arith.constant 16 : index
        %get3A_152 = tpu.vector_load %arg8[%get3A_150, %get3A_151] {strides = array<i32>} : memref<80x128xf32, #tpu.memory_space<vmem>>, vector<1x16xf32>,
        %get3A_153 = vector.shape_cast %get3A_152 : vector<1x16xf32> to vector<16xf32>
        %get3A_154 = arith.index_cast %scan3A_118 : i32 to index
        %get3A_155 = arith.constant 80 : index
        %get3A_156 = tpu.vector_load %arg9[%get3A_154, %get3A_155] {strides = array<i32>} : memref<80x128xf32, #tpu.memory_space<vmem>>, vector<1x16xf32>,
        %get3A_157 = vector.shape_cast %get3A_156 : vector<1x16xf32> to vector<16xf32>
        %add3A_158 = arith.addf %get3A_153, %get3A_157 : vector<16xf32>
        %max3A_159 = arith.constant 0.000000e+00 : f32
        %max3A_160 = vector.broadcast %max3A_159 : f32 to vector<16xf32>
        %max3A_161 = arith.maximumf %add3A_158, %max3A_160 : vector<16xf32>
        %swap3A_162 = arith.index_cast %scan3A_118 : i32 to index
        %swap3A_163 = arith.constant 16 : index
        %swap3A_164 = tpu.vector_load %arg10[%swap3A_162, %swap3A_163] {strides = array<i32>} : memref<80x128xf32, #tpu.memory_space<vmem>>, vector<1x16xf32>,
        %swap3A_165 = vector.shape_cast %swap3A_164 : vector<1x16xf32> to vector<16xf32>
        %swap3A_166 = vector.shape_cast %max3A_161 : vector<16xf32> to vector<1x16xf32>
        tpu.vector_store %arg10[%swap3A_162, %swap3A_163], %swap3A_166 {strides = array<i32>} : memref<80x128xf32, #tpu.memory_space<vmem>>, vector<1x16xf32>,
        %get3A_167 = arith.index_cast %scan3A_118 : i32 to index
        %get3A_168 = arith.constant 80 : index
        %get3A_169 = tpu.vector_load %arg8[%get3A_167, %get3A_168] {strides = array<i32>} : memref<80x128xf32, #tpu.memory_space<vmem>>, vector<1x16xf32>,
        %get3A_170 = vector.shape_cast %get3A_169 : vector<1x16xf32> to vector<16xf32>
        %get3A_171 = arith.index_cast %scan3A_118 : i32 to index
        %get3A_172 = arith.constant 16 : index
        %get3A_173 = tpu.vector_load %arg9[%get3A_171, %get3A_172] {strides = array<i32>} : memref<80x128xf32, #tpu.memory_space<vmem>>, vector<1x16xf32>,
        %get3A_174 = vector.shape_cast %get3A_173 : vector<1x16xf32> to vector<16xf32>
        %add3A_175 = arith.addf %get3A_170, %get3A_174 : vector<16xf32>
        %max3A_176 = arith.constant 0.000000e+00 : f32
        %max3A_177 = vector.broadcast %max3A_176 : f32 to vector<16xf32>
        %max3A_178 = arith.maximumf %add3A_175, %max3A_177 : vector<16xf32>
        %swap3A_179 = arith.index_cast %scan3A_118 : i32 to index
        %swap3A_180 = arith.constant 80 : index
        %swap3A_181 = tpu.vector_load %arg10[%swap3A_179, %swap3A_180] {strides = array<i32>} : memref<80x128xf32, #tpu.memory_space<vmem>>, vector<1x16xf32>,
        %swap3A_182 = vector.shape_cast %swap3A_181 : vector<1x16xf32> to vector<16xf32>
        %swap3A_183 = vector.shape_cast %max3A_178 : vector<16xf32> to vector<1x16xf32>
        tpu.vector_store %arg10[%swap3A_179, %swap3A_180], %swap3A_183 {strides = array<i32>} : memref<80x128xf32, #tpu.memory_space<vmem>>, vector<1x16xf32>,
        %get3A_184 = arith.index_cast %scan3A_118 : i32 to index
        %get3A_185 = arith.constant 32 : index
        %get3A_186 = tpu.vector_load %arg8[%get3A_184, %get3A_185] {strides = array<i32>} : memref<80x128xf32, #tpu.memory_space<vmem>>, vector<1x16xf32>,
        %get3A_187 = vector.shape_cast %get3A_186 : vector<1x16xf32> to vector<16xf32>
        %get3A_188 = arith.index_cast %scan3A_118 : i32 to index
        %get3A_189 = arith.constant 96 : index
        %get3A_190 = tpu.vector_load %arg9[%get3A_188, %get3A_189] {strides = array<i32>} : memref<80x128xf32, #tpu.memory_space<vmem>>, vector<1x16xf32>,
        %get3A_191 = vector.shape_cast %get3A_190 : vector<1x16xf32> to vector<16xf32>
        %add3A_192 = arith.addf %get3A_187, %get3A_191 : vector<16xf32>
        %max3A_193 = arith.constant 0.000000e+00 : f32
        %max3A_194 = vector.broadcast %max3A_193 : f32 to vector<16xf32>
        %max3A_195 = arith.maximumf %add3A_192, %max3A_194 : vector<16xf32>
        %swap3A_196 = arith.index_cast %scan3A_118 : i32 to index
        %swap3A_197 = arith.constant 32 : index
        %swap3A_198 = tpu.vector_load %arg10[%swap3A_196, %swap3A_197] {strides = array<i32>} : memref<80x128xf32, #tpu.memory_space<vmem>>, vector<1x16xf32>,
        %swap3A_199 = vector.shape_cast %swap3A_198 : vector<1x16xf32> to vector<16xf32>
        %swap3A_200 = vector.shape_cast %max3A_195 : vector<16xf32> to vector<1x16xf32>
        tpu.vector_store %arg10[%swap3A_196, %swap3A_197], %swap3A_200 {strides = array<i32>} : memref<80x128xf32, #tpu.memory_space<vmem>>, vector<1x16xf32>,
        %get3A_201 = arith.index_cast %scan3A_118 : i32 to index
        %get3A_202 = arith.constant 96 : index
        %get3A_203 = tpu.vector_load %arg8[%get3A_201, %get3A_202] {strides = array<i32>} : memref<80x128xf32, #tpu.memory_space<vmem>>, vector<1x16xf32>,
        %get3A_204 = vector.shape_cast %get3A_203 : vector<1x16xf32> to vector<16xf32>
        %get3A_205 = arith.index_cast %scan3A_118 : i32 to index
        %get3A_206 = arith.constant 32 : index
        %get3A_207 = tpu.vector_load %arg9[%get3A_205, %get3A_206] {strides = array<i32>} : memref<80x128xf32, #tpu.memory_space<vmem>>, vector<1x16xf32>,
        %get3A_208 = vector.shape_cast %get3A_207 : vector<1x16xf32> to vector<16xf32>
        %add3A_209 = arith.addf %get3A_204, %get3A_208 : vector<16xf32>
        %max3A_210 = arith.constant 0.000000e+00 : f32
        %max3A_211 = vector.broadcast %max3A_210 : f32 to vector<16xf32>
        %max3A_212 = arith.maximumf %add3A_209, %max3A_211 : vector<16xf32>
        %swap3A_213 = arith.index_cast %scan3A_118 : i32 to index
        %swap3A_214 = arith.constant 96 : index
        %swap3A_215 = tpu.vector_load %arg10[%swap3A_213, %swap3A_214] {strides = array<i32>} : memref<80x128xf32, #tpu.memory_space<vmem>>, vector<1x16xf32>,
        %swap3A_216 = vector.shape_cast %swap3A_215 : vector<1x16xf32> to vector<16xf32>
        %swap3A_217 = vector.shape_cast %max3A_212 : vector<16xf32> to vector<1x16xf32>
        tpu.vector_store %arg10[%swap3A_213, %swap3A_214], %swap3A_217 {strides = array<i32>} : memref<80x128xf32, #tpu.memory_space<vmem>>, vector<1x16xf32>,
        %get3A_218 = arith.index_cast %scan3A_118 : i32 to index
        %get3A_219 = arith.constant 48 : index
        %get3A_220 = tpu.vector_load %arg8[%get3A_218, %get3A_219] {strides = array<i32>} : memref<80x128xf32, #tpu.memory_space<vmem>>, vector<1x16xf32>,
        %get3A_221 = vector.shape_cast %get3A_220 : vector<1x16xf32> to vector<16xf32>
        %get3A_222 = arith.index_cast %scan3A_118 : i32 to index
        %get3A_223 = arith.constant 112 : index
        %get3A_224 = tpu.vector_load %arg9[%get3A_222, %get3A_223] {strides = array<i32>} : memref<80x128xf32, #tpu.memory_space<vmem>>, vector<1x16xf32>,
        %get3A_225 = vector.shape_cast %get3A_224 : vector<1x16xf32> to vector<16xf32>
        %add3A_226 = arith.addf %get3A_221, %get3A_225 : vector<16xf32>
        %max3A_227 = arith.constant 0.000000e+00 : f32
        %max3A_228 = vector.broadcast %max3A_227 : f32 to vector<16xf32>
        %max3A_229 = arith.maximumf %add3A_226, %max3A_228 : vector<16xf32>
        %swap3A_230 = arith.index_cast %scan3A_118 : i32 to index
        %swap3A_231 = arith.constant 48 : index
        %swap3A_232 = tpu.vector_load %arg10[%swap3A_230, %swap3A_231] {strides = array<i32>} : memref<80x128xf32, #tpu.memory_space<vmem>>, vector<1x16xf32>,
        %swap3A_233 = vector.shape_cast %swap3A_232 : vector<1x16xf32> to vector<16xf32>
        %swap3A_234 = vector.shape_cast %max3A_229 : vector<16xf32> to vector<1x16xf32>
        tpu.vector_store %arg10[%swap3A_230, %swap3A_231], %swap3A_234 {strides = array<i32>} : memref<80x128xf32, #tpu.memory_space<vmem>>, vector<1x16xf32>,
        %get3A_235 = arith.index_cast %scan3A_118 : i32 to index
        %get3A_236 = arith.constant 112 : index
        %get3A_237 = tpu.vector_load %arg8[%get3A_235, %get3A_236] {strides = array<i32>} : memref<80x128xf32, #tpu.memory_space<vmem>>, vector<1x16xf32>,
        %get3A_238 = vector.shape_cast %get3A_237 : vector<1x16xf32> to vector<16xf32>
        %get3A_239 = arith.index_cast %scan3A_118 : i32 to index
        %get3A_240 = arith.constant 48 : index
        %get3A_241 = tpu.vector_load %arg9[%get3A_239, %get3A_240] {strides = array<i32>} : memref<80x128xf32, #tpu.memory_space<vmem>>, vector<1x16xf32>,
        %get3A_242 = vector.shape_cast %get3A_241 : vector<1x16xf32> to vector<16xf32>
        %add3A_243 = arith.addf %get3A_238, %get3A_242 : vector<16xf32>
        %max3A_244 = arith.constant 0.000000e+00 : f32
        %max3A_245 = vector.broadcast %max3A_244 : f32 to vector<16xf32>
        %max3A_246 = arith.maximumf %add3A_243, %max3A_245 : vector<16xf32>
        %swap3A_247 = arith.index_cast %scan3A_118 : i32 to index
        %swap3A_248 = arith.constant 112 : index
        %swap3A_249 = tpu.vector_load %arg10[%swap3A_247, %swap3A_248] {strides = array<i32>} : memref<80x128xf32, #tpu.memory_space<vmem>>, vector<1x16xf32>,
        %swap3A_250 = vector.shape_cast %swap3A_249 : vector<1x16xf32> to vector<16xf32>
        %swap3A_251 = vector.shape_cast %max3A_246 : vector<16xf32> to vector<1x16xf32>
        tpu.vector_store %arg10[%swap3A_247, %swap3A_248], %swap3A_251 {strides = array<i32>} : memref<80x128xf32, #tpu.memory_space<vmem>>, vector<1x16xf32>,
      }
      %scan3A_70 = arith.constant 80 : i32
      %mul3A_71 = arith.constant 80 : i32
      %mul3A_72 = arith.muli %mul3A_34, %mul3A_71 : i32
      %add3A_73 = arith.addi %mul3A_2, %mul3A_72 : i32
      %dma_start3A_74 = arith.constant 0 : i32
      %dma_start3A_75 = tpu.memref_slice %arg5[%add3A_73, %dma_start3A_74] : memref<163840x128xf32, #tpu.memory_space<hbm>> -> memref<80x128xf32, #tpu.memory_space<hbm>>
      %dma_start3A_76 = arith.constant 0 : i32
      %dma_start3A_77 = tpu.memref_slice %arg5[%add3A_73, %dma_start3A_76] : memref<163840x128xf32, #tpu.memory_space<hbm>> -> memref<80x128xf32, #tpu.memory_space<hbm>>
      tpu.enqueue_dma source(%arg10 : memref<80x128xf32, #tpu.memory_space<vmem>>) target(%dma_start3A_77 : memref<80x128xf32, #tpu.memory_space<hbm>>) target_semaphore(%arg13 : memref<!tpu.dma_semaphore, #tpu.memory_space<semaphore_mem>>)
      %dma_wait3A_78 = arith.constant 0 : i32
      %dma_wait3A_79 = arith.constant 0 : i32
      %dma_wait3A_80 = tpu.memref_slice %arg6[%dma_wait3A_78, %dma_wait3A_79] : memref<64x80xi32, #tpu.memory_space<vmem>> -> memref<1x80xi32, #tpu.memory_space<vmem>>
      %dma_wait3A_81 = tpu.memref_squeeze %dma_wait3A_80 : memref<1x80xi32, #tpu.memory_space<vmem>> -> memref<80xi32, #tpu.memory_space<vmem>>
      %dma_wait3A_82 = arith.constant 0 : i32
      %dma_wait3A_83 = arith.constant 0 : i32
      %dma_wait3A_84 = tpu.memref_slice %arg2[%dma_wait3A_82, %dma_wait3A_83] : memref<10000x128xf32, #tpu.memory_space<hbm>> -> memref<10000x128xf32, #tpu.memory_space<hbm>>
      tpu.wait_indirect_dma semaphore(%arg17 : memref<!tpu.dma_semaphore, #tpu.memory_space<semaphore_mem>>) src(%dma_wait3A_84 : memref<10000x128xf32, #tpu.memory_space<hbm>>) dst(%arg14 : memref<80x128xf32, #tpu.memory_space<vmem>>)
      %dma_wait3A_85 = arith.constant 0 : i32
      %dma_wait3A_86 = arith.constant 0 : i32
      %dma_wait3A_87 = tpu.memref_slice %arg7[%dma_wait3A_85, %dma_wait3A_86] : memref<64x80xi32, #tpu.memory_space<vmem>> -> memref<1x80xi32, #tpu.memory_space<vmem>>
      %dma_wait3A_88 = tpu.memref_squeeze %dma_wait3A_87 : memref<1x80xi32, #tpu.memory_space<vmem>> -> memref<80xi32, #tpu.memory_space<vmem>>
      %dma_wait3A_89 = arith.constant 0 : i32
      %dma_wait3A_90 = arith.constant 0 : i32
      %dma_wait3A_91 = tpu.memref_slice %arg2[%dma_wait3A_89, %dma_wait3A_90] : memref<10000x128xf32, #tpu.memory_space<hbm>> -> memref<10000x128xf32, #tpu.memory_space<hbm>>
      tpu.wait_indirect_dma semaphore(%arg18 : memref<!tpu.dma_semaphore, #tpu.memory_space<semaphore_mem>>) src(%dma_wait3A_91 : memref<10000x128xf32, #tpu.memory_space<hbm>>) dst(%arg15 : memref<80x128xf32, #tpu.memory_space<vmem>>)
      %add3A_92 = arith.constant 2 : i32
      %add3A_93 = arith.addi %mul3A_34, %add3A_92 : i32
      %lt3A = arith.constant 64 : i32
      %lt3A_94 = arith.cmpi slt, %add3A_93, %lt3A : i32
      %convert_element_type3A_95 = arith.extui %lt3A_94 : i1 to i32
      %cond3A_96 = arith.constant 0 : i32
      %cond3A_97 = arith.cmpi ne, %convert_element_type3A_95, %cond3A_96 : i32
      scf.if %cond3A_97 {
        %add3A_118 = arith.constant 2 : i32
        %add3A_119 = arith.addi %mul3A_34, %add3A_118 : i32
        %dma_start3A_120 = arith.constant 0 : i32
        %dma_start3A_121 = tpu.memref_slice %arg6[%add3A_119, %dma_start3A_120] : memref<64x80xi32, #tpu.memory_space<vmem>> -> memref<1x80xi32, #tpu.memory_space<vmem>>
        %dma_start3A_122 = tpu.memref_squeeze %dma_start3A_121 : memref<1x80xi32, #tpu.memory_space<vmem>> -> memref<80xi32, #tpu.memory_space<vmem>>
        %dma_start3A_123 = arith.constant 0 : i32
        %dma_start3A_124 = arith.constant 0 : i32
        %dma_start3A_125 = tpu.memref_slice %arg2[%dma_start3A_123, %dma_start3A_124] : memref<10000x128xf32, #tpu.memory_space<hbm>> -> memref<10000x128xf32, #tpu.memory_space<hbm>>
        tpu.enqueue_indirect_dma source(%dma_start3A_125 : memref<10000x128xf32, #tpu.memory_space<hbm>>) target(%arg8 : memref<80x128xf32, #tpu.memory_space<vmem>>) offsets(%dma_start3A_122 : memref<80xi32, #tpu.memory_space<vmem>>) semaphore(%arg11 : memref<!tpu.dma_semaphore, #tpu.memory_space<semaphore_mem>>)
        %dma_start3A_126 = arith.constant 0 : i32
        %dma_start3A_127 = tpu.memref_slice %arg7[%add3A_119, %dma_start3A_126] : memref<64x80xi32, #tpu.memory_space<vmem>> -> memref<1x80xi32, #tpu.memory_space<vmem>>
        %dma_start3A_128 = tpu.memref_squeeze %dma_start3A_127 : memref<1x80xi32, #tpu.memory_space<vmem>> -> memref<80xi32, #tpu.memory_space<vmem>>
        %dma_start3A_129 = arith.constant 0 : i32
        %dma_start3A_130 = arith.constant 0 : i32
        %dma_start3A_131 = tpu.memref_slice %arg2[%dma_start3A_129, %dma_start3A_130] : memref<10000x128xf32, #tpu.memory_space<hbm>> -> memref<10000x128xf32, #tpu.memory_space<hbm>>
        tpu.enqueue_indirect_dma source(%dma_start3A_131 : memref<10000x128xf32, #tpu.memory_space<hbm>>) target(%arg9 : memref<80x128xf32, #tpu.memory_space<vmem>>) offsets(%dma_start3A_128 : memref<80xi32, #tpu.memory_space<vmem>>) semaphore(%arg12 : memref<!tpu.dma_semaphore, #tpu.memory_space<semaphore_mem>>)
      } else {
      }
      %add3A_98 = arith.constant 1 : i32
      %add3A_99 = arith.addi %mul3A_34, %add3A_98 : i32
      %ge3A_100 = arith.constant 2 : i32
      %ge3A_101 = arith.cmpi sge, %add3A_99, %ge3A_100 : i32
      %convert_element_type3A_102 = arith.extui %ge3A_101 : i1 to i32
      %cond3A_103 = arith.constant 0 : i32
      %cond3A_104 = arith.cmpi ne, %convert_element_type3A_102, %cond3A_103 : i32
      scf.if %cond3A_104 {
        %dma_wait3A_118 = arith.constant 0 : i32
        %dma_wait3A_119 = arith.constant 0 : i32
        %dma_wait3A_120 = tpu.memref_slice %arg5[%dma_wait3A_118, %dma_wait3A_119] : memref<163840x128xf32, #tpu.memory_space<hbm>> -> memref<80x128xf32, #tpu.memory_space<hbm>>
        %dma_wait3A_121 = arith.constant 0 : i32
        %dma_wait3A_122 = arith.constant 0 : i32
        %dma_wait3A_123 = tpu.memref_slice %arg5[%dma_wait3A_121, %dma_wait3A_122] : memref<163840x128xf32, #tpu.memory_space<hbm>> -> memref<80x128xf32, #tpu.memory_space<hbm>>
        tpu.wait_dma2 semaphore(%arg19 : memref<!tpu.dma_semaphore, #tpu.memory_space<semaphore_mem>>) src(%arg16 : memref<80x128xf32, #tpu.memory_space<vmem>>) dst(%dma_wait3A_123 : memref<80x128xf32, #tpu.memory_space<hbm>>)
      } else {
      }
      %scan3A_105 = arith.constant 0 : i32
      %scan3A_106 = arith.constant 0 : i32
      %scan3A_107 = arith.constant 80 : i32
      %scan3A_108 = arith.addi %scan3A_106, %scan3A_107 : i32
      %scan3A_109 = arith.constant 1 : i32
      scf.for %scan3A_118 = %scan3A_106 to %scan3A_108 step %scan3A_109  : i32 {
        %get3A = arith.index_cast %scan3A_118 : i32 to index
        %get3A_119 = arith.constant 0 : index
        %get3A_120 = tpu.vector_load %arg14[%get3A, %get3A_119] {strides = array<i32>} : memref<80x128xf32, #tpu.memory_space<vmem>>, vector<1x16xf32>,
        %get3A_121 = vector.shape_cast %get3A_120 : vector<1x16xf32> to vector<16xf32>
        %get3A_122 = arith.index_cast %scan3A_118 : i32 to index
        %get3A_123 = arith.constant 64 : index
        %get3A_124 = tpu.vector_load %arg15[%get3A_122, %get3A_123] {strides = array<i32>} : memref<80x128xf32, #tpu.memory_space<vmem>>, vector<1x16xf32>,
        %get3A_125 = vector.shape_cast %get3A_124 : vector<1x16xf32> to vector<16xf32>
        %add3A_126 = arith.addf %get3A_121, %get3A_125 : vector<16xf32>
        %max3A = arith.constant 0.000000e+00 : f32
        %max3A_127 = vector.broadcast %max3A : f32 to vector<16xf32>
        %max3A_128 = arith.maximumf %add3A_126, %max3A_127 : vector<16xf32>
        %swap3A = arith.index_cast %scan3A_118 : i32 to index
        %swap3A_129 = arith.constant 0 : index
        %swap3A_130 = tpu.vector_load %arg16[%swap3A, %swap3A_129] {strides = array<i32>} : memref<80x128xf32, #tpu.memory_space<vmem>>, vector<1x16xf32>,
        %swap3A_131 = vector.shape_cast %swap3A_130 : vector<1x16xf32> to vector<16xf32>
        %swap3A_132 = vector.shape_cast %max3A_128 : vector<16xf32> to vector<1x16xf32>
        tpu.vector_store %arg16[%swap3A, %swap3A_129], %swap3A_132 {strides = array<i32>} : memref<80x128xf32, #tpu.memory_space<vmem>>, vector<1x16xf32>,
        %get3A_133 = arith.index_cast %scan3A_118 : i32 to index
        %get3A_134 = arith.constant 64 : index
        %get3A_135 = tpu.vector_load %arg14[%get3A_133, %get3A_134] {strides = array<i32>} : memref<80x128xf32, #tpu.memory_space<vmem>>, vector<1x16xf32>,
        %get3A_136 = vector.shape_cast %get3A_135 : vector<1x16xf32> to vector<16xf32>
        %get3A_137 = arith.index_cast %scan3A_118 : i32 to index
        %get3A_138 = arith.constant 0 : index
        %get3A_139 = tpu.vector_load %arg15[%get3A_137, %get3A_138] {strides = array<i32>} : memref<80x128xf32, #tpu.memory_space<vmem>>, vector<1x16xf32>,
        %get3A_140 = vector.shape_cast %get3A_139 : vector<1x16xf32> to vector<16xf32>
        %add3A_141 = arith.addf %get3A_136, %get3A_140 : vector<16xf32>
        %max3A_142 = arith.constant 0.000000e+00 : f32
        %max3A_143 = vector.broadcast %max3A_142 : f32 to vector<16xf32>
        %max3A_144 = arith.maximumf %add3A_141, %max3A_143 : vector<16xf32>
        %swap3A_145 = arith.index_cast %scan3A_118 : i32 to index
        %swap3A_146 = arith.constant 64 : index
        %swap3A_147 = tpu.vector_load %arg16[%swap3A_145, %swap3A_146] {strides = array<i32>} : memref<80x128xf32, #tpu.memory_space<vmem>>, vector<1x16xf32>,
        %swap3A_148 = vector.shape_cast %swap3A_147 : vector<1x16xf32> to vector<16xf32>
        %swap3A_149 = vector.shape_cast %max3A_144 : vector<16xf32> to vector<1x16xf32>
        tpu.vector_store %arg16[%swap3A_145, %swap3A_146], %swap3A_149 {strides = array<i32>} : memref<80x128xf32, #tpu.memory_space<vmem>>, vector<1x16xf32>,
        %get3A_150 = arith.index_cast %scan3A_118 : i32 to index
        %get3A_151 = arith.constant 16 : index
        %get3A_152 = tpu.vector_load %arg14[%get3A_150, %get3A_151] {strides = array<i32>} : memref<80x128xf32, #tpu.memory_space<vmem>>, vector<1x16xf32>,
        %get3A_153 = vector.shape_cast %get3A_152 : vector<1x16xf32> to vector<16xf32>
        %get3A_154 = arith.index_cast %scan3A_118 : i32 to index
        %get3A_155 = arith.constant 80 : index
        %get3A_156 = tpu.vector_load %arg15[%get3A_154, %get3A_155] {strides = array<i32>} : memref<80x128xf32, #tpu.memory_space<vmem>>, vector<1x16xf32>,
        %get3A_157 = vector.shape_cast %get3A_156 : vector<1x16xf32> to vector<16xf32>
        %add3A_158 = arith.addf %get3A_153, %get3A_157 : vector<16xf32>
        %max3A_159 = arith.constant 0.000000e+00 : f32
        %max3A_160 = vector.broadcast %max3A_159 : f32 to vector<16xf32>
        %max3A_161 = arith.maximumf %add3A_158, %max3A_160 : vector<16xf32>
        %swap3A_162 = arith.index_cast %scan3A_118 : i32 to index
        %swap3A_163 = arith.constant 16 : index
        %swap3A_164 = tpu.vector_load %arg16[%swap3A_162, %swap3A_163] {strides = array<i32>} : memref<80x128xf32, #tpu.memory_space<vmem>>, vector<1x16xf32>,
        %swap3A_165 = vector.shape_cast %swap3A_164 : vector<1x16xf32> to vector<16xf32>
        %swap3A_166 = vector.shape_cast %max3A_161 : vector<16xf32> to vector<1x16xf32>
        tpu.vector_store %arg16[%swap3A_162, %swap3A_163], %swap3A_166 {strides = array<i32>} : memref<80x128xf32, #tpu.memory_space<vmem>>, vector<1x16xf32>,
        %get3A_167 = arith.index_cast %scan3A_118 : i32 to index
        %get3A_168 = arith.constant 80 : index
        %get3A_169 = tpu.vector_load %arg14[%get3A_167, %get3A_168] {strides = array<i32>} : memref<80x128xf32, #tpu.memory_space<vmem>>, vector<1x16xf32>,
        %get3A_170 = vector.shape_cast %get3A_169 : vector<1x16xf32> to vector<16xf32>
        %get3A_171 = arith.index_cast %scan3A_118 : i32 to index
        %get3A_172 = arith.constant 16 : index
        %get3A_173 = tpu.vector_load %arg15[%get3A_171, %get3A_172] {strides = array<i32>} : memref<80x128xf32, #tpu.memory_space<vmem>>, vector<1x16xf32>,
        %get3A_174 = vector.shape_cast %get3A_173 : vector<1x16xf32> to vector<16xf32>
        %add3A_175 = arith.addf %get3A_170, %get3A_174 : vector<16xf32>
        %max3A_176 = arith.constant 0.000000e+00 : f32
        %max3A_177 = vector.broadcast %max3A_176 : f32 to vector<16xf32>
        %max3A_178 = arith.maximumf %add3A_175, %max3A_177 : vector<16xf32>
        %swap3A_179 = arith.index_cast %scan3A_118 : i32 to index
        %swap3A_180 = arith.constant 80 : index
        %swap3A_181 = tpu.vector_load %arg16[%swap3A_179, %swap3A_180] {strides = array<i32>} : memref<80x128xf32, #tpu.memory_space<vmem>>, vector<1x16xf32>,
        %swap3A_182 = vector.shape_cast %swap3A_181 : vector<1x16xf32> to vector<16xf32>
        %swap3A_183 = vector.shape_cast %max3A_178 : vector<16xf32> to vector<1x16xf32>
        tpu.vector_store %arg16[%swap3A_179, %swap3A_180], %swap3A_183 {strides = array<i32>} : memref<80x128xf32, #tpu.memory_space<vmem>>, vector<1x16xf32>,
        %get3A_184 = arith.index_cast %scan3A_118 : i32 to index
        %get3A_185 = arith.constant 32 : index
        %get3A_186 = tpu.vector_load %arg14[%get3A_184, %get3A_185] {strides = array<i32>} : memref<80x128xf32, #tpu.memory_space<vmem>>, vector<1x16xf32>,
        %get3A_187 = vector.shape_cast %get3A_186 : vector<1x16xf32> to vector<16xf32>
        %get3A_188 = arith.index_cast %scan3A_118 : i32 to index
        %get3A_189 = arith.constant 96 : index
        %get3A_190 = tpu.vector_load %arg15[%get3A_188, %get3A_189] {strides = array<i32>} : memref<80x128xf32, #tpu.memory_space<vmem>>, vector<1x16xf32>,
        %get3A_191 = vector.shape_cast %get3A_190 : vector<1x16xf32> to vector<16xf32>
        %add3A_192 = arith.addf %get3A_187, %get3A_191 : vector<16xf32>
        %max3A_193 = arith.constant 0.000000e+00 : f32
        %max3A_194 = vector.broadcast %max3A_193 : f32 to vector<16xf32>
        %max3A_195 = arith.maximumf %add3A_192, %max3A_194 : vector<16xf32>
        %swap3A_196 = arith.index_cast %scan3A_118 : i32 to index
        %swap3A_197 = arith.constant 32 : index
        %swap3A_198 = tpu.vector_load %arg16[%swap3A_196, %swap3A_197] {strides = array<i32>} : memref<80x128xf32, #tpu.memory_space<vmem>>, vector<1x16xf32>,
        %swap3A_199 = vector.shape_cast %swap3A_198 : vector<1x16xf32> to vector<16xf32>
        %swap3A_200 = vector.shape_cast %max3A_195 : vector<16xf32> to vector<1x16xf32>
        tpu.vector_store %arg16[%swap3A_196, %swap3A_197], %swap3A_200 {strides = array<i32>} : memref<80x128xf32, #tpu.memory_space<vmem>>, vector<1x16xf32>,
        %get3A_201 = arith.index_cast %scan3A_118 : i32 to index
        %get3A_202 = arith.constant 96 : index
        %get3A_203 = tpu.vector_load %arg14[%get3A_201, %get3A_202] {strides = array<i32>} : memref<80x128xf32, #tpu.memory_space<vmem>>, vector<1x16xf32>,
        %get3A_204 = vector.shape_cast %get3A_203 : vector<1x16xf32> to vector<16xf32>
        %get3A_205 = arith.index_cast %scan3A_118 : i32 to index
        %get3A_206 = arith.constant 32 : index
        %get3A_207 = tpu.vector_load %arg15[%get3A_205, %get3A_206] {strides = array<i32>} : memref<80x128xf32, #tpu.memory_space<vmem>>, vector<1x16xf32>,
        %get3A_208 = vector.shape_cast %get3A_207 : vector<1x16xf32> to vector<16xf32>
        %add3A_209 = arith.addf %get3A_204, %get3A_208 : vector<16xf32>
        %max3A_210 = arith.constant 0.000000e+00 : f32
        %max3A_211 = vector.broadcast %max3A_210 : f32 to vector<16xf32>
        %max3A_212 = arith.maximumf %add3A_209, %max3A_211 : vector<16xf32>
        %swap3A_213 = arith.index_cast %scan3A_118 : i32 to index
        %swap3A_214 = arith.constant 96 : index
        %swap3A_215 = tpu.vector_load %arg16[%swap3A_213, %swap3A_214] {strides = array<i32>} : memref<80x128xf32, #tpu.memory_space<vmem>>, vector<1x16xf32>,
        %swap3A_216 = vector.shape_cast %swap3A_215 : vector<1x16xf32> to vector<16xf32>
        %swap3A_217 = vector.shape_cast %max3A_212 : vector<16xf32> to vector<1x16xf32>
        tpu.vector_store %arg16[%swap3A_213, %swap3A_214], %swap3A_217 {strides = array<i32>} : memref<80x128xf32, #tpu.memory_space<vmem>>, vector<1x16xf32>,
        %get3A_218 = arith.index_cast %scan3A_118 : i32 to index
        %get3A_219 = arith.constant 48 : index
        %get3A_220 = tpu.vector_load %arg14[%get3A_218, %get3A_219] {strides = array<i32>} : memref<80x128xf32, #tpu.memory_space<vmem>>, vector<1x16xf32>,
        %get3A_221 = vector.shape_cast %get3A_220 : vector<1x16xf32> to vector<16xf32>
        %get3A_222 = arith.index_cast %scan3A_118 : i32 to index
        %get3A_223 = arith.constant 112 : index
        %get3A_224 = tpu.vector_load %arg15[%get3A_222, %get3A_223] {strides = array<i32>} : memref<80x128xf32, #tpu.memory_space<vmem>>, vector<1x16xf32>,
        %get3A_225 = vector.shape_cast %get3A_224 : vector<1x16xf32> to vector<16xf32>
        %add3A_226 = arith.addf %get3A_221, %get3A_225 : vector<16xf32>
        %max3A_227 = arith.constant 0.000000e+00 : f32
        %max3A_228 = vector.broadcast %max3A_227 : f32 to vector<16xf32>
        %max3A_229 = arith.maximumf %add3A_226, %max3A_228 : vector<16xf32>
        %swap3A_230 = arith.index_cast %scan3A_118 : i32 to index
        %swap3A_231 = arith.constant 48 : index
        %swap3A_232 = tpu.vector_load %arg16[%swap3A_230, %swap3A_231] {strides = array<i32>} : memref<80x128xf32, #tpu.memory_space<vmem>>, vector<1x16xf32>,
        %swap3A_233 = vector.shape_cast %swap3A_232 : vector<1x16xf32> to vector<16xf32>
        %swap3A_234 = vector.shape_cast %max3A_229 : vector<16xf32> to vector<1x16xf32>
        tpu.vector_store %arg16[%swap3A_230, %swap3A_231], %swap3A_234 {strides = array<i32>} : memref<80x128xf32, #tpu.memory_space<vmem>>, vector<1x16xf32>,
        %get3A_235 = arith.index_cast %scan3A_118 : i32 to index
        %get3A_236 = arith.constant 112 : index
        %get3A_237 = tpu.vector_load %arg14[%get3A_235, %get3A_236] {strides = array<i32>} : memref<80x128xf32, #tpu.memory_space<vmem>>, vector<1x16xf32>,
        %get3A_238 = vector.shape_cast %get3A_237 : vector<1x16xf32> to vector<16xf32>
        %get3A_239 = arith.index_cast %scan3A_118 : i32 to index
        %get3A_240 = arith.constant 48 : index
        %get3A_241 = tpu.vector_load %arg15[%get3A_239, %get3A_240] {strides = array<i32>} : memref<80x128xf32, #tpu.memory_space<vmem>>, vector<1x16xf32>,
        %get3A_242 = vector.shape_cast %get3A_241 : vector<1x16xf32> to vector<16xf32>
        %add3A_243 = arith.addf %get3A_238, %get3A_242 : vector<16xf32>
        %max3A_244 = arith.constant 0.000000e+00 : f32
        %max3A_245 = vector.broadcast %max3A_244 : f32 to vector<16xf32>
        %max3A_246 = arith.maximumf %add3A_243, %max3A_245 : vector<16xf32>
        %swap3A_247 = arith.index_cast %scan3A_118 : i32 to index
        %swap3A_248 = arith.constant 112 : index
        %swap3A_249 = tpu.vector_load %arg16[%swap3A_247, %swap3A_248] {strides = array<i32>} : memref<80x128xf32, #tpu.memory_space<vmem>>, vector<1x16xf32>,
        %swap3A_250 = vector.shape_cast %swap3A_249 : vector<1x16xf32> to vector<16xf32>
        %swap3A_251 = vector.shape_cast %max3A_246 : vector<16xf32> to vector<1x16xf32>
        tpu.vector_store %arg16[%swap3A_247, %swap3A_248], %swap3A_251 {strides = array<i32>} : memref<80x128xf32, #tpu.memory_space<vmem>>, vector<1x16xf32>,
      }
      %scan3A_110 = arith.constant 80 : i32
      %mul3A_111 = arith.constant 80 : i32
      %mul3A_112 = arith.muli %add3A_99, %mul3A_111 : i32
      %add3A_113 = arith.addi %mul3A_2, %mul3A_112 : i32
      %dma_start3A_114 = arith.constant 0 : i32
      %dma_start3A_115 = tpu.memref_slice %arg5[%add3A_113, %dma_start3A_114] : memref<163840x128xf32, #tpu.memory_space<hbm>> -> memref<80x128xf32, #tpu.memory_space<hbm>>
      %dma_start3A_116 = arith.constant 0 : i32
      %dma_start3A_117 = tpu.memref_slice %arg5[%add3A_113, %dma_start3A_116] : memref<163840x128xf32, #tpu.memory_space<hbm>> -> memref<80x128xf32, #tpu.memory_space<hbm>>
      tpu.enqueue_dma source(%arg16 : memref<80x128xf32, #tpu.memory_space<vmem>>) target(%dma_start3A_117 : memref<80x128xf32, #tpu.memory_space<hbm>>) target_semaphore(%arg19 : memref<!tpu.dma_semaphore, #tpu.memory_space<semaphore_mem>>)
    }
    %scan3A_20 = arith.constant 32 : i32
    %dma_wait3A = arith.constant 0 : i32
    %dma_wait3A_21 = arith.constant 0 : i32
    %dma_wait3A_22 = tpu.memref_slice %arg5[%dma_wait3A, %dma_wait3A_21] : memref<163840x128xf32, #tpu.memory_space<hbm>> -> memref<80x128xf32, #tpu.memory_space<hbm>>
    %dma_wait3A_23 = arith.constant 0 : i32
    %dma_wait3A_24 = arith.constant 0 : i32
    %dma_wait3A_25 = tpu.memref_slice %arg5[%dma_wait3A_23, %dma_wait3A_24] : memref<163840x128xf32, #tpu.memory_space<hbm>> -> memref<80x128xf32, #tpu.memory_space<hbm>>
    tpu.wait_dma2 semaphore(%arg13 : memref<!tpu.dma_semaphore, #tpu.memory_space<semaphore_mem>>) src(%arg10 : memref<80x128xf32, #tpu.memory_space<vmem>>) dst(%dma_wait3A_25 : memref<80x128xf32, #tpu.memory_space<hbm>>)
    %dma_wait3A_26 = arith.constant 0 : i32
    %dma_wait3A_27 = arith.constant 0 : i32
    %dma_wait3A_28 = tpu.memref_slice %arg5[%dma_wait3A_26, %dma_wait3A_27] : memref<163840x128xf32, #tpu.memory_space<hbm>> -> memref<80x128xf32, #tpu.memory_space<hbm>>
    %dma_wait3A_29 = arith.constant 0 : i32
    %dma_wait3A_30 = arith.constant 0 : i32
    %dma_wait3A_31 = tpu.memref_slice %arg5[%dma_wait3A_29, %dma_wait3A_30] : memref<163840x128xf32, #tpu.memory_space<hbm>> -> memref<80x128xf32, #tpu.memory_space<hbm>>
    tpu.wait_dma2 semaphore(%arg19 : memref<!tpu.dma_semaphore, #tpu.memory_space<semaphore_mem>>) src(%arg16 : memref<80x128xf32, #tpu.memory_space<vmem>>) dst(%dma_wait3A_31 : memref<80x128xf32, #tpu.memory_space<hbm>>)
    return
  }
}

#map = affine_map<(d0, d1) -> (0, 0)>
#map1 = affine_map<(d0, d1) -> (0, 0, 0)>
module attributes {stable_mosaic.version = 14 : i64} {
  func.func @body(%arg0: i32, %arg1: i32, %arg2: memref<163840x128xf32, #tpu.memory_space<hbm>>, %arg3: memref<32x64x80xi32, #tpu.memory_space<hbm>>, %arg4: memref<2x10000x128xf32, #tpu.memory_space<hbm>>, %arg5: memref<64x80xi32, #tpu.memory_space<vmem>>, %arg6: memref<80x128xf32, #tpu.memory_space<vmem>>, %arg7: memref<!tpu.dma_semaphore, #tpu.memory_space<semaphore_mem>>, %arg8: memref<80x128xf32, #tpu.memory_space<vmem>>, %arg9: memref<!tpu.dma_semaphore, #tpu.memory_space<semaphore_mem>>, %arg10: memref<80x128xf32, #tpu.memory_space<vmem>>, %arg11: memref<10000x128xf32, #tpu.memory_space<vmem_shared>>) attributes {dimension_semantics = [#tpu.dimension_semantics<core_parallel>, #tpu.dimension_semantics<subcore_parallel>], iteration_bounds = array<i64: 2, 16>, scalar_prefetch = 0 : i64, scratch_operands = 7 : i64, tpu.core_type = #tpu.core_type<sc_vector_subcore>, window_params = [{transform_indices = #map}, {transform_indices = #map1}, {transform_indices = #map1}]} {
    %mul3A = arith.constant 2 : i32
    %mul3A_0 = arith.muli %arg1, %mul3A : i32
    %add3A = arith.addi %mul3A_0, %arg0 : i32
    %mul3A_1 = arith.constant 8 : i32
    %mul3A_2 = arith.muli %arg1, %mul3A_1 : i32
    %sub3A = arith.constant 125 : i32
    %sub3A_3 = arith.subi %sub3A, %mul3A_2 : i32
    %min3A = arith.constant 8 : i32
    %min3A_4 = arith.minsi %min3A, %sub3A_3 : i32
    %scan3A = arith.constant 0 : i32
    %scan3A_5 = arith.constant 0 : i32
    %scan3A_6 = arith.constant 80 : i32
    %scan3A_7 = arith.addi %scan3A_5, %scan3A_6 : i32
    %scan3A_8 = arith.constant 1 : i32
    scf.for %scan3A_43 = %scan3A_5 to %scan3A_7 step %scan3A_8  : i32 {
      %broadcast_in_dim3A = arith.constant 0.000000e+00 : f32
      %broadcast_in_dim3A_44 = vector.broadcast %broadcast_in_dim3A : f32 to vector<16xf32>
      %swap3A = arith.index_cast %scan3A_43 : i32 to index
      %swap3A_45 = arith.constant 0 : index
      %swap3A_46 = tpu.vector_load %arg10[%swap3A, %swap3A_45] {strides = array<i32>} : memref<80x128xf32, #tpu.memory_space<vmem>>, vector<1x16xf32>,
      %swap3A_47 = vector.shape_cast %swap3A_46 : vector<1x16xf32> to vector<16xf32>
      %swap3A_48 = vector.shape_cast %broadcast_in_dim3A_44 : vector<16xf32> to vector<1x16xf32>
      tpu.vector_store %arg10[%swap3A, %swap3A_45], %swap3A_48 {strides = array<i32>} : memref<80x128xf32, #tpu.memory_space<vmem>>, vector<1x16xf32>,
      %broadcast_in_dim3A_49 = arith.constant 0.000000e+00 : f32
      %broadcast_in_dim3A_50 = vector.broadcast %broadcast_in_dim3A_49 : f32 to vector<16xf32>
      %swap3A_51 = arith.index_cast %scan3A_43 : i32 to index
      %swap3A_52 = arith.constant 16 : index
      %swap3A_53 = tpu.vector_load %arg10[%swap3A_51, %swap3A_52] {strides = array<i32>} : memref<80x128xf32, #tpu.memory_space<vmem>>, vector<1x16xf32>,
      %swap3A_54 = vector.shape_cast %swap3A_53 : vector<1x16xf32> to vector<16xf32>
      %swap3A_55 = vector.shape_cast %broadcast_in_dim3A_50 : vector<16xf32> to vector<1x16xf32>
      tpu.vector_store %arg10[%swap3A_51, %swap3A_52], %swap3A_55 {strides = array<i32>} : memref<80x128xf32, #tpu.memory_space<vmem>>, vector<1x16xf32>,
      %broadcast_in_dim3A_56 = arith.constant 0.000000e+00 : f32
      %broadcast_in_dim3A_57 = vector.broadcast %broadcast_in_dim3A_56 : f32 to vector<16xf32>
      %swap3A_58 = arith.index_cast %scan3A_43 : i32 to index
      %swap3A_59 = arith.constant 32 : index
      %swap3A_60 = tpu.vector_load %arg10[%swap3A_58, %swap3A_59] {strides = array<i32>} : memref<80x128xf32, #tpu.memory_space<vmem>>, vector<1x16xf32>,
      %swap3A_61 = vector.shape_cast %swap3A_60 : vector<1x16xf32> to vector<16xf32>
      %swap3A_62 = vector.shape_cast %broadcast_in_dim3A_57 : vector<16xf32> to vector<1x16xf32>
      tpu.vector_store %arg10[%swap3A_58, %swap3A_59], %swap3A_62 {strides = array<i32>} : memref<80x128xf32, #tpu.memory_space<vmem>>, vector<1x16xf32>,
      %broadcast_in_dim3A_63 = arith.constant 0.000000e+00 : f32
      %broadcast_in_dim3A_64 = vector.broadcast %broadcast_in_dim3A_63 : f32 to vector<16xf32>
      %swap3A_65 = arith.index_cast %scan3A_43 : i32 to index
      %swap3A_66 = arith.constant 48 : index
      %swap3A_67 = tpu.vector_load %arg10[%swap3A_65, %swap3A_66] {strides = array<i32>} : memref<80x128xf32, #tpu.memory_space<vmem>>, vector<1x16xf32>,
      %swap3A_68 = vector.shape_cast %swap3A_67 : vector<1x16xf32> to vector<16xf32>
      %swap3A_69 = vector.shape_cast %broadcast_in_dim3A_64 : vector<16xf32> to vector<1x16xf32>
      tpu.vector_store %arg10[%swap3A_65, %swap3A_66], %swap3A_69 {strides = array<i32>} : memref<80x128xf32, #tpu.memory_space<vmem>>, vector<1x16xf32>,
      %broadcast_in_dim3A_70 = arith.constant 0.000000e+00 : f32
      %broadcast_in_dim3A_71 = vector.broadcast %broadcast_in_dim3A_70 : f32 to vector<16xf32>
      %swap3A_72 = arith.index_cast %scan3A_43 : i32 to index
      %swap3A_73 = arith.constant 64 : index
      %swap3A_74 = tpu.vector_load %arg10[%swap3A_72, %swap3A_73] {strides = array<i32>} : memref<80x128xf32, #tpu.memory_space<vmem>>, vector<1x16xf32>,
      %swap3A_75 = vector.shape_cast %swap3A_74 : vector<1x16xf32> to vector<16xf32>
      %swap3A_76 = vector.shape_cast %broadcast_in_dim3A_71 : vector<16xf32> to vector<1x16xf32>
      tpu.vector_store %arg10[%swap3A_72, %swap3A_73], %swap3A_76 {strides = array<i32>} : memref<80x128xf32, #tpu.memory_space<vmem>>, vector<1x16xf32>,
      %broadcast_in_dim3A_77 = arith.constant 0.000000e+00 : f32
      %broadcast_in_dim3A_78 = vector.broadcast %broadcast_in_dim3A_77 : f32 to vector<16xf32>
      %swap3A_79 = arith.index_cast %scan3A_43 : i32 to index
      %swap3A_80 = arith.constant 80 : index
      %swap3A_81 = tpu.vector_load %arg10[%swap3A_79, %swap3A_80] {strides = array<i32>} : memref<80x128xf32, #tpu.memory_space<vmem>>, vector<1x16xf32>,
      %swap3A_82 = vector.shape_cast %swap3A_81 : vector<1x16xf32> to vector<16xf32>
      %swap3A_83 = vector.shape_cast %broadcast_in_dim3A_78 : vector<16xf32> to vector<1x16xf32>
      tpu.vector_store %arg10[%swap3A_79, %swap3A_80], %swap3A_83 {strides = array<i32>} : memref<80x128xf32, #tpu.memory_space<vmem>>, vector<1x16xf32>,
      %broadcast_in_dim3A_84 = arith.constant 0.000000e+00 : f32
      %broadcast_in_dim3A_85 = vector.broadcast %broadcast_in_dim3A_84 : f32 to vector<16xf32>
      %swap3A_86 = arith.index_cast %scan3A_43 : i32 to index
      %swap3A_87 = arith.constant 96 : index
      %swap3A_88 = tpu.vector_load %arg10[%swap3A_86, %swap3A_87] {strides = array<i32>} : memref<80x128xf32, #tpu.memory_space<vmem>>, vector<1x16xf32>,
      %swap3A_89 = vector.shape_cast %swap3A_88 : vector<1x16xf32> to vector<16xf32>
      %swap3A_90 = vector.shape_cast %broadcast_in_dim3A_85 : vector<16xf32> to vector<1x16xf32>
      tpu.vector_store %arg10[%swap3A_86, %swap3A_87], %swap3A_90 {strides = array<i32>} : memref<80x128xf32, #tpu.memory_space<vmem>>, vector<1x16xf32>,
      %broadcast_in_dim3A_91 = arith.constant 0.000000e+00 : f32
      %broadcast_in_dim3A_92 = vector.broadcast %broadcast_in_dim3A_91 : f32 to vector<16xf32>
      %swap3A_93 = arith.index_cast %scan3A_43 : i32 to index
      %swap3A_94 = arith.constant 112 : index
      %swap3A_95 = tpu.vector_load %arg10[%swap3A_93, %swap3A_94] {strides = array<i32>} : memref<80x128xf32, #tpu.memory_space<vmem>>, vector<1x16xf32>,
      %swap3A_96 = vector.shape_cast %swap3A_95 : vector<1x16xf32> to vector<16xf32>
      %swap3A_97 = vector.shape_cast %broadcast_in_dim3A_92 : vector<16xf32> to vector<1x16xf32>
      tpu.vector_store %arg10[%swap3A_93, %swap3A_94], %swap3A_97 {strides = array<i32>} : memref<80x128xf32, #tpu.memory_space<vmem>>, vector<1x16xf32>,
    }
    %scan3A_9 = arith.constant 80 : i32
    %while3A = arith.constant 0 : i32
    %while3A_10 = arith.constant 0 : i32
    %while3A_11 = arith.subi %min3A_4, %while3A_10 : i32
    %while3A_12 = arith.addi %while3A_10, %while3A_11 : i32
    %while3A_13 = arith.constant 1 : i32
    %while3A_14 = arith.divsi %while3A_11, %while3A_13 : i32
    %while3A_15 = arith.muli %while3A_14, %while3A_13 : i32
    %while3A_16 = arith.addi %while3A_10, %while3A_15 : i32
    %while3A_17 = arith.constant 1 : i32
    scf.for %while3A_43 = %while3A_10 to %while3A_16 step %while3A_17  : i32 {
      %add3A_44 = arith.addi %mul3A_2, %while3A_43 : i32
      %mul3A_45 = arith.constant 80 : i32
      %mul3A_46 = arith.muli %add3A_44, %mul3A_45 : i32
      "tpu.region"() ({
        %run_scoped3A = tpu.sem_alloc : memref<!tpu.dma_semaphore, #tpu.memory_space<semaphore_mem>>
        %dma_start3A_47 = arith.constant 0 : i32
        %dma_start3A_48 = tpu.memref_slice %arg11[%mul3A_46, %dma_start3A_47] : memref<10000x128xf32, #tpu.memory_space<vmem_shared>> -> memref<80x128xf32, #tpu.memory_space<vmem_shared>>
        %dma_start3A_49 = arith.constant 0 : i32
        %dma_start3A_50 = tpu.memref_slice %arg11[%mul3A_46, %dma_start3A_49] : memref<10000x128xf32, #tpu.memory_space<vmem_shared>> -> memref<80x128xf32, #tpu.memory_space<vmem_shared>>
        tpu.enqueue_dma source(%arg10 : memref<80x128xf32, #tpu.memory_space<vmem>>) target(%dma_start3A_50 : memref<80x128xf32, #tpu.memory_space<vmem_shared>>) target_semaphore(%run_scoped3A : memref<!tpu.dma_semaphore, #tpu.memory_space<semaphore_mem>>)
        %dma_wait3A = arith.constant 0 : i32
        %dma_wait3A_51 = tpu.memref_slice %arg11[%mul3A_46, %dma_wait3A] : memref<10000x128xf32, #tpu.memory_space<vmem_shared>> -> memref<80x128xf32, #tpu.memory_space<vmem_shared>>
        %dma_wait3A_52 = arith.constant 0 : i32
        %dma_wait3A_53 = tpu.memref_slice %arg11[%mul3A_46, %dma_wait3A_52] : memref<10000x128xf32, #tpu.memory_space<vmem_shared>> -> memref<80x128xf32, #tpu.memory_space<vmem_shared>>
        tpu.wait_dma2 semaphore(%run_scoped3A : memref<!tpu.dma_semaphore, #tpu.memory_space<semaphore_mem>>) src(%arg10 : memref<80x128xf32, #tpu.memory_space<vmem>>) dst(%dma_wait3A_53 : memref<80x128xf32, #tpu.memory_space<vmem_shared>>)
        tpu.yield
      }) : () -> ()
    }
    %while3A_18 = arith.constant 1 : i32
    scf.for %while3A_43 = %while3A_16 to %while3A_12 step %while3A_18  : i32 {
      %add3A_44 = arith.addi %mul3A_2, %while3A_43 : i32
      %mul3A_45 = arith.constant 80 : i32
      %mul3A_46 = arith.muli %add3A_44, %mul3A_45 : i32
      "tpu.region"() ({
        %run_scoped3A = tpu.sem_alloc : memref<!tpu.dma_semaphore, #tpu.memory_space<semaphore_mem>>
        %dma_start3A_47 = arith.constant 0 : i32
        %dma_start3A_48 = tpu.memref_slice %arg11[%mul3A_46, %dma_start3A_47] : memref<10000x128xf32, #tpu.memory_space<vmem_shared>> -> memref<80x128xf32, #tpu.memory_space<vmem_shared>>
        %dma_start3A_49 = arith.constant 0 : i32
        %dma_start3A_50 = tpu.memref_slice %arg11[%mul3A_46, %dma_start3A_49] : memref<10000x128xf32, #tpu.memory_space<vmem_shared>> -> memref<80x128xf32, #tpu.memory_space<vmem_shared>>
        tpu.enqueue_dma source(%arg10 : memref<80x128xf32, #tpu.memory_space<vmem>>) target(%dma_start3A_50 : memref<80x128xf32, #tpu.memory_space<vmem_shared>>) target_semaphore(%run_scoped3A : memref<!tpu.dma_semaphore, #tpu.memory_space<semaphore_mem>>)
        %dma_wait3A = arith.constant 0 : i32
        %dma_wait3A_51 = tpu.memref_slice %arg11[%mul3A_46, %dma_wait3A] : memref<10000x128xf32, #tpu.memory_space<vmem_shared>> -> memref<80x128xf32, #tpu.memory_space<vmem_shared>>
        %dma_wait3A_52 = arith.constant 0 : i32
        %dma_wait3A_53 = tpu.memref_slice %arg11[%mul3A_46, %dma_wait3A_52] : memref<10000x128xf32, #tpu.memory_space<vmem_shared>> -> memref<80x128xf32, #tpu.memory_space<vmem_shared>>
        tpu.wait_dma2 semaphore(%run_scoped3A : memref<!tpu.dma_semaphore, #tpu.memory_space<semaphore_mem>>) src(%arg10 : memref<80x128xf32, #tpu.memory_space<vmem>>) dst(%dma_wait3A_53 : memref<80x128xf32, #tpu.memory_space<vmem_shared>>)
        tpu.yield
      }) : () -> ()
    }
    %barrier3A = arith.constant 0 : index
    tpu.barrier barrier_id(%barrier3A)
    "tpu.region"() ({
      %run_scoped3A = tpu.sem_alloc : memref<!tpu.dma_semaphore, #tpu.memory_space<semaphore_mem>>
      %dma_start3A_43 = arith.constant 0 : i32
      %dma_start3A_44 = arith.constant 0 : i32
      %dma_start3A_45 = tpu.memref_slice %arg3[%add3A, %dma_start3A_43, %dma_start3A_44] : memref<32x64x80xi32, #tpu.memory_space<hbm>> -> memref<1x64x80xi32, #tpu.memory_space<hbm>>
      %dma_start3A_46 = tpu.memref_squeeze %dma_start3A_45 : memref<1x64x80xi32, #tpu.memory_space<hbm>> -> memref<64x80xi32, #tpu.memory_space<hbm>>
      %dma_start3A_47 = arith.constant 0 : i32
      %dma_start3A_48 = arith.constant 0 : i32
      %dma_start3A_49 = tpu.memref_slice %arg3[%add3A, %dma_start3A_47, %dma_start3A_48] : memref<32x64x80xi32, #tpu.memory_space<hbm>> -> memref<1x64x80xi32, #tpu.memory_space<hbm>>
      %dma_start3A_50 = tpu.memref_squeeze %dma_start3A_49 : memref<1x64x80xi32, #tpu.memory_space<hbm>> -> memref<64x80xi32, #tpu.memory_space<hbm>>
      tpu.enqueue_dma source(%dma_start3A_50 : memref<64x80xi32, #tpu.memory_space<hbm>>) target(%arg5 : memref<64x80xi32, #tpu.memory_space<vmem>>) target_semaphore(%run_scoped3A : memref<!tpu.dma_semaphore, #tpu.memory_space<semaphore_mem>>)
      %dma_wait3A = arith.constant 0 : i32
      %dma_wait3A_51 = arith.constant 0 : i32
      %dma_wait3A_52 = tpu.memref_slice %arg3[%add3A, %dma_wait3A, %dma_wait3A_51] : memref<32x64x80xi32, #tpu.memory_space<hbm>> -> memref<1x64x80xi32, #tpu.memory_space<hbm>>
      %dma_wait3A_53 = tpu.memref_squeeze %dma_wait3A_52 : memref<1x64x80xi32, #tpu.memory_space<hbm>> -> memref<64x80xi32, #tpu.memory_space<hbm>>
      %dma_wait3A_54 = arith.constant 0 : i32
      %dma_wait3A_55 = arith.constant 0 : i32
      %dma_wait3A_56 = tpu.memref_slice %arg3[%add3A, %dma_wait3A_54, %dma_wait3A_55] : memref<32x64x80xi32, #tpu.memory_space<hbm>> -> memref<1x64x80xi32, #tpu.memory_space<hbm>>
      %dma_wait3A_57 = tpu.memref_squeeze %dma_wait3A_56 : memref<1x64x80xi32, #tpu.memory_space<hbm>> -> memref<64x80xi32, #tpu.memory_space<hbm>>
      tpu.wait_dma2 semaphore(%run_scoped3A : memref<!tpu.dma_semaphore, #tpu.memory_space<semaphore_mem>>) src(%dma_wait3A_57 : memref<64x80xi32, #tpu.memory_space<hbm>>) dst(%arg5 : memref<64x80xi32, #tpu.memory_space<vmem>>)
      tpu.yield
    }) : () -> ()
    %mul3A_19 = arith.constant 5120 : i32
    %mul3A_20 = arith.muli %add3A, %mul3A_19 : i32
    %add3A_21 = arith.constant 0 : i32
    %add3A_22 = arith.addi %mul3A_20, %add3A_21 : i32
    %dma_start3A = arith.constant 0 : i32
    %dma_start3A_23 = tpu.memref_slice %arg2[%add3A_22, %dma_start3A] : memref<163840x128xf32, #tpu.memory_space<hbm>> -> memref<80x128xf32, #tpu.memory_space<hbm>>
    %dma_start3A_24 = arith.constant 0 : i32
    %dma_start3A_25 = tpu.memref_slice %arg2[%add3A_22, %dma_start3A_24] : memref<163840x128xf32, #tpu.memory_space<hbm>> -> memref<80x128xf32, #tpu.memory_space<hbm>>
    tpu.enqueue_dma source(%dma_start3A_25 : memref<80x128xf32, #tpu.memory_space<hbm>>) target(%arg6 : memref<80x128xf32, #tpu.memory_space<vmem>>) target_semaphore(%arg7 : memref<!tpu.dma_semaphore, #tpu.memory_space<semaphore_mem>>)
    %scan3A_26 = arith.constant 0 : i32
    %scan3A_27 = arith.constant 0 : i32
    %scan3A_28 = arith.constant 32 : i32
    %scan3A_29 = arith.addi %scan3A_27, %scan3A_28 : i32
    %scan3A_30 = arith.constant 1 : i32
    scf.for %scan3A_43 = %scan3A_27 to %scan3A_29 step %scan3A_30  : i32 {
      %mul3A_44 = arith.constant 2 : i32
      %mul3A_45 = arith.muli %mul3A_44, %scan3A_43 : i32
      %dma_wait3A = arith.constant 0 : i32
      %dma_wait3A_46 = arith.constant 0 : i32
      %dma_wait3A_47 = tpu.memref_slice %arg2[%dma_wait3A, %dma_wait3A_46] : memref<163840x128xf32, #tpu.memory_space<hbm>> -> memref<80x128xf32, #tpu.memory_space<hbm>>
      %dma_wait3A_48 = arith.constant 0 : i32
      %dma_wait3A_49 = arith.constant 0 : i32
      %dma_wait3A_50 = tpu.memref_slice %arg2[%dma_wait3A_48, %dma_wait3A_49] : memref<163840x128xf32, #tpu.memory_space<hbm>> -> memref<80x128xf32, #tpu.memory_space<hbm>>
      tpu.wait_dma2 semaphore(%arg7 : memref<!tpu.dma_semaphore, #tpu.memory_space<semaphore_mem>>) src(%dma_wait3A_50 : memref<80x128xf32, #tpu.memory_space<hbm>>) dst(%arg6 : memref<80x128xf32, #tpu.memory_space<vmem>>)
      %add3A_51 = arith.constant 1 : i32
      %add3A_52 = arith.addi %mul3A_45, %add3A_51 : i32
      %mul3A_53 = arith.constant 5120 : i32
      %mul3A_54 = arith.muli %add3A, %mul3A_53 : i32
      %mul3A_55 = arith.constant 80 : i32
      %mul3A_56 = arith.muli %add3A_52, %mul3A_55 : i32
      %add3A_57 = arith.addi %mul3A_54, %mul3A_56 : i32
      %dma_start3A_58 = arith.constant 0 : i32
      %dma_start3A_59 = tpu.memref_slice %arg2[%add3A_57, %dma_start3A_58] : memref<163840x128xf32, #tpu.memory_space<hbm>> -> memref<80x128xf32, #tpu.memory_space<hbm>>
      %dma_start3A_60 = arith.constant 0 : i32
      %dma_start3A_61 = tpu.memref_slice %arg2[%add3A_57, %dma_start3A_60] : memref<163840x128xf32, #tpu.memory_space<hbm>> -> memref<80x128xf32, #tpu.memory_space<hbm>>
      tpu.enqueue_dma source(%dma_start3A_61 : memref<80x128xf32, #tpu.memory_space<hbm>>) target(%arg8 : memref<80x128xf32, #tpu.memory_space<vmem>>) target_semaphore(%arg9 : memref<!tpu.dma_semaphore, #tpu.memory_space<semaphore_mem>>)
      "tpu.region"() ({
        %run_scoped3A = tpu.sem_alloc : memref<!tpu.dma_semaphore, #tpu.memory_space<semaphore_mem>>
        %dma_start3A_74 = arith.constant 0 : i32
        %dma_start3A_75 = tpu.memref_slice %arg5[%mul3A_45, %dma_start3A_74] : memref<64x80xi32, #tpu.memory_space<vmem>> -> memref<1x80xi32, #tpu.memory_space<vmem>>
        %dma_start3A_76 = tpu.memref_squeeze %dma_start3A_75 : memref<1x80xi32, #tpu.memory_space<vmem>> -> memref<80xi32, #tpu.memory_space<vmem>>
        %dma_start3A_77 = arith.constant 0 : i32
        %dma_start3A_78 = arith.constant 0 : i32
        %dma_start3A_79 = tpu.memref_slice %arg11[%dma_start3A_77, %dma_start3A_78] : memref<10000x128xf32, #tpu.memory_space<vmem_shared>> -> memref<10000x128xf32, #tpu.memory_space<vmem_shared>>
        tpu.enqueue_indirect_dma source(%arg6 : memref<80x128xf32, #tpu.memory_space<vmem>>) target(%dma_start3A_79 : memref<10000x128xf32, #tpu.memory_space<vmem_shared>>) offsets(%dma_start3A_76 : memref<80xi32, #tpu.memory_space<vmem>>) semaphore(%run_scoped3A : memref<!tpu.dma_semaphore, #tpu.memory_space<semaphore_mem>>) {add = true}
        %dma_wait3A_80 = arith.constant 0 : i32
        %dma_wait3A_81 = tpu.memref_slice %arg5[%mul3A_45, %dma_wait3A_80] : memref<64x80xi32, #tpu.memory_space<vmem>> -> memref<1x80xi32, #tpu.memory_space<vmem>>
        %dma_wait3A_82 = tpu.memref_squeeze %dma_wait3A_81 : memref<1x80xi32, #tpu.memory_space<vmem>> -> memref<80xi32, #tpu.memory_space<vmem>>
        %dma_wait3A_83 = arith.constant 0 : i32
        %dma_wait3A_84 = arith.constant 0 : i32
        %dma_wait3A_85 = tpu.memref_slice %arg11[%dma_wait3A_83, %dma_wait3A_84] : memref<10000x128xf32, #tpu.memory_space<vmem_shared>> -> memref<10000x128xf32, #tpu.memory_space<vmem_shared>>
        tpu.wait_indirect_dma semaphore(%run_scoped3A : memref<!tpu.dma_semaphore, #tpu.memory_space<semaphore_mem>>) src(%arg6 : memref<80x128xf32, #tpu.memory_space<vmem>>) dst(%dma_wait3A_85 : memref<10000x128xf32, #tpu.memory_space<vmem_shared>>)
        tpu.yield
      }) : () -> ()
      %dma_wait3A_62 = arith.constant 0 : i32
      %dma_wait3A_63 = arith.constant 0 : i32
      %dma_wait3A_64 = tpu.memref_slice %arg2[%dma_wait3A_62, %dma_wait3A_63] : memref<163840x128xf32, #tpu.memory_space<hbm>> -> memref<80x128xf32, #tpu.memory_space<hbm>>
      %dma_wait3A_65 = arith.constant 0 : i32
      %dma_wait3A_66 = arith.constant 0 : i32
      %dma_wait3A_67 = tpu.memref_slice %arg2[%dma_wait3A_65, %dma_wait3A_66] : memref<163840x128xf32, #tpu.memory_space<hbm>> -> memref<80x128xf32, #tpu.memory_space<hbm>>
      tpu.wait_dma2 semaphore(%arg9 : memref<!tpu.dma_semaphore, #tpu.memory_space<semaphore_mem>>) src(%dma_wait3A_67 : memref<80x128xf32, #tpu.memory_space<hbm>>) dst(%arg8 : memref<80x128xf32, #tpu.memory_space<vmem>>)
      %add3A_68 = arith.constant 2 : i32
      %add3A_69 = arith.addi %mul3A_45, %add3A_68 : i32
      %lt3A = arith.constant 64 : i32
      %lt3A_70 = arith.cmpi slt, %add3A_69, %lt3A : i32
      %convert_element_type3A = arith.extui %lt3A_70 : i1 to i32
      %cond3A = arith.constant 0 : i32
      %cond3A_71 = arith.cmpi ne, %convert_element_type3A, %cond3A : i32
      scf.if %cond3A_71 {
        %add3A_74 = arith.constant 2 : i32
        %add3A_75 = arith.addi %mul3A_45, %add3A_74 : i32
        %mul3A_76 = arith.constant 5120 : i32
        %mul3A_77 = arith.muli %add3A, %mul3A_76 : i32
        %mul3A_78 = arith.constant 80 : i32
        %mul3A_79 = arith.muli %add3A_75, %mul3A_78 : i32
        %add3A_80 = arith.addi %mul3A_77, %mul3A_79 : i32
        %dma_start3A_81 = arith.constant 0 : i32
        %dma_start3A_82 = tpu.memref_slice %arg2[%add3A_80, %dma_start3A_81] : memref<163840x128xf32, #tpu.memory_space<hbm>> -> memref<80x128xf32, #tpu.memory_space<hbm>>
        %dma_start3A_83 = arith.constant 0 : i32
        %dma_start3A_84 = tpu.memref_slice %arg2[%add3A_80, %dma_start3A_83] : memref<163840x128xf32, #tpu.memory_space<hbm>> -> memref<80x128xf32, #tpu.memory_space<hbm>>
        tpu.enqueue_dma source(%dma_start3A_84 : memref<80x128xf32, #tpu.memory_space<hbm>>) target(%arg6 : memref<80x128xf32, #tpu.memory_space<vmem>>) target_semaphore(%arg7 : memref<!tpu.dma_semaphore, #tpu.memory_space<semaphore_mem>>)
      } else {
      }
      %add3A_72 = arith.constant 1 : i32
      %add3A_73 = arith.addi %mul3A_45, %add3A_72 : i32
      "tpu.region"() ({
        %run_scoped3A = tpu.sem_alloc : memref<!tpu.dma_semaphore, #tpu.memory_space<semaphore_mem>>
        %dma_start3A_74 = arith.constant 0 : i32
        %dma_start3A_75 = tpu.memref_slice %arg5[%add3A_73, %dma_start3A_74] : memref<64x80xi32, #tpu.memory_space<vmem>> -> memref<1x80xi32, #tpu.memory_space<vmem>>
        %dma_start3A_76 = tpu.memref_squeeze %dma_start3A_75 : memref<1x80xi32, #tpu.memory_space<vmem>> -> memref<80xi32, #tpu.memory_space<vmem>>
        %dma_start3A_77 = arith.constant 0 : i32
        %dma_start3A_78 = arith.constant 0 : i32
        %dma_start3A_79 = tpu.memref_slice %arg11[%dma_start3A_77, %dma_start3A_78] : memref<10000x128xf32, #tpu.memory_space<vmem_shared>> -> memref<10000x128xf32, #tpu.memory_space<vmem_shared>>
        tpu.enqueue_indirect_dma source(%arg8 : memref<80x128xf32, #tpu.memory_space<vmem>>) target(%dma_start3A_79 : memref<10000x128xf32, #tpu.memory_space<vmem_shared>>) offsets(%dma_start3A_76 : memref<80xi32, #tpu.memory_space<vmem>>) semaphore(%run_scoped3A : memref<!tpu.dma_semaphore, #tpu.memory_space<semaphore_mem>>) {add = true}
        %dma_wait3A_80 = arith.constant 0 : i32
        %dma_wait3A_81 = tpu.memref_slice %arg5[%add3A_73, %dma_wait3A_80] : memref<64x80xi32, #tpu.memory_space<vmem>> -> memref<1x80xi32, #tpu.memory_space<vmem>>
        %dma_wait3A_82 = tpu.memref_squeeze %dma_wait3A_81 : memref<1x80xi32, #tpu.memory_space<vmem>> -> memref<80xi32, #tpu.memory_space<vmem>>
        %dma_wait3A_83 = arith.constant 0 : i32
        %dma_wait3A_84 = arith.constant 0 : i32
        %dma_wait3A_85 = tpu.memref_slice %arg11[%dma_wait3A_83, %dma_wait3A_84] : memref<10000x128xf32, #tpu.memory_space<vmem_shared>> -> memref<10000x128xf32, #tpu.memory_space<vmem_shared>>
        tpu.wait_indirect_dma semaphore(%run_scoped3A : memref<!tpu.dma_semaphore, #tpu.memory_space<semaphore_mem>>) src(%arg8 : memref<80x128xf32, #tpu.memory_space<vmem>>) dst(%dma_wait3A_85 : memref<10000x128xf32, #tpu.memory_space<vmem_shared>>)
        tpu.yield
      }) : () -> ()
    }
    %scan3A_31 = arith.constant 32 : i32
    %barrier3A_32 = arith.constant 0 : index
    tpu.barrier barrier_id(%barrier3A_32)
    %while3A_33 = arith.constant 0 : i32
    %while3A_34 = arith.constant 0 : i32
    %while3A_35 = arith.subi %min3A_4, %while3A_34 : i32
    %while3A_36 = arith.addi %while3A_34, %while3A_35 : i32
    %while3A_37 = arith.constant 1 : i32
    %while3A_38 = arith.divsi %while3A_35, %while3A_37 : i32
    %while3A_39 = arith.muli %while3A_38, %while3A_37 : i32
    %while3A_40 = arith.addi %while3A_34, %while3A_39 : i32
    %while3A_41 = arith.constant 1 : i32
    scf.for %while3A_43 = %while3A_34 to %while3A_40 step %while3A_41  : i32 {
      %add3A_44 = arith.addi %mul3A_2, %while3A_43 : i32
      %mul3A_45 = arith.constant 80 : i32
      %mul3A_46 = arith.muli %add3A_44, %mul3A_45 : i32
      "tpu.region"() ({
        %run_scoped3A = tpu.sem_alloc : memref<!tpu.dma_semaphore, #tpu.memory_space<semaphore_mem>>
        %dma_start3A_47 = arith.constant 0 : i32
        %dma_start3A_48 = tpu.memref_slice %arg11[%mul3A_46, %dma_start3A_47] : memref<10000x128xf32, #tpu.memory_space<vmem_shared>> -> memref<80x128xf32, #tpu.memory_space<vmem_shared>>
        %dma_start3A_49 = arith.constant 0 : i32
        %dma_start3A_50 = tpu.memref_slice %arg11[%mul3A_46, %dma_start3A_49] : memref<10000x128xf32, #tpu.memory_space<vmem_shared>> -> memref<80x128xf32, #tpu.memory_space<vmem_shared>>
        tpu.enqueue_dma source(%dma_start3A_50 : memref<80x128xf32, #tpu.memory_space<vmem_shared>>) target(%arg10 : memref<80x128xf32, #tpu.memory_space<vmem>>) target_semaphore(%run_scoped3A : memref<!tpu.dma_semaphore, #tpu.memory_space<semaphore_mem>>)
        %dma_wait3A = arith.constant 0 : i32
        %dma_wait3A_51 = tpu.memref_slice %arg11[%mul3A_46, %dma_wait3A] : memref<10000x128xf32, #tpu.memory_space<vmem_shared>> -> memref<80x128xf32, #tpu.memory_space<vmem_shared>>
        %dma_wait3A_52 = arith.constant 0 : i32
        %dma_wait3A_53 = tpu.memref_slice %arg11[%mul3A_46, %dma_wait3A_52] : memref<10000x128xf32, #tpu.memory_space<vmem_shared>> -> memref<80x128xf32, #tpu.memory_space<vmem_shared>>
        tpu.wait_dma2 semaphore(%run_scoped3A : memref<!tpu.dma_semaphore, #tpu.memory_space<semaphore_mem>>) src(%dma_wait3A_53 : memref<80x128xf32, #tpu.memory_space<vmem_shared>>) dst(%arg10 : memref<80x128xf32, #tpu.memory_space<vmem>>)
        tpu.yield
      }) : () -> ()
      "tpu.region"() ({
        %run_scoped3A = tpu.sem_alloc : memref<!tpu.dma_semaphore, #tpu.memory_space<semaphore_mem>>
        %dma_start3A_47 = arith.constant 0 : i32
        %dma_start3A_48 = tpu.memref_slice %arg4[%arg0, %mul3A_46, %dma_start3A_47] : memref<2x10000x128xf32, #tpu.memory_space<hbm>> -> memref<1x80x128xf32, #tpu.memory_space<hbm>>
        %dma_start3A_49 = tpu.memref_squeeze %dma_start3A_48 : memref<1x80x128xf32, #tpu.memory_space<hbm>> -> memref<80x128xf32, #tpu.memory_space<hbm>>
        %dma_start3A_50 = arith.constant 0 : i32
        %dma_start3A_51 = tpu.memref_slice %arg4[%arg0, %mul3A_46, %dma_start3A_50] : memref<2x10000x128xf32, #tpu.memory_space<hbm>> -> memref<1x80x128xf32, #tpu.memory_space<hbm>>
        %dma_start3A_52 = tpu.memref_squeeze %dma_start3A_51 : memref<1x80x128xf32, #tpu.memory_space<hbm>> -> memref<80x128xf32, #tpu.memory_space<hbm>>
        tpu.enqueue_dma source(%arg10 : memref<80x128xf32, #tpu.memory_space<vmem>>) target(%dma_start3A_52 : memref<80x128xf32, #tpu.memory_space<hbm>>) target_semaphore(%run_scoped3A : memref<!tpu.dma_semaphore, #tpu.memory_space<semaphore_mem>>)
        %dma_wait3A = arith.constant 0 : i32
        %dma_wait3A_53 = tpu.memref_slice %arg4[%arg0, %mul3A_46, %dma_wait3A] : memref<2x10000x128xf32, #tpu.memory_space<hbm>> -> memref<1x80x128xf32, #tpu.memory_space<hbm>>
        %dma_wait3A_54 = tpu.memref_squeeze %dma_wait3A_53 : memref<1x80x128xf32, #tpu.memory_space<hbm>> -> memref<80x128xf32, #tpu.memory_space<hbm>>
        %dma_wait3A_55 = arith.constant 0 : i32
        %dma_wait3A_56 = tpu.memref_slice %arg4[%arg0, %mul3A_46, %dma_wait3A_55] : memref<2x10000x128xf32, #tpu.memory_space<hbm>> -> memref<1x80x128xf32, #tpu.memory_space<hbm>>
        %dma_wait3A_57 = tpu.memref_squeeze %dma_wait3A_56 : memref<1x80x128xf32, #tpu.memory_space<hbm>> -> memref<80x128xf32, #tpu.memory_space<hbm>>
        tpu.wait_dma2 semaphore(%run_scoped3A : memref<!tpu.dma_semaphore, #tpu.memory_space<semaphore_mem>>) src(%arg10 : memref<80x128xf32, #tpu.memory_space<vmem>>) dst(%dma_wait3A_57 : memref<80x128xf32, #tpu.memory_space<hbm>>)
        tpu.yield
      }) : () -> ()
    }
    %while3A_42 = arith.constant 1 : i32
    scf.for %while3A_43 = %while3A_40 to %while3A_36 step %while3A_42  : i32 {
      %add3A_44 = arith.addi %mul3A_2, %while3A_43 : i32
      %mul3A_45 = arith.constant 80 : i32
      %mul3A_46 = arith.muli %add3A_44, %mul3A_45 : i32
      "tpu.region"() ({
        %run_scoped3A = tpu.sem_alloc : memref<!tpu.dma_semaphore, #tpu.memory_space<semaphore_mem>>
        %dma_start3A_47 = arith.constant 0 : i32
        %dma_start3A_48 = tpu.memref_slice %arg11[%mul3A_46, %dma_start3A_47] : memref<10000x128xf32, #tpu.memory_space<vmem_shared>> -> memref<80x128xf32, #tpu.memory_space<vmem_shared>>
        %dma_start3A_49 = arith.constant 0 : i32
        %dma_start3A_50 = tpu.memref_slice %arg11[%mul3A_46, %dma_start3A_49] : memref<10000x128xf32, #tpu.memory_space<vmem_shared>> -> memref<80x128xf32, #tpu.memory_space<vmem_shared>>
        tpu.enqueue_dma source(%dma_start3A_50 : memref<80x128xf32, #tpu.memory_space<vmem_shared>>) target(%arg10 : memref<80x128xf32, #tpu.memory_space<vmem>>) target_semaphore(%run_scoped3A : memref<!tpu.dma_semaphore, #tpu.memory_space<semaphore_mem>>)
        %dma_wait3A = arith.constant 0 : i32
        %dma_wait3A_51 = tpu.memref_slice %arg11[%mul3A_46, %dma_wait3A] : memref<10000x128xf32, #tpu.memory_space<vmem_shared>> -> memref<80x128xf32, #tpu.memory_space<vmem_shared>>
        %dma_wait3A_52 = arith.constant 0 : i32
        %dma_wait3A_53 = tpu.memref_slice %arg11[%mul3A_46, %dma_wait3A_52] : memref<10000x128xf32, #tpu.memory_space<vmem_shared>> -> memref<80x128xf32, #tpu.memory_space<vmem_shared>>
        tpu.wait_dma2 semaphore(%run_scoped3A : memref<!tpu.dma_semaphore, #tpu.memory_space<semaphore_mem>>) src(%dma_wait3A_53 : memref<80x128xf32, #tpu.memory_space<vmem_shared>>) dst(%arg10 : memref<80x128xf32, #tpu.memory_space<vmem>>)
        tpu.yield
      }) : () -> ()
      "tpu.region"() ({
        %run_scoped3A = tpu.sem_alloc : memref<!tpu.dma_semaphore, #tpu.memory_space<semaphore_mem>>
        %dma_start3A_47 = arith.constant 0 : i32
        %dma_start3A_48 = tpu.memref_slice %arg4[%arg0, %mul3A_46, %dma_start3A_47] : memref<2x10000x128xf32, #tpu.memory_space<hbm>> -> memref<1x80x128xf32, #tpu.memory_space<hbm>>
        %dma_start3A_49 = tpu.memref_squeeze %dma_start3A_48 : memref<1x80x128xf32, #tpu.memory_space<hbm>> -> memref<80x128xf32, #tpu.memory_space<hbm>>
        %dma_start3A_50 = arith.constant 0 : i32
        %dma_start3A_51 = tpu.memref_slice %arg4[%arg0, %mul3A_46, %dma_start3A_50] : memref<2x10000x128xf32, #tpu.memory_space<hbm>> -> memref<1x80x128xf32, #tpu.memory_space<hbm>>
        %dma_start3A_52 = tpu.memref_squeeze %dma_start3A_51 : memref<1x80x128xf32, #tpu.memory_space<hbm>> -> memref<80x128xf32, #tpu.memory_space<hbm>>
        tpu.enqueue_dma source(%arg10 : memref<80x128xf32, #tpu.memory_space<vmem>>) target(%dma_start3A_52 : memref<80x128xf32, #tpu.memory_space<hbm>>) target_semaphore(%run_scoped3A : memref<!tpu.dma_semaphore, #tpu.memory_space<semaphore_mem>>)
        %dma_wait3A = arith.constant 0 : i32
        %dma_wait3A_53 = tpu.memref_slice %arg4[%arg0, %mul3A_46, %dma_wait3A] : memref<2x10000x128xf32, #tpu.memory_space<hbm>> -> memref<1x80x128xf32, #tpu.memory_space<hbm>>
        %dma_wait3A_54 = tpu.memref_squeeze %dma_wait3A_53 : memref<1x80x128xf32, #tpu.memory_space<hbm>> -> memref<80x128xf32, #tpu.memory_space<hbm>>
        %dma_wait3A_55 = arith.constant 0 : i32
        %dma_wait3A_56 = tpu.memref_slice %arg4[%arg0, %mul3A_46, %dma_wait3A_55] : memref<2x10000x128xf32, #tpu.memory_space<hbm>> -> memref<1x80x128xf32, #tpu.memory_space<hbm>>
        %dma_wait3A_57 = tpu.memref_squeeze %dma_wait3A_56 : memref<1x80x128xf32, #tpu.memory_space<hbm>> -> memref<80x128xf32, #tpu.memory_space<hbm>>
        tpu.wait_dma2 semaphore(%run_scoped3A : memref<!tpu.dma_semaphore, #tpu.memory_space<semaphore_mem>>) src(%arg10 : memref<80x128xf32, #tpu.memory_space<vmem>>) dst(%dma_wait3A_57 : memref<80x128xf32, #tpu.memory_space<hbm>>)
        tpu.yield
      }) : () -> ()
    }
    return
  }
}

#map = affine_map<(d0, d1) -> (0, 0)>
#map1 = affine_map<(d0, d1) -> (0, 0, 0)>
module attributes {stable_mosaic.version = 14 : i64} {
  func.func @body(%arg0: i32, %arg1: i32, %arg2: memref<10000x128xf32, #tpu.memory_space<hbm>>, %arg3: memref<32x61x80xi32, #tpu.memory_space<hbm>>, %arg4: memref<32x61x80xi32, #tpu.memory_space<hbm>>, %arg5: memref<156160x128xf32, #tpu.memory_space<hbm>>, %arg6: memref<61x80xi32, #tpu.memory_space<vmem>>, %arg7: memref<61x80xi32, #tpu.memory_space<vmem>>, %arg8: memref<80x128xf32, #tpu.memory_space<vmem>>, %arg9: memref<80x128xf32, #tpu.memory_space<vmem>>, %arg10: memref<80x128xf32, #tpu.memory_space<vmem>>, %arg11: memref<!tpu.dma_semaphore, #tpu.memory_space<semaphore_mem>>, %arg12: memref<!tpu.dma_semaphore, #tpu.memory_space<semaphore_mem>>, %arg13: memref<!tpu.dma_semaphore, #tpu.memory_space<semaphore_mem>>, %arg14: memref<80x128xf32, #tpu.memory_space<vmem>>, %arg15: memref<80x128xf32, #tpu.memory_space<vmem>>, %arg16: memref<80x128xf32, #tpu.memory_space<vmem>>, %arg17: memref<!tpu.dma_semaphore, #tpu.memory_space<semaphore_mem>>, %arg18: memref<!tpu.dma_semaphore, #tpu.memory_space<semaphore_mem>>, %arg19: memref<!tpu.dma_semaphore, #tpu.memory_space<semaphore_mem>>) attributes {dimension_semantics = [#tpu.dimension_semantics<core_parallel>, #tpu.dimension_semantics<subcore_parallel>], iteration_bounds = array<i64: 2, 16>, scalar_prefetch = 0 : i64, scratch_operands = 14 : i64, tpu.core_type = #tpu.core_type<sc_vector_subcore>, window_params = [{transform_indices = #map}, {transform_indices = #map1}, {transform_indices = #map1}, {transform_indices = #map}]} {
    %mul3A = arith.constant 2 : i32
    %mul3A_0 = arith.muli %arg1, %mul3A : i32
    %add3A = arith.addi %mul3A_0, %arg0 : i32
    %mul3A_1 = arith.constant 4880 : i32
    %mul3A_2 = arith.muli %add3A, %mul3A_1 : i32
    "tpu.region"() ({
      %run_scoped3A = tpu.sem_alloc : memref<!tpu.dma_semaphore, #tpu.memory_space<semaphore_mem>>
      %dma_start3A_64 = arith.constant 0 : i32
      %dma_start3A_65 = arith.constant 0 : i32
      %dma_start3A_66 = tpu.memref_slice %arg3[%add3A, %dma_start3A_64, %dma_start3A_65] : memref<32x61x80xi32, #tpu.memory_space<hbm>> -> memref<1x61x80xi32, #tpu.memory_space<hbm>>
      %dma_start3A_67 = tpu.memref_squeeze %dma_start3A_66 : memref<1x61x80xi32, #tpu.memory_space<hbm>> -> memref<61x80xi32, #tpu.memory_space<hbm>>
      %dma_start3A_68 = arith.constant 0 : i32
      %dma_start3A_69 = arith.constant 0 : i32
      %dma_start3A_70 = tpu.memref_slice %arg3[%add3A, %dma_start3A_68, %dma_start3A_69] : memref<32x61x80xi32, #tpu.memory_space<hbm>> -> memref<1x61x80xi32, #tpu.memory_space<hbm>>
      %dma_start3A_71 = tpu.memref_squeeze %dma_start3A_70 : memref<1x61x80xi32, #tpu.memory_space<hbm>> -> memref<61x80xi32, #tpu.memory_space<hbm>>
      tpu.enqueue_dma source(%dma_start3A_71 : memref<61x80xi32, #tpu.memory_space<hbm>>) target(%arg6 : memref<61x80xi32, #tpu.memory_space<vmem>>) target_semaphore(%run_scoped3A : memref<!tpu.dma_semaphore, #tpu.memory_space<semaphore_mem>>)
      %dma_wait3A_72 = arith.constant 0 : i32
      %dma_wait3A_73 = arith.constant 0 : i32
      %dma_wait3A_74 = tpu.memref_slice %arg3[%add3A, %dma_wait3A_72, %dma_wait3A_73] : memref<32x61x80xi32, #tpu.memory_space<hbm>> -> memref<1x61x80xi32, #tpu.memory_space<hbm>>
      %dma_wait3A_75 = tpu.memref_squeeze %dma_wait3A_74 : memref<1x61x80xi32, #tpu.memory_space<hbm>> -> memref<61x80xi32, #tpu.memory_space<hbm>>
      %dma_wait3A_76 = arith.constant 0 : i32
      %dma_wait3A_77 = arith.constant 0 : i32
      %dma_wait3A_78 = tpu.memref_slice %arg3[%add3A, %dma_wait3A_76, %dma_wait3A_77] : memref<32x61x80xi32, #tpu.memory_space<hbm>> -> memref<1x61x80xi32, #tpu.memory_space<hbm>>
      %dma_wait3A_79 = tpu.memref_squeeze %dma_wait3A_78 : memref<1x61x80xi32, #tpu.memory_space<hbm>> -> memref<61x80xi32, #tpu.memory_space<hbm>>
      tpu.wait_dma2 semaphore(%run_scoped3A : memref<!tpu.dma_semaphore, #tpu.memory_space<semaphore_mem>>) src(%dma_wait3A_79 : memref<61x80xi32, #tpu.memory_space<hbm>>) dst(%arg6 : memref<61x80xi32, #tpu.memory_space<vmem>>)
      tpu.yield
    }) : () -> ()
    "tpu.region"() ({
      %run_scoped3A = tpu.sem_alloc : memref<!tpu.dma_semaphore, #tpu.memory_space<semaphore_mem>>
      %dma_start3A_64 = arith.constant 0 : i32
      %dma_start3A_65 = arith.constant 0 : i32
      %dma_start3A_66 = tpu.memref_slice %arg4[%add3A, %dma_start3A_64, %dma_start3A_65] : memref<32x61x80xi32, #tpu.memory_space<hbm>> -> memref<1x61x80xi32, #tpu.memory_space<hbm>>
      %dma_start3A_67 = tpu.memref_squeeze %dma_start3A_66 : memref<1x61x80xi32, #tpu.memory_space<hbm>> -> memref<61x80xi32, #tpu.memory_space<hbm>>
      %dma_start3A_68 = arith.constant 0 : i32
      %dma_start3A_69 = arith.constant 0 : i32
      %dma_start3A_70 = tpu.memref_slice %arg4[%add3A, %dma_start3A_68, %dma_start3A_69] : memref<32x61x80xi32, #tpu.memory_space<hbm>> -> memref<1x61x80xi32, #tpu.memory_space<hbm>>
      %dma_start3A_71 = tpu.memref_squeeze %dma_start3A_70 : memref<1x61x80xi32, #tpu.memory_space<hbm>> -> memref<61x80xi32, #tpu.memory_space<hbm>>
      tpu.enqueue_dma source(%dma_start3A_71 : memref<61x80xi32, #tpu.memory_space<hbm>>) target(%arg7 : memref<61x80xi32, #tpu.memory_space<vmem>>) target_semaphore(%run_scoped3A : memref<!tpu.dma_semaphore, #tpu.memory_space<semaphore_mem>>)
      %dma_wait3A_72 = arith.constant 0 : i32
      %dma_wait3A_73 = arith.constant 0 : i32
      %dma_wait3A_74 = tpu.memref_slice %arg4[%add3A, %dma_wait3A_72, %dma_wait3A_73] : memref<32x61x80xi32, #tpu.memory_space<hbm>> -> memref<1x61x80xi32, #tpu.memory_space<hbm>>
      %dma_wait3A_75 = tpu.memref_squeeze %dma_wait3A_74 : memref<1x61x80xi32, #tpu.memory_space<hbm>> -> memref<61x80xi32, #tpu.memory_space<hbm>>
      %dma_wait3A_76 = arith.constant 0 : i32
      %dma_wait3A_77 = arith.constant 0 : i32
      %dma_wait3A_78 = tpu.memref_slice %arg4[%add3A, %dma_wait3A_76, %dma_wait3A_77] : memref<32x61x80xi32, #tpu.memory_space<hbm>> -> memref<1x61x80xi32, #tpu.memory_space<hbm>>
      %dma_wait3A_79 = tpu.memref_squeeze %dma_wait3A_78 : memref<1x61x80xi32, #tpu.memory_space<hbm>> -> memref<61x80xi32, #tpu.memory_space<hbm>>
      tpu.wait_dma2 semaphore(%run_scoped3A : memref<!tpu.dma_semaphore, #tpu.memory_space<semaphore_mem>>) src(%dma_wait3A_79 : memref<61x80xi32, #tpu.memory_space<hbm>>) dst(%arg7 : memref<61x80xi32, #tpu.memory_space<vmem>>)
      tpu.yield
    }) : () -> ()
    %dma_start3A = arith.constant 0 : i32
    %dma_start3A_3 = arith.constant 0 : i32
    %dma_start3A_4 = tpu.memref_slice %arg6[%dma_start3A, %dma_start3A_3] : memref<61x80xi32, #tpu.memory_space<vmem>> -> memref<1x80xi32, #tpu.memory_space<vmem>>
    %dma_start3A_5 = tpu.memref_squeeze %dma_start3A_4 : memref<1x80xi32, #tpu.memory_space<vmem>> -> memref<80xi32, #tpu.memory_space<vmem>>
    %dma_start3A_6 = arith.constant 0 : i32
    %dma_start3A_7 = arith.constant 0 : i32
    %dma_start3A_8 = tpu.memref_slice %arg2[%dma_start3A_6, %dma_start3A_7] : memref<10000x128xf32, #tpu.memory_space<hbm>> -> memref<10000x128xf32, #tpu.memory_space<hbm>>
    tpu.enqueue_indirect_dma source(%dma_start3A_8 : memref<10000x128xf32, #tpu.memory_space<hbm>>) target(%arg8 : memref<80x128xf32, #tpu.memory_space<vmem>>) offsets(%dma_start3A_5 : memref<80xi32, #tpu.memory_space<vmem>>) semaphore(%arg11 : memref<!tpu.dma_semaphore, #tpu.memory_space<semaphore_mem>>)
    %dma_start3A_9 = arith.constant 0 : i32
    %dma_start3A_10 = arith.constant 0 : i32
    %dma_start3A_11 = tpu.memref_slice %arg7[%dma_start3A_9, %dma_start3A_10] : memref<61x80xi32, #tpu.memory_space<vmem>> -> memref<1x80xi32, #tpu.memory_space<vmem>>
    %dma_start3A_12 = tpu.memref_squeeze %dma_start3A_11 : memref<1x80xi32, #tpu.memory_space<vmem>> -> memref<80xi32, #tpu.memory_space<vmem>>
    %dma_start3A_13 = arith.constant 0 : i32
    %dma_start3A_14 = arith.constant 0 : i32
    %dma_start3A_15 = tpu.memref_slice %arg2[%dma_start3A_13, %dma_start3A_14] : memref<10000x128xf32, #tpu.memory_space<hbm>> -> memref<10000x128xf32, #tpu.memory_space<hbm>>
    tpu.enqueue_indirect_dma source(%dma_start3A_15 : memref<10000x128xf32, #tpu.memory_space<hbm>>) target(%arg9 : memref<80x128xf32, #tpu.memory_space<vmem>>) offsets(%dma_start3A_12 : memref<80xi32, #tpu.memory_space<vmem>>) semaphore(%arg12 : memref<!tpu.dma_semaphore, #tpu.memory_space<semaphore_mem>>)
    %scan3A = arith.constant 0 : i32
    %scan3A_16 = arith.constant 0 : i32
    %scan3A_17 = arith.constant 30 : i32
    %scan3A_18 = arith.addi %scan3A_16, %scan3A_17 : i32
    %scan3A_19 = arith.constant 1 : i32
    scf.for %scan3A_64 = %scan3A_16 to %scan3A_18 step %scan3A_19  : i32 {
      %mul3A_65 = arith.constant 2 : i32
      %mul3A_66 = arith.muli %mul3A_65, %scan3A_64 : i32
      %dma_wait3A_67 = arith.constant 0 : i32
      %dma_wait3A_68 = arith.constant 0 : i32
      %dma_wait3A_69 = tpu.memref_slice %arg6[%dma_wait3A_67, %dma_wait3A_68] : memref<61x80xi32, #tpu.memory_space<vmem>> -> memref<1x80xi32, #tpu.memory_space<vmem>>
      %dma_wait3A_70 = tpu.memref_squeeze %dma_wait3A_69 : memref<1x80xi32, #tpu.memory_space<vmem>> -> memref<80xi32, #tpu.memory_space<vmem>>
      %dma_wait3A_71 = arith.constant 0 : i32
      %dma_wait3A_72 = arith.constant 0 : i32
      %dma_wait3A_73 = tpu.memref_slice %arg2[%dma_wait3A_71, %dma_wait3A_72] : memref<10000x128xf32, #tpu.memory_space<hbm>> -> memref<10000x128xf32, #tpu.memory_space<hbm>>
      tpu.wait_indirect_dma semaphore(%arg11 : memref<!tpu.dma_semaphore, #tpu.memory_space<semaphore_mem>>) src(%dma_wait3A_73 : memref<10000x128xf32, #tpu.memory_space<hbm>>) dst(%arg8 : memref<80x128xf32, #tpu.memory_space<vmem>>)
      %dma_wait3A_74 = arith.constant 0 : i32
      %dma_wait3A_75 = arith.constant 0 : i32
      %dma_wait3A_76 = tpu.memref_slice %arg7[%dma_wait3A_74, %dma_wait3A_75] : memref<61x80xi32, #tpu.memory_space<vmem>> -> memref<1x80xi32, #tpu.memory_space<vmem>>
      %dma_wait3A_77 = tpu.memref_squeeze %dma_wait3A_76 : memref<1x80xi32, #tpu.memory_space<vmem>> -> memref<80xi32, #tpu.memory_space<vmem>>
      %dma_wait3A_78 = arith.constant 0 : i32
      %dma_wait3A_79 = arith.constant 0 : i32
      %dma_wait3A_80 = tpu.memref_slice %arg2[%dma_wait3A_78, %dma_wait3A_79] : memref<10000x128xf32, #tpu.memory_space<hbm>> -> memref<10000x128xf32, #tpu.memory_space<hbm>>
      tpu.wait_indirect_dma semaphore(%arg12 : memref<!tpu.dma_semaphore, #tpu.memory_space<semaphore_mem>>) src(%dma_wait3A_80 : memref<10000x128xf32, #tpu.memory_space<hbm>>) dst(%arg9 : memref<80x128xf32, #tpu.memory_space<vmem>>)
      %add3A_81 = arith.constant 1 : i32
      %add3A_82 = arith.addi %mul3A_66, %add3A_81 : i32
      %dma_start3A_83 = arith.constant 0 : i32
      %dma_start3A_84 = tpu.memref_slice %arg6[%add3A_82, %dma_start3A_83] : memref<61x80xi32, #tpu.memory_space<vmem>> -> memref<1x80xi32, #tpu.memory_space<vmem>>
      %dma_start3A_85 = tpu.memref_squeeze %dma_start3A_84 : memref<1x80xi32, #tpu.memory_space<vmem>> -> memref<80xi32, #tpu.memory_space<vmem>>
      %dma_start3A_86 = arith.constant 0 : i32
      %dma_start3A_87 = arith.constant 0 : i32
      %dma_start3A_88 = tpu.memref_slice %arg2[%dma_start3A_86, %dma_start3A_87] : memref<10000x128xf32, #tpu.memory_space<hbm>> -> memref<10000x128xf32, #tpu.memory_space<hbm>>
      tpu.enqueue_indirect_dma source(%dma_start3A_88 : memref<10000x128xf32, #tpu.memory_space<hbm>>) target(%arg14 : memref<80x128xf32, #tpu.memory_space<vmem>>) offsets(%dma_start3A_85 : memref<80xi32, #tpu.memory_space<vmem>>) semaphore(%arg17 : memref<!tpu.dma_semaphore, #tpu.memory_space<semaphore_mem>>)
      %dma_start3A_89 = arith.constant 0 : i32
      %dma_start3A_90 = tpu.memref_slice %arg7[%add3A_82, %dma_start3A_89] : memref<61x80xi32, #tpu.memory_space<vmem>> -> memref<1x80xi32, #tpu.memory_space<vmem>>
      %dma_start3A_91 = tpu.memref_squeeze %dma_start3A_90 : memref<1x80xi32, #tpu.memory_space<vmem>> -> memref<80xi32, #tpu.memory_space<vmem>>
      %dma_start3A_92 = arith.constant 0 : i32
      %dma_start3A_93 = arith.constant 0 : i32
      %dma_start3A_94 = tpu.memref_slice %arg2[%dma_start3A_92, %dma_start3A_93] : memref<10000x128xf32, #tpu.memory_space<hbm>> -> memref<10000x128xf32, #tpu.memory_space<hbm>>
      tpu.enqueue_indirect_dma source(%dma_start3A_94 : memref<10000x128xf32, #tpu.memory_space<hbm>>) target(%arg15 : memref<80x128xf32, #tpu.memory_space<vmem>>) offsets(%dma_start3A_91 : memref<80xi32, #tpu.memory_space<vmem>>) semaphore(%arg18 : memref<!tpu.dma_semaphore, #tpu.memory_space<semaphore_mem>>)
      %ge3A = arith.constant 2 : i32
      %ge3A_95 = arith.cmpi sge, %mul3A_66, %ge3A : i32
      %convert_element_type3A = arith.extui %ge3A_95 : i1 to i32
      %cond3A = arith.constant 0 : i32
      %cond3A_96 = arith.cmpi ne, %convert_element_type3A, %cond3A : i32
      scf.if %cond3A_96 {
        %dma_wait3A_150 = arith.constant 0 : i32
        %dma_wait3A_151 = arith.constant 0 : i32
        %dma_wait3A_152 = tpu.memref_slice %arg5[%dma_wait3A_150, %dma_wait3A_151] : memref<156160x128xf32, #tpu.memory_space<hbm>> -> memref<80x128xf32, #tpu.memory_space<hbm>>
        %dma_wait3A_153 = arith.constant 0 : i32
        %dma_wait3A_154 = arith.constant 0 : i32
        %dma_wait3A_155 = tpu.memref_slice %arg5[%dma_wait3A_153, %dma_wait3A_154] : memref<156160x128xf32, #tpu.memory_space<hbm>> -> memref<80x128xf32, #tpu.memory_space<hbm>>
        tpu.wait_dma2 semaphore(%arg13 : memref<!tpu.dma_semaphore, #tpu.memory_space<semaphore_mem>>) src(%arg10 : memref<80x128xf32, #tpu.memory_space<vmem>>) dst(%dma_wait3A_155 : memref<80x128xf32, #tpu.memory_space<hbm>>)
      } else {
      }
      %scan3A_97 = arith.constant 0 : i32
      %scan3A_98 = arith.constant 0 : i32
      %scan3A_99 = arith.constant 80 : i32
      %scan3A_100 = arith.addi %scan3A_98, %scan3A_99 : i32
      %scan3A_101 = arith.constant 1 : i32
      scf.for %scan3A_150 = %scan3A_98 to %scan3A_100 step %scan3A_101  : i32 {
        %get3A = arith.index_cast %scan3A_150 : i32 to index
        %get3A_151 = arith.constant 0 : index
        %get3A_152 = tpu.vector_load %arg8[%get3A, %get3A_151] {strides = array<i32>} : memref<80x128xf32, #tpu.memory_space<vmem>>, vector<1x16xf32>,
        %get3A_153 = vector.shape_cast %get3A_152 : vector<1x16xf32> to vector<16xf32>
        %get3A_154 = arith.index_cast %scan3A_150 : i32 to index
        %get3A_155 = arith.constant 64 : index
        %get3A_156 = tpu.vector_load %arg9[%get3A_154, %get3A_155] {strides = array<i32>} : memref<80x128xf32, #tpu.memory_space<vmem>>, vector<1x16xf32>,
        %get3A_157 = vector.shape_cast %get3A_156 : vector<1x16xf32> to vector<16xf32>
        %add3A_158 = arith.addf %get3A_153, %get3A_157 : vector<16xf32>
        %max3A = arith.constant 0.000000e+00 : f32
        %max3A_159 = vector.broadcast %max3A : f32 to vector<16xf32>
        %max3A_160 = arith.maximumf %add3A_158, %max3A_159 : vector<16xf32>
        %swap3A = arith.index_cast %scan3A_150 : i32 to index
        %swap3A_161 = arith.constant 0 : index
        %swap3A_162 = tpu.vector_load %arg10[%swap3A, %swap3A_161] {strides = array<i32>} : memref<80x128xf32, #tpu.memory_space<vmem>>, vector<1x16xf32>,
        %swap3A_163 = vector.shape_cast %swap3A_162 : vector<1x16xf32> to vector<16xf32>
        %swap3A_164 = vector.shape_cast %max3A_160 : vector<16xf32> to vector<1x16xf32>
        tpu.vector_store %arg10[%swap3A, %swap3A_161], %swap3A_164 {strides = array<i32>} : memref<80x128xf32, #tpu.memory_space<vmem>>, vector<1x16xf32>,
        %get3A_165 = arith.index_cast %scan3A_150 : i32 to index
        %get3A_166 = arith.constant 64 : index
        %get3A_167 = tpu.vector_load %arg8[%get3A_165, %get3A_166] {strides = array<i32>} : memref<80x128xf32, #tpu.memory_space<vmem>>, vector<1x16xf32>,
        %get3A_168 = vector.shape_cast %get3A_167 : vector<1x16xf32> to vector<16xf32>
        %get3A_169 = arith.index_cast %scan3A_150 : i32 to index
        %get3A_170 = arith.constant 0 : index
        %get3A_171 = tpu.vector_load %arg9[%get3A_169, %get3A_170] {strides = array<i32>} : memref<80x128xf32, #tpu.memory_space<vmem>>, vector<1x16xf32>,
        %get3A_172 = vector.shape_cast %get3A_171 : vector<1x16xf32> to vector<16xf32>
        %add3A_173 = arith.addf %get3A_168, %get3A_172 : vector<16xf32>
        %max3A_174 = arith.constant 0.000000e+00 : f32
        %max3A_175 = vector.broadcast %max3A_174 : f32 to vector<16xf32>
        %max3A_176 = arith.maximumf %add3A_173, %max3A_175 : vector<16xf32>
        %swap3A_177 = arith.index_cast %scan3A_150 : i32 to index
        %swap3A_178 = arith.constant 64 : index
        %swap3A_179 = tpu.vector_load %arg10[%swap3A_177, %swap3A_178] {strides = array<i32>} : memref<80x128xf32, #tpu.memory_space<vmem>>, vector<1x16xf32>,
        %swap3A_180 = vector.shape_cast %swap3A_179 : vector<1x16xf32> to vector<16xf32>
        %swap3A_181 = vector.shape_cast %max3A_176 : vector<16xf32> to vector<1x16xf32>
        tpu.vector_store %arg10[%swap3A_177, %swap3A_178], %swap3A_181 {strides = array<i32>} : memref<80x128xf32, #tpu.memory_space<vmem>>, vector<1x16xf32>,
        %get3A_182 = arith.index_cast %scan3A_150 : i32 to index
        %get3A_183 = arith.constant 16 : index
        %get3A_184 = tpu.vector_load %arg8[%get3A_182, %get3A_183] {strides = array<i32>} : memref<80x128xf32, #tpu.memory_space<vmem>>, vector<1x16xf32>,
        %get3A_185 = vector.shape_cast %get3A_184 : vector<1x16xf32> to vector<16xf32>
        %get3A_186 = arith.index_cast %scan3A_150 : i32 to index
        %get3A_187 = arith.constant 80 : index
        %get3A_188 = tpu.vector_load %arg9[%get3A_186, %get3A_187] {strides = array<i32>} : memref<80x128xf32, #tpu.memory_space<vmem>>, vector<1x16xf32>,
        %get3A_189 = vector.shape_cast %get3A_188 : vector<1x16xf32> to vector<16xf32>
        %add3A_190 = arith.addf %get3A_185, %get3A_189 : vector<16xf32>
        %max3A_191 = arith.constant 0.000000e+00 : f32
        %max3A_192 = vector.broadcast %max3A_191 : f32 to vector<16xf32>
        %max3A_193 = arith.maximumf %add3A_190, %max3A_192 : vector<16xf32>
        %swap3A_194 = arith.index_cast %scan3A_150 : i32 to index
        %swap3A_195 = arith.constant 16 : index
        %swap3A_196 = tpu.vector_load %arg10[%swap3A_194, %swap3A_195] {strides = array<i32>} : memref<80x128xf32, #tpu.memory_space<vmem>>, vector<1x16xf32>,
        %swap3A_197 = vector.shape_cast %swap3A_196 : vector<1x16xf32> to vector<16xf32>
        %swap3A_198 = vector.shape_cast %max3A_193 : vector<16xf32> to vector<1x16xf32>
        tpu.vector_store %arg10[%swap3A_194, %swap3A_195], %swap3A_198 {strides = array<i32>} : memref<80x128xf32, #tpu.memory_space<vmem>>, vector<1x16xf32>,
        %get3A_199 = arith.index_cast %scan3A_150 : i32 to index
        %get3A_200 = arith.constant 80 : index
        %get3A_201 = tpu.vector_load %arg8[%get3A_199, %get3A_200] {strides = array<i32>} : memref<80x128xf32, #tpu.memory_space<vmem>>, vector<1x16xf32>,
        %get3A_202 = vector.shape_cast %get3A_201 : vector<1x16xf32> to vector<16xf32>
        %get3A_203 = arith.index_cast %scan3A_150 : i32 to index
        %get3A_204 = arith.constant 16 : index
        %get3A_205 = tpu.vector_load %arg9[%get3A_203, %get3A_204] {strides = array<i32>} : memref<80x128xf32, #tpu.memory_space<vmem>>, vector<1x16xf32>,
        %get3A_206 = vector.shape_cast %get3A_205 : vector<1x16xf32> to vector<16xf32>
        %add3A_207 = arith.addf %get3A_202, %get3A_206 : vector<16xf32>
        %max3A_208 = arith.constant 0.000000e+00 : f32
        %max3A_209 = vector.broadcast %max3A_208 : f32 to vector<16xf32>
        %max3A_210 = arith.maximumf %add3A_207, %max3A_209 : vector<16xf32>
        %swap3A_211 = arith.index_cast %scan3A_150 : i32 to index
        %swap3A_212 = arith.constant 80 : index
        %swap3A_213 = tpu.vector_load %arg10[%swap3A_211, %swap3A_212] {strides = array<i32>} : memref<80x128xf32, #tpu.memory_space<vmem>>, vector<1x16xf32>,
        %swap3A_214 = vector.shape_cast %swap3A_213 : vector<1x16xf32> to vector<16xf32>
        %swap3A_215 = vector.shape_cast %max3A_210 : vector<16xf32> to vector<1x16xf32>
        tpu.vector_store %arg10[%swap3A_211, %swap3A_212], %swap3A_215 {strides = array<i32>} : memref<80x128xf32, #tpu.memory_space<vmem>>, vector<1x16xf32>,
        %get3A_216 = arith.index_cast %scan3A_150 : i32 to index
        %get3A_217 = arith.constant 32 : index
        %get3A_218 = tpu.vector_load %arg8[%get3A_216, %get3A_217] {strides = array<i32>} : memref<80x128xf32, #tpu.memory_space<vmem>>, vector<1x16xf32>,
        %get3A_219 = vector.shape_cast %get3A_218 : vector<1x16xf32> to vector<16xf32>
        %get3A_220 = arith.index_cast %scan3A_150 : i32 to index
        %get3A_221 = arith.constant 96 : index
        %get3A_222 = tpu.vector_load %arg9[%get3A_220, %get3A_221] {strides = array<i32>} : memref<80x128xf32, #tpu.memory_space<vmem>>, vector<1x16xf32>,
        %get3A_223 = vector.shape_cast %get3A_222 : vector<1x16xf32> to vector<16xf32>
        %add3A_224 = arith.addf %get3A_219, %get3A_223 : vector<16xf32>
        %max3A_225 = arith.constant 0.000000e+00 : f32
        %max3A_226 = vector.broadcast %max3A_225 : f32 to vector<16xf32>
        %max3A_227 = arith.maximumf %add3A_224, %max3A_226 : vector<16xf32>
        %swap3A_228 = arith.index_cast %scan3A_150 : i32 to index
        %swap3A_229 = arith.constant 32 : index
        %swap3A_230 = tpu.vector_load %arg10[%swap3A_228, %swap3A_229] {strides = array<i32>} : memref<80x128xf32, #tpu.memory_space<vmem>>, vector<1x16xf32>,
        %swap3A_231 = vector.shape_cast %swap3A_230 : vector<1x16xf32> to vector<16xf32>
        %swap3A_232 = vector.shape_cast %max3A_227 : vector<16xf32> to vector<1x16xf32>
        tpu.vector_store %arg10[%swap3A_228, %swap3A_229], %swap3A_232 {strides = array<i32>} : memref<80x128xf32, #tpu.memory_space<vmem>>, vector<1x16xf32>,
        %get3A_233 = arith.index_cast %scan3A_150 : i32 to index
        %get3A_234 = arith.constant 96 : index
        %get3A_235 = tpu.vector_load %arg8[%get3A_233, %get3A_234] {strides = array<i32>} : memref<80x128xf32, #tpu.memory_space<vmem>>, vector<1x16xf32>,
        %get3A_236 = vector.shape_cast %get3A_235 : vector<1x16xf32> to vector<16xf32>
        %get3A_237 = arith.index_cast %scan3A_150 : i32 to index
        %get3A_238 = arith.constant 32 : index
        %get3A_239 = tpu.vector_load %arg9[%get3A_237, %get3A_238] {strides = array<i32>} : memref<80x128xf32, #tpu.memory_space<vmem>>, vector<1x16xf32>,
        %get3A_240 = vector.shape_cast %get3A_239 : vector<1x16xf32> to vector<16xf32>
        %add3A_241 = arith.addf %get3A_236, %get3A_240 : vector<16xf32>
        %max3A_242 = arith.constant 0.000000e+00 : f32
        %max3A_243 = vector.broadcast %max3A_242 : f32 to vector<16xf32>
        %max3A_244 = arith.maximumf %add3A_241, %max3A_243 : vector<16xf32>
        %swap3A_245 = arith.index_cast %scan3A_150 : i32 to index
        %swap3A_246 = arith.constant 96 : index
        %swap3A_247 = tpu.vector_load %arg10[%swap3A_245, %swap3A_246] {strides = array<i32>} : memref<80x128xf32, #tpu.memory_space<vmem>>, vector<1x16xf32>,
        %swap3A_248 = vector.shape_cast %swap3A_247 : vector<1x16xf32> to vector<16xf32>
        %swap3A_249 = vector.shape_cast %max3A_244 : vector<16xf32> to vector<1x16xf32>
        tpu.vector_store %arg10[%swap3A_245, %swap3A_246], %swap3A_249 {strides = array<i32>} : memref<80x128xf32, #tpu.memory_space<vmem>>, vector<1x16xf32>,
        %get3A_250 = arith.index_cast %scan3A_150 : i32 to index
        %get3A_251 = arith.constant 48 : index
        %get3A_252 = tpu.vector_load %arg8[%get3A_250, %get3A_251] {strides = array<i32>} : memref<80x128xf32, #tpu.memory_space<vmem>>, vector<1x16xf32>,
        %get3A_253 = vector.shape_cast %get3A_252 : vector<1x16xf32> to vector<16xf32>
        %get3A_254 = arith.index_cast %scan3A_150 : i32 to index
        %get3A_255 = arith.constant 112 : index
        %get3A_256 = tpu.vector_load %arg9[%get3A_254, %get3A_255] {strides = array<i32>} : memref<80x128xf32, #tpu.memory_space<vmem>>, vector<1x16xf32>,
        %get3A_257 = vector.shape_cast %get3A_256 : vector<1x16xf32> to vector<16xf32>
        %add3A_258 = arith.addf %get3A_253, %get3A_257 : vector<16xf32>
        %max3A_259 = arith.constant 0.000000e+00 : f32
        %max3A_260 = vector.broadcast %max3A_259 : f32 to vector<16xf32>
        %max3A_261 = arith.maximumf %add3A_258, %max3A_260 : vector<16xf32>
        %swap3A_262 = arith.index_cast %scan3A_150 : i32 to index
        %swap3A_263 = arith.constant 48 : index
        %swap3A_264 = tpu.vector_load %arg10[%swap3A_262, %swap3A_263] {strides = array<i32>} : memref<80x128xf32, #tpu.memory_space<vmem>>, vector<1x16xf32>,
        %swap3A_265 = vector.shape_cast %swap3A_264 : vector<1x16xf32> to vector<16xf32>
        %swap3A_266 = vector.shape_cast %max3A_261 : vector<16xf32> to vector<1x16xf32>
        tpu.vector_store %arg10[%swap3A_262, %swap3A_263], %swap3A_266 {strides = array<i32>} : memref<80x128xf32, #tpu.memory_space<vmem>>, vector<1x16xf32>,
        %get3A_267 = arith.index_cast %scan3A_150 : i32 to index
        %get3A_268 = arith.constant 112 : index
        %get3A_269 = tpu.vector_load %arg8[%get3A_267, %get3A_268] {strides = array<i32>} : memref<80x128xf32, #tpu.memory_space<vmem>>, vector<1x16xf32>,
        %get3A_270 = vector.shape_cast %get3A_269 : vector<1x16xf32> to vector<16xf32>
        %get3A_271 = arith.index_cast %scan3A_150 : i32 to index
        %get3A_272 = arith.constant 48 : index
        %get3A_273 = tpu.vector_load %arg9[%get3A_271, %get3A_272] {strides = array<i32>} : memref<80x128xf32, #tpu.memory_space<vmem>>, vector<1x16xf32>,
        %get3A_274 = vector.shape_cast %get3A_273 : vector<1x16xf32> to vector<16xf32>
        %add3A_275 = arith.addf %get3A_270, %get3A_274 : vector<16xf32>
        %max3A_276 = arith.constant 0.000000e+00 : f32
        %max3A_277 = vector.broadcast %max3A_276 : f32 to vector<16xf32>
        %max3A_278 = arith.maximumf %add3A_275, %max3A_277 : vector<16xf32>
        %swap3A_279 = arith.index_cast %scan3A_150 : i32 to index
        %swap3A_280 = arith.constant 112 : index
        %swap3A_281 = tpu.vector_load %arg10[%swap3A_279, %swap3A_280] {strides = array<i32>} : memref<80x128xf32, #tpu.memory_space<vmem>>, vector<1x16xf32>,
        %swap3A_282 = vector.shape_cast %swap3A_281 : vector<1x16xf32> to vector<16xf32>
        %swap3A_283 = vector.shape_cast %max3A_278 : vector<16xf32> to vector<1x16xf32>
        tpu.vector_store %arg10[%swap3A_279, %swap3A_280], %swap3A_283 {strides = array<i32>} : memref<80x128xf32, #tpu.memory_space<vmem>>, vector<1x16xf32>,
      }
      %scan3A_102 = arith.constant 80 : i32
      %mul3A_103 = arith.constant 80 : i32
      %mul3A_104 = arith.muli %mul3A_66, %mul3A_103 : i32
      %add3A_105 = arith.addi %mul3A_2, %mul3A_104 : i32
      %dma_start3A_106 = arith.constant 0 : i32
      %dma_start3A_107 = tpu.memref_slice %arg5[%add3A_105, %dma_start3A_106] : memref<156160x128xf32, #tpu.memory_space<hbm>> -> memref<80x128xf32, #tpu.memory_space<hbm>>
      %dma_start3A_108 = arith.constant 0 : i32
      %dma_start3A_109 = tpu.memref_slice %arg5[%add3A_105, %dma_start3A_108] : memref<156160x128xf32, #tpu.memory_space<hbm>> -> memref<80x128xf32, #tpu.memory_space<hbm>>
      tpu.enqueue_dma source(%arg10 : memref<80x128xf32, #tpu.memory_space<vmem>>) target(%dma_start3A_109 : memref<80x128xf32, #tpu.memory_space<hbm>>) target_semaphore(%arg13 : memref<!tpu.dma_semaphore, #tpu.memory_space<semaphore_mem>>)
      %dma_wait3A_110 = arith.constant 0 : i32
      %dma_wait3A_111 = arith.constant 0 : i32
      %dma_wait3A_112 = tpu.memref_slice %arg6[%dma_wait3A_110, %dma_wait3A_111] : memref<61x80xi32, #tpu.memory_space<vmem>> -> memref<1x80xi32, #tpu.memory_space<vmem>>
      %dma_wait3A_113 = tpu.memref_squeeze %dma_wait3A_112 : memref<1x80xi32, #tpu.memory_space<vmem>> -> memref<80xi32, #tpu.memory_space<vmem>>
      %dma_wait3A_114 = arith.constant 0 : i32
      %dma_wait3A_115 = arith.constant 0 : i32
      %dma_wait3A_116 = tpu.memref_slice %arg2[%dma_wait3A_114, %dma_wait3A_115] : memref<10000x128xf32, #tpu.memory_space<hbm>> -> memref<10000x128xf32, #tpu.memory_space<hbm>>
      tpu.wait_indirect_dma semaphore(%arg17 : memref<!tpu.dma_semaphore, #tpu.memory_space<semaphore_mem>>) src(%dma_wait3A_116 : memref<10000x128xf32, #tpu.memory_space<hbm>>) dst(%arg14 : memref<80x128xf32, #tpu.memory_space<vmem>>)
      %dma_wait3A_117 = arith.constant 0 : i32
      %dma_wait3A_118 = arith.constant 0 : i32
      %dma_wait3A_119 = tpu.memref_slice %arg7[%dma_wait3A_117, %dma_wait3A_118] : memref<61x80xi32, #tpu.memory_space<vmem>> -> memref<1x80xi32, #tpu.memory_space<vmem>>
      %dma_wait3A_120 = tpu.memref_squeeze %dma_wait3A_119 : memref<1x80xi32, #tpu.memory_space<vmem>> -> memref<80xi32, #tpu.memory_space<vmem>>
      %dma_wait3A_121 = arith.constant 0 : i32
      %dma_wait3A_122 = arith.constant 0 : i32
      %dma_wait3A_123 = tpu.memref_slice %arg2[%dma_wait3A_121, %dma_wait3A_122] : memref<10000x128xf32, #tpu.memory_space<hbm>> -> memref<10000x128xf32, #tpu.memory_space<hbm>>
      tpu.wait_indirect_dma semaphore(%arg18 : memref<!tpu.dma_semaphore, #tpu.memory_space<semaphore_mem>>) src(%dma_wait3A_123 : memref<10000x128xf32, #tpu.memory_space<hbm>>) dst(%arg15 : memref<80x128xf32, #tpu.memory_space<vmem>>)
      %add3A_124 = arith.constant 2 : i32
      %add3A_125 = arith.addi %mul3A_66, %add3A_124 : i32
      %lt3A = arith.constant 61 : i32
      %lt3A_126 = arith.cmpi slt, %add3A_125, %lt3A : i32
      %convert_element_type3A_127 = arith.extui %lt3A_126 : i1 to i32
      %cond3A_128 = arith.constant 0 : i32
      %cond3A_129 = arith.cmpi ne, %convert_element_type3A_127, %cond3A_128 : i32
      scf.if %cond3A_129 {
        %add3A_150 = arith.constant 2 : i32
        %add3A_151 = arith.addi %mul3A_66, %add3A_150 : i32
        %dma_start3A_152 = arith.constant 0 : i32
        %dma_start3A_153 = tpu.memref_slice %arg6[%add3A_151, %dma_start3A_152] : memref<61x80xi32, #tpu.memory_space<vmem>> -> memref<1x80xi32, #tpu.memory_space<vmem>>
        %dma_start3A_154 = tpu.memref_squeeze %dma_start3A_153 : memref<1x80xi32, #tpu.memory_space<vmem>> -> memref<80xi32, #tpu.memory_space<vmem>>
        %dma_start3A_155 = arith.constant 0 : i32
        %dma_start3A_156 = arith.constant 0 : i32
        %dma_start3A_157 = tpu.memref_slice %arg2[%dma_start3A_155, %dma_start3A_156] : memref<10000x128xf32, #tpu.memory_space<hbm>> -> memref<10000x128xf32, #tpu.memory_space<hbm>>
        tpu.enqueue_indirect_dma source(%dma_start3A_157 : memref<10000x128xf32, #tpu.memory_space<hbm>>) target(%arg8 : memref<80x128xf32, #tpu.memory_space<vmem>>) offsets(%dma_start3A_154 : memref<80xi32, #tpu.memory_space<vmem>>) semaphore(%arg11 : memref<!tpu.dma_semaphore, #tpu.memory_space<semaphore_mem>>)
        %dma_start3A_158 = arith.constant 0 : i32
        %dma_start3A_159 = tpu.memref_slice %arg7[%add3A_151, %dma_start3A_158] : memref<61x80xi32, #tpu.memory_space<vmem>> -> memref<1x80xi32, #tpu.memory_space<vmem>>
        %dma_start3A_160 = tpu.memref_squeeze %dma_start3A_159 : memref<1x80xi32, #tpu.memory_space<vmem>> -> memref<80xi32, #tpu.memory_space<vmem>>
        %dma_start3A_161 = arith.constant 0 : i32
        %dma_start3A_162 = arith.constant 0 : i32
        %dma_start3A_163 = tpu.memref_slice %arg2[%dma_start3A_161, %dma_start3A_162] : memref<10000x128xf32, #tpu.memory_space<hbm>> -> memref<10000x128xf32, #tpu.memory_space<hbm>>
        tpu.enqueue_indirect_dma source(%dma_start3A_163 : memref<10000x128xf32, #tpu.memory_space<hbm>>) target(%arg9 : memref<80x128xf32, #tpu.memory_space<vmem>>) offsets(%dma_start3A_160 : memref<80xi32, #tpu.memory_space<vmem>>) semaphore(%arg12 : memref<!tpu.dma_semaphore, #tpu.memory_space<semaphore_mem>>)
      } else {
      }
      %add3A_130 = arith.constant 1 : i32
      %add3A_131 = arith.addi %mul3A_66, %add3A_130 : i32
      %ge3A_132 = arith.constant 2 : i32
      %ge3A_133 = arith.cmpi sge, %add3A_131, %ge3A_132 : i32
      %convert_element_type3A_134 = arith.extui %ge3A_133 : i1 to i32
      %cond3A_135 = arith.constant 0 : i32
      %cond3A_136 = arith.cmpi ne, %convert_element_type3A_134, %cond3A_135 : i32
      scf.if %cond3A_136 {
        %dma_wait3A_150 = arith.constant 0 : i32
        %dma_wait3A_151 = arith.constant 0 : i32
        %dma_wait3A_152 = tpu.memref_slice %arg5[%dma_wait3A_150, %dma_wait3A_151] : memref<156160x128xf32, #tpu.memory_space<hbm>> -> memref<80x128xf32, #tpu.memory_space<hbm>>
        %dma_wait3A_153 = arith.constant 0 : i32
        %dma_wait3A_154 = arith.constant 0 : i32
        %dma_wait3A_155 = tpu.memref_slice %arg5[%dma_wait3A_153, %dma_wait3A_154] : memref<156160x128xf32, #tpu.memory_space<hbm>> -> memref<80x128xf32, #tpu.memory_space<hbm>>
        tpu.wait_dma2 semaphore(%arg19 : memref<!tpu.dma_semaphore, #tpu.memory_space<semaphore_mem>>) src(%arg16 : memref<80x128xf32, #tpu.memory_space<vmem>>) dst(%dma_wait3A_155 : memref<80x128xf32, #tpu.memory_space<hbm>>)
      } else {
      }
      %scan3A_137 = arith.constant 0 : i32
      %scan3A_138 = arith.constant 0 : i32
      %scan3A_139 = arith.constant 80 : i32
      %scan3A_140 = arith.addi %scan3A_138, %scan3A_139 : i32
      %scan3A_141 = arith.constant 1 : i32
      scf.for %scan3A_150 = %scan3A_138 to %scan3A_140 step %scan3A_141  : i32 {
        %get3A = arith.index_cast %scan3A_150 : i32 to index
        %get3A_151 = arith.constant 0 : index
        %get3A_152 = tpu.vector_load %arg14[%get3A, %get3A_151] {strides = array<i32>} : memref<80x128xf32, #tpu.memory_space<vmem>>, vector<1x16xf32>,
        %get3A_153 = vector.shape_cast %get3A_152 : vector<1x16xf32> to vector<16xf32>
        %get3A_154 = arith.index_cast %scan3A_150 : i32 to index
        %get3A_155 = arith.constant 64 : index
        %get3A_156 = tpu.vector_load %arg15[%get3A_154, %get3A_155] {strides = array<i32>} : memref<80x128xf32, #tpu.memory_space<vmem>>, vector<1x16xf32>,
        %get3A_157 = vector.shape_cast %get3A_156 : vector<1x16xf32> to vector<16xf32>
        %add3A_158 = arith.addf %get3A_153, %get3A_157 : vector<16xf32>
        %max3A = arith.constant 0.000000e+00 : f32
        %max3A_159 = vector.broadcast %max3A : f32 to vector<16xf32>
        %max3A_160 = arith.maximumf %add3A_158, %max3A_159 : vector<16xf32>
        %swap3A = arith.index_cast %scan3A_150 : i32 to index
        %swap3A_161 = arith.constant 0 : index
        %swap3A_162 = tpu.vector_load %arg16[%swap3A, %swap3A_161] {strides = array<i32>} : memref<80x128xf32, #tpu.memory_space<vmem>>, vector<1x16xf32>,
        %swap3A_163 = vector.shape_cast %swap3A_162 : vector<1x16xf32> to vector<16xf32>
        %swap3A_164 = vector.shape_cast %max3A_160 : vector<16xf32> to vector<1x16xf32>
        tpu.vector_store %arg16[%swap3A, %swap3A_161], %swap3A_164 {strides = array<i32>} : memref<80x128xf32, #tpu.memory_space<vmem>>, vector<1x16xf32>,
        %get3A_165 = arith.index_cast %scan3A_150 : i32 to index
        %get3A_166 = arith.constant 64 : index
        %get3A_167 = tpu.vector_load %arg14[%get3A_165, %get3A_166] {strides = array<i32>} : memref<80x128xf32, #tpu.memory_space<vmem>>, vector<1x16xf32>,
        %get3A_168 = vector.shape_cast %get3A_167 : vector<1x16xf32> to vector<16xf32>
        %get3A_169 = arith.index_cast %scan3A_150 : i32 to index
        %get3A_170 = arith.constant 0 : index
        %get3A_171 = tpu.vector_load %arg15[%get3A_169, %get3A_170] {strides = array<i32>} : memref<80x128xf32, #tpu.memory_space<vmem>>, vector<1x16xf32>,
        %get3A_172 = vector.shape_cast %get3A_171 : vector<1x16xf32> to vector<16xf32>
        %add3A_173 = arith.addf %get3A_168, %get3A_172 : vector<16xf32>
        %max3A_174 = arith.constant 0.000000e+00 : f32
        %max3A_175 = vector.broadcast %max3A_174 : f32 to vector<16xf32>
        %max3A_176 = arith.maximumf %add3A_173, %max3A_175 : vector<16xf32>
        %swap3A_177 = arith.index_cast %scan3A_150 : i32 to index
        %swap3A_178 = arith.constant 64 : index
        %swap3A_179 = tpu.vector_load %arg16[%swap3A_177, %swap3A_178] {strides = array<i32>} : memref<80x128xf32, #tpu.memory_space<vmem>>, vector<1x16xf32>,
        %swap3A_180 = vector.shape_cast %swap3A_179 : vector<1x16xf32> to vector<16xf32>
        %swap3A_181 = vector.shape_cast %max3A_176 : vector<16xf32> to vector<1x16xf32>
        tpu.vector_store %arg16[%swap3A_177, %swap3A_178], %swap3A_181 {strides = array<i32>} : memref<80x128xf32, #tpu.memory_space<vmem>>, vector<1x16xf32>,
        %get3A_182 = arith.index_cast %scan3A_150 : i32 to index
        %get3A_183 = arith.constant 16 : index
        %get3A_184 = tpu.vector_load %arg14[%get3A_182, %get3A_183] {strides = array<i32>} : memref<80x128xf32, #tpu.memory_space<vmem>>, vector<1x16xf32>,
        %get3A_185 = vector.shape_cast %get3A_184 : vector<1x16xf32> to vector<16xf32>
        %get3A_186 = arith.index_cast %scan3A_150 : i32 to index
        %get3A_187 = arith.constant 80 : index
        %get3A_188 = tpu.vector_load %arg15[%get3A_186, %get3A_187] {strides = array<i32>} : memref<80x128xf32, #tpu.memory_space<vmem>>, vector<1x16xf32>,
        %get3A_189 = vector.shape_cast %get3A_188 : vector<1x16xf32> to vector<16xf32>
        %add3A_190 = arith.addf %get3A_185, %get3A_189 : vector<16xf32>
        %max3A_191 = arith.constant 0.000000e+00 : f32
        %max3A_192 = vector.broadcast %max3A_191 : f32 to vector<16xf32>
        %max3A_193 = arith.maximumf %add3A_190, %max3A_192 : vector<16xf32>
        %swap3A_194 = arith.index_cast %scan3A_150 : i32 to index
        %swap3A_195 = arith.constant 16 : index
        %swap3A_196 = tpu.vector_load %arg16[%swap3A_194, %swap3A_195] {strides = array<i32>} : memref<80x128xf32, #tpu.memory_space<vmem>>, vector<1x16xf32>,
        %swap3A_197 = vector.shape_cast %swap3A_196 : vector<1x16xf32> to vector<16xf32>
        %swap3A_198 = vector.shape_cast %max3A_193 : vector<16xf32> to vector<1x16xf32>
        tpu.vector_store %arg16[%swap3A_194, %swap3A_195], %swap3A_198 {strides = array<i32>} : memref<80x128xf32, #tpu.memory_space<vmem>>, vector<1x16xf32>,
        %get3A_199 = arith.index_cast %scan3A_150 : i32 to index
        %get3A_200 = arith.constant 80 : index
        %get3A_201 = tpu.vector_load %arg14[%get3A_199, %get3A_200] {strides = array<i32>} : memref<80x128xf32, #tpu.memory_space<vmem>>, vector<1x16xf32>,
        %get3A_202 = vector.shape_cast %get3A_201 : vector<1x16xf32> to vector<16xf32>
        %get3A_203 = arith.index_cast %scan3A_150 : i32 to index
        %get3A_204 = arith.constant 16 : index
        %get3A_205 = tpu.vector_load %arg15[%get3A_203, %get3A_204] {strides = array<i32>} : memref<80x128xf32, #tpu.memory_space<vmem>>, vector<1x16xf32>,
        %get3A_206 = vector.shape_cast %get3A_205 : vector<1x16xf32> to vector<16xf32>
        %add3A_207 = arith.addf %get3A_202, %get3A_206 : vector<16xf32>
        %max3A_208 = arith.constant 0.000000e+00 : f32
        %max3A_209 = vector.broadcast %max3A_208 : f32 to vector<16xf32>
        %max3A_210 = arith.maximumf %add3A_207, %max3A_209 : vector<16xf32>
        %swap3A_211 = arith.index_cast %scan3A_150 : i32 to index
        %swap3A_212 = arith.constant 80 : index
        %swap3A_213 = tpu.vector_load %arg16[%swap3A_211, %swap3A_212] {strides = array<i32>} : memref<80x128xf32, #tpu.memory_space<vmem>>, vector<1x16xf32>,
        %swap3A_214 = vector.shape_cast %swap3A_213 : vector<1x16xf32> to vector<16xf32>
        %swap3A_215 = vector.shape_cast %max3A_210 : vector<16xf32> to vector<1x16xf32>
        tpu.vector_store %arg16[%swap3A_211, %swap3A_212], %swap3A_215 {strides = array<i32>} : memref<80x128xf32, #tpu.memory_space<vmem>>, vector<1x16xf32>,
        %get3A_216 = arith.index_cast %scan3A_150 : i32 to index
        %get3A_217 = arith.constant 32 : index
        %get3A_218 = tpu.vector_load %arg14[%get3A_216, %get3A_217] {strides = array<i32>} : memref<80x128xf32, #tpu.memory_space<vmem>>, vector<1x16xf32>,
        %get3A_219 = vector.shape_cast %get3A_218 : vector<1x16xf32> to vector<16xf32>
        %get3A_220 = arith.index_cast %scan3A_150 : i32 to index
        %get3A_221 = arith.constant 96 : index
        %get3A_222 = tpu.vector_load %arg15[%get3A_220, %get3A_221] {strides = array<i32>} : memref<80x128xf32, #tpu.memory_space<vmem>>, vector<1x16xf32>,
        %get3A_223 = vector.shape_cast %get3A_222 : vector<1x16xf32> to vector<16xf32>
        %add3A_224 = arith.addf %get3A_219, %get3A_223 : vector<16xf32>
        %max3A_225 = arith.constant 0.000000e+00 : f32
        %max3A_226 = vector.broadcast %max3A_225 : f32 to vector<16xf32>
        %max3A_227 = arith.maximumf %add3A_224, %max3A_226 : vector<16xf32>
        %swap3A_228 = arith.index_cast %scan3A_150 : i32 to index
        %swap3A_229 = arith.constant 32 : index
        %swap3A_230 = tpu.vector_load %arg16[%swap3A_228, %swap3A_229] {strides = array<i32>} : memref<80x128xf32, #tpu.memory_space<vmem>>, vector<1x16xf32>,
        %swap3A_231 = vector.shape_cast %swap3A_230 : vector<1x16xf32> to vector<16xf32>
        %swap3A_232 = vector.shape_cast %max3A_227 : vector<16xf32> to vector<1x16xf32>
        tpu.vector_store %arg16[%swap3A_228, %swap3A_229], %swap3A_232 {strides = array<i32>} : memref<80x128xf32, #tpu.memory_space<vmem>>, vector<1x16xf32>,
        %get3A_233 = arith.index_cast %scan3A_150 : i32 to index
        %get3A_234 = arith.constant 96 : index
        %get3A_235 = tpu.vector_load %arg14[%get3A_233, %get3A_234] {strides = array<i32>} : memref<80x128xf32, #tpu.memory_space<vmem>>, vector<1x16xf32>,
        %get3A_236 = vector.shape_cast %get3A_235 : vector<1x16xf32> to vector<16xf32>
        %get3A_237 = arith.index_cast %scan3A_150 : i32 to index
        %get3A_238 = arith.constant 32 : index
        %get3A_239 = tpu.vector_load %arg15[%get3A_237, %get3A_238] {strides = array<i32>} : memref<80x128xf32, #tpu.memory_space<vmem>>, vector<1x16xf32>,
        %get3A_240 = vector.shape_cast %get3A_239 : vector<1x16xf32> to vector<16xf32>
        %add3A_241 = arith.addf %get3A_236, %get3A_240 : vector<16xf32>
        %max3A_242 = arith.constant 0.000000e+00 : f32
        %max3A_243 = vector.broadcast %max3A_242 : f32 to vector<16xf32>
        %max3A_244 = arith.maximumf %add3A_241, %max3A_243 : vector<16xf32>
        %swap3A_245 = arith.index_cast %scan3A_150 : i32 to index
        %swap3A_246 = arith.constant 96 : index
        %swap3A_247 = tpu.vector_load %arg16[%swap3A_245, %swap3A_246] {strides = array<i32>} : memref<80x128xf32, #tpu.memory_space<vmem>>, vector<1x16xf32>,
        %swap3A_248 = vector.shape_cast %swap3A_247 : vector<1x16xf32> to vector<16xf32>
        %swap3A_249 = vector.shape_cast %max3A_244 : vector<16xf32> to vector<1x16xf32>
        tpu.vector_store %arg16[%swap3A_245, %swap3A_246], %swap3A_249 {strides = array<i32>} : memref<80x128xf32, #tpu.memory_space<vmem>>, vector<1x16xf32>,
        %get3A_250 = arith.index_cast %scan3A_150 : i32 to index
        %get3A_251 = arith.constant 48 : index
        %get3A_252 = tpu.vector_load %arg14[%get3A_250, %get3A_251] {strides = array<i32>} : memref<80x128xf32, #tpu.memory_space<vmem>>, vector<1x16xf32>,
        %get3A_253 = vector.shape_cast %get3A_252 : vector<1x16xf32> to vector<16xf32>
        %get3A_254 = arith.index_cast %scan3A_150 : i32 to index
        %get3A_255 = arith.constant 112 : index
        %get3A_256 = tpu.vector_load %arg15[%get3A_254, %get3A_255] {strides = array<i32>} : memref<80x128xf32, #tpu.memory_space<vmem>>, vector<1x16xf32>,
        %get3A_257 = vector.shape_cast %get3A_256 : vector<1x16xf32> to vector<16xf32>
        %add3A_258 = arith.addf %get3A_253, %get3A_257 : vector<16xf32>
        %max3A_259 = arith.constant 0.000000e+00 : f32
        %max3A_260 = vector.broadcast %max3A_259 : f32 to vector<16xf32>
        %max3A_261 = arith.maximumf %add3A_258, %max3A_260 : vector<16xf32>
        %swap3A_262 = arith.index_cast %scan3A_150 : i32 to index
        %swap3A_263 = arith.constant 48 : index
        %swap3A_264 = tpu.vector_load %arg16[%swap3A_262, %swap3A_263] {strides = array<i32>} : memref<80x128xf32, #tpu.memory_space<vmem>>, vector<1x16xf32>,
        %swap3A_265 = vector.shape_cast %swap3A_264 : vector<1x16xf32> to vector<16xf32>
        %swap3A_266 = vector.shape_cast %max3A_261 : vector<16xf32> to vector<1x16xf32>
        tpu.vector_store %arg16[%swap3A_262, %swap3A_263], %swap3A_266 {strides = array<i32>} : memref<80x128xf32, #tpu.memory_space<vmem>>, vector<1x16xf32>,
        %get3A_267 = arith.index_cast %scan3A_150 : i32 to index
        %get3A_268 = arith.constant 112 : index
        %get3A_269 = tpu.vector_load %arg14[%get3A_267, %get3A_268] {strides = array<i32>} : memref<80x128xf32, #tpu.memory_space<vmem>>, vector<1x16xf32>,
        %get3A_270 = vector.shape_cast %get3A_269 : vector<1x16xf32> to vector<16xf32>
        %get3A_271 = arith.index_cast %scan3A_150 : i32 to index
        %get3A_272 = arith.constant 48 : index
        %get3A_273 = tpu.vector_load %arg15[%get3A_271, %get3A_272] {strides = array<i32>} : memref<80x128xf32, #tpu.memory_space<vmem>>, vector<1x16xf32>,
        %get3A_274 = vector.shape_cast %get3A_273 : vector<1x16xf32> to vector<16xf32>
        %add3A_275 = arith.addf %get3A_270, %get3A_274 : vector<16xf32>
        %max3A_276 = arith.constant 0.000000e+00 : f32
        %max3A_277 = vector.broadcast %max3A_276 : f32 to vector<16xf32>
        %max3A_278 = arith.maximumf %add3A_275, %max3A_277 : vector<16xf32>
        %swap3A_279 = arith.index_cast %scan3A_150 : i32 to index
        %swap3A_280 = arith.constant 112 : index
        %swap3A_281 = tpu.vector_load %arg16[%swap3A_279, %swap3A_280] {strides = array<i32>} : memref<80x128xf32, #tpu.memory_space<vmem>>, vector<1x16xf32>,
        %swap3A_282 = vector.shape_cast %swap3A_281 : vector<1x16xf32> to vector<16xf32>
        %swap3A_283 = vector.shape_cast %max3A_278 : vector<16xf32> to vector<1x16xf32>
        tpu.vector_store %arg16[%swap3A_279, %swap3A_280], %swap3A_283 {strides = array<i32>} : memref<80x128xf32, #tpu.memory_space<vmem>>, vector<1x16xf32>,
      }
      %scan3A_142 = arith.constant 80 : i32
      %mul3A_143 = arith.constant 80 : i32
      %mul3A_144 = arith.muli %add3A_131, %mul3A_143 : i32
      %add3A_145 = arith.addi %mul3A_2, %mul3A_144 : i32
      %dma_start3A_146 = arith.constant 0 : i32
      %dma_start3A_147 = tpu.memref_slice %arg5[%add3A_145, %dma_start3A_146] : memref<156160x128xf32, #tpu.memory_space<hbm>> -> memref<80x128xf32, #tpu.memory_space<hbm>>
      %dma_start3A_148 = arith.constant 0 : i32
      %dma_start3A_149 = tpu.memref_slice %arg5[%add3A_145, %dma_start3A_148] : memref<156160x128xf32, #tpu.memory_space<hbm>> -> memref<80x128xf32, #tpu.memory_space<hbm>>
      tpu.enqueue_dma source(%arg16 : memref<80x128xf32, #tpu.memory_space<vmem>>) target(%dma_start3A_149 : memref<80x128xf32, #tpu.memory_space<hbm>>) target_semaphore(%arg19 : memref<!tpu.dma_semaphore, #tpu.memory_space<semaphore_mem>>)
    }
    %scan3A_20 = arith.constant 30 : i32
    %dma_wait3A = arith.constant 0 : i32
    %dma_wait3A_21 = arith.constant 0 : i32
    %dma_wait3A_22 = tpu.memref_slice %arg6[%dma_wait3A, %dma_wait3A_21] : memref<61x80xi32, #tpu.memory_space<vmem>> -> memref<1x80xi32, #tpu.memory_space<vmem>>
    %dma_wait3A_23 = tpu.memref_squeeze %dma_wait3A_22 : memref<1x80xi32, #tpu.memory_space<vmem>> -> memref<80xi32, #tpu.memory_space<vmem>>
    %dma_wait3A_24 = arith.constant 0 : i32
    %dma_wait3A_25 = arith.constant 0 : i32
    %dma_wait3A_26 = tpu.memref_slice %arg2[%dma_wait3A_24, %dma_wait3A_25] : memref<10000x128xf32, #tpu.memory_space<hbm>> -> memref<10000x128xf32, #tpu.memory_space<hbm>>
    tpu.wait_indirect_dma semaphore(%arg11 : memref<!tpu.dma_semaphore, #tpu.memory_space<semaphore_mem>>) src(%dma_wait3A_26 : memref<10000x128xf32, #tpu.memory_space<hbm>>) dst(%arg8 : memref<80x128xf32, #tpu.memory_space<vmem>>)
    %dma_wait3A_27 = arith.constant 0 : i32
    %dma_wait3A_28 = arith.constant 0 : i32
    %dma_wait3A_29 = tpu.memref_slice %arg7[%dma_wait3A_27, %dma_wait3A_28] : memref<61x80xi32, #tpu.memory_space<vmem>> -> memref<1x80xi32, #tpu.memory_space<vmem>>
    %dma_wait3A_30 = tpu.memref_squeeze %dma_wait3A_29 : memref<1x80xi32, #tpu.memory_space<vmem>> -> memref<80xi32, #tpu.memory_space<vmem>>
    %dma_wait3A_31 = arith.constant 0 : i32
    %dma_wait3A_32 = arith.constant 0 : i32
    %dma_wait3A_33 = tpu.memref_slice %arg2[%dma_wait3A_31, %dma_wait3A_32] : memref<10000x128xf32, #tpu.memory_space<hbm>> -> memref<10000x128xf32, #tpu.memory_space<hbm>>
    tpu.wait_indirect_dma semaphore(%arg12 : memref<!tpu.dma_semaphore, #tpu.memory_space<semaphore_mem>>) src(%dma_wait3A_33 : memref<10000x128xf32, #tpu.memory_space<hbm>>) dst(%arg9 : memref<80x128xf32, #tpu.memory_space<vmem>>)
    %dma_wait3A_34 = arith.constant 0 : i32
    %dma_wait3A_35 = arith.constant 0 : i32
    %dma_wait3A_36 = tpu.memref_slice %arg5[%dma_wait3A_34, %dma_wait3A_35] : memref<156160x128xf32, #tpu.memory_space<hbm>> -> memref<80x128xf32, #tpu.memory_space<hbm>>
    %dma_wait3A_37 = arith.constant 0 : i32
    %dma_wait3A_38 = arith.constant 0 : i32
    %dma_wait3A_39 = tpu.memref_slice %arg5[%dma_wait3A_37, %dma_wait3A_38] : memref<156160x128xf32, #tpu.memory_space<hbm>> -> memref<80x128xf32, #tpu.memory_space<hbm>>
    tpu.wait_dma2 semaphore(%arg13 : memref<!tpu.dma_semaphore, #tpu.memory_space<semaphore_mem>>) src(%arg10 : memref<80x128xf32, #tpu.memory_space<vmem>>) dst(%dma_wait3A_39 : memref<80x128xf32, #tpu.memory_space<hbm>>)
    %scan3A_40 = arith.constant 0 : i32
    %scan3A_41 = arith.constant 0 : i32
    %scan3A_42 = arith.constant 80 : i32
    %scan3A_43 = arith.addi %scan3A_41, %scan3A_42 : i32
    %scan3A_44 = arith.constant 1 : i32
    scf.for %scan3A_64 = %scan3A_41 to %scan3A_43 step %scan3A_44  : i32 {
      %get3A = arith.index_cast %scan3A_64 : i32 to index
      %get3A_65 = arith.constant 0 : index
      %get3A_66 = tpu.vector_load %arg8[%get3A, %get3A_65] {strides = array<i32>} : memref<80x128xf32, #tpu.memory_space<vmem>>, vector<1x16xf32>,
      %get3A_67 = vector.shape_cast %get3A_66 : vector<1x16xf32> to vector<16xf32>
      %get3A_68 = arith.index_cast %scan3A_64 : i32 to index
      %get3A_69 = arith.constant 64 : index
      %get3A_70 = tpu.vector_load %arg9[%get3A_68, %get3A_69] {strides = array<i32>} : memref<80x128xf32, #tpu.memory_space<vmem>>, vector<1x16xf32>,
      %get3A_71 = vector.shape_cast %get3A_70 : vector<1x16xf32> to vector<16xf32>
      %add3A_72 = arith.addf %get3A_67, %get3A_71 : vector<16xf32>
      %max3A = arith.constant 0.000000e+00 : f32
      %max3A_73 = vector.broadcast %max3A : f32 to vector<16xf32>
      %max3A_74 = arith.maximumf %add3A_72, %max3A_73 : vector<16xf32>
      %swap3A = arith.index_cast %scan3A_64 : i32 to index
      %swap3A_75 = arith.constant 0 : index
      %swap3A_76 = tpu.vector_load %arg10[%swap3A, %swap3A_75] {strides = array<i32>} : memref<80x128xf32, #tpu.memory_space<vmem>>, vector<1x16xf32>,
      %swap3A_77 = vector.shape_cast %swap3A_76 : vector<1x16xf32> to vector<16xf32>
      %swap3A_78 = vector.shape_cast %max3A_74 : vector<16xf32> to vector<1x16xf32>
      tpu.vector_store %arg10[%swap3A, %swap3A_75], %swap3A_78 {strides = array<i32>} : memref<80x128xf32, #tpu.memory_space<vmem>>, vector<1x16xf32>,
      %get3A_79 = arith.index_cast %scan3A_64 : i32 to index
      %get3A_80 = arith.constant 64 : index
      %get3A_81 = tpu.vector_load %arg8[%get3A_79, %get3A_80] {strides = array<i32>} : memref<80x128xf32, #tpu.memory_space<vmem>>, vector<1x16xf32>,
      %get3A_82 = vector.shape_cast %get3A_81 : vector<1x16xf32> to vector<16xf32>
      %get3A_83 = arith.index_cast %scan3A_64 : i32 to index
      %get3A_84 = arith.constant 0 : index
      %get3A_85 = tpu.vector_load %arg9[%get3A_83, %get3A_84] {strides = array<i32>} : memref<80x128xf32, #tpu.memory_space<vmem>>, vector<1x16xf32>,
      %get3A_86 = vector.shape_cast %get3A_85 : vector<1x16xf32> to vector<16xf32>
      %add3A_87 = arith.addf %get3A_82, %get3A_86 : vector<16xf32>
      %max3A_88 = arith.constant 0.000000e+00 : f32
      %max3A_89 = vector.broadcast %max3A_88 : f32 to vector<16xf32>
      %max3A_90 = arith.maximumf %add3A_87, %max3A_89 : vector<16xf32>
      %swap3A_91 = arith.index_cast %scan3A_64 : i32 to index
      %swap3A_92 = arith.constant 64 : index
      %swap3A_93 = tpu.vector_load %arg10[%swap3A_91, %swap3A_92] {strides = array<i32>} : memref<80x128xf32, #tpu.memory_space<vmem>>, vector<1x16xf32>,
      %swap3A_94 = vector.shape_cast %swap3A_93 : vector<1x16xf32> to vector<16xf32>
      %swap3A_95 = vector.shape_cast %max3A_90 : vector<16xf32> to vector<1x16xf32>
      tpu.vector_store %arg10[%swap3A_91, %swap3A_92], %swap3A_95 {strides = array<i32>} : memref<80x128xf32, #tpu.memory_space<vmem>>, vector<1x16xf32>,
      %get3A_96 = arith.index_cast %scan3A_64 : i32 to index
      %get3A_97 = arith.constant 16 : index
      %get3A_98 = tpu.vector_load %arg8[%get3A_96, %get3A_97] {strides = array<i32>} : memref<80x128xf32, #tpu.memory_space<vmem>>, vector<1x16xf32>,
      %get3A_99 = vector.shape_cast %get3A_98 : vector<1x16xf32> to vector<16xf32>
      %get3A_100 = arith.index_cast %scan3A_64 : i32 to index
      %get3A_101 = arith.constant 80 : index
      %get3A_102 = tpu.vector_load %arg9[%get3A_100, %get3A_101] {strides = array<i32>} : memref<80x128xf32, #tpu.memory_space<vmem>>, vector<1x16xf32>,
      %get3A_103 = vector.shape_cast %get3A_102 : vector<1x16xf32> to vector<16xf32>
      %add3A_104 = arith.addf %get3A_99, %get3A_103 : vector<16xf32>
      %max3A_105 = arith.constant 0.000000e+00 : f32
      %max3A_106 = vector.broadcast %max3A_105 : f32 to vector<16xf32>
      %max3A_107 = arith.maximumf %add3A_104, %max3A_106 : vector<16xf32>
      %swap3A_108 = arith.index_cast %scan3A_64 : i32 to index
      %swap3A_109 = arith.constant 16 : index
      %swap3A_110 = tpu.vector_load %arg10[%swap3A_108, %swap3A_109] {strides = array<i32>} : memref<80x128xf32, #tpu.memory_space<vmem>>, vector<1x16xf32>,
      %swap3A_111 = vector.shape_cast %swap3A_110 : vector<1x16xf32> to vector<16xf32>
      %swap3A_112 = vector.shape_cast %max3A_107 : vector<16xf32> to vector<1x16xf32>
      tpu.vector_store %arg10[%swap3A_108, %swap3A_109], %swap3A_112 {strides = array<i32>} : memref<80x128xf32, #tpu.memory_space<vmem>>, vector<1x16xf32>,
      %get3A_113 = arith.index_cast %scan3A_64 : i32 to index
      %get3A_114 = arith.constant 80 : index
      %get3A_115 = tpu.vector_load %arg8[%get3A_113, %get3A_114] {strides = array<i32>} : memref<80x128xf32, #tpu.memory_space<vmem>>, vector<1x16xf32>,
      %get3A_116 = vector.shape_cast %get3A_115 : vector<1x16xf32> to vector<16xf32>
      %get3A_117 = arith.index_cast %scan3A_64 : i32 to index
      %get3A_118 = arith.constant 16 : index
      %get3A_119 = tpu.vector_load %arg9[%get3A_117, %get3A_118] {strides = array<i32>} : memref<80x128xf32, #tpu.memory_space<vmem>>, vector<1x16xf32>,
      %get3A_120 = vector.shape_cast %get3A_119 : vector<1x16xf32> to vector<16xf32>
      %add3A_121 = arith.addf %get3A_116, %get3A_120 : vector<16xf32>
      %max3A_122 = arith.constant 0.000000e+00 : f32
      %max3A_123 = vector.broadcast %max3A_122 : f32 to vector<16xf32>
      %max3A_124 = arith.maximumf %add3A_121, %max3A_123 : vector<16xf32>
      %swap3A_125 = arith.index_cast %scan3A_64 : i32 to index
      %swap3A_126 = arith.constant 80 : index
      %swap3A_127 = tpu.vector_load %arg10[%swap3A_125, %swap3A_126] {strides = array<i32>} : memref<80x128xf32, #tpu.memory_space<vmem>>, vector<1x16xf32>,
      %swap3A_128 = vector.shape_cast %swap3A_127 : vector<1x16xf32> to vector<16xf32>
      %swap3A_129 = vector.shape_cast %max3A_124 : vector<16xf32> to vector<1x16xf32>
      tpu.vector_store %arg10[%swap3A_125, %swap3A_126], %swap3A_129 {strides = array<i32>} : memref<80x128xf32, #tpu.memory_space<vmem>>, vector<1x16xf32>,
      %get3A_130 = arith.index_cast %scan3A_64 : i32 to index
      %get3A_131 = arith.constant 32 : index
      %get3A_132 = tpu.vector_load %arg8[%get3A_130, %get3A_131] {strides = array<i32>} : memref<80x128xf32, #tpu.memory_space<vmem>>, vector<1x16xf32>,
      %get3A_133 = vector.shape_cast %get3A_132 : vector<1x16xf32> to vector<16xf32>
      %get3A_134 = arith.index_cast %scan3A_64 : i32 to index
      %get3A_135 = arith.constant 96 : index
      %get3A_136 = tpu.vector_load %arg9[%get3A_134, %get3A_135] {strides = array<i32>} : memref<80x128xf32, #tpu.memory_space<vmem>>, vector<1x16xf32>,
      %get3A_137 = vector.shape_cast %get3A_136 : vector<1x16xf32> to vector<16xf32>
      %add3A_138 = arith.addf %get3A_133, %get3A_137 : vector<16xf32>
      %max3A_139 = arith.constant 0.000000e+00 : f32
      %max3A_140 = vector.broadcast %max3A_139 : f32 to vector<16xf32>
      %max3A_141 = arith.maximumf %add3A_138, %max3A_140 : vector<16xf32>
      %swap3A_142 = arith.index_cast %scan3A_64 : i32 to index
      %swap3A_143 = arith.constant 32 : index
      %swap3A_144 = tpu.vector_load %arg10[%swap3A_142, %swap3A_143] {strides = array<i32>} : memref<80x128xf32, #tpu.memory_space<vmem>>, vector<1x16xf32>,
      %swap3A_145 = vector.shape_cast %swap3A_144 : vector<1x16xf32> to vector<16xf32>
      %swap3A_146 = vector.shape_cast %max3A_141 : vector<16xf32> to vector<1x16xf32>
      tpu.vector_store %arg10[%swap3A_142, %swap3A_143], %swap3A_146 {strides = array<i32>} : memref<80x128xf32, #tpu.memory_space<vmem>>, vector<1x16xf32>,
      %get3A_147 = arith.index_cast %scan3A_64 : i32 to index
      %get3A_148 = arith.constant 96 : index
      %get3A_149 = tpu.vector_load %arg8[%get3A_147, %get3A_148] {strides = array<i32>} : memref<80x128xf32, #tpu.memory_space<vmem>>, vector<1x16xf32>,
      %get3A_150 = vector.shape_cast %get3A_149 : vector<1x16xf32> to vector<16xf32>
      %get3A_151 = arith.index_cast %scan3A_64 : i32 to index
      %get3A_152 = arith.constant 32 : index
      %get3A_153 = tpu.vector_load %arg9[%get3A_151, %get3A_152] {strides = array<i32>} : memref<80x128xf32, #tpu.memory_space<vmem>>, vector<1x16xf32>,
      %get3A_154 = vector.shape_cast %get3A_153 : vector<1x16xf32> to vector<16xf32>
      %add3A_155 = arith.addf %get3A_150, %get3A_154 : vector<16xf32>
      %max3A_156 = arith.constant 0.000000e+00 : f32
      %max3A_157 = vector.broadcast %max3A_156 : f32 to vector<16xf32>
      %max3A_158 = arith.maximumf %add3A_155, %max3A_157 : vector<16xf32>
      %swap3A_159 = arith.index_cast %scan3A_64 : i32 to index
      %swap3A_160 = arith.constant 96 : index
      %swap3A_161 = tpu.vector_load %arg10[%swap3A_159, %swap3A_160] {strides = array<i32>} : memref<80x128xf32, #tpu.memory_space<vmem>>, vector<1x16xf32>,
      %swap3A_162 = vector.shape_cast %swap3A_161 : vector<1x16xf32> to vector<16xf32>
      %swap3A_163 = vector.shape_cast %max3A_158 : vector<16xf32> to vector<1x16xf32>
      tpu.vector_store %arg10[%swap3A_159, %swap3A_160], %swap3A_163 {strides = array<i32>} : memref<80x128xf32, #tpu.memory_space<vmem>>, vector<1x16xf32>,
      %get3A_164 = arith.index_cast %scan3A_64 : i32 to index
      %get3A_165 = arith.constant 48 : index
      %get3A_166 = tpu.vector_load %arg8[%get3A_164, %get3A_165] {strides = array<i32>} : memref<80x128xf32, #tpu.memory_space<vmem>>, vector<1x16xf32>,
      %get3A_167 = vector.shape_cast %get3A_166 : vector<1x16xf32> to vector<16xf32>
      %get3A_168 = arith.index_cast %scan3A_64 : i32 to index
      %get3A_169 = arith.constant 112 : index
      %get3A_170 = tpu.vector_load %arg9[%get3A_168, %get3A_169] {strides = array<i32>} : memref<80x128xf32, #tpu.memory_space<vmem>>, vector<1x16xf32>,
      %get3A_171 = vector.shape_cast %get3A_170 : vector<1x16xf32> to vector<16xf32>
      %add3A_172 = arith.addf %get3A_167, %get3A_171 : vector<16xf32>
      %max3A_173 = arith.constant 0.000000e+00 : f32
      %max3A_174 = vector.broadcast %max3A_173 : f32 to vector<16xf32>
      %max3A_175 = arith.maximumf %add3A_172, %max3A_174 : vector<16xf32>
      %swap3A_176 = arith.index_cast %scan3A_64 : i32 to index
      %swap3A_177 = arith.constant 48 : index
      %swap3A_178 = tpu.vector_load %arg10[%swap3A_176, %swap3A_177] {strides = array<i32>} : memref<80x128xf32, #tpu.memory_space<vmem>>, vector<1x16xf32>,
      %swap3A_179 = vector.shape_cast %swap3A_178 : vector<1x16xf32> to vector<16xf32>
      %swap3A_180 = vector.shape_cast %max3A_175 : vector<16xf32> to vector<1x16xf32>
      tpu.vector_store %arg10[%swap3A_176, %swap3A_177], %swap3A_180 {strides = array<i32>} : memref<80x128xf32, #tpu.memory_space<vmem>>, vector<1x16xf32>,
      %get3A_181 = arith.index_cast %scan3A_64 : i32 to index
      %get3A_182 = arith.constant 112 : index
      %get3A_183 = tpu.vector_load %arg8[%get3A_181, %get3A_182] {strides = array<i32>} : memref<80x128xf32, #tpu.memory_space<vmem>>, vector<1x16xf32>,
      %get3A_184 = vector.shape_cast %get3A_183 : vector<1x16xf32> to vector<16xf32>
      %get3A_185 = arith.index_cast %scan3A_64 : i32 to index
      %get3A_186 = arith.constant 48 : index
      %get3A_187 = tpu.vector_load %arg9[%get3A_185, %get3A_186] {strides = array<i32>} : memref<80x128xf32, #tpu.memory_space<vmem>>, vector<1x16xf32>,
      %get3A_188 = vector.shape_cast %get3A_187 : vector<1x16xf32> to vector<16xf32>
      %add3A_189 = arith.addf %get3A_184, %get3A_188 : vector<16xf32>
      %max3A_190 = arith.constant 0.000000e+00 : f32
      %max3A_191 = vector.broadcast %max3A_190 : f32 to vector<16xf32>
      %max3A_192 = arith.maximumf %add3A_189, %max3A_191 : vector<16xf32>
      %swap3A_193 = arith.index_cast %scan3A_64 : i32 to index
      %swap3A_194 = arith.constant 112 : index
      %swap3A_195 = tpu.vector_load %arg10[%swap3A_193, %swap3A_194] {strides = array<i32>} : memref<80x128xf32, #tpu.memory_space<vmem>>, vector<1x16xf32>,
      %swap3A_196 = vector.shape_cast %swap3A_195 : vector<1x16xf32> to vector<16xf32>
      %swap3A_197 = vector.shape_cast %max3A_192 : vector<16xf32> to vector<1x16xf32>
      tpu.vector_store %arg10[%swap3A_193, %swap3A_194], %swap3A_197 {strides = array<i32>} : memref<80x128xf32, #tpu.memory_space<vmem>>, vector<1x16xf32>,
    }
    %scan3A_45 = arith.constant 80 : i32
    %add3A_46 = arith.constant 4800 : i32
    %add3A_47 = arith.addi %mul3A_2, %add3A_46 : i32
    %dma_start3A_48 = arith.constant 0 : i32
    %dma_start3A_49 = tpu.memref_slice %arg5[%add3A_47, %dma_start3A_48] : memref<156160x128xf32, #tpu.memory_space<hbm>> -> memref<80x128xf32, #tpu.memory_space<hbm>>
    %dma_start3A_50 = arith.constant 0 : i32
    %dma_start3A_51 = tpu.memref_slice %arg5[%add3A_47, %dma_start3A_50] : memref<156160x128xf32, #tpu.memory_space<hbm>> -> memref<80x128xf32, #tpu.memory_space<hbm>>
    tpu.enqueue_dma source(%arg10 : memref<80x128xf32, #tpu.memory_space<vmem>>) target(%dma_start3A_51 : memref<80x128xf32, #tpu.memory_space<hbm>>) target_semaphore(%arg13 : memref<!tpu.dma_semaphore, #tpu.memory_space<semaphore_mem>>)
    %dma_wait3A_52 = arith.constant 0 : i32
    %dma_wait3A_53 = arith.constant 0 : i32
    %dma_wait3A_54 = tpu.memref_slice %arg5[%dma_wait3A_52, %dma_wait3A_53] : memref<156160x128xf32, #tpu.memory_space<hbm>> -> memref<80x128xf32, #tpu.memory_space<hbm>>
    %dma_wait3A_55 = arith.constant 0 : i32
    %dma_wait3A_56 = arith.constant 0 : i32
    %dma_wait3A_57 = tpu.memref_slice %arg5[%dma_wait3A_55, %dma_wait3A_56] : memref<156160x128xf32, #tpu.memory_space<hbm>> -> memref<80x128xf32, #tpu.memory_space<hbm>>
    tpu.wait_dma2 semaphore(%arg13 : memref<!tpu.dma_semaphore, #tpu.memory_space<semaphore_mem>>) src(%arg10 : memref<80x128xf32, #tpu.memory_space<vmem>>) dst(%dma_wait3A_57 : memref<80x128xf32, #tpu.memory_space<hbm>>)
    %dma_wait3A_58 = arith.constant 0 : i32
    %dma_wait3A_59 = arith.constant 0 : i32
    %dma_wait3A_60 = tpu.memref_slice %arg5[%dma_wait3A_58, %dma_wait3A_59] : memref<156160x128xf32, #tpu.memory_space<hbm>> -> memref<80x128xf32, #tpu.memory_space<hbm>>
    %dma_wait3A_61 = arith.constant 0 : i32
    %dma_wait3A_62 = arith.constant 0 : i32
    %dma_wait3A_63 = tpu.memref_slice %arg5[%dma_wait3A_61, %dma_wait3A_62] : memref<156160x128xf32, #tpu.memory_space<hbm>> -> memref<80x128xf32, #tpu.memory_space<hbm>>
    tpu.wait_dma2 semaphore(%arg19 : memref<!tpu.dma_semaphore, #tpu.memory_space<semaphore_mem>>) src(%arg16 : memref<80x128xf32, #tpu.memory_space<vmem>>) dst(%dma_wait3A_63 : memref<80x128xf32, #tpu.memory_space<hbm>>)
    return
  }
}

#map = affine_map<(d0, d1) -> (0, 0)>
#map1 = affine_map<(d0, d1) -> (0, 0, 0)>
module attributes {stable_mosaic.version = 14 : i64} {
  func.func @body(%arg0: i32, %arg1: i32, %arg2: memref<156160x128xf32, #tpu.memory_space<hbm>>, %arg3: memref<32x61x80xi32, #tpu.memory_space<hbm>>, %arg4: memref<2x10000x128xf32, #tpu.memory_space<hbm>>, %arg5: memref<61x80xi32, #tpu.memory_space<vmem>>, %arg6: memref<80x128xf32, #tpu.memory_space<vmem>>, %arg7: memref<!tpu.dma_semaphore, #tpu.memory_space<semaphore_mem>>, %arg8: memref<80x128xf32, #tpu.memory_space<vmem>>, %arg9: memref<!tpu.dma_semaphore, #tpu.memory_space<semaphore_mem>>, %arg10: memref<80x128xf32, #tpu.memory_space<vmem>>, %arg11: memref<10000x128xf32, #tpu.memory_space<vmem_shared>>) attributes {dimension_semantics = [#tpu.dimension_semantics<core_parallel>, #tpu.dimension_semantics<subcore_parallel>], iteration_bounds = array<i64: 2, 16>, scalar_prefetch = 0 : i64, scratch_operands = 7 : i64, tpu.core_type = #tpu.core_type<sc_vector_subcore>, window_params = [{transform_indices = #map}, {transform_indices = #map1}, {transform_indices = #map1}]} {
    %mul3A = arith.constant 2 : i32
    %mul3A_0 = arith.muli %arg1, %mul3A : i32
    %add3A = arith.addi %mul3A_0, %arg0 : i32
    %mul3A_1 = arith.constant 8 : i32
    %mul3A_2 = arith.muli %arg1, %mul3A_1 : i32
    %sub3A = arith.constant 125 : i32
    %sub3A_3 = arith.subi %sub3A, %mul3A_2 : i32
    %min3A = arith.constant 8 : i32
    %min3A_4 = arith.minsi %min3A, %sub3A_3 : i32
    %scan3A = arith.constant 0 : i32
    %scan3A_5 = arith.constant 0 : i32
    %scan3A_6 = arith.constant 80 : i32
    %scan3A_7 = arith.addi %scan3A_5, %scan3A_6 : i32
    %scan3A_8 = arith.constant 1 : i32
    scf.for %scan3A_48 = %scan3A_5 to %scan3A_7 step %scan3A_8  : i32 {
      %broadcast_in_dim3A = arith.constant 0.000000e+00 : f32
      %broadcast_in_dim3A_49 = vector.broadcast %broadcast_in_dim3A : f32 to vector<16xf32>
      %swap3A = arith.index_cast %scan3A_48 : i32 to index
      %swap3A_50 = arith.constant 0 : index
      %swap3A_51 = tpu.vector_load %arg10[%swap3A, %swap3A_50] {strides = array<i32>} : memref<80x128xf32, #tpu.memory_space<vmem>>, vector<1x16xf32>,
      %swap3A_52 = vector.shape_cast %swap3A_51 : vector<1x16xf32> to vector<16xf32>
      %swap3A_53 = vector.shape_cast %broadcast_in_dim3A_49 : vector<16xf32> to vector<1x16xf32>
      tpu.vector_store %arg10[%swap3A, %swap3A_50], %swap3A_53 {strides = array<i32>} : memref<80x128xf32, #tpu.memory_space<vmem>>, vector<1x16xf32>,
      %broadcast_in_dim3A_54 = arith.constant 0.000000e+00 : f32
      %broadcast_in_dim3A_55 = vector.broadcast %broadcast_in_dim3A_54 : f32 to vector<16xf32>
      %swap3A_56 = arith.index_cast %scan3A_48 : i32 to index
      %swap3A_57 = arith.constant 16 : index
      %swap3A_58 = tpu.vector_load %arg10[%swap3A_56, %swap3A_57] {strides = array<i32>} : memref<80x128xf32, #tpu.memory_space<vmem>>, vector<1x16xf32>,
      %swap3A_59 = vector.shape_cast %swap3A_58 : vector<1x16xf32> to vector<16xf32>
      %swap3A_60 = vector.shape_cast %broadcast_in_dim3A_55 : vector<16xf32> to vector<1x16xf32>
      tpu.vector_store %arg10[%swap3A_56, %swap3A_57], %swap3A_60 {strides = array<i32>} : memref<80x128xf32, #tpu.memory_space<vmem>>, vector<1x16xf32>,
      %broadcast_in_dim3A_61 = arith.constant 0.000000e+00 : f32
      %broadcast_in_dim3A_62 = vector.broadcast %broadcast_in_dim3A_61 : f32 to vector<16xf32>
      %swap3A_63 = arith.index_cast %scan3A_48 : i32 to index
      %swap3A_64 = arith.constant 32 : index
      %swap3A_65 = tpu.vector_load %arg10[%swap3A_63, %swap3A_64] {strides = array<i32>} : memref<80x128xf32, #tpu.memory_space<vmem>>, vector<1x16xf32>,
      %swap3A_66 = vector.shape_cast %swap3A_65 : vector<1x16xf32> to vector<16xf32>
      %swap3A_67 = vector.shape_cast %broadcast_in_dim3A_62 : vector<16xf32> to vector<1x16xf32>
      tpu.vector_store %arg10[%swap3A_63, %swap3A_64], %swap3A_67 {strides = array<i32>} : memref<80x128xf32, #tpu.memory_space<vmem>>, vector<1x16xf32>,
      %broadcast_in_dim3A_68 = arith.constant 0.000000e+00 : f32
      %broadcast_in_dim3A_69 = vector.broadcast %broadcast_in_dim3A_68 : f32 to vector<16xf32>
      %swap3A_70 = arith.index_cast %scan3A_48 : i32 to index
      %swap3A_71 = arith.constant 48 : index
      %swap3A_72 = tpu.vector_load %arg10[%swap3A_70, %swap3A_71] {strides = array<i32>} : memref<80x128xf32, #tpu.memory_space<vmem>>, vector<1x16xf32>,
      %swap3A_73 = vector.shape_cast %swap3A_72 : vector<1x16xf32> to vector<16xf32>
      %swap3A_74 = vector.shape_cast %broadcast_in_dim3A_69 : vector<16xf32> to vector<1x16xf32>
      tpu.vector_store %arg10[%swap3A_70, %swap3A_71], %swap3A_74 {strides = array<i32>} : memref<80x128xf32, #tpu.memory_space<vmem>>, vector<1x16xf32>,
      %broadcast_in_dim3A_75 = arith.constant 0.000000e+00 : f32
      %broadcast_in_dim3A_76 = vector.broadcast %broadcast_in_dim3A_75 : f32 to vector<16xf32>
      %swap3A_77 = arith.index_cast %scan3A_48 : i32 to index
      %swap3A_78 = arith.constant 64 : index
      %swap3A_79 = tpu.vector_load %arg10[%swap3A_77, %swap3A_78] {strides = array<i32>} : memref<80x128xf32, #tpu.memory_space<vmem>>, vector<1x16xf32>,
      %swap3A_80 = vector.shape_cast %swap3A_79 : vector<1x16xf32> to vector<16xf32>
      %swap3A_81 = vector.shape_cast %broadcast_in_dim3A_76 : vector<16xf32> to vector<1x16xf32>
      tpu.vector_store %arg10[%swap3A_77, %swap3A_78], %swap3A_81 {strides = array<i32>} : memref<80x128xf32, #tpu.memory_space<vmem>>, vector<1x16xf32>,
      %broadcast_in_dim3A_82 = arith.constant 0.000000e+00 : f32
      %broadcast_in_dim3A_83 = vector.broadcast %broadcast_in_dim3A_82 : f32 to vector<16xf32>
      %swap3A_84 = arith.index_cast %scan3A_48 : i32 to index
      %swap3A_85 = arith.constant 80 : index
      %swap3A_86 = tpu.vector_load %arg10[%swap3A_84, %swap3A_85] {strides = array<i32>} : memref<80x128xf32, #tpu.memory_space<vmem>>, vector<1x16xf32>,
      %swap3A_87 = vector.shape_cast %swap3A_86 : vector<1x16xf32> to vector<16xf32>
      %swap3A_88 = vector.shape_cast %broadcast_in_dim3A_83 : vector<16xf32> to vector<1x16xf32>
      tpu.vector_store %arg10[%swap3A_84, %swap3A_85], %swap3A_88 {strides = array<i32>} : memref<80x128xf32, #tpu.memory_space<vmem>>, vector<1x16xf32>,
      %broadcast_in_dim3A_89 = arith.constant 0.000000e+00 : f32
      %broadcast_in_dim3A_90 = vector.broadcast %broadcast_in_dim3A_89 : f32 to vector<16xf32>
      %swap3A_91 = arith.index_cast %scan3A_48 : i32 to index
      %swap3A_92 = arith.constant 96 : index
      %swap3A_93 = tpu.vector_load %arg10[%swap3A_91, %swap3A_92] {strides = array<i32>} : memref<80x128xf32, #tpu.memory_space<vmem>>, vector<1x16xf32>,
      %swap3A_94 = vector.shape_cast %swap3A_93 : vector<1x16xf32> to vector<16xf32>
      %swap3A_95 = vector.shape_cast %broadcast_in_dim3A_90 : vector<16xf32> to vector<1x16xf32>
      tpu.vector_store %arg10[%swap3A_91, %swap3A_92], %swap3A_95 {strides = array<i32>} : memref<80x128xf32, #tpu.memory_space<vmem>>, vector<1x16xf32>,
      %broadcast_in_dim3A_96 = arith.constant 0.000000e+00 : f32
      %broadcast_in_dim3A_97 = vector.broadcast %broadcast_in_dim3A_96 : f32 to vector<16xf32>
      %swap3A_98 = arith.index_cast %scan3A_48 : i32 to index
      %swap3A_99 = arith.constant 112 : index
      %swap3A_100 = tpu.vector_load %arg10[%swap3A_98, %swap3A_99] {strides = array<i32>} : memref<80x128xf32, #tpu.memory_space<vmem>>, vector<1x16xf32>,
      %swap3A_101 = vector.shape_cast %swap3A_100 : vector<1x16xf32> to vector<16xf32>
      %swap3A_102 = vector.shape_cast %broadcast_in_dim3A_97 : vector<16xf32> to vector<1x16xf32>
      tpu.vector_store %arg10[%swap3A_98, %swap3A_99], %swap3A_102 {strides = array<i32>} : memref<80x128xf32, #tpu.memory_space<vmem>>, vector<1x16xf32>,
    }
    %scan3A_9 = arith.constant 80 : i32
    %while3A = arith.constant 0 : i32
    %while3A_10 = arith.constant 0 : i32
    %while3A_11 = arith.subi %min3A_4, %while3A_10 : i32
    %while3A_12 = arith.addi %while3A_10, %while3A_11 : i32
    %while3A_13 = arith.constant 1 : i32
    %while3A_14 = arith.divsi %while3A_11, %while3A_13 : i32
    %while3A_15 = arith.muli %while3A_14, %while3A_13 : i32
    %while3A_16 = arith.addi %while3A_10, %while3A_15 : i32
    %while3A_17 = arith.constant 1 : i32
    scf.for %while3A_48 = %while3A_10 to %while3A_16 step %while3A_17  : i32 {
      %add3A_49 = arith.addi %mul3A_2, %while3A_48 : i32
      %mul3A_50 = arith.constant 80 : i32
      %mul3A_51 = arith.muli %add3A_49, %mul3A_50 : i32
      "tpu.region"() ({
        %run_scoped3A_52 = tpu.sem_alloc : memref<!tpu.dma_semaphore, #tpu.memory_space<semaphore_mem>>
        %dma_start3A_53 = arith.constant 0 : i32
        %dma_start3A_54 = tpu.memref_slice %arg11[%mul3A_51, %dma_start3A_53] : memref<10000x128xf32, #tpu.memory_space<vmem_shared>> -> memref<80x128xf32, #tpu.memory_space<vmem_shared>>
        %dma_start3A_55 = arith.constant 0 : i32
        %dma_start3A_56 = tpu.memref_slice %arg11[%mul3A_51, %dma_start3A_55] : memref<10000x128xf32, #tpu.memory_space<vmem_shared>> -> memref<80x128xf32, #tpu.memory_space<vmem_shared>>
        tpu.enqueue_dma source(%arg10 : memref<80x128xf32, #tpu.memory_space<vmem>>) target(%dma_start3A_56 : memref<80x128xf32, #tpu.memory_space<vmem_shared>>) target_semaphore(%run_scoped3A_52 : memref<!tpu.dma_semaphore, #tpu.memory_space<semaphore_mem>>)
        %dma_wait3A_57 = arith.constant 0 : i32
        %dma_wait3A_58 = tpu.memref_slice %arg11[%mul3A_51, %dma_wait3A_57] : memref<10000x128xf32, #tpu.memory_space<vmem_shared>> -> memref<80x128xf32, #tpu.memory_space<vmem_shared>>
        %dma_wait3A_59 = arith.constant 0 : i32
        %dma_wait3A_60 = tpu.memref_slice %arg11[%mul3A_51, %dma_wait3A_59] : memref<10000x128xf32, #tpu.memory_space<vmem_shared>> -> memref<80x128xf32, #tpu.memory_space<vmem_shared>>
        tpu.wait_dma2 semaphore(%run_scoped3A_52 : memref<!tpu.dma_semaphore, #tpu.memory_space<semaphore_mem>>) src(%arg10 : memref<80x128xf32, #tpu.memory_space<vmem>>) dst(%dma_wait3A_60 : memref<80x128xf32, #tpu.memory_space<vmem_shared>>)
        tpu.yield
      }) : () -> ()
    }
    %while3A_18 = arith.constant 1 : i32
    scf.for %while3A_48 = %while3A_16 to %while3A_12 step %while3A_18  : i32 {
      %add3A_49 = arith.addi %mul3A_2, %while3A_48 : i32
      %mul3A_50 = arith.constant 80 : i32
      %mul3A_51 = arith.muli %add3A_49, %mul3A_50 : i32
      "tpu.region"() ({
        %run_scoped3A_52 = tpu.sem_alloc : memref<!tpu.dma_semaphore, #tpu.memory_space<semaphore_mem>>
        %dma_start3A_53 = arith.constant 0 : i32
        %dma_start3A_54 = tpu.memref_slice %arg11[%mul3A_51, %dma_start3A_53] : memref<10000x128xf32, #tpu.memory_space<vmem_shared>> -> memref<80x128xf32, #tpu.memory_space<vmem_shared>>
        %dma_start3A_55 = arith.constant 0 : i32
        %dma_start3A_56 = tpu.memref_slice %arg11[%mul3A_51, %dma_start3A_55] : memref<10000x128xf32, #tpu.memory_space<vmem_shared>> -> memref<80x128xf32, #tpu.memory_space<vmem_shared>>
        tpu.enqueue_dma source(%arg10 : memref<80x128xf32, #tpu.memory_space<vmem>>) target(%dma_start3A_56 : memref<80x128xf32, #tpu.memory_space<vmem_shared>>) target_semaphore(%run_scoped3A_52 : memref<!tpu.dma_semaphore, #tpu.memory_space<semaphore_mem>>)
        %dma_wait3A_57 = arith.constant 0 : i32
        %dma_wait3A_58 = tpu.memref_slice %arg11[%mul3A_51, %dma_wait3A_57] : memref<10000x128xf32, #tpu.memory_space<vmem_shared>> -> memref<80x128xf32, #tpu.memory_space<vmem_shared>>
        %dma_wait3A_59 = arith.constant 0 : i32
        %dma_wait3A_60 = tpu.memref_slice %arg11[%mul3A_51, %dma_wait3A_59] : memref<10000x128xf32, #tpu.memory_space<vmem_shared>> -> memref<80x128xf32, #tpu.memory_space<vmem_shared>>
        tpu.wait_dma2 semaphore(%run_scoped3A_52 : memref<!tpu.dma_semaphore, #tpu.memory_space<semaphore_mem>>) src(%arg10 : memref<80x128xf32, #tpu.memory_space<vmem>>) dst(%dma_wait3A_60 : memref<80x128xf32, #tpu.memory_space<vmem_shared>>)
        tpu.yield
      }) : () -> ()
    }
    %barrier3A = arith.constant 0 : index
    tpu.barrier barrier_id(%barrier3A)
    "tpu.region"() ({
      %run_scoped3A_48 = tpu.sem_alloc : memref<!tpu.dma_semaphore, #tpu.memory_space<semaphore_mem>>
      %dma_start3A_49 = arith.constant 0 : i32
      %dma_start3A_50 = arith.constant 0 : i32
      %dma_start3A_51 = tpu.memref_slice %arg3[%add3A, %dma_start3A_49, %dma_start3A_50] : memref<32x61x80xi32, #tpu.memory_space<hbm>> -> memref<1x61x80xi32, #tpu.memory_space<hbm>>
      %dma_start3A_52 = tpu.memref_squeeze %dma_start3A_51 : memref<1x61x80xi32, #tpu.memory_space<hbm>> -> memref<61x80xi32, #tpu.memory_space<hbm>>
      %dma_start3A_53 = arith.constant 0 : i32
      %dma_start3A_54 = arith.constant 0 : i32
      %dma_start3A_55 = tpu.memref_slice %arg3[%add3A, %dma_start3A_53, %dma_start3A_54] : memref<32x61x80xi32, #tpu.memory_space<hbm>> -> memref<1x61x80xi32, #tpu.memory_space<hbm>>
      %dma_start3A_56 = tpu.memref_squeeze %dma_start3A_55 : memref<1x61x80xi32, #tpu.memory_space<hbm>> -> memref<61x80xi32, #tpu.memory_space<hbm>>
      tpu.enqueue_dma source(%dma_start3A_56 : memref<61x80xi32, #tpu.memory_space<hbm>>) target(%arg5 : memref<61x80xi32, #tpu.memory_space<vmem>>) target_semaphore(%run_scoped3A_48 : memref<!tpu.dma_semaphore, #tpu.memory_space<semaphore_mem>>)
      %dma_wait3A_57 = arith.constant 0 : i32
      %dma_wait3A_58 = arith.constant 0 : i32
      %dma_wait3A_59 = tpu.memref_slice %arg3[%add3A, %dma_wait3A_57, %dma_wait3A_58] : memref<32x61x80xi32, #tpu.memory_space<hbm>> -> memref<1x61x80xi32, #tpu.memory_space<hbm>>
      %dma_wait3A_60 = tpu.memref_squeeze %dma_wait3A_59 : memref<1x61x80xi32, #tpu.memory_space<hbm>> -> memref<61x80xi32, #tpu.memory_space<hbm>>
      %dma_wait3A_61 = arith.constant 0 : i32
      %dma_wait3A_62 = arith.constant 0 : i32
      %dma_wait3A_63 = tpu.memref_slice %arg3[%add3A, %dma_wait3A_61, %dma_wait3A_62] : memref<32x61x80xi32, #tpu.memory_space<hbm>> -> memref<1x61x80xi32, #tpu.memory_space<hbm>>
      %dma_wait3A_64 = tpu.memref_squeeze %dma_wait3A_63 : memref<1x61x80xi32, #tpu.memory_space<hbm>> -> memref<61x80xi32, #tpu.memory_space<hbm>>
      tpu.wait_dma2 semaphore(%run_scoped3A_48 : memref<!tpu.dma_semaphore, #tpu.memory_space<semaphore_mem>>) src(%dma_wait3A_64 : memref<61x80xi32, #tpu.memory_space<hbm>>) dst(%arg5 : memref<61x80xi32, #tpu.memory_space<vmem>>)
      tpu.yield
    }) : () -> ()
    %mul3A_19 = arith.constant 4880 : i32
    %mul3A_20 = arith.muli %add3A, %mul3A_19 : i32
    %add3A_21 = arith.constant 0 : i32
    %add3A_22 = arith.addi %mul3A_20, %add3A_21 : i32
    %dma_start3A = arith.constant 0 : i32
    %dma_start3A_23 = tpu.memref_slice %arg2[%add3A_22, %dma_start3A] : memref<156160x128xf32, #tpu.memory_space<hbm>> -> memref<80x128xf32, #tpu.memory_space<hbm>>
    %dma_start3A_24 = arith.constant 0 : i32
    %dma_start3A_25 = tpu.memref_slice %arg2[%add3A_22, %dma_start3A_24] : memref<156160x128xf32, #tpu.memory_space<hbm>> -> memref<80x128xf32, #tpu.memory_space<hbm>>
    tpu.enqueue_dma source(%dma_start3A_25 : memref<80x128xf32, #tpu.memory_space<hbm>>) target(%arg6 : memref<80x128xf32, #tpu.memory_space<vmem>>) target_semaphore(%arg7 : memref<!tpu.dma_semaphore, #tpu.memory_space<semaphore_mem>>)
    %scan3A_26 = arith.constant 0 : i32
    %scan3A_27 = arith.constant 0 : i32
    %scan3A_28 = arith.constant 30 : i32
    %scan3A_29 = arith.addi %scan3A_27, %scan3A_28 : i32
    %scan3A_30 = arith.constant 1 : i32
    scf.for %scan3A_48 = %scan3A_27 to %scan3A_29 step %scan3A_30  : i32 {
      %mul3A_49 = arith.constant 2 : i32
      %mul3A_50 = arith.muli %mul3A_49, %scan3A_48 : i32
      %dma_wait3A_51 = arith.constant 0 : i32
      %dma_wait3A_52 = arith.constant 0 : i32
      %dma_wait3A_53 = tpu.memref_slice %arg2[%dma_wait3A_51, %dma_wait3A_52] : memref<156160x128xf32, #tpu.memory_space<hbm>> -> memref<80x128xf32, #tpu.memory_space<hbm>>
      %dma_wait3A_54 = arith.constant 0 : i32
      %dma_wait3A_55 = arith.constant 0 : i32
      %dma_wait3A_56 = tpu.memref_slice %arg2[%dma_wait3A_54, %dma_wait3A_55] : memref<156160x128xf32, #tpu.memory_space<hbm>> -> memref<80x128xf32, #tpu.memory_space<hbm>>
      tpu.wait_dma2 semaphore(%arg7 : memref<!tpu.dma_semaphore, #tpu.memory_space<semaphore_mem>>) src(%dma_wait3A_56 : memref<80x128xf32, #tpu.memory_space<hbm>>) dst(%arg6 : memref<80x128xf32, #tpu.memory_space<vmem>>)
      %add3A_57 = arith.constant 1 : i32
      %add3A_58 = arith.addi %mul3A_50, %add3A_57 : i32
      %mul3A_59 = arith.constant 4880 : i32
      %mul3A_60 = arith.muli %add3A, %mul3A_59 : i32
      %mul3A_61 = arith.constant 80 : i32
      %mul3A_62 = arith.muli %add3A_58, %mul3A_61 : i32
      %add3A_63 = arith.addi %mul3A_60, %mul3A_62 : i32
      %dma_start3A_64 = arith.constant 0 : i32
      %dma_start3A_65 = tpu.memref_slice %arg2[%add3A_63, %dma_start3A_64] : memref<156160x128xf32, #tpu.memory_space<hbm>> -> memref<80x128xf32, #tpu.memory_space<hbm>>
      %dma_start3A_66 = arith.constant 0 : i32
      %dma_start3A_67 = tpu.memref_slice %arg2[%add3A_63, %dma_start3A_66] : memref<156160x128xf32, #tpu.memory_space<hbm>> -> memref<80x128xf32, #tpu.memory_space<hbm>>
      tpu.enqueue_dma source(%dma_start3A_67 : memref<80x128xf32, #tpu.memory_space<hbm>>) target(%arg8 : memref<80x128xf32, #tpu.memory_space<vmem>>) target_semaphore(%arg9 : memref<!tpu.dma_semaphore, #tpu.memory_space<semaphore_mem>>)
      "tpu.region"() ({
        %run_scoped3A_80 = tpu.sem_alloc : memref<!tpu.dma_semaphore, #tpu.memory_space<semaphore_mem>>
        %dma_start3A_81 = arith.constant 0 : i32
        %dma_start3A_82 = tpu.memref_slice %arg5[%mul3A_50, %dma_start3A_81] : memref<61x80xi32, #tpu.memory_space<vmem>> -> memref<1x80xi32, #tpu.memory_space<vmem>>
        %dma_start3A_83 = tpu.memref_squeeze %dma_start3A_82 : memref<1x80xi32, #tpu.memory_space<vmem>> -> memref<80xi32, #tpu.memory_space<vmem>>
        %dma_start3A_84 = arith.constant 0 : i32
        %dma_start3A_85 = arith.constant 0 : i32
        %dma_start3A_86 = tpu.memref_slice %arg11[%dma_start3A_84, %dma_start3A_85] : memref<10000x128xf32, #tpu.memory_space<vmem_shared>> -> memref<10000x128xf32, #tpu.memory_space<vmem_shared>>
        tpu.enqueue_indirect_dma source(%arg6 : memref<80x128xf32, #tpu.memory_space<vmem>>) target(%dma_start3A_86 : memref<10000x128xf32, #tpu.memory_space<vmem_shared>>) offsets(%dma_start3A_83 : memref<80xi32, #tpu.memory_space<vmem>>) semaphore(%run_scoped3A_80 : memref<!tpu.dma_semaphore, #tpu.memory_space<semaphore_mem>>) {add = true}
        %dma_wait3A_87 = arith.constant 0 : i32
        %dma_wait3A_88 = tpu.memref_slice %arg5[%mul3A_50, %dma_wait3A_87] : memref<61x80xi32, #tpu.memory_space<vmem>> -> memref<1x80xi32, #tpu.memory_space<vmem>>
        %dma_wait3A_89 = tpu.memref_squeeze %dma_wait3A_88 : memref<1x80xi32, #tpu.memory_space<vmem>> -> memref<80xi32, #tpu.memory_space<vmem>>
        %dma_wait3A_90 = arith.constant 0 : i32
        %dma_wait3A_91 = arith.constant 0 : i32
        %dma_wait3A_92 = tpu.memref_slice %arg11[%dma_wait3A_90, %dma_wait3A_91] : memref<10000x128xf32, #tpu.memory_space<vmem_shared>> -> memref<10000x128xf32, #tpu.memory_space<vmem_shared>>
        tpu.wait_indirect_dma semaphore(%run_scoped3A_80 : memref<!tpu.dma_semaphore, #tpu.memory_space<semaphore_mem>>) src(%arg6 : memref<80x128xf32, #tpu.memory_space<vmem>>) dst(%dma_wait3A_92 : memref<10000x128xf32, #tpu.memory_space<vmem_shared>>)
        tpu.yield
      }) : () -> ()
      %dma_wait3A_68 = arith.constant 0 : i32
      %dma_wait3A_69 = arith.constant 0 : i32
      %dma_wait3A_70 = tpu.memref_slice %arg2[%dma_wait3A_68, %dma_wait3A_69] : memref<156160x128xf32, #tpu.memory_space<hbm>> -> memref<80x128xf32, #tpu.memory_space<hbm>>
      %dma_wait3A_71 = arith.constant 0 : i32
      %dma_wait3A_72 = arith.constant 0 : i32
      %dma_wait3A_73 = tpu.memref_slice %arg2[%dma_wait3A_71, %dma_wait3A_72] : memref<156160x128xf32, #tpu.memory_space<hbm>> -> memref<80x128xf32, #tpu.memory_space<hbm>>
      tpu.wait_dma2 semaphore(%arg9 : memref<!tpu.dma_semaphore, #tpu.memory_space<semaphore_mem>>) src(%dma_wait3A_73 : memref<80x128xf32, #tpu.memory_space<hbm>>) dst(%arg8 : memref<80x128xf32, #tpu.memory_space<vmem>>)
      %add3A_74 = arith.constant 2 : i32
      %add3A_75 = arith.addi %mul3A_50, %add3A_74 : i32
      %lt3A = arith.constant 61 : i32
      %lt3A_76 = arith.cmpi slt, %add3A_75, %lt3A : i32
      %convert_element_type3A = arith.extui %lt3A_76 : i1 to i32
      %cond3A = arith.constant 0 : i32
      %cond3A_77 = arith.cmpi ne, %convert_element_type3A, %cond3A : i32
      scf.if %cond3A_77 {
        %add3A_80 = arith.constant 2 : i32
        %add3A_81 = arith.addi %mul3A_50, %add3A_80 : i32
        %mul3A_82 = arith.constant 4880 : i32
        %mul3A_83 = arith.muli %add3A, %mul3A_82 : i32
        %mul3A_84 = arith.constant 80 : i32
        %mul3A_85 = arith.muli %add3A_81, %mul3A_84 : i32
        %add3A_86 = arith.addi %mul3A_83, %mul3A_85 : i32
        %dma_start3A_87 = arith.constant 0 : i32
        %dma_start3A_88 = tpu.memref_slice %arg2[%add3A_86, %dma_start3A_87] : memref<156160x128xf32, #tpu.memory_space<hbm>> -> memref<80x128xf32, #tpu.memory_space<hbm>>
        %dma_start3A_89 = arith.constant 0 : i32
        %dma_start3A_90 = tpu.memref_slice %arg2[%add3A_86, %dma_start3A_89] : memref<156160x128xf32, #tpu.memory_space<hbm>> -> memref<80x128xf32, #tpu.memory_space<hbm>>
        tpu.enqueue_dma source(%dma_start3A_90 : memref<80x128xf32, #tpu.memory_space<hbm>>) target(%arg6 : memref<80x128xf32, #tpu.memory_space<vmem>>) target_semaphore(%arg7 : memref<!tpu.dma_semaphore, #tpu.memory_space<semaphore_mem>>)
      } else {
      }
      %add3A_78 = arith.constant 1 : i32
      %add3A_79 = arith.addi %mul3A_50, %add3A_78 : i32
      "tpu.region"() ({
        %run_scoped3A_80 = tpu.sem_alloc : memref<!tpu.dma_semaphore, #tpu.memory_space<semaphore_mem>>
        %dma_start3A_81 = arith.constant 0 : i32
        %dma_start3A_82 = tpu.memref_slice %arg5[%add3A_79, %dma_start3A_81] : memref<61x80xi32, #tpu.memory_space<vmem>> -> memref<1x80xi32, #tpu.memory_space<vmem>>
        %dma_start3A_83 = tpu.memref_squeeze %dma_start3A_82 : memref<1x80xi32, #tpu.memory_space<vmem>> -> memref<80xi32, #tpu.memory_space<vmem>>
        %dma_start3A_84 = arith.constant 0 : i32
        %dma_start3A_85 = arith.constant 0 : i32
        %dma_start3A_86 = tpu.memref_slice %arg11[%dma_start3A_84, %dma_start3A_85] : memref<10000x128xf32, #tpu.memory_space<vmem_shared>> -> memref<10000x128xf32, #tpu.memory_space<vmem_shared>>
        tpu.enqueue_indirect_dma source(%arg8 : memref<80x128xf32, #tpu.memory_space<vmem>>) target(%dma_start3A_86 : memref<10000x128xf32, #tpu.memory_space<vmem_shared>>) offsets(%dma_start3A_83 : memref<80xi32, #tpu.memory_space<vmem>>) semaphore(%run_scoped3A_80 : memref<!tpu.dma_semaphore, #tpu.memory_space<semaphore_mem>>) {add = true}
        %dma_wait3A_87 = arith.constant 0 : i32
        %dma_wait3A_88 = tpu.memref_slice %arg5[%add3A_79, %dma_wait3A_87] : memref<61x80xi32, #tpu.memory_space<vmem>> -> memref<1x80xi32, #tpu.memory_space<vmem>>
        %dma_wait3A_89 = tpu.memref_squeeze %dma_wait3A_88 : memref<1x80xi32, #tpu.memory_space<vmem>> -> memref<80xi32, #tpu.memory_space<vmem>>
        %dma_wait3A_90 = arith.constant 0 : i32
        %dma_wait3A_91 = arith.constant 0 : i32
        %dma_wait3A_92 = tpu.memref_slice %arg11[%dma_wait3A_90, %dma_wait3A_91] : memref<10000x128xf32, #tpu.memory_space<vmem_shared>> -> memref<10000x128xf32, #tpu.memory_space<vmem_shared>>
        tpu.wait_indirect_dma semaphore(%run_scoped3A_80 : memref<!tpu.dma_semaphore, #tpu.memory_space<semaphore_mem>>) src(%arg8 : memref<80x128xf32, #tpu.memory_space<vmem>>) dst(%dma_wait3A_92 : memref<10000x128xf32, #tpu.memory_space<vmem_shared>>)
        tpu.yield
      }) : () -> ()
    }
    %scan3A_31 = arith.constant 30 : i32
    %dma_wait3A = arith.constant 0 : i32
    %dma_wait3A_32 = arith.constant 0 : i32
    %dma_wait3A_33 = tpu.memref_slice %arg2[%dma_wait3A, %dma_wait3A_32] : memref<156160x128xf32, #tpu.memory_space<hbm>> -> memref<80x128xf32, #tpu.memory_space<hbm>>
    %dma_wait3A_34 = arith.constant 0 : i32
    %dma_wait3A_35 = arith.constant 0 : i32
    %dma_wait3A_36 = tpu.memref_slice %arg2[%dma_wait3A_34, %dma_wait3A_35] : memref<156160x128xf32, #tpu.memory_space<hbm>> -> memref<80x128xf32, #tpu.memory_space<hbm>>
    tpu.wait_dma2 semaphore(%arg7 : memref<!tpu.dma_semaphore, #tpu.memory_space<semaphore_mem>>) src(%dma_wait3A_36 : memref<80x128xf32, #tpu.memory_space<hbm>>) dst(%arg6 : memref<80x128xf32, #tpu.memory_space<vmem>>)
    %run_scoped3A = arith.constant 60 : i32
    "tpu.region"() ({
      %run_scoped3A_48 = tpu.sem_alloc : memref<!tpu.dma_semaphore, #tpu.memory_space<semaphore_mem>>
      %dma_start3A_49 = arith.constant 0 : i32
      %dma_start3A_50 = tpu.memref_slice %arg5[%run_scoped3A, %dma_start3A_49] : memref<61x80xi32, #tpu.memory_space<vmem>> -> memref<1x80xi32, #tpu.memory_space<vmem>>
      %dma_start3A_51 = tpu.memref_squeeze %dma_start3A_50 : memref<1x80xi32, #tpu.memory_space<vmem>> -> memref<80xi32, #tpu.memory_space<vmem>>
      %dma_start3A_52 = arith.constant 0 : i32
      %dma_start3A_53 = arith.constant 0 : i32
      %dma_start3A_54 = tpu.memref_slice %arg11[%dma_start3A_52, %dma_start3A_53] : memref<10000x128xf32, #tpu.memory_space<vmem_shared>> -> memref<10000x128xf32, #tpu.memory_space<vmem_shared>>
      tpu.enqueue_indirect_dma source(%arg6 : memref<80x128xf32, #tpu.memory_space<vmem>>) target(%dma_start3A_54 : memref<10000x128xf32, #tpu.memory_space<vmem_shared>>) offsets(%dma_start3A_51 : memref<80xi32, #tpu.memory_space<vmem>>) semaphore(%run_scoped3A_48 : memref<!tpu.dma_semaphore, #tpu.memory_space<semaphore_mem>>) {add = true}
      %dma_wait3A_55 = arith.constant 0 : i32
      %dma_wait3A_56 = tpu.memref_slice %arg5[%run_scoped3A, %dma_wait3A_55] : memref<61x80xi32, #tpu.memory_space<vmem>> -> memref<1x80xi32, #tpu.memory_space<vmem>>
      %dma_wait3A_57 = tpu.memref_squeeze %dma_wait3A_56 : memref<1x80xi32, #tpu.memory_space<vmem>> -> memref<80xi32, #tpu.memory_space<vmem>>
      %dma_wait3A_58 = arith.constant 0 : i32
      %dma_wait3A_59 = arith.constant 0 : i32
      %dma_wait3A_60 = tpu.memref_slice %arg11[%dma_wait3A_58, %dma_wait3A_59] : memref<10000x128xf32, #tpu.memory_space<vmem_shared>> -> memref<10000x128xf32, #tpu.memory_space<vmem_shared>>
      tpu.wait_indirect_dma semaphore(%run_scoped3A_48 : memref<!tpu.dma_semaphore, #tpu.memory_space<semaphore_mem>>) src(%arg6 : memref<80x128xf32, #tpu.memory_space<vmem>>) dst(%dma_wait3A_60 : memref<10000x128xf32, #tpu.memory_space<vmem_shared>>)
      tpu.yield
    }) : () -> ()
    %barrier3A_37 = arith.constant 0 : index
    tpu.barrier barrier_id(%barrier3A_37)
    %while3A_38 = arith.constant 0 : i32
    %while3A_39 = arith.constant 0 : i32
    %while3A_40 = arith.subi %min3A_4, %while3A_39 : i32
    %while3A_41 = arith.addi %while3A_39, %while3A_40 : i32
    %while3A_42 = arith.constant 1 : i32
    %while3A_43 = arith.divsi %while3A_40, %while3A_42 : i32
    %while3A_44 = arith.muli %while3A_43, %while3A_42 : i32
    %while3A_45 = arith.addi %while3A_39, %while3A_44 : i32
    %while3A_46 = arith.constant 1 : i32
    scf.for %while3A_48 = %while3A_39 to %while3A_45 step %while3A_46  : i32 {
      %add3A_49 = arith.addi %mul3A_2, %while3A_48 : i32
      %mul3A_50 = arith.constant 80 : i32
      %mul3A_51 = arith.muli %add3A_49, %mul3A_50 : i32
      "tpu.region"() ({
        %run_scoped3A_52 = tpu.sem_alloc : memref<!tpu.dma_semaphore, #tpu.memory_space<semaphore_mem>>
        %dma_start3A_53 = arith.constant 0 : i32
        %dma_start3A_54 = tpu.memref_slice %arg11[%mul3A_51, %dma_start3A_53] : memref<10000x128xf32, #tpu.memory_space<vmem_shared>> -> memref<80x128xf32, #tpu.memory_space<vmem_shared>>
        %dma_start3A_55 = arith.constant 0 : i32
        %dma_start3A_56 = tpu.memref_slice %arg11[%mul3A_51, %dma_start3A_55] : memref<10000x128xf32, #tpu.memory_space<vmem_shared>> -> memref<80x128xf32, #tpu.memory_space<vmem_shared>>
        tpu.enqueue_dma source(%dma_start3A_56 : memref<80x128xf32, #tpu.memory_space<vmem_shared>>) target(%arg10 : memref<80x128xf32, #tpu.memory_space<vmem>>) target_semaphore(%run_scoped3A_52 : memref<!tpu.dma_semaphore, #tpu.memory_space<semaphore_mem>>)
        %dma_wait3A_57 = arith.constant 0 : i32
        %dma_wait3A_58 = tpu.memref_slice %arg11[%mul3A_51, %dma_wait3A_57] : memref<10000x128xf32, #tpu.memory_space<vmem_shared>> -> memref<80x128xf32, #tpu.memory_space<vmem_shared>>
        %dma_wait3A_59 = arith.constant 0 : i32
        %dma_wait3A_60 = tpu.memref_slice %arg11[%mul3A_51, %dma_wait3A_59] : memref<10000x128xf32, #tpu.memory_space<vmem_shared>> -> memref<80x128xf32, #tpu.memory_space<vmem_shared>>
        tpu.wait_dma2 semaphore(%run_scoped3A_52 : memref<!tpu.dma_semaphore, #tpu.memory_space<semaphore_mem>>) src(%dma_wait3A_60 : memref<80x128xf32, #tpu.memory_space<vmem_shared>>) dst(%arg10 : memref<80x128xf32, #tpu.memory_space<vmem>>)
        tpu.yield
      }) : () -> ()
      "tpu.region"() ({
        %run_scoped3A_52 = tpu.sem_alloc : memref<!tpu.dma_semaphore, #tpu.memory_space<semaphore_mem>>
        %dma_start3A_53 = arith.constant 0 : i32
        %dma_start3A_54 = tpu.memref_slice %arg4[%arg0, %mul3A_51, %dma_start3A_53] : memref<2x10000x128xf32, #tpu.memory_space<hbm>> -> memref<1x80x128xf32, #tpu.memory_space<hbm>>
        %dma_start3A_55 = tpu.memref_squeeze %dma_start3A_54 : memref<1x80x128xf32, #tpu.memory_space<hbm>> -> memref<80x128xf32, #tpu.memory_space<hbm>>
        %dma_start3A_56 = arith.constant 0 : i32
        %dma_start3A_57 = tpu.memref_slice %arg4[%arg0, %mul3A_51, %dma_start3A_56] : memref<2x10000x128xf32, #tpu.memory_space<hbm>> -> memref<1x80x128xf32, #tpu.memory_space<hbm>>
        %dma_start3A_58 = tpu.memref_squeeze %dma_start3A_57 : memref<1x80x128xf32, #tpu.memory_space<hbm>> -> memref<80x128xf32, #tpu.memory_space<hbm>>
        tpu.enqueue_dma source(%arg10 : memref<80x128xf32, #tpu.memory_space<vmem>>) target(%dma_start3A_58 : memref<80x128xf32, #tpu.memory_space<hbm>>) target_semaphore(%run_scoped3A_52 : memref<!tpu.dma_semaphore, #tpu.memory_space<semaphore_mem>>)
        %dma_wait3A_59 = arith.constant 0 : i32
        %dma_wait3A_60 = tpu.memref_slice %arg4[%arg0, %mul3A_51, %dma_wait3A_59] : memref<2x10000x128xf32, #tpu.memory_space<hbm>> -> memref<1x80x128xf32, #tpu.memory_space<hbm>>
        %dma_wait3A_61 = tpu.memref_squeeze %dma_wait3A_60 : memref<1x80x128xf32, #tpu.memory_space<hbm>> -> memref<80x128xf32, #tpu.memory_space<hbm>>
        %dma_wait3A_62 = arith.constant 0 : i32
        %dma_wait3A_63 = tpu.memref_slice %arg4[%arg0, %mul3A_51, %dma_wait3A_62] : memref<2x10000x128xf32, #tpu.memory_space<hbm>> -> memref<1x80x128xf32, #tpu.memory_space<hbm>>
        %dma_wait3A_64 = tpu.memref_squeeze %dma_wait3A_63 : memref<1x80x128xf32, #tpu.memory_space<hbm>> -> memref<80x128xf32, #tpu.memory_space<hbm>>
        tpu.wait_dma2 semaphore(%run_scoped3A_52 : memref<!tpu.dma_semaphore, #tpu.memory_space<semaphore_mem>>) src(%arg10 : memref<80x128xf32, #tpu.memory_space<vmem>>) dst(%dma_wait3A_64 : memref<80x128xf32, #tpu.memory_space<hbm>>)
        tpu.yield
      }) : () -> ()
    }
    %while3A_47 = arith.constant 1 : i32
    scf.for %while3A_48 = %while3A_45 to %while3A_41 step %while3A_47  : i32 {
      %add3A_49 = arith.addi %mul3A_2, %while3A_48 : i32
      %mul3A_50 = arith.constant 80 : i32
      %mul3A_51 = arith.muli %add3A_49, %mul3A_50 : i32
      "tpu.region"() ({
        %run_scoped3A_52 = tpu.sem_alloc : memref<!tpu.dma_semaphore, #tpu.memory_space<semaphore_mem>>
        %dma_start3A_53 = arith.constant 0 : i32
        %dma_start3A_54 = tpu.memref_slice %arg11[%mul3A_51, %dma_start3A_53] : memref<10000x128xf32, #tpu.memory_space<vmem_shared>> -> memref<80x128xf32, #tpu.memory_space<vmem_shared>>
        %dma_start3A_55 = arith.constant 0 : i32
        %dma_start3A_56 = tpu.memref_slice %arg11[%mul3A_51, %dma_start3A_55] : memref<10000x128xf32, #tpu.memory_space<vmem_shared>> -> memref<80x128xf32, #tpu.memory_space<vmem_shared>>
        tpu.enqueue_dma source(%dma_start3A_56 : memref<80x128xf32, #tpu.memory_space<vmem_shared>>) target(%arg10 : memref<80x128xf32, #tpu.memory_space<vmem>>) target_semaphore(%run_scoped3A_52 : memref<!tpu.dma_semaphore, #tpu.memory_space<semaphore_mem>>)
        %dma_wait3A_57 = arith.constant 0 : i32
        %dma_wait3A_58 = tpu.memref_slice %arg11[%mul3A_51, %dma_wait3A_57] : memref<10000x128xf32, #tpu.memory_space<vmem_shared>> -> memref<80x128xf32, #tpu.memory_space<vmem_shared>>
        %dma_wait3A_59 = arith.constant 0 : i32
        %dma_wait3A_60 = tpu.memref_slice %arg11[%mul3A_51, %dma_wait3A_59] : memref<10000x128xf32, #tpu.memory_space<vmem_shared>> -> memref<80x128xf32, #tpu.memory_space<vmem_shared>>
        tpu.wait_dma2 semaphore(%run_scoped3A_52 : memref<!tpu.dma_semaphore, #tpu.memory_space<semaphore_mem>>) src(%dma_wait3A_60 : memref<80x128xf32, #tpu.memory_space<vmem_shared>>) dst(%arg10 : memref<80x128xf32, #tpu.memory_space<vmem>>)
        tpu.yield
      }) : () -> ()
      "tpu.region"() ({
        %run_scoped3A_52 = tpu.sem_alloc : memref<!tpu.dma_semaphore, #tpu.memory_space<semaphore_mem>>
        %dma_start3A_53 = arith.constant 0 : i32
        %dma_start3A_54 = tpu.memref_slice %arg4[%arg0, %mul3A_51, %dma_start3A_53] : memref<2x10000x128xf32, #tpu.memory_space<hbm>> -> memref<1x80x128xf32, #tpu.memory_space<hbm>>
        %dma_start3A_55 = tpu.memref_squeeze %dma_start3A_54 : memref<1x80x128xf32, #tpu.memory_space<hbm>> -> memref<80x128xf32, #tpu.memory_space<hbm>>
        %dma_start3A_56 = arith.constant 0 : i32
        %dma_start3A_57 = tpu.memref_slice %arg4[%arg0, %mul3A_51, %dma_start3A_56] : memref<2x10000x128xf32, #tpu.memory_space<hbm>> -> memref<1x80x128xf32, #tpu.memory_space<hbm>>
        %dma_start3A_58 = tpu.memref_squeeze %dma_start3A_57 : memref<1x80x128xf32, #tpu.memory_space<hbm>> -> memref<80x128xf32, #tpu.memory_space<hbm>>
        tpu.enqueue_dma source(%arg10 : memref<80x128xf32, #tpu.memory_space<vmem>>) target(%dma_start3A_58 : memref<80x128xf32, #tpu.memory_space<hbm>>) target_semaphore(%run_scoped3A_52 : memref<!tpu.dma_semaphore, #tpu.memory_space<semaphore_mem>>)
        %dma_wait3A_59 = arith.constant 0 : i32
        %dma_wait3A_60 = tpu.memref_slice %arg4[%arg0, %mul3A_51, %dma_wait3A_59] : memref<2x10000x128xf32, #tpu.memory_space<hbm>> -> memref<1x80x128xf32, #tpu.memory_space<hbm>>
        %dma_wait3A_61 = tpu.memref_squeeze %dma_wait3A_60 : memref<1x80x128xf32, #tpu.memory_space<hbm>> -> memref<80x128xf32, #tpu.memory_space<hbm>>
        %dma_wait3A_62 = arith.constant 0 : i32
        %dma_wait3A_63 = tpu.memref_slice %arg4[%arg0, %mul3A_51, %dma_wait3A_62] : memref<2x10000x128xf32, #tpu.memory_space<hbm>> -> memref<1x80x128xf32, #tpu.memory_space<hbm>>
        %dma_wait3A_64 = tpu.memref_squeeze %dma_wait3A_63 : memref<1x80x128xf32, #tpu.memory_space<hbm>> -> memref<80x128xf32, #tpu.memory_space<hbm>>
        tpu.wait_dma2 semaphore(%run_scoped3A_52 : memref<!tpu.dma_semaphore, #tpu.memory_space<semaphore_mem>>) src(%arg10 : memref<80x128xf32, #tpu.memory_space<vmem>>) dst(%dma_wait3A_64 : memref<80x128xf32, #tpu.memory_space<hbm>>)
        tpu.yield
      }) : () -> ()
    }
    return
  }
}

module attributes {stable_mosaic.version = 14 : i64} {
  func.func @_p1_body(%arg0: memref<10000x128xf32, #tpu.memory_space<vmem>>, %arg1: memref<128x64xf32, #tpu.memory_space<vmem>>, %arg2: memref<1x64xf32, #tpu.memory_space<vmem>>, %arg3: memref<128x64xf32, #tpu.memory_space<vmem>>, %arg4: memref<1x64xf32, #tpu.memory_space<vmem>>, %arg5: memref<128x64xf32, #tpu.memory_space<vmem>>, %arg6: memref<1x64xf32, #tpu.memory_space<vmem>>, %arg7: memref<10000x128xf32, #tpu.memory_space<vmem>>, %arg8: memref<10000x64xf32, #tpu.memory_space<vmem>>) attributes {dimension_semantics = [], scalar_prefetch = 0 : i64, scratch_operands = 0 : i64, tpu.core_type = #tpu.core_type<tc>} {
    %get3A = arith.constant 0 : index
    %get3A_0 = arith.constant 0 : index
    %get3A_1 = vector.load %arg0[%get3A, %get3A_0] : memref<10000x128xf32, #tpu.memory_space<vmem>>, vector<10000x128xf32>
    %get3A_2 = arith.constant 0 : index
    %get3A_3 = arith.constant 0 : index
    %get3A_4 = vector.load %arg1[%get3A_2, %get3A_3] : memref<128x64xf32, #tpu.memory_space<vmem>>, vector<128x64xf32>
    %dot_general3A = arith.constant dense<0.000000e+00> : vector<10000x64xf32>
    %dot_general3A_5 = tpu.matmul %get3A_1, %get3A_4, %dot_general3A {dimension_numbers = #tpu.dot_dimension_numbers<[1], [0], [0], [1], [0, 0, 1, 1], [], []>, transpose_lhs_hint = false} : vector<10000x128xf32>, vector<128x64xf32>, vector<10000x64xf32> -> vector<10000x64xf32>
    %get3A_6 = arith.constant 0 : index
    %get3A_7 = arith.constant 0 : index
    %get3A_8 = vector.load %arg2[%get3A_6, %get3A_7] : memref<1x64xf32, #tpu.memory_space<vmem>>, vector<1x64xf32>
    %add3A = vector.broadcast %get3A_8 : vector<1x64xf32> to vector<10000x64xf32>
    %add3A_9 = arith.addf %dot_general3A_5, %add3A : vector<10000x64xf32>
    %get3A_10 = arith.constant 0 : index
    %get3A_11 = arith.constant 0 : index
    %get3A_12 = vector.load %arg3[%get3A_10, %get3A_11] : memref<128x64xf32, #tpu.memory_space<vmem>>, vector<128x64xf32>
    %dot_general3A_13 = arith.constant dense<0.000000e+00> : vector<10000x64xf32>
    %dot_general3A_14 = tpu.matmul %get3A_1, %get3A_12, %dot_general3A_13 {dimension_numbers = #tpu.dot_dimension_numbers<[1], [0], [0], [1], [0, 0, 1, 1], [], []>, transpose_lhs_hint = false} : vector<10000x128xf32>, vector<128x64xf32>, vector<10000x64xf32> -> vector<10000x64xf32>
    %get3A_15 = arith.constant 0 : index
    %get3A_16 = arith.constant 0 : index
    %get3A_17 = vector.load %arg4[%get3A_15, %get3A_16] : memref<1x64xf32, #tpu.memory_space<vmem>>, vector<1x64xf32>
    %add3A_18 = vector.broadcast %get3A_17 : vector<1x64xf32> to vector<10000x64xf32>
    %add3A_19 = arith.addf %dot_general3A_14, %add3A_18 : vector<10000x64xf32>
    %concatenate3A = tpu.concatenate %add3A_9, %add3A_19 in 1 : vector<10000x64xf32>, vector<10000x64xf32> -> vector<10000x128xf32>
    %swap3A = arith.constant 0 : index
    %swap3A_20 = arith.constant 0 : index
    %swap3A_21 = vector.load %arg7[%swap3A, %swap3A_20] : memref<10000x128xf32, #tpu.memory_space<vmem>>, vector<10000x128xf32>
    tpu.vector_store %arg7[%swap3A, %swap3A_20], %concatenate3A {strides = array<i32>} : memref<10000x128xf32, #tpu.memory_space<vmem>>, vector<10000x128xf32>,
    %get3A_22 = arith.constant 0 : index
    %get3A_23 = arith.constant 0 : index
    %get3A_24 = vector.load %arg5[%get3A_22, %get3A_23] : memref<128x64xf32, #tpu.memory_space<vmem>>, vector<128x64xf32>
    %dot_general3A_25 = arith.constant dense<0.000000e+00> : vector<10000x64xf32>
    %dot_general3A_26 = tpu.matmul %get3A_1, %get3A_24, %dot_general3A_25 {dimension_numbers = #tpu.dot_dimension_numbers<[1], [0], [0], [1], [0, 0, 1, 1], [], []>, transpose_lhs_hint = false} : vector<10000x128xf32>, vector<128x64xf32>, vector<10000x64xf32> -> vector<10000x64xf32>
    %get3A_27 = arith.constant 0 : index
    %get3A_28 = arith.constant 0 : index
    %get3A_29 = vector.load %arg6[%get3A_27, %get3A_28] : memref<1x64xf32, #tpu.memory_space<vmem>>, vector<1x64xf32>
    %add3A_30 = vector.broadcast %get3A_29 : vector<1x64xf32> to vector<10000x64xf32>
    %add3A_31 = arith.addf %dot_general3A_26, %add3A_30 : vector<10000x64xf32>
    %max3A = arith.constant 0.000000e+00 : f32
    %max3A_32 = vector.broadcast %max3A : f32 to vector<10000x64xf32>
    %max3A_33 = arith.maximumf %add3A_31, %max3A_32 : vector<10000x64xf32>
    %swap3A_34 = arith.constant 0 : index
    %swap3A_35 = arith.constant 0 : index
    %swap3A_36 = vector.load %arg8[%swap3A_34, %swap3A_35] : memref<10000x64xf32, #tpu.memory_space<vmem>>, vector<10000x64xf32>
    tpu.vector_store %arg8[%swap3A_34, %swap3A_35], %max3A_33 {strides = array<i32>} : memref<10000x64xf32, #tpu.memory_space<vmem>>, vector<10000x64xf32>,
    return
  }
}

module attributes {stable_mosaic.version = 14 : i64} {
  func.func @_p3_body(%arg0: i32, %arg1: memref<2560x16xf32, #tpu.memory_space<vmem>>, %arg2: memref<2560x128xf32, #tpu.memory_space<vmem>>, %arg3: memref<16x64xf32, #tpu.memory_space<vmem>>, %arg4: memref<1x64xf32, #tpu.memory_space<vmem>>, %arg5: memref<128x64xf32, #tpu.memory_space<vmem>>, %arg6: memref<64x64xf32, #tpu.memory_space<vmem>>, %arg7: memref<1x64xf32, #tpu.memory_space<vmem>>, %arg8: memref<16x64xf32, #tpu.memory_space<vmem>>, %arg9: memref<1x64xf32, #tpu.memory_space<vmem>>, %arg10: memref<64x64xf32, #tpu.memory_space<vmem>>, %arg11: memref<1x64xf32, #tpu.memory_space<vmem>>, %arg12: memref<2560x128xf32, #tpu.memory_space<vmem>>) attributes {dimension_semantics = [#tpu.dimension_semantics<arbitrary>], iteration_bounds = array<i64: 64>, scalar_prefetch = 0 : i64, scratch_operands = 0 : i64, tpu.core_type = #tpu.core_type<tc>, window_params = [{transform_indices = @transform_0, window_bounds = array<i64: 2560, 16>}, {transform_indices = @transform_1, window_bounds = array<i64: 2560, 128>}, {pipeline_mode = #tpu.pipeline_mode<synchronous>, transform_indices = @transform_2, window_bounds = array<i64: 16, 64>}, {pipeline_mode = #tpu.pipeline_mode<synchronous>, transform_indices = @transform_3, window_bounds = array<i64: 1, 64>}, {pipeline_mode = #tpu.pipeline_mode<synchronous>, transform_indices = @transform_4, window_bounds = array<i64: 128, 64>}, {pipeline_mode = #tpu.pipeline_mode<synchronous>, transform_indices = @transform_5, window_bounds = array<i64: 64, 64>}, {pipeline_mode = #tpu.pipeline_mode<synchronous>, transform_indices = @transform_6, window_bounds = array<i64: 1, 64>}, {pipeline_mode = #tpu.pipeline_mode<synchronous>, transform_indices = @transform_7, window_bounds = array<i64: 16, 64>}, {pipeline_mode = #tpu.pipeline_mode<synchronous>, transform_indices = @transform_8, window_bounds = array<i64: 1, 64>}, {pipeline_mode = #tpu.pipeline_mode<synchronous>, transform_indices = @transform_9, window_bounds = array<i64: 64, 64>}, {pipeline_mode = #tpu.pipeline_mode<synchronous>, transform_indices = @transform_10, window_bounds = array<i64: 1, 64>}, {transform_indices = @transform_11, window_bounds = array<i64: 2560, 128>}]} {
    %get3A = arith.constant 0 : index
    %get3A_0 = arith.constant 0 : index
    %get3A_1 = vector.load %arg1[%get3A, %get3A_0] : memref<2560x16xf32, #tpu.memory_space<vmem>>, vector<2560x16xf32>
    %get3A_2 = arith.constant 0 : index
    %get3A_3 = arith.constant 0 : index
    %get3A_4 = vector.load %arg2[%get3A_2, %get3A_3] : memref<2560x128xf32, #tpu.memory_space<vmem>>, vector<2560x128xf32>
    %get3A_5 = arith.constant 0 : index
    %get3A_6 = arith.constant 0 : index
    %get3A_7 = vector.load %arg3[%get3A_5, %get3A_6] : memref<16x64xf32, #tpu.memory_space<vmem>>, vector<16x64xf32>
    %dot_general3A = arith.constant dense<0.000000e+00> : vector<2560x64xf32>
    %dot_general3A_8 = tpu.matmul %get3A_1, %get3A_7, %dot_general3A {dimension_numbers = #tpu.dot_dimension_numbers<[1], [0], [0], [1], [0, 0, 1, 1], [], []>, transpose_lhs_hint = false} : vector<2560x16xf32>, vector<16x64xf32>, vector<2560x64xf32> -> vector<2560x64xf32>
    %get3A_9 = arith.constant 0 : index
    %get3A_10 = arith.constant 0 : index
    %get3A_11 = vector.load %arg4[%get3A_9, %get3A_10] : memref<1x64xf32, #tpu.memory_space<vmem>>, vector<1x64xf32>
    %add3A = vector.broadcast %get3A_11 : vector<1x64xf32> to vector<2560x64xf32>
    %add3A_12 = arith.addf %dot_general3A_8, %add3A : vector<2560x64xf32>
    %max3A = arith.constant 0.000000e+00 : f32
    %max3A_13 = vector.broadcast %max3A : f32 to vector<2560x64xf32>
    %max3A_14 = arith.maximumf %add3A_12, %max3A_13 : vector<2560x64xf32>
    %get3A_15 = arith.constant 0 : index
    %get3A_16 = arith.constant 0 : index
    %get3A_17 = vector.load %arg5[%get3A_15, %get3A_16] : memref<128x64xf32, #tpu.memory_space<vmem>>, vector<128x64xf32>
    %dot_general3A_18 = arith.constant dense<0.000000e+00> : vector<2560x64xf32>
    %dot_general3A_19 = tpu.matmul %get3A_4, %get3A_17, %dot_general3A_18 {dimension_numbers = #tpu.dot_dimension_numbers<[1], [0], [0], [1], [0, 0, 1, 1], [], []>, transpose_lhs_hint = false} : vector<2560x128xf32>, vector<128x64xf32>, vector<2560x64xf32> -> vector<2560x64xf32>
    %get3A_20 = arith.constant 0 : index
    %get3A_21 = arith.constant 0 : index
    %get3A_22 = vector.load %arg6[%get3A_20, %get3A_21] : memref<64x64xf32, #tpu.memory_space<vmem>>, vector<64x64xf32>
    %dot_general3A_23 = arith.constant dense<0.000000e+00> : vector<2560x64xf32>
    %dot_general3A_24 = tpu.matmul %max3A_14, %get3A_22, %dot_general3A_23 {dimension_numbers = #tpu.dot_dimension_numbers<[1], [0], [0], [1], [0, 0, 1, 1], [], []>, transpose_lhs_hint = false} : vector<2560x64xf32>, vector<64x64xf32>, vector<2560x64xf32> -> vector<2560x64xf32>
    %add3A_25 = arith.addf %dot_general3A_19, %dot_general3A_24 : vector<2560x64xf32>
    %get3A_26 = arith.constant 0 : index
    %get3A_27 = arith.constant 0 : index
    %get3A_28 = vector.load %arg7[%get3A_26, %get3A_27] : memref<1x64xf32, #tpu.memory_space<vmem>>, vector<1x64xf32>
    %add3A_29 = vector.broadcast %get3A_28 : vector<1x64xf32> to vector<2560x64xf32>
    %add3A_30 = arith.addf %add3A_25, %add3A_29 : vector<2560x64xf32>
    %max3A_31 = arith.constant 0.000000e+00 : f32
    %max3A_32 = vector.broadcast %max3A_31 : f32 to vector<2560x64xf32>
    %max3A_33 = arith.maximumf %add3A_30, %max3A_32 : vector<2560x64xf32>
    %get3A_34 = arith.constant 0 : index
    %get3A_35 = arith.constant 0 : index
    %get3A_36 = vector.load %arg8[%get3A_34, %get3A_35] : memref<16x64xf32, #tpu.memory_space<vmem>>, vector<16x64xf32>
    %dot_general3A_37 = arith.constant dense<0.000000e+00> : vector<2560x64xf32>
    %dot_general3A_38 = tpu.matmul %get3A_1, %get3A_36, %dot_general3A_37 {dimension_numbers = #tpu.dot_dimension_numbers<[1], [0], [0], [1], [0, 0, 1, 1], [], []>, transpose_lhs_hint = false} : vector<2560x16xf32>, vector<16x64xf32>, vector<2560x64xf32> -> vector<2560x64xf32>
    %get3A_39 = arith.constant 0 : index
    %get3A_40 = arith.constant 0 : index
    %get3A_41 = vector.load %arg9[%get3A_39, %get3A_40] : memref<1x64xf32, #tpu.memory_space<vmem>>, vector<1x64xf32>
    %add3A_42 = vector.broadcast %get3A_41 : vector<1x64xf32> to vector<2560x64xf32>
    %add3A_43 = arith.addf %dot_general3A_38, %add3A_42 : vector<2560x64xf32>
    %max3A_44 = arith.constant 0.000000e+00 : f32
    %max3A_45 = vector.broadcast %max3A_44 : f32 to vector<2560x64xf32>
    %max3A_46 = arith.maximumf %add3A_43, %max3A_45 : vector<2560x64xf32>
    %get3A_47 = arith.constant 0 : index
    %get3A_48 = arith.constant 0 : index
    %get3A_49 = vector.load %arg10[%get3A_47, %get3A_48] : memref<64x64xf32, #tpu.memory_space<vmem>>, vector<64x64xf32>
    %dot_general3A_50 = arith.constant dense<0.000000e+00> : vector<2560x64xf32>
    %dot_general3A_51 = tpu.matmul %max3A_33, %get3A_49, %dot_general3A_50 {dimension_numbers = #tpu.dot_dimension_numbers<[1], [0], [0], [1], [0, 0, 1, 1], [], []>, transpose_lhs_hint = false} : vector<2560x64xf32>, vector<64x64xf32>, vector<2560x64xf32> -> vector<2560x64xf32>
    %get3A_52 = arith.constant 0 : index
    %get3A_53 = arith.constant 0 : index
    %get3A_54 = vector.load %arg11[%get3A_52, %get3A_53] : memref<1x64xf32, #tpu.memory_space<vmem>>, vector<1x64xf32>
    %add3A_55 = vector.broadcast %get3A_54 : vector<1x64xf32> to vector<2560x64xf32>
    %add3A_56 = arith.addf %dot_general3A_51, %add3A_55 : vector<2560x64xf32>
    %max3A_57 = arith.constant 0.000000e+00 : f32
    %max3A_58 = vector.broadcast %max3A_57 : f32 to vector<2560x64xf32>
    %max3A_59 = arith.maximumf %add3A_56, %max3A_58 : vector<2560x64xf32>
    %concatenate3A = tpu.concatenate %max3A_46, %max3A_59 in 1 : vector<2560x64xf32>, vector<2560x64xf32> -> vector<2560x128xf32>
    %swap3A = arith.constant 0 : index
    %swap3A_60 = arith.constant 0 : index
    %swap3A_61 = vector.load %arg12[%swap3A, %swap3A_60] : memref<2560x128xf32, #tpu.memory_space<vmem>>, vector<2560x128xf32>
    tpu.vector_store %arg12[%swap3A, %swap3A_60], %concatenate3A {strides = array<i32>} : memref<2560x128xf32, #tpu.memory_space<vmem>>, vector<2560x128xf32>,
    return
  }
  func.func @transform_0(%arg0: i32) -> (i32, i32) {
    %c0_i32 = arith.constant 0 : i32
    %c0_i32_0 = arith.constant 0 : i32
    return %arg0, %c0_i32 : i32, i32
  }
  func.func @transform_1(%arg0: i32) -> (i32, i32) {
    %c0_i32 = arith.constant 0 : i32
    %c0_i32_0 = arith.constant 0 : i32
    return %arg0, %c0_i32 : i32, i32
  }
  func.func @transform_2(%arg0: i32) -> (i32, i32) {
    %c0_i32 = arith.constant 0 : i32
    %c0_i32_0 = arith.constant 0 : i32
    %c0_i32_1 = arith.constant 0 : i32
    return %c0_i32, %c0_i32_0 : i32, i32
  }
  func.func @transform_3(%arg0: i32) -> (i32, i32) {
    %c0_i32 = arith.constant 0 : i32
    %c0_i32_0 = arith.constant 0 : i32
    %c0_i32_1 = arith.constant 0 : i32
    return %c0_i32, %c0_i32_0 : i32, i32
  }
  func.func @transform_4(%arg0: i32) -> (i32, i32) {
    %c0_i32 = arith.constant 0 : i32
    %c0_i32_0 = arith.constant 0 : i32
    %c0_i32_1 = arith.constant 0 : i32
    return %c0_i32, %c0_i32_0 : i32, i32
  }
  func.func @transform_5(%arg0: i32) -> (i32, i32) {
    %c0_i32 = arith.constant 0 : i32
    %c0_i32_0 = arith.constant 0 : i32
    %c0_i32_1 = arith.constant 0 : i32
    return %c0_i32, %c0_i32_0 : i32, i32
  }
  func.func @transform_6(%arg0: i32) -> (i32, i32) {
    %c0_i32 = arith.constant 0 : i32
    %c0_i32_0 = arith.constant 0 : i32
    %c0_i32_1 = arith.constant 0 : i32
    return %c0_i32, %c0_i32_0 : i32, i32
  }
  func.func @transform_7(%arg0: i32) -> (i32, i32) {
    %c0_i32 = arith.constant 0 : i32
    %c0_i32_0 = arith.constant 0 : i32
    %c0_i32_1 = arith.constant 0 : i32
    return %c0_i32, %c0_i32_0 : i32, i32
  }
  func.func @transform_8(%arg0: i32) -> (i32, i32) {
    %c0_i32 = arith.constant 0 : i32
    %c0_i32_0 = arith.constant 0 : i32
    %c0_i32_1 = arith.constant 0 : i32
    return %c0_i32, %c0_i32_0 : i32, i32
  }
  func.func @transform_9(%arg0: i32) -> (i32, i32) {
    %c0_i32 = arith.constant 0 : i32
    %c0_i32_0 = arith.constant 0 : i32
    %c0_i32_1 = arith.constant 0 : i32
    return %c0_i32, %c0_i32_0 : i32, i32
  }
  func.func @transform_10(%arg0: i32) -> (i32, i32) {
    %c0_i32 = arith.constant 0 : i32
    %c0_i32_0 = arith.constant 0 : i32
    %c0_i32_1 = arith.constant 0 : i32
    return %c0_i32, %c0_i32_0 : i32, i32
  }
  func.func @transform_11(%arg0: i32) -> (i32, i32) {
    %c0_i32 = arith.constant 0 : i32
    %c0_i32_0 = arith.constant 0 : i32
    return %arg0, %c0_i32 : i32, i32
  }
}

module attributes {stable_mosaic.version = 14 : i64} {
  func.func @_p3_body(%arg0: i32, %arg1: memref<2560x16xf32, #tpu.memory_space<vmem>>, %arg2: memref<2560x128xf32, #tpu.memory_space<vmem>>, %arg3: memref<16x64xf32, #tpu.memory_space<vmem>>, %arg4: memref<1x64xf32, #tpu.memory_space<vmem>>, %arg5: memref<128x64xf32, #tpu.memory_space<vmem>>, %arg6: memref<64x64xf32, #tpu.memory_space<vmem>>, %arg7: memref<1x64xf32, #tpu.memory_space<vmem>>, %arg8: memref<16x64xf32, #tpu.memory_space<vmem>>, %arg9: memref<1x64xf32, #tpu.memory_space<vmem>>, %arg10: memref<64x64xf32, #tpu.memory_space<vmem>>, %arg11: memref<1x64xf32, #tpu.memory_space<vmem>>, %arg12: memref<2560x128xf32, #tpu.memory_space<vmem>>) attributes {dimension_semantics = [#tpu.dimension_semantics<arbitrary>], iteration_bounds = array<i64: 61>, scalar_prefetch = 0 : i64, scratch_operands = 0 : i64, tpu.core_type = #tpu.core_type<tc>, window_params = [{transform_indices = @transform_0, window_bounds = array<i64: 2560, 16>}, {transform_indices = @transform_1, window_bounds = array<i64: 2560, 128>}, {pipeline_mode = #tpu.pipeline_mode<synchronous>, transform_indices = @transform_2, window_bounds = array<i64: 16, 64>}, {pipeline_mode = #tpu.pipeline_mode<synchronous>, transform_indices = @transform_3, window_bounds = array<i64: 1, 64>}, {pipeline_mode = #tpu.pipeline_mode<synchronous>, transform_indices = @transform_4, window_bounds = array<i64: 128, 64>}, {pipeline_mode = #tpu.pipeline_mode<synchronous>, transform_indices = @transform_5, window_bounds = array<i64: 64, 64>}, {pipeline_mode = #tpu.pipeline_mode<synchronous>, transform_indices = @transform_6, window_bounds = array<i64: 1, 64>}, {pipeline_mode = #tpu.pipeline_mode<synchronous>, transform_indices = @transform_7, window_bounds = array<i64: 16, 64>}, {pipeline_mode = #tpu.pipeline_mode<synchronous>, transform_indices = @transform_8, window_bounds = array<i64: 1, 64>}, {pipeline_mode = #tpu.pipeline_mode<synchronous>, transform_indices = @transform_9, window_bounds = array<i64: 64, 64>}, {pipeline_mode = #tpu.pipeline_mode<synchronous>, transform_indices = @transform_10, window_bounds = array<i64: 1, 64>}, {transform_indices = @transform_11, window_bounds = array<i64: 2560, 128>}]} {
    %get3A = arith.constant 0 : index
    %get3A_0 = arith.constant 0 : index
    %get3A_1 = vector.load %arg1[%get3A, %get3A_0] : memref<2560x16xf32, #tpu.memory_space<vmem>>, vector<2560x16xf32>
    %get3A_2 = arith.constant 0 : index
    %get3A_3 = arith.constant 0 : index
    %get3A_4 = vector.load %arg2[%get3A_2, %get3A_3] : memref<2560x128xf32, #tpu.memory_space<vmem>>, vector<2560x128xf32>
    %get3A_5 = arith.constant 0 : index
    %get3A_6 = arith.constant 0 : index
    %get3A_7 = vector.load %arg3[%get3A_5, %get3A_6] : memref<16x64xf32, #tpu.memory_space<vmem>>, vector<16x64xf32>
    %dot_general3A = arith.constant dense<0.000000e+00> : vector<2560x64xf32>
    %dot_general3A_8 = tpu.matmul %get3A_1, %get3A_7, %dot_general3A {dimension_numbers = #tpu.dot_dimension_numbers<[1], [0], [0], [1], [0, 0, 1, 1], [], []>, transpose_lhs_hint = false} : vector<2560x16xf32>, vector<16x64xf32>, vector<2560x64xf32> -> vector<2560x64xf32>
    %get3A_9 = arith.constant 0 : index
    %get3A_10 = arith.constant 0 : index
    %get3A_11 = vector.load %arg4[%get3A_9, %get3A_10] : memref<1x64xf32, #tpu.memory_space<vmem>>, vector<1x64xf32>
    %add3A = vector.broadcast %get3A_11 : vector<1x64xf32> to vector<2560x64xf32>
    %add3A_12 = arith.addf %dot_general3A_8, %add3A : vector<2560x64xf32>
    %max3A = arith.constant 0.000000e+00 : f32
    %max3A_13 = vector.broadcast %max3A : f32 to vector<2560x64xf32>
    %max3A_14 = arith.maximumf %add3A_12, %max3A_13 : vector<2560x64xf32>
    %get3A_15 = arith.constant 0 : index
    %get3A_16 = arith.constant 0 : index
    %get3A_17 = vector.load %arg5[%get3A_15, %get3A_16] : memref<128x64xf32, #tpu.memory_space<vmem>>, vector<128x64xf32>
    %dot_general3A_18 = arith.constant dense<0.000000e+00> : vector<2560x64xf32>
    %dot_general3A_19 = tpu.matmul %get3A_4, %get3A_17, %dot_general3A_18 {dimension_numbers = #tpu.dot_dimension_numbers<[1], [0], [0], [1], [0, 0, 1, 1], [], []>, transpose_lhs_hint = false} : vector<2560x128xf32>, vector<128x64xf32>, vector<2560x64xf32> -> vector<2560x64xf32>
    %get3A_20 = arith.constant 0 : index
    %get3A_21 = arith.constant 0 : index
    %get3A_22 = vector.load %arg6[%get3A_20, %get3A_21] : memref<64x64xf32, #tpu.memory_space<vmem>>, vector<64x64xf32>
    %dot_general3A_23 = arith.constant dense<0.000000e+00> : vector<2560x64xf32>
    %dot_general3A_24 = tpu.matmul %max3A_14, %get3A_22, %dot_general3A_23 {dimension_numbers = #tpu.dot_dimension_numbers<[1], [0], [0], [1], [0, 0, 1, 1], [], []>, transpose_lhs_hint = false} : vector<2560x64xf32>, vector<64x64xf32>, vector<2560x64xf32> -> vector<2560x64xf32>
    %add3A_25 = arith.addf %dot_general3A_19, %dot_general3A_24 : vector<2560x64xf32>
    %get3A_26 = arith.constant 0 : index
    %get3A_27 = arith.constant 0 : index
    %get3A_28 = vector.load %arg7[%get3A_26, %get3A_27] : memref<1x64xf32, #tpu.memory_space<vmem>>, vector<1x64xf32>
    %add3A_29 = vector.broadcast %get3A_28 : vector<1x64xf32> to vector<2560x64xf32>
    %add3A_30 = arith.addf %add3A_25, %add3A_29 : vector<2560x64xf32>
    %max3A_31 = arith.constant 0.000000e+00 : f32
    %max3A_32 = vector.broadcast %max3A_31 : f32 to vector<2560x64xf32>
    %max3A_33 = arith.maximumf %add3A_30, %max3A_32 : vector<2560x64xf32>
    %get3A_34 = arith.constant 0 : index
    %get3A_35 = arith.constant 0 : index
    %get3A_36 = vector.load %arg8[%get3A_34, %get3A_35] : memref<16x64xf32, #tpu.memory_space<vmem>>, vector<16x64xf32>
    %dot_general3A_37 = arith.constant dense<0.000000e+00> : vector<2560x64xf32>
    %dot_general3A_38 = tpu.matmul %get3A_1, %get3A_36, %dot_general3A_37 {dimension_numbers = #tpu.dot_dimension_numbers<[1], [0], [0], [1], [0, 0, 1, 1], [], []>, transpose_lhs_hint = false} : vector<2560x16xf32>, vector<16x64xf32>, vector<2560x64xf32> -> vector<2560x64xf32>
    %get3A_39 = arith.constant 0 : index
    %get3A_40 = arith.constant 0 : index
    %get3A_41 = vector.load %arg9[%get3A_39, %get3A_40] : memref<1x64xf32, #tpu.memory_space<vmem>>, vector<1x64xf32>
    %add3A_42 = vector.broadcast %get3A_41 : vector<1x64xf32> to vector<2560x64xf32>
    %add3A_43 = arith.addf %dot_general3A_38, %add3A_42 : vector<2560x64xf32>
    %max3A_44 = arith.constant 0.000000e+00 : f32
    %max3A_45 = vector.broadcast %max3A_44 : f32 to vector<2560x64xf32>
    %max3A_46 = arith.maximumf %add3A_43, %max3A_45 : vector<2560x64xf32>
    %get3A_47 = arith.constant 0 : index
    %get3A_48 = arith.constant 0 : index
    %get3A_49 = vector.load %arg10[%get3A_47, %get3A_48] : memref<64x64xf32, #tpu.memory_space<vmem>>, vector<64x64xf32>
    %dot_general3A_50 = arith.constant dense<0.000000e+00> : vector<2560x64xf32>
    %dot_general3A_51 = tpu.matmul %max3A_33, %get3A_49, %dot_general3A_50 {dimension_numbers = #tpu.dot_dimension_numbers<[1], [0], [0], [1], [0, 0, 1, 1], [], []>, transpose_lhs_hint = false} : vector<2560x64xf32>, vector<64x64xf32>, vector<2560x64xf32> -> vector<2560x64xf32>
    %get3A_52 = arith.constant 0 : index
    %get3A_53 = arith.constant 0 : index
    %get3A_54 = vector.load %arg11[%get3A_52, %get3A_53] : memref<1x64xf32, #tpu.memory_space<vmem>>, vector<1x64xf32>
    %add3A_55 = vector.broadcast %get3A_54 : vector<1x64xf32> to vector<2560x64xf32>
    %add3A_56 = arith.addf %dot_general3A_51, %add3A_55 : vector<2560x64xf32>
    %max3A_57 = arith.constant 0.000000e+00 : f32
    %max3A_58 = vector.broadcast %max3A_57 : f32 to vector<2560x64xf32>
    %max3A_59 = arith.maximumf %add3A_56, %max3A_58 : vector<2560x64xf32>
    %concatenate3A = tpu.concatenate %max3A_46, %max3A_59 in 1 : vector<2560x64xf32>, vector<2560x64xf32> -> vector<2560x128xf32>
    %swap3A = arith.constant 0 : index
    %swap3A_60 = arith.constant 0 : index
    %swap3A_61 = vector.load %arg12[%swap3A, %swap3A_60] : memref<2560x128xf32, #tpu.memory_space<vmem>>, vector<2560x128xf32>
    tpu.vector_store %arg12[%swap3A, %swap3A_60], %concatenate3A {strides = array<i32>} : memref<2560x128xf32, #tpu.memory_space<vmem>>, vector<2560x128xf32>,
    return
  }
  func.func @transform_0(%arg0: i32) -> (i32, i32) {
    %c0_i32 = arith.constant 0 : i32
    %c0_i32_0 = arith.constant 0 : i32
    return %arg0, %c0_i32 : i32, i32
  }
  func.func @transform_1(%arg0: i32) -> (i32, i32) {
    %c0_i32 = arith.constant 0 : i32
    %c0_i32_0 = arith.constant 0 : i32
    return %arg0, %c0_i32 : i32, i32
  }
  func.func @transform_2(%arg0: i32) -> (i32, i32) {
    %c0_i32 = arith.constant 0 : i32
    %c0_i32_0 = arith.constant 0 : i32
    %c0_i32_1 = arith.constant 0 : i32
    return %c0_i32, %c0_i32_0 : i32, i32
  }
  func.func @transform_3(%arg0: i32) -> (i32, i32) {
    %c0_i32 = arith.constant 0 : i32
    %c0_i32_0 = arith.constant 0 : i32
    %c0_i32_1 = arith.constant 0 : i32
    return %c0_i32, %c0_i32_0 : i32, i32
  }
  func.func @transform_4(%arg0: i32) -> (i32, i32) {
    %c0_i32 = arith.constant 0 : i32
    %c0_i32_0 = arith.constant 0 : i32
    %c0_i32_1 = arith.constant 0 : i32
    return %c0_i32, %c0_i32_0 : i32, i32
  }
  func.func @transform_5(%arg0: i32) -> (i32, i32) {
    %c0_i32 = arith.constant 0 : i32
    %c0_i32_0 = arith.constant 0 : i32
    %c0_i32_1 = arith.constant 0 : i32
    return %c0_i32, %c0_i32_0 : i32, i32
  }
  func.func @transform_6(%arg0: i32) -> (i32, i32) {
    %c0_i32 = arith.constant 0 : i32
    %c0_i32_0 = arith.constant 0 : i32
    %c0_i32_1 = arith.constant 0 : i32
    return %c0_i32, %c0_i32_0 : i32, i32
  }
  func.func @transform_7(%arg0: i32) -> (i32, i32) {
    %c0_i32 = arith.constant 0 : i32
    %c0_i32_0 = arith.constant 0 : i32
    %c0_i32_1 = arith.constant 0 : i32
    return %c0_i32, %c0_i32_0 : i32, i32
  }
  func.func @transform_8(%arg0: i32) -> (i32, i32) {
    %c0_i32 = arith.constant 0 : i32
    %c0_i32_0 = arith.constant 0 : i32
    %c0_i32_1 = arith.constant 0 : i32
    return %c0_i32, %c0_i32_0 : i32, i32
  }
  func.func @transform_9(%arg0: i32) -> (i32, i32) {
    %c0_i32 = arith.constant 0 : i32
    %c0_i32_0 = arith.constant 0 : i32
    %c0_i32_1 = arith.constant 0 : i32
    return %c0_i32, %c0_i32_0 : i32, i32
  }
  func.func @transform_10(%arg0: i32) -> (i32, i32) {
    %c0_i32 = arith.constant 0 : i32
    %c0_i32_0 = arith.constant 0 : i32
    %c0_i32_1 = arith.constant 0 : i32
    return %c0_i32, %c0_i32_0 : i32, i32
  }
  func.func @transform_11(%arg0: i32) -> (i32, i32) {
    %c0_i32 = arith.constant 0 : i32
    %c0_i32_0 = arith.constant 0 : i32
    return %arg0, %c0_i32 : i32, i32
  }
}

module attributes {stable_mosaic.version = 14 : i64} {
  func.func @_p5_body(%arg0: memref<10000x64xf32, #tpu.memory_space<vmem>>, %arg1: memref<2x10000x128xf32, #tpu.memory_space<vmem>>, %arg2: memref<2x10000x128xf32, #tpu.memory_space<vmem>>, %arg3: memref<64x64xf32, #tpu.memory_space<vmem>>, %arg4: memref<64x64xf32, #tpu.memory_space<vmem>>, %arg5: memref<1x64xf32, #tpu.memory_space<vmem>>, %arg6: memref<64x64xf32, #tpu.memory_space<vmem>>, %arg7: memref<1x64xf32, #tpu.memory_space<vmem>>, %arg8: memref<64x64xf32, #tpu.memory_space<vmem>>, %arg9: memref<64x64xf32, #tpu.memory_space<vmem>>, %arg10: memref<1x64xf32, #tpu.memory_space<vmem>>, %arg11: memref<10000x64xf32, #tpu.memory_space<vmem>>) attributes {dimension_semantics = [], scalar_prefetch = 0 : i64, scratch_operands = 0 : i64, tpu.core_type = #tpu.core_type<tc>} {
    %get3A = arith.constant 0 : index
    %get3A_0 = arith.constant 0 : index
    %get3A_1 = arith.constant 0 : index
    %get3A_2 = vector.load %arg1[%get3A, %get3A_0, %get3A_1] : memref<2x10000x128xf32, #tpu.memory_space<vmem>>, vector<1x10000x128xf32>
    %get3A_3 = vector.shape_cast %get3A_2 : vector<1x10000x128xf32> to vector<10000x128xf32>
    %get3A_4 = arith.constant 1 : index
    %get3A_5 = arith.constant 0 : index
    %get3A_6 = arith.constant 0 : index
    %get3A_7 = vector.load %arg1[%get3A_4, %get3A_5, %get3A_6] : memref<2x10000x128xf32, #tpu.memory_space<vmem>>, vector<1x10000x128xf32>
    %get3A_8 = vector.shape_cast %get3A_7 : vector<1x10000x128xf32> to vector<10000x128xf32>
    %add3A = arith.addf %get3A_3, %get3A_8 : vector<10000x128xf32>
    %get3A_9 = arith.constant 0 : index
    %get3A_10 = arith.constant 0 : index
    %get3A_11 = arith.constant 0 : index
    %get3A_12 = vector.load %arg2[%get3A_9, %get3A_10, %get3A_11] : memref<2x10000x128xf32, #tpu.memory_space<vmem>>, vector<1x10000x128xf32>
    %get3A_13 = vector.shape_cast %get3A_12 : vector<1x10000x128xf32> to vector<10000x128xf32>
    %add3A_14 = arith.addf %add3A, %get3A_13 : vector<10000x128xf32>
    %get3A_15 = arith.constant 1 : index
    %get3A_16 = arith.constant 0 : index
    %get3A_17 = arith.constant 0 : index
    %get3A_18 = vector.load %arg2[%get3A_15, %get3A_16, %get3A_17] : memref<2x10000x128xf32, #tpu.memory_space<vmem>>, vector<1x10000x128xf32>
    %get3A_19 = vector.shape_cast %get3A_18 : vector<1x10000x128xf32> to vector<10000x128xf32>
    %add3A_20 = arith.addf %add3A_14, %get3A_19 : vector<10000x128xf32>
    %slice3A = vector.extract_strided_slice %add3A_20 {offsets = [0, 0], sizes = [10000, 64], strides = [1, 1]} : vector<10000x128xf32> to vector<10000x64xf32>
    %slice3A_21 = vector.extract_strided_slice %add3A_20 {offsets = [0, 64], sizes = [10000, 64], strides = [1, 1]} : vector<10000x128xf32> to vector<10000x64xf32>
    %get3A_22 = arith.constant 0 : index
    %get3A_23 = arith.constant 0 : index
    %get3A_24 = vector.load %arg0[%get3A_22, %get3A_23] : memref<10000x64xf32, #tpu.memory_space<vmem>>, vector<10000x64xf32>
    %get3A_25 = arith.constant 0 : index
    %get3A_26 = arith.constant 0 : index
    %get3A_27 = vector.load %arg3[%get3A_25, %get3A_26] : memref<64x64xf32, #tpu.memory_space<vmem>>, vector<64x64xf32>
    %dot_general3A = arith.constant dense<0.000000e+00> : vector<10000x64xf32>
    %dot_general3A_28 = tpu.matmul %get3A_24, %get3A_27, %dot_general3A {dimension_numbers = #tpu.dot_dimension_numbers<[1], [0], [0], [1], [0, 0, 1, 1], [], []>, transpose_lhs_hint = false} : vector<10000x64xf32>, vector<64x64xf32>, vector<10000x64xf32> -> vector<10000x64xf32>
    %get3A_29 = arith.constant 0 : index
    %get3A_30 = arith.constant 0 : index
    %get3A_31 = vector.load %arg4[%get3A_29, %get3A_30] : memref<64x64xf32, #tpu.memory_space<vmem>>, vector<64x64xf32>
    %dot_general3A_32 = arith.constant dense<0.000000e+00> : vector<10000x64xf32>
    %dot_general3A_33 = tpu.matmul %slice3A, %get3A_31, %dot_general3A_32 {dimension_numbers = #tpu.dot_dimension_numbers<[1], [0], [0], [1], [0, 0, 1, 1], [], []>, transpose_lhs_hint = false} : vector<10000x64xf32>, vector<64x64xf32>, vector<10000x64xf32> -> vector<10000x64xf32>
    %add3A_34 = arith.addf %dot_general3A_28, %dot_general3A_33 : vector<10000x64xf32>
    %get3A_35 = arith.constant 0 : index
    %get3A_36 = arith.constant 0 : index
    %get3A_37 = vector.load %arg5[%get3A_35, %get3A_36] : memref<1x64xf32, #tpu.memory_space<vmem>>, vector<1x64xf32>
    %add3A_38 = vector.broadcast %get3A_37 : vector<1x64xf32> to vector<10000x64xf32>
    %add3A_39 = arith.addf %add3A_34, %add3A_38 : vector<10000x64xf32>
    %max3A = arith.constant 0.000000e+00 : f32
    %max3A_40 = vector.broadcast %max3A : f32 to vector<10000x64xf32>
    %max3A_41 = arith.maximumf %add3A_39, %max3A_40 : vector<10000x64xf32>
    %get3A_42 = arith.constant 0 : index
    %get3A_43 = arith.constant 0 : index
    %get3A_44 = vector.load %arg6[%get3A_42, %get3A_43] : memref<64x64xf32, #tpu.memory_space<vmem>>, vector<64x64xf32>
    %dot_general3A_45 = arith.constant dense<0.000000e+00> : vector<10000x64xf32>
    %dot_general3A_46 = tpu.matmul %max3A_41, %get3A_44, %dot_general3A_45 {dimension_numbers = #tpu.dot_dimension_numbers<[1], [0], [0], [1], [0, 0, 1, 1], [], []>, transpose_lhs_hint = false} : vector<10000x64xf32>, vector<64x64xf32>, vector<10000x64xf32> -> vector<10000x64xf32>
    %get3A_47 = arith.constant 0 : index
    %get3A_48 = arith.constant 0 : index
    %get3A_49 = vector.load %arg7[%get3A_47, %get3A_48] : memref<1x64xf32, #tpu.memory_space<vmem>>, vector<1x64xf32>
    %add3A_50 = vector.broadcast %get3A_49 : vector<1x64xf32> to vector<10000x64xf32>
    %add3A_51 = arith.addf %dot_general3A_46, %add3A_50 : vector<10000x64xf32>
    %max3A_52 = arith.constant 0.000000e+00 : f32
    %max3A_53 = vector.broadcast %max3A_52 : f32 to vector<10000x64xf32>
    %max3A_54 = arith.maximumf %add3A_51, %max3A_53 : vector<10000x64xf32>
    %get3A_55 = arith.constant 0 : index
    %get3A_56 = arith.constant 0 : index
    %get3A_57 = vector.load %arg8[%get3A_55, %get3A_56] : memref<64x64xf32, #tpu.memory_space<vmem>>, vector<64x64xf32>
    %dot_general3A_58 = arith.constant dense<0.000000e+00> : vector<10000x64xf32>
    %dot_general3A_59 = tpu.matmul %max3A_54, %get3A_57, %dot_general3A_58 {dimension_numbers = #tpu.dot_dimension_numbers<[1], [0], [0], [1], [0, 0, 1, 1], [], []>, transpose_lhs_hint = false} : vector<10000x64xf32>, vector<64x64xf32>, vector<10000x64xf32> -> vector<10000x64xf32>
    %get3A_60 = arith.constant 0 : index
    %get3A_61 = arith.constant 0 : index
    %get3A_62 = vector.load %arg9[%get3A_60, %get3A_61] : memref<64x64xf32, #tpu.memory_space<vmem>>, vector<64x64xf32>
    %dot_general3A_63 = arith.constant dense<0.000000e+00> : vector<10000x64xf32>
    %dot_general3A_64 = tpu.matmul %slice3A_21, %get3A_62, %dot_general3A_63 {dimension_numbers = #tpu.dot_dimension_numbers<[1], [0], [0], [1], [0, 0, 1, 1], [], []>, transpose_lhs_hint = false} : vector<10000x64xf32>, vector<64x64xf32>, vector<10000x64xf32> -> vector<10000x64xf32>
    %add3A_65 = arith.addf %dot_general3A_59, %dot_general3A_64 : vector<10000x64xf32>
    %get3A_66 = arith.constant 0 : index
    %get3A_67 = arith.constant 0 : index
    %get3A_68 = vector.load %arg10[%get3A_66, %get3A_67] : memref<1x64xf32, #tpu.memory_space<vmem>>, vector<1x64xf32>
    %add3A_69 = vector.broadcast %get3A_68 : vector<1x64xf32> to vector<10000x64xf32>
    %add3A_70 = arith.addf %add3A_65, %add3A_69 : vector<10000x64xf32>
    %max3A_71 = arith.constant 0.000000e+00 : f32
    %max3A_72 = vector.broadcast %max3A_71 : f32 to vector<10000x64xf32>
    %max3A_73 = arith.maximumf %add3A_70, %max3A_72 : vector<10000x64xf32>
    %swap3A = arith.constant 0 : index
    %swap3A_74 = arith.constant 0 : index
    %swap3A_75 = vector.load %arg11[%swap3A, %swap3A_74] : memref<10000x64xf32, #tpu.memory_space<vmem>>, vector<10000x64xf32>
    tpu.vector_store %arg11[%swap3A, %swap3A_74], %max3A_73 {strides = array<i32>} : memref<10000x64xf32, #tpu.memory_space<vmem>>, vector<10000x64xf32>,
    return
  }
}

</mosaic_0001>

<sc_bundles>
// kernel: kernel.10.cloned.1.call-start
scs
__scs_entry_jumppad:
0x0: {  	(pc) =	sbr.rel $0x88, $3  }
0x1: {  	(tag) =	ssettag $0x0;
	lr =	simm.s32 $0x1  }
0x2: {  	[smem:$0x3F8A] =	sst lr;
	_ =	strace $0xD0000000  }
0x3: {  	_ = 	snop  }
0x4: {  	_ = 	snop  }
0x5: {  	_ = 	snop  }
0x6: {  	_ = 	snop  }
0x7: {  	_ = 	snop  }
__scs_overlays_trampoline_lowered:
0x8: {  	[smem:$0x3F99] =	sst s0  }
0x9: {  	[smem:$0x3F9A] =	sst s1  }
0xa: {  	[smem:$0x3F9B] =	sst s2  }
0xb: {  	[smem:$0x3F9C] =	sst s3  }
0xc: {  	[smem:$0x3F9D] =	sst s4  }
0xd: {  	[smem:$0x3F9E] =	sst s5  }
0xe: {  	[smem:$0x3F9F] =	sst s6  }
0xf: {  	[smem:$0x3FA0] =	sst s7  }
0x10: {  	[smem:$0x3FA1] =	sst s8  }
0x11: {  	[smem:$0x3FA2] =	sst s9;
	s0 =	simm.s32 @!p0 $0x0  }
0x12: {  	s1 =	sld [smem:$0x3F88];
	s0 =	simm.s32 @p0 $0x1  }
0x13: {  	[smem:$0x3FA3] =	sst s0;
	s0 =	simm.s32 @!p1 $0x0  }
0x14: {  	s2 =	sld [smem:$0x3F87];
	s0 =	simm.s32 @p1 $0x1  }
0x15: {  	[smem:$0x3FA4] =	sst s0;
	s0 =	simm.s32 @!p2 $0x0  }
0x16: {  	s3 =	sld [smem:$0x3FDB];
	s0 =	simm.s32 @p2 $0x1  }
0x17: {  	s4 =	simm.s32 $0x1BF5;
	[smem:$0x3FA6] =	sst s0  }
0x18: {  	s0 =	sld [smem:$0x3F89];
	_ =	swait.ge [sflag:s4], $0x0  }
0x19: {  	s7 =	sld [smem:$0x3F8A]  }
0x1a: {  	s8 =	sadd.s32 $0xFFFFE003, lr  }
0x1b: {  	s9 =	sadd.s32 $0xFFFFFEF7, lr;
	s5 =	simm.s32 $0xFFFFFFFF;
	p2 =	slt.u32 s8, $0xFFFFF086  }
0x1c: {  	p1 =	slt.u32 s9, $0xF7A;
	s5 =	simm.s32 @!p2 $0x0  }
0x1d: {  	s5 =	simm.s32 @p1 $0x1;
	p0 =	seq.s32 s7, s2  }
0x1e: {  	s7 =	smul.u32 @!p0 $0xF7A, s2;
	p2 =	seq.s32 @!p0 s5, $0x0  }
0x1f: {  	s9 =	smul.u32 $0xF7A, s1;
	s8 =	simm.s32 @!p0 $0x1BF5;
	p2 =	por !p2, p0  }
0x20: {  	[sflag:s8] =	ssyncset.s32 @!p0 $0xFFFFF086;
	s6 =	sadd.s32 @!p0 s3, s7;
	s7 =	simm.s32 @!p0 $0x108  }
0x21: {  	s3 =	sadd.s32 s3, s9;
	s6 =	sadd.s32 @!p0 $0x88, s6;
	s7 =	simm.s32 @p2 $0x1082  }
0x22: {  	[simem:s7], [sflag:s8] =	dma.local @!p0 [hbm:s6], $0xF7A  }
0x23: {  	s9 =	sor.u32 $0xD0000000, s2;
	s6 =	simm.s32 $0x108;
	_ =	swait.ge @!p0 [sflag:s8], $0x0  }
0x24: {  	s3 =	sadd.s32 $0x88, s3;
	s6 =	simm.s32 @!p1 $0x1082;
	[sflag:s4] =	ssyncset.s32 $0xFFFFF086  }
0x25: {  	[simem:s6], [sflag:s4] =	dma.local [hbm:s3], $0xF7A  }
0x26: {  	[smem:$0x3F8A] =	sst s1;
	(tag) =	ssettag s2;
	_ =	strace s9  }
0x27: {  	s1 =	sld [smem:$0x3F9A]  }
0x28: {  	s2 =	sld [smem:$0x3F9B]  }
0x29: {  	s4 =	sld [smem:$0x3F9D]  }
0x2a: {  	p0 =	seq.s32 s5, $0x0;
	s5 =	sld [smem:$0x3F9E]  }
0x2b: {  	s6 =	sld [smem:$0x3F9F]  }
0x2c: {  	s7 =	sld [smem:$0x3FA0]  }
0x2d: {  	s3 =	simm.s32 $0x108;
	s8 =	sld [smem:$0x3FA1]  }
0x2e: {  	s3 =	simm.s32 @!p0 $0x1082;
	s9 =	sld [smem:$0x3FA2]  }
0x2f: {  	lr =	sadd.s32 s0, s3;
	s0 =	sld [smem:$0x3F99]  }
0x30: {  	s3 =	sld [smem:$0x3F9C]  }
0x31: {  	[smem:$0x3FA5] =	sst s10  }
0x32: {  	s10 =	sld [smem:$0x3FA3];
	_ =	sdelay $0x3  }
0x33: {  	p0 =	seq.s32 s10, $0x1;
	s10 =	sld [smem:$0x3FA5];
	_ =	sdelay $0x3  }
0x34: {  	[smem:$0x3FA5] =	sst s10  }
0x35: {  	s10 =	sld [smem:$0x3FA4];
	_ =	sdelay $0x3  }
0x36: {  	p1 =	seq.s32 s10, $0x1;
	s10 =	sld [smem:$0x3FA5];
	_ =	sdelay $0x3  }
0x37: {  	[smem:$0x3FA5] =	sst s10  }
0x38: {  	s10 =	sld [smem:$0x3FA6]  }
0x39: {  	_ = 	snop;
	(pc) =	sbr.ind lr, $3  }
0x3a: {  	_ = 	snop  }
0x3b: {  	_ = 	snop  }
0x3c: {  	p2 =	seq.s32 s10, $0x1;
	s10 =	sld [smem:$0x3FA5]  }
0x3d: {  	_ =	shalt  }
0x3e: {  	_ =	shalt  }
0x3f: {  	_ =	shalt  }
0x40: {  	_ =	shalt  }
0x41: {  	_ =	shalt  }
0x42: {  	_ =	shalt  }
0x43: {  	_ =	shalt  }
0x44: {  	_ =	shalt  }
0x45: {  	_ =	shalt  }
0x46: {  	_ =	shalt  }
0x47: {  	_ =	shalt  }
0x48: {  	_ =	shalt  }
0x49: {  	_ =	shalt  }
0x4a: {  	_ =	shalt  }
0x4b: {  	_ =	shalt  }
0x4c: {  	_ =	shalt  }
0x4d: {  	_ =	shalt  }
0x4e: {  	_ =	shalt  }
0x4f: {  	_ =	shalt  }
0x50: {  	_ =	shalt  }
0x51: {  	_ =	shalt  }
0x52: {  	_ =	shalt  }
0x53: {  	_ =	shalt  }
0x54: {  	_ =	shalt  }
0x55: {  	_ =	shalt  }
0x56: {  	_ =	shalt  }
0x57: {  	_ =	shalt  }
0x58: {  	_ =	shalt  }
0x59: {  	_ =	shalt  }
0x5a: {  	_ =	shalt  }
0x5b: {  	_ =	shalt  }
0x5c: {  	_ =	shalt  }
0x5d: {  	_ =	shalt  }
0x5e: {  	_ =	shalt  }
0x5f: {  	_ =	shalt  }
0x60: {  	_ =	shalt  }
0x61: {  	_ =	shalt  }
0x62: {  	_ =	shalt  }
0x63: {  	_ =	shalt  }
0x64: {  	_ =	shalt  }
0x65: {  	_ =	shalt  }
0x66: {  	_ =	shalt  }
0x67: {  	_ =	shalt  }
0x68: {  	_ =	shalt  }
0x69: {  	_ =	shalt  }
0x6a: {  	_ =	shalt  }
0x6b: {  	_ =	shalt  }
0x6c: {  	_ =	shalt  }
0x6d: {  	_ =	shalt  }
0x6e: {  	_ =	shalt  }
0x6f: {  	_ =	shalt  }
0x70: {  	_ =	shalt  }
0x71: {  	_ =	shalt  }
0x72: {  	_ =	shalt  }
0x73: {  	_ =	shalt  }
0x74: {  	_ =	shalt  }
0x75: {  	_ =	shalt  }
0x76: {  	_ =	shalt  }
0x77: {  	_ =	shalt  }
0x78: {  	_ =	shalt  }
0x79: {  	_ =	shalt  }
0x7a: {  	_ =	shalt  }
0x7b: {  	_ =	shalt  }
0x7c: {  	_ =	shalt  }
0x7d: {  	_ =	shalt  }
0x7e: {  	_ =	shalt  }
0x7f: {  	_ =	shalt  }
0x80: {  	_ =	shalt  }
0x81: {  	_ =	shalt  }
0x82: {  	_ =	shalt  }
0x83: {  	_ =	shalt  }
0x84: {  	_ =	shalt  }
0x85: {  	_ =	shalt  }
0x86: {  	_ =	shalt  }
0x87: {  	_ =	shalt  }
.Lfunc_end0:
.L_simem_size_0:
called_computation_lowered:
.L_overlay_start_0:
0x88: {  	s2 =	sld [smem:$0x3FD9]  }
0x89: {  	s3 =	sld [smem:$0x3FFE];
	_ =	sdelay $0x1  }
0x8a: {  	s1 =	srdreg.scid  }
0x8b: {  	s0 =	sand.u32 $0x1, s1  }
0x8c: {  	s17 =	sshll.u32 s0, $0xA;
	s2 =	sadd.s32 s3, s2  }
0x8d: {  	s2 =	sadd.s32 s2, s17  }
0x8e: {  	[smem:$0x3FB1] =	sst s2  }
0x8f: {  	_ = 	snop  }
0x90: {  	s2 =	sld [smem:$0x3FD0];
	(tm) =	ssettm $0x1  }
0x91: {  	s18 =	sld [smem:$0x3FFB];
	_ =	sdelay $0x3  }
0x92: {  	_ =	strace s18  }
0x93: {  	s3 =	sld [smem:$0x3FFC];
	_ =	sdelay $0x3  }
0x94: {  	_ =	strace s3  }
0x95: {  	s3 =	sld [smem:$0x3FFD];
	_ =	sdelay $0x3  }
0x96: {  	_ =	strace s3  }
0x97: {  	_ =	strace $0x8FFFFFFF  }
0x98: {  	s19 =	sld [smem:$0x3FDB];
	_ =	sdelay $0x1  }
0x99: {  	s4 =	simm.s32 $_scs_section_size  }
0x9a: {  	s5 =	simm.s32 $_size__tile_overlayer_lowered;
	s6 =	simm.s32 $_tile_overlayer_lowered  }
0x9b: {  	s22 =	simm.s32 $0x1BFF;
	s21 =	sshll.u32 s6, $0x1;
	s3 =	sadd.s32 s4, s19  }
0x9c: {  	s7 =	simm.s32 $0x0;
	s20 =	sshll.u32 s5, $0x1;
	s5 =	sadd.s32 s21, s3  }
0x9d: {  	[timem:s7], [sflag:s22] =	dma.local [hbm:s5], s20  }
0x9e: {  	_ =	swait.ge [sflag:s22], s20  }
0x9f: {  	s4 =	ssub.s32 $0x0, s20;
	[sflag:s22] =	ssyncset.done $0x0  }
0xa0: {  	[sflag:s22] =	ssyncadd.s32 s4;
	_ =	sdelay $0x1  }
0xa1: {  	s23 =	simm.s32 $0x1B8B  }
0xa2: {  	_ =	swait.ge [sflag:s23], $0x1  }
0xa3: {  	[sflag:s23] =	ssyncset.done $0x0  }
0xa4: {  	s25 =	simm.s32 $0x1B8E;
	s24 =	sld [smem:$0x3FFE];
	[sflag:s23] =	ssyncadd.s32 $0xFFFFFFFF  }
0xa5: {  	s26 =	simm.s32 $execute0_lowered;
	[smem:$0x3FD2] =	sst s25  }
0xa6: {  	s5 =	sshll.u32 s26, $0x1;
	_ =	strace $0x80000046;
	[dreg:$0x1] =	wrdreg $0xFFFFFFFF  }
0xa7: {  	s28 =	simm.s32 $_size_execute0_lowered;
	s3 =	sadd.s32 s3, s5;
	[dreg:$0x0] =	wrdreg $0x0  }
0xa8: {  	s5 =	sshll.u32 s28, $0x1;
	[dreg:$0x2] =	wrdreg s3  }
0xa9: {  	[dreg:$0x3] =	wrdreg s5  }
0xaa: {  	[dreg:$0x4] =	wrdreg $0xC0  }
0xab: {  	_ =	task [dreg:s7], $0x5FFFF  }
0xac: {  	[dreg:$0x1] =	wrdreg $0xFFFFFFFF  }
0xad: {  	[dreg:$0x0] =	wrdreg $0x60  }
0xae: {  	[dreg:$0x2] =	wrdreg s24  }
0xaf: {  	[dreg:$0x3] =	wrdreg s2  }
0xb0: {  	[dreg:$0x4] =	wrdreg $0x9  }
0xb1: {  	_ =	task.clear_ibuf [dreg:s7], $0x5FFFF;
	_ =	strace $0x90000046  }
0xb2: {  	s29 =	simm.s32 $0x9;
	_ =	strace $0x80000048  }
0xb3: {  	_ =	swait.ge [sflag:s29], $0x1  }
0xb4: {  	[sflag:s29] =	ssyncadd.s32 $0xFFFFFFFF  }
0xb5: {  	_ =	strace $0x90000048  }
0xb6: {  	_ =	sfence  }
0xb7: {  	s30 =	sld [smem:$0x0];
	_ =	sdelay $0x2  }
0xb8: {  	s31 =	sshll.u32 s1, $0xD;
	s1 =	sshrl.u32 s1, $0x2  }
0xb9: {  	s3 =	sand.u32 $0x4000, s31;
	s1 =	sadd.s32 s1, s30  }
0xba: {  	s0 =	sor.u32 s3, s0;
	s1 =	sshll.u32 s1, $0x11  }
0xbb: {  	s0 =	sor.u32 s1, s0  }
0xbc: {  	s0 =	sadd.s32 $0x8F2B, s0  }
0xbd: {  	[sflag:s0] =	ssyncadd.remote.s32 $0x1  }
0xbe: {  	_ =	sfence.sel $0xFFFF  }
0xbf: {  	[dreg:$0x0] =	wrdreg $0xFFFFFFFF;
	(pc) =	sbr.abs _section_cstart, $3  }
0xc0: {  	[dreg:$0x1] =	wrdreg $0xFFFFFFFF  }
0xc1: {  	_ =	task.clear_ibuf [dreg:s7], $0x2FFFF;
	_ =	strace $0x9FFFFFFF  }
0xc2: {  	(tm) =	ssettm $0x7FFFFFFF  }
0xc3: {  	_ =	shalt  }
tec
execute0_lowered:
.L_overlay_start_1:
0x0: {  	(tag) =	ssettag $0x1  }
0x1: {  	s4 =	rddreg [dreg:$0x0]  }
0x2: {  	s6 =	rddreg [dreg:$0x1]  }
0x3: {  	s0 =	rddreg [dreg:$0x2];
	s2 =	simm.s32 $0x0;
	s3 =	srdreg.scid  }
0x4: {  	s1 =	stileid.u32;
	s11 =	simm.s32 $0x50;
	s12 =	simm.s32 $0x4000  }
0x5: {  	s13 =	simm.s32 $0x6800;
	s14 =	simm.s32 $0x1;
	s15 =	simm.s32 $0x2  }
0x6: {  	s16 =	simm.s32 $0xB800;
	s17 =	simm.s32 $0xE000;
	s18 =	simm.s32 $0x9000  }
0x7: {  	s19 =	simm.s32 $0x4;
	s20 =	simm.s32 $0x5;
	s21 =	simm.s32 $0x10800  }
0x8: {  	s22 =	simm.s32 $0x3;
	s23 =	simm.s32 $0x6;
	s24 =	simm.s32 $0x0  }
0x9: {  	[smem:$0x7FF] =	sst s2;
	s5 =	sand.u32 $0x1, s3;
	s31 =	sshll.u32 s1, $0x1  }
0xa: {  	s3 =	sadd.s32 $0xC800, s4;
	s7 =	sor.u32 s5, s31;
	s5 =	ssub.s32 $0x2, s5  }
0xb: {  	_ =	strace $0x80000047;
	s8 =	sshll.u32 s7, $0xA;
	s10 =	sshrl.u32 s5, $0x1  }
0xc: {  	s9 =	sadd.s32 s8, s4;
	s4 =	sadd.s32 $0x5AC00, s4;
	s10 =	ssub.s32 s5, s10  }
0xd: {  	s5 =	smul.u32 $0x1400, s7;
	s6 =	sadd.s32 s6, s8;
	s7 =	sadd.s32 $0x4800, s9  }
0xe: {  	s8 =	smax.u32 s10, $0x1;
	s9 =	simm.s32 $0x7;
	s10 =	simm.s32 $0x2000  }
.LBB2_1:
0xf: {  	[tilespmem:s2], [sflag:$0x7] =	stream.linear.gather [hbm4b:s6+s2], $0x2000, $0x38;
	[tilespmem:$0x13000] =	vst v63  }
0x10: {  	_ =	swait.ge [sflag:s9], $0x2000  }
0x11: {  	[sflag:s9] =	ssyncset.done $0x0  }
0x12: {  	[sflag:s9] =	ssyncadd.s32 $0xFFFFE000  }
0x13: {  	[tilespmem:s10], [sflag:$0x7] =	stream.linear.gather [hbm4b:s7+s2], $0x2000, $0x38;
	[tilespmem:$0x13000] =	vst v63  }
0x14: {  	_ =	swait.ge [sflag:s9], $0x2000  }
0x15: {  	[sflag:s9] =	ssyncset.done $0x0  }
0x16: {  	[sflag:s9] =	ssyncadd.s32 $0xFFFFE000  }
0x17: {  	[tilespmem:s12], [sflag:$0x1] =	stream.indirect.gather [hbm4b:s3+s11], $0x80, s2, s11, $0xb8;
	[tilespmem:$0x13000] =	vst v63  }
0x18: {  	s25 =	simm.s32 $0x0  }
0x19: {  	[tilespmem:s13], [sflag:$0x2] =	stream.indirect.gather [hbm4b:s3+s11], $0x80, s10, s11, $0xb8;
	[tilespmem:$0x13000] =	vst v63  }
.LBB2_2:
0x1a: {  	_ =	swait.ge [sflag:s14], $0x2800  }
0x1b: {  	[sflag:s14] =	ssyncset.done $0x0  }
0x1c: {  	[sflag:s14] =	ssyncadd.s32 $0xFFFFD800  }
0x1d: {  	_ =	swait.ge [sflag:s15], $0x2800  }
0x1e: {  	s26 =	sshllo.u32 s25, $0x1;
	[sflag:s15] =	ssyncset.done $0x0  }
0x1f: {  	s28 =	sshll.u32 s26, $0x7;
	[sflag:s15] =	ssyncadd.s32 $0xFFFFD800  }
0x20: {  	[tilespmem:s16], [sflag:$0x4] =	stream.indirect.gather [hbm4b:s3+s11], $0x80, s28, s11, $0xb8;
	[tilespmem:$0x13000] =	vst v63  }
0x21: {  	p0 =	seq.s32 s25, $0x0;
	s28 =	sadd.s32 $0x2000, s28  }
0x22: {  	[tilespmem:s17], [sflag:$0x5] =	stream.indirect.gather [hbm4b:s3+s11], $0x80, s28, s11, $0xb8;
	[tilespmem:$0x13000] =	vst v63  }
0x23: {  	s28 =	simm.s32 @!p0 $0x3  }
0x24: {  	_ =	swait.ge @!p0 [sflag:s28], $0x2800  }
0x25: {  	[sflag:s28] =	ssyncset.done @!p0 $0x0  }
0x26: {  	[sflag:s28] =	ssyncadd.s32 @!p0 $0xFFFFD800;
	s28 =	simm.s32 $0x0  }
0x27: {  	v0 =	vld [tilespmem:s28+$0x4070]  }
0x28: {  	v1 =	vld [tilespmem:s28+$0x6830]  }
0x29: {  	v2 =	vld [tilespmem:s28+$0x4000]  }
0x2a: {  	v3 =	vld [tilespmem:s28+$0x6840]  }
0x2b: {  	v4 =	vld [tilespmem:s28+$0x4040]  }
0x2c: {  	v5 =	vld [tilespmem:s28+$0x6800]  }
0x2d: {  	v6 =	vld [tilespmem:s28+$0x4010]  }
0x2e: {  	v0 =	vadd.f32 v1, v0;
	v1 =	vld [tilespmem:s28+$0x6850]  }
0x2f: {  	v7 =	vld [tilespmem:s28+$0x4050]  }
0x30: {  	v8 =	vld [tilespmem:s28+$0x6810];
	v2 =	vadd.f32 v3, v2  }
0x31: {  	v9 =	vld [tilespmem:s28+$0x4020];
	v0 =	vmax.f32 v0, $0.0e+00  }
0x32: {  	[tilespmem:s28+$0x9070] =	vst v0;
	v0 =	vmax.f32 v2, $0.0e+00;
	v2 =	vadd.f32 v5, v4;
	v5 =	vld [tilespmem:s28+$0x6860]  }
0x33: {  	v3 =	vld [tilespmem:s28+$0x6820];
	v1 =	vadd.f32 v1, v6  }
0x34: {  	[tilespmem:s28+$0x9000] =	vst v0;
	v0 =	vld [tilespmem:s28+$0x4060];
	v2 =	vmax.f32 v2, $0.0e+00  }
0x35: {  	v4 =	vld [tilespmem:s28+$0x6870];
	v6 =	vadd.f32 v8, v7;
	[tilespmem:s28+$0x9040] =	vst v2;
	v2 =	vmax.f32 v1, $0.0e+00  }
0x36: {  	s29 =	simm.s32 $0x80;
	v1 =	vld [tilespmem:s28+$0x4030];
	[tilespmem:s28+$0x9010] =	vst v2  }
0x37: {  	s30 =	simm.s32 $0x400;
	v6 =	vmax.f32 v6, $0.0e+00;
	v5 =	vadd.f32 v5, v9;
	v2 =	vld [tilespmem:s29+$0x4070]  }
.LBB2_3:
0x38: {  	p0 =	sne.s32 s30, $0x9E00;
	v7 =	vld [tilespmem:s29+$0x6830];
	[tilespmem:s28+$0x9050] =	vst v6  }
0x39: {  	v6 =	vld [tilespmem:s29+$0x4000];
	v5 =	vmax.f32 v5, $0.0e+00;
	v0 =	vadd.f32 v3, v0  }
0x3a: {  	v3 =	vld [tilespmem:s29+$0x6840];
	[tilespmem:s28+$0x9020] =	vst v5  }
0x3b: {  	v5 =	vld [tilespmem:s29+$0x4040];
	v0 =	vmax.f32 v0, $0.0e+00;
	v1 =	vadd.f32 v4, v1  }
0x3c: {  	v4 =	vld [tilespmem:s29+$0x6800];
	[tilespmem:s28+$0x9060] =	vst v0  }
0x3d: {  	v0 =	vld [tilespmem:s29+$0x4010];
	v2 =	vadd.f32 v7, v2;
	v1 =	vmax.f32 v1, $0.0e+00  }
0x3e: {  	v7 =	vld [tilespmem:s29+$0x6850];
	[tilespmem:s28+$0x9030] =	vst v1;
	s28 =	smov.u32 s29  }
0x3f: {  	v1 =	vadd.f32 v3, v6;
	v6 =	vld [tilespmem:s28+$0x4050];
	v2 =	vmax.f32 v2, $0.0e+00  }
0x40: {  	v8 =	vld [tilespmem:s28+$0x6810];
	[tilespmem:s28+$0x9070] =	vst v2  }
0x41: {  	v1 =	vmax.f32 v1, $0.0e+00;
	v2 =	vadd.f32 v4, v5;
	v5 =	vld [tilespmem:s28+$0x4020]  }
0x42: {  	[tilespmem:s28+$0x9000] =	vst v1;
	v9 =	vld [tilespmem:s28+$0x6860]  }
.Ltmp0:
0x43: {  	v1 =	vmax.f32 v2, $0.0e+00;
	v2 =	vadd.f32 v7, v0;
	v0 =	vld [tilespmem:s28+$0x4060];
	(pc) =	sbr.rel @p0 .LBB2_3-.Ltmp0, $4  }
0x44: {  	[tilespmem:s28+$0x9040] =	vst v1;
	v3 =	vld [tilespmem:s28+$0x6820]  }
0x45: {  	v2 =	vmax.f32 v2, $0.0e+00;
	v6 =	vadd.f32 v8, v6;
	v1 =	vld [tilespmem:s28+$0x4030]  }
0x46: {  	s29 =	sshra.s32 s30, $0x2;
	[tilespmem:s28+$0x9010] =	vst v2;
	v4 =	vld [tilespmem:s28+$0x6870]  }
0x47: {  	s30 =	sadd.s32 $0x200, s30;
	v2 =	vld [tilespmem:s29+$0x4070];
	v6 =	vmax.f32 v6, $0.0e+00;
	v5 =	vadd.f32 v9, v5  }
0x48: {  	v7 =	vld [tilespmem:s29+$0x6830];
	[tilespmem:s28+$0x9050] =	vst v6  }
0x49: {  	v6 =	vld [tilespmem:s29+$0x4000];
	v5 =	vmax.f32 v5, $0.0e+00;
	v0 =	vadd.f32 v3, v0  }
0x4a: {  	v8 =	vld [tilespmem:s29+$0x6840];
	[tilespmem:s28+$0x9020] =	vst v5  }
0x4b: {  	v3 =	vld [tilespmem:s29+$0x4040];
	v0 =	vmax.f32 v0, $0.0e+00;
	v1 =	vadd.f32 v4, v1  }
0x4c: {  	v5 =	vld [tilespmem:s29+$0x6800];
	[tilespmem:s28+$0x9060] =	vst v0  }
0x4d: {  	v0 =	vld [tilespmem:s29+$0x4010];
	v1 =	vmax.f32 v1, $0.0e+00  }
0x4e: {  	v4 =	vld [tilespmem:s29+$0x6850];
	v2 =	vadd.f32 v7, v2;
	[tilespmem:s28+$0x9030] =	vst v1  }
0x4f: {  	v6 =	vadd.f32 v8, v6;
	v1 =	vld [tilespmem:s29+$0x4050]  }
0x50: {  	v2 =	vmax.f32 v2, $0.0e+00;
	v7 =	vld [tilespmem:s29+$0x6810]  }
0x51: {  	[tilespmem:s29+$0x9070] =	vst v2;
	v2 =	vmax.f32 v6, $0.0e+00;
	v6 =	vld [tilespmem:s29+$0x4020]  }
0x52: {  	v3 =	vadd.f32 v5, v3;
	v5 =	vld [tilespmem:s29+$0x4060]  }
0x53: {  	[tilespmem:s29+$0x9000] =	vst v2;
	v2 =	vld [tilespmem:s29+$0x6860];
	v0 =	vadd.f32 v4, v0  }
0x54: {  	v3 =	vmax.f32 v3, $0.0e+00;
	v4 =	vld [tilespmem:s29+$0x4030]  }
0x55: {  	[tilespmem:s29+$0x9040] =	vst v3;
	v3 =	vld [tilespmem:s29+$0x6820];
	v0 =	vmax.f32 v0, $0.0e+00  }
0x56: {  	[tilespmem:s29+$0x9010] =	vst v0;
	v0 =	vld [tilespmem:s29+$0x6870];
	_ =	sdelay $0x1  }
0x57: {  	v1 =	vadd.f32 v7, v1  }
0x58: {  	v2 =	vadd.f32 v2, v6  }
0x59: {  	s28 =	smul.u32 $0xA0, s25;
	v1 =	vmax.f32 v1, $0.0e+00;
	v3 =	vadd.f32 v3, v5  }
0x5a: {  	[tilespmem:s29+$0x9050] =	vst v1;
	v1 =	vmax.f32 v2, $0.0e+00;
	v0 =	vadd.f32 v0, v4  }
0x5b: {  	s28 =	sadd.s32 s5, s28;
	[tilespmem:s29+$0x9020] =	vst v1;
	v1 =	vmax.f32 v3, $0.0e+00  }
0x5c: {  	s28 =	sshll.u32 s28, $0x4;
	[tilespmem:s29+$0x9060] =	vst v1;
	v0 =	vmax.f32 v0, $0.0e+00  }
0x5d: {  	s28 =	sadd.s32 s4, s28;
	[tilespmem:s29+$0x9030] =	vst v0  }
0x5e: {  	[hbm4b:s28+s2] =	stream.linear.scatter [tilespmem:s18], [sflag:$0x3], $0x2800, $0x38;
	[tilespmem:$0x13000] =	vst v63  }
0x5f: {  	_ =	swait.ge [sflag:s19], $0x2800  }
0x60: {  	[sflag:s19] =	ssyncset.done $0x0  }
0x61: {  	[sflag:s19] =	ssyncadd.s32 $0xFFFFD800  }
0x62: {  	p0 =	seq.s32 s25, $0x1F;
	_ =	swait.ge [sflag:s20], $0x2800  }
0x63: {  	s30 =	simm.s32 @!p0 $0x50;
	s28 =	sshll.u32 @!p0 s25, $0x8;
	[sflag:s20] =	ssyncset.done $0x0  }
0x64: {  	s31 =	simm.s32 @!p0 $0x4000;
	s29 =	sadd.s32 @!p0 $0x100, s28;
	[sflag:s20] =	ssyncadd.s32 $0xFFFFD800  }
0x65: {  	[tilespmem:s31], [sflag:$0x1] =	stream.indirect.gather @!p0 [hbm4b:s3+s30], $0x80, s29, s30, $0xb8;
	[tilespmem:$0x13000] =	vst v63  }
0x66: {  	p1 =	seq.s32 @!p0 s25, $0x0;
	s28 =	sadd.s32 @!p0 $0x2100, s28;
	s29 =	simm.s32 @!p0 $0x6800  }
0x67: {  	[tilespmem:s29], [sflag:$0x2] =	stream.indirect.gather @!p0 [hbm4b:s3+s30], $0x80, s28, s30, $0xb8;
	[tilespmem:$0x13000] =	vst v63  }
0x68: {  	p0 =	por p0, !p1  }
0x69: {  	_ =	swait.ge @p0 [sflag:s23], $0x2800  }
0x6a: {  	[sflag:s23] =	ssyncset.done @p0 $0x0  }
0x6b: {  	s28 =	simm.s32 $0x0;
	[sflag:s23] =	ssyncadd.s32 @p0 $0xFFFFD800  }
0x6c: {  	v0 =	vld [tilespmem:s28+$0xB870]  }
0x6d: {  	v1 =	vld [tilespmem:s28+$0xE030]  }
0x6e: {  	v2 =	vld [tilespmem:s28+$0xB800]  }
0x6f: {  	v3 =	vld [tilespmem:s28+$0xE040]  }
0x70: {  	v4 =	vld [tilespmem:s28+$0xB840]  }
0x71: {  	v5 =	vld [tilespmem:s28+$0xE000]  }
0x72: {  	v6 =	vld [tilespmem:s28+$0xB810]  }
0x73: {  	v0 =	vadd.f32 v1, v0;
	v1 =	vld [tilespmem:s28+$0xE050]  }
0x74: {  	v7 =	vld [tilespmem:s28+$0xB850]  }
0x75: {  	v8 =	vld [tilespmem:s28+$0xE010];
	v2 =	vadd.f32 v3, v2  }
0x76: {  	v9 =	vld [tilespmem:s28+$0xB820];
	v0 =	vmax.f32 v0, $0.0e+00  }
0x77: {  	[tilespmem:s28+$0x10870] =	vst v0;
	v0 =	vmax.f32 v2, $0.0e+00;
	v2 =	vadd.f32 v5, v4;
	v5 =	vld [tilespmem:s28+$0xE060]  }
0x78: {  	v3 =	vld [tilespmem:s28+$0xE020];
	v1 =	vadd.f32 v1, v6  }
0x79: {  	[tilespmem:s28+$0x10800] =	vst v0;
	v0 =	vld [tilespmem:s28+$0xB860];
	v2 =	vmax.f32 v2, $0.0e+00  }
0x7a: {  	v4 =	vld [tilespmem:s28+$0xE070];
	v6 =	vadd.f32 v8, v7;
	[tilespmem:s28+$0x10840] =	vst v2;
	v2 =	vmax.f32 v1, $0.0e+00  }
0x7b: {  	s29 =	simm.s32 $0x80;
	v1 =	vld [tilespmem:s28+$0xB830];
	[tilespmem:s28+$0x10810] =	vst v2  }
0x7c: {  	s30 =	simm.s32 $0x400;
	v6 =	vmax.f32 v6, $0.0e+00;
	v5 =	vadd.f32 v5, v9;
	v2 =	vld [tilespmem:s29+$0xB870]  }
.LBB2_5:
0x7d: {  	p0 =	sne.s32 s30, $0x9E00;
	v7 =	vld [tilespmem:s29+$0xE030];
	[tilespmem:s28+$0x10850] =	vst v6  }
0x7e: {  	v6 =	vld [tilespmem:s29+$0xB800];
	v5 =	vmax.f32 v5, $0.0e+00;
	v0 =	vadd.f32 v3, v0  }
0x7f: {  	v3 =	vld [tilespmem:s29+$0xE040];
	[tilespmem:s28+$0x10820] =	vst v5  }
0x80: {  	v5 =	vld [tilespmem:s29+$0xB840];
	v0 =	vmax.f32 v0, $0.0e+00;
	v1 =	vadd.f32 v4, v1  }
0x81: {  	v4 =	vld [tilespmem:s29+$0xE000];
	[tilespmem:s28+$0x10860] =	vst v0  }
0x82: {  	v0 =	vld [tilespmem:s29+$0xB810];
	v2 =	vadd.f32 v7, v2;
	v1 =	vmax.f32 v1, $0.0e+00  }
0x83: {  	v7 =	vld [tilespmem:s29+$0xE050];
	[tilespmem:s28+$0x10830] =	vst v1;
	s28 =	smov.u32 s29  }
0x84: {  	v1 =	vadd.f32 v3, v6;
	v6 =	vld [tilespmem:s28+$0xB850];
	v2 =	vmax.f32 v2, $0.0e+00  }
0x85: {  	v8 =	vld [tilespmem:s28+$0xE010];
	[tilespmem:s28+$0x10870] =	vst v2  }
0x86: {  	v1 =	vmax.f32 v1, $0.0e+00;
	v2 =	vadd.f32 v4, v5;
	v5 =	vld [tilespmem:s28+$0xB820]  }
0x87: {  	[tilespmem:s28+$0x10800] =	vst v1;
	v9 =	vld [tilespmem:s28+$0xE060]  }
.Ltmp1:
0x88: {  	v1 =	vmax.f32 v2, $0.0e+00;
	v2 =	vadd.f32 v7, v0;
	v0 =	vld [tilespmem:s28+$0xB860];
	(pc) =	sbr.rel @p0 .LBB2_5-.Ltmp1, $4  }
0x89: {  	[tilespmem:s28+$0x10840] =	vst v1;
	v3 =	vld [tilespmem:s28+$0xE020]  }
0x8a: {  	v2 =	vmax.f32 v2, $0.0e+00;
	v6 =	vadd.f32 v8, v6;
	v1 =	vld [tilespmem:s28+$0xB830]  }
0x8b: {  	s29 =	sshra.s32 s30, $0x2;
	[tilespmem:s28+$0x10810] =	vst v2;
	v4 =	vld [tilespmem:s28+$0xE070]  }
0x8c: {  	s30 =	sadd.s32 $0x200, s30;
	v2 =	vld [tilespmem:s29+$0xB870];
	v6 =	vmax.f32 v6, $0.0e+00;
	v5 =	vadd.f32 v9, v5  }
0x8d: {  	v7 =	vld [tilespmem:s29+$0xE030];
	[tilespmem:s28+$0x10850] =	vst v6  }
0x8e: {  	v6 =	vld [tilespmem:s29+$0xB800];
	v5 =	vmax.f32 v5, $0.0e+00;
	v0 =	vadd.f32 v3, v0  }
0x8f: {  	v8 =	vld [tilespmem:s29+$0xE040];
	[tilespmem:s28+$0x10820] =	vst v5  }
0x90: {  	v52 =	vld [tilespmem:s29+$0xB840];
	v0 =	vmax.f32 v0, $0.0e+00;
	v1 =	vadd.f32 v4, v1  }
0x91: {  	v5 =	vld [tilespmem:s29+$0xE000];
	[tilespmem:s28+$0x10860] =	vst v0  }
0x92: {  	v0 =	vld [tilespmem:s29+$0xB810];
	v1 =	vmax.f32 v1, $0.0e+00  }
0x93: {  	v53 =	vld [tilespmem:s29+$0xE050];
	[tilespmem:s28+$0x10830] =	vst v1  }
0x94: {  	v1 =	vld [tilespmem:s29+$0xB850]  }
0x95: {  	v54 =	vld [tilespmem:s29+$0xE010]  }
0x96: {  	v56 =	vld [tilespmem:s29+$0xB820]  }
0x97: {  	v57 =	vld [tilespmem:s29+$0xE060]  }
0x98: {  	v58 =	vld [tilespmem:s29+$0xB860]  }
0x99: {  	v2 =	vadd.f32 v7, v2;
	v59 =	vld [tilespmem:s29+$0xE020]  }
0x9a: {  	v6 =	vadd.f32 v8, v6;
	v60 =	vld [tilespmem:s29+$0xB830]  }
0x9b: {  	v2 =	vmax.f32 v2, $0.0e+00;
	v61 =	vld [tilespmem:s29+$0xE070];
	v3 =	vadd.f32 v5, v52  }
0x9c: {  	[tilespmem:s29+$0x10870] =	vst v2;
	v55 =	vmax.f32 v6, $0.0e+00;
	v0 =	vadd.f32 v53, v0  }
0x9d: {  	[tilespmem:s29+$0x10800] =	vst v55;
	v3 =	vmax.f32 v3, $0.0e+00;
	v1 =	vadd.f32 v54, v1  }
0x9e: {  	s25 =	sadd.s32 $0x1, s25;
	[tilespmem:s29+$0x10840] =	vst v3;
	v0 =	vmax.f32 v0, $0.0e+00;
	v2 =	vadd.f32 v57, v56  }
0x9f: {  	s26 =	smul.u32 $0x50, s26;
	p0 =	sne.s32 s25, $0x20;
	v3 =	vadd.f32 v59, v58;
	[tilespmem:s29+$0x10810] =	vst v0;
	v1 =	vmax.f32 v1, $0.0e+00  }
.Ltmp2:
0xa0: {  	v0 =	vadd.f32 v61, v60;
	v62 =	vmax.f32 v2, $0.0e+00;
	[tilespmem:s29+$0x10850] =	vst v1;
	(pc) =	sbr.rel @p0 .LBB2_2-.Ltmp2, $4  }
0xa1: {  	s26 =	sadd.s32 s5, s26;
	v63 =	vmax.f32 v3, $0.0e+00;
	[tilespmem:s29+$0x10820] =	vst v62  }
0xa2: {  	s26 =	sshll.u32 s26, $0x4;
	[tilespmem:s29+$0x10860] =	vst v63;
	v0 =	vmax.f32 v0, $0.0e+00  }
0xa3: {  	s26 =	sadd.s32 s4, s26;
	[tilespmem:s29+$0x10830] =	vst v0  }
0xa4: {  	[hbm4b:s26+s2] =	stream.linear.scatter [tilespmem:s21], [sflag:$0x6], $0x2800, $0x38;
	[tilespmem:$0x13000] =	vst v63  }
0xa5: {  	s24 =	sadd.s32 $0x1, s24  }
0xa6: {  	_ =	swait.ge [sflag:s22], $0x2800;
	p0 =	sne.s32 s24, s8  }
.Ltmp3:
0xa7: {  	[sflag:s22] =	ssyncset.done $0x0;
	(pc) =	sbr.rel @p0 .LBB2_1-.Ltmp3, $4  }
0xa8: {  	[sflag:s22] =	ssyncadd.s32 $0xFFFFD800  }
0xa9: {  	_ =	swait.ge [sflag:s23], $0x2800  }
0xaa: {  	[sflag:s23] =	ssyncset.done $0x0  }
0xab: {  	[sflag:s23] =	ssyncadd.s32 $0xFFFFD800  }
0xac: {  	_ =	sfence.sel $0x180000  }
0xad: {  	[bflag:$0x0] =	sbarrier.arrive $0xFFFF  }
0xae: {  	p0 =	sne.s32 s1, $0x0;
	_ =	strace $0x90000047  }
0xaf: {  	s0 =	sadd.s32 @!p0 $0x100000, s0;
	[bflag:$0x2] =	sbarrier.arrive $0xFFFF  }
0xb0: {  	[sflag:s0] =	ssyncadd.tile.s32 @!p0 $0x1;
	_ =	shalt  }
.Lfunc_end2:
_tile_overlayer_lowered:
.L_overlay_start_2:
0xb1: {  	(tag) =	ssettag $0x2  }
0xb2: {  	s0 =	rddreg [dreg:$0x0];
	s2 =	stileid.u32  }
0xb3: {  	s1 =	rddreg [dreg:$0x1];
	p0 =	sne.s32 s2, $0x0  }
0xb4: {  	s3 =	rddreg [dreg:$0x2];
	[bflag:$0x3] =	sbarrier.arrive $0xFFFF;
	s2 =	simm.s32 @!p0 $0x1C07  }
0xb5: {  	[timem:s3], [sflag:s2] =	dma.local @!p0 [hbm:s0], s1  }
0xb6: {  	s0 =	simm.s32 @!p0 $0x7  }
0xb7: {  	_ =	swait.ge @!p0 [sflag:s0], s1  }
0xb8: {  	s1 =	ssub.s32 @!p0 $0x0, s1;
	[sflag:s0] =	ssyncset.done @!p0 $0x0  }
0xb9: {  	[sflag:s0] =	ssyncadd.s32 @!p0 s1  }
0xba: {  	[bflag:$0x3] =	sbarrier.arrive $0xFFFF  }
0xbb: {  	_ =	shalt  }

// kernel: kernel.13.cloned.1.call-start
scs
__scs_entry_jumppad:
0x0: {  	(pc) =	sbr.rel $0x88, $3  }
0x1: {  	(tag) =	ssettag $0x0;
	lr =	simm.s32 $0x1  }
0x2: {  	[smem:$0x3F8A] =	sst lr;
	_ =	strace $0xD0000000  }
0x3: {  	_ = 	snop  }
0x4: {  	_ = 	snop  }
0x5: {  	_ = 	snop  }
0x6: {  	_ = 	snop  }
0x7: {  	_ = 	snop  }
__scs_overlays_trampoline_lowered:
0x8: {  	[smem:$0x3F99] =	sst s0  }
0x9: {  	[smem:$0x3F9A] =	sst s1  }
0xa: {  	[smem:$0x3F9B] =	sst s2  }
0xb: {  	[smem:$0x3F9C] =	sst s3  }
0xc: {  	[smem:$0x3F9D] =	sst s4  }
0xd: {  	[smem:$0x3F9E] =	sst s5  }
0xe: {  	[smem:$0x3F9F] =	sst s6  }
0xf: {  	[smem:$0x3FA0] =	sst s7  }
0x10: {  	[smem:$0x3FA1] =	sst s8  }
0x11: {  	[smem:$0x3FA2] =	sst s9;
	s0 =	simm.s32 @!p0 $0x0  }
0x12: {  	s1 =	sld [smem:$0x3F88];
	s0 =	simm.s32 @p0 $0x1  }
0x13: {  	[smem:$0x3FA3] =	sst s0;
	s0 =	simm.s32 @!p1 $0x0  }
0x14: {  	s2 =	sld [smem:$0x3F87];
	s0 =	simm.s32 @p1 $0x1  }
0x15: {  	[smem:$0x3FA4] =	sst s0;
	s0 =	simm.s32 @!p2 $0x0  }
0x16: {  	s3 =	sld [smem:$0x3FDB];
	s0 =	simm.s32 @p2 $0x1  }
0x17: {  	s4 =	simm.s32 $0x1BF5;
	[smem:$0x3FA6] =	sst s0  }
0x18: {  	s0 =	sld [smem:$0x3F89];
	_ =	swait.ge [sflag:s4], $0x0  }
0x19: {  	s7 =	sld [smem:$0x3F8A]  }
0x1a: {  	s8 =	sadd.s32 $0xFFFFE003, lr  }
0x1b: {  	s9 =	sadd.s32 $0xFFFFFEF7, lr;
	s5 =	simm.s32 $0xFFFFFFFF;
	p2 =	slt.u32 s8, $0xFFFFF086  }
0x1c: {  	p1 =	slt.u32 s9, $0xF7A;
	s5 =	simm.s32 @!p2 $0x0  }
0x1d: {  	s5 =	simm.s32 @p1 $0x1;
	p0 =	seq.s32 s7, s2  }
0x1e: {  	s7 =	smul.u32 @!p0 $0xF7A, s2;
	p2 =	seq.s32 @!p0 s5, $0x0  }
0x1f: {  	s9 =	smul.u32 $0xF7A, s1;
	s8 =	simm.s32 @!p0 $0x1BF5;
	p2 =	por !p2, p0  }
0x20: {  	[sflag:s8] =	ssyncset.s32 @!p0 $0xFFFFF086;
	s6 =	sadd.s32 @!p0 s3, s7;
	s7 =	simm.s32 @!p0 $0x108  }
0x21: {  	s3 =	sadd.s32 s3, s9;
	s6 =	sadd.s32 @!p0 $0x88, s6;
	s7 =	simm.s32 @p2 $0x1082  }
0x22: {  	[simem:s7], [sflag:s8] =	dma.local @!p0 [hbm:s6], $0xF7A  }
0x23: {  	s9 =	sor.u32 $0xD0000000, s2;
	s6 =	simm.s32 $0x108;
	_ =	swait.ge @!p0 [sflag:s8], $0x0  }
0x24: {  	s3 =	sadd.s32 $0x88, s3;
	s6 =	simm.s32 @!p1 $0x1082;
	[sflag:s4] =	ssyncset.s32 $0xFFFFF086  }
0x25: {  	[simem:s6], [sflag:s4] =	dma.local [hbm:s3], $0xF7A  }
0x26: {  	[smem:$0x3F8A] =	sst s1;
	(tag) =	ssettag s2;
	_ =	strace s9  }
0x27: {  	s1 =	sld [smem:$0x3F9A]  }
0x28: {  	s2 =	sld [smem:$0x3F9B]  }
0x29: {  	s4 =	sld [smem:$0x3F9D]  }
0x2a: {  	p0 =	seq.s32 s5, $0x0;
	s5 =	sld [smem:$0x3F9E]  }
0x2b: {  	s6 =	sld [smem:$0x3F9F]  }
0x2c: {  	s7 =	sld [smem:$0x3FA0]  }
0x2d: {  	s3 =	simm.s32 $0x108;
	s8 =	sld [smem:$0x3FA1]  }
0x2e: {  	s3 =	simm.s32 @!p0 $0x1082;
	s9 =	sld [smem:$0x3FA2]  }
0x2f: {  	lr =	sadd.s32 s0, s3;
	s0 =	sld [smem:$0x3F99]  }
0x30: {  	s3 =	sld [smem:$0x3F9C]  }
0x31: {  	[smem:$0x3FA5] =	sst s10  }
0x32: {  	s10 =	sld [smem:$0x3FA3];
	_ =	sdelay $0x3  }
0x33: {  	p0 =	seq.s32 s10, $0x1;
	s10 =	sld [smem:$0x3FA5];
	_ =	sdelay $0x3  }
0x34: {  	[smem:$0x3FA5] =	sst s10  }
0x35: {  	s10 =	sld [smem:$0x3FA4];
	_ =	sdelay $0x3  }
0x36: {  	p1 =	seq.s32 s10, $0x1;
	s10 =	sld [smem:$0x3FA5];
	_ =	sdelay $0x3  }
0x37: {  	[smem:$0x3FA5] =	sst s10  }
0x38: {  	s10 =	sld [smem:$0x3FA6]  }
0x39: {  	_ = 	snop;
	(pc) =	sbr.ind lr, $3  }
0x3a: {  	_ = 	snop  }
0x3b: {  	_ = 	snop  }
0x3c: {  	p2 =	seq.s32 s10, $0x1;
	s10 =	sld [smem:$0x3FA5]  }
0x3d: {  	_ =	shalt  }
0x3e: {  	_ =	shalt  }
0x3f: {  	_ =	shalt  }
0x40: {  	_ =	shalt  }
0x41: {  	_ =	shalt  }
0x42: {  	_ =	shalt  }
0x43: {  	_ =	shalt  }
0x44: {  	_ =	shalt  }
0x45: {  	_ =	shalt  }
0x46: {  	_ =	shalt  }
0x47: {  	_ =	shalt  }
0x48: {  	_ =	shalt  }
0x49: {  	_ =	shalt  }
0x4a: {  	_ =	shalt  }
0x4b: {  	_ =	shalt  }
0x4c: {  	_ =	shalt  }
0x4d: {  	_ =	shalt  }
0x4e: {  	_ =	shalt  }
0x4f: {  	_ =	shalt  }
0x50: {  	_ =	shalt  }
0x51: {  	_ =	shalt  }
0x52: {  	_ =	shalt  }
0x53: {  	_ =	shalt  }
0x54: {  	_ =	shalt  }
0x55: {  	_ =	shalt  }
0x56: {  	_ =	shalt  }
0x57: {  	_ =	shalt  }
0x58: {  	_ =	shalt  }
0x59: {  	_ =	shalt  }
0x5a: {  	_ =	shalt  }
0x5b: {  	_ =	shalt  }
0x5c: {  	_ =	shalt  }
0x5d: {  	_ =	shalt  }
0x5e: {  	_ =	shalt  }
0x5f: {  	_ =	shalt  }
0x60: {  	_ =	shalt  }
0x61: {  	_ =	shalt  }
0x62: {  	_ =	shalt  }
0x63: {  	_ =	shalt  }
0x64: {  	_ =	shalt  }
0x65: {  	_ =	shalt  }
0x66: {  	_ =	shalt  }
0x67: {  	_ =	shalt  }
0x68: {  	_ =	shalt  }
0x69: {  	_ =	shalt  }
0x6a: {  	_ =	shalt  }
0x6b: {  	_ =	shalt  }
0x6c: {  	_ =	shalt  }
0x6d: {  	_ =	shalt  }
0x6e: {  	_ =	shalt  }
0x6f: {  	_ =	shalt  }
0x70: {  	_ =	shalt  }
0x71: {  	_ =	shalt  }
0x72: {  	_ =	shalt  }
0x73: {  	_ =	shalt  }
0x74: {  	_ =	shalt  }
0x75: {  	_ =	shalt  }
0x76: {  	_ =	shalt  }
0x77: {  	_ =	shalt  }
0x78: {  	_ =	shalt  }
0x79: {  	_ =	shalt  }
0x7a: {  	_ =	shalt  }
0x7b: {  	_ =	shalt  }
0x7c: {  	_ =	shalt  }
0x7d: {  	_ =	shalt  }
0x7e: {  	_ =	shalt  }
0x7f: {  	_ =	shalt  }
0x80: {  	_ =	shalt  }
0x81: {  	_ =	shalt  }
0x82: {  	_ =	shalt  }
0x83: {  	_ =	shalt  }
0x84: {  	_ =	shalt  }
0x85: {  	_ =	shalt  }
0x86: {  	_ =	shalt  }
0x87: {  	_ =	shalt  }
.Lfunc_end0:
.L_simem_size_0:
called_computation.1_lowered:
.L_overlay_start_0:
0x88: {  	s2 =	sld [smem:$0x3FD9]  }
0x89: {  	s3 =	sld [smem:$0x3FFE];
	_ =	sdelay $0x1  }
0x8a: {  	s1 =	srdreg.scid  }
0x8b: {  	s0 =	sand.u32 $0x1, s1  }
0x8c: {  	s17 =	sshll.u32 s0, $0xA;
	s2 =	sadd.s32 s3, s2  }
0x8d: {  	s2 =	sadd.s32 s2, s17  }
0x8e: {  	[smem:$0x3FB1] =	sst s2  }
0x8f: {  	_ = 	snop  }
0x90: {  	(tm) =	ssettm $0x1  }
0x91: {  	s18 =	sld [smem:$0x3FFB];
	_ =	sdelay $0x3  }
0x92: {  	_ =	strace s18  }
0x93: {  	s2 =	sld [smem:$0x3FFC];
	_ =	sdelay $0x3  }
0x94: {  	_ =	strace s2  }
0x95: {  	s2 =	sld [smem:$0x3FFD];
	_ =	sdelay $0x3  }
0x96: {  	_ =	strace s2  }
0x97: {  	_ =	strace $0x8FFFFFFF  }
0x98: {  	s19 =	sld [smem:$0x3FDB];
	_ =	sdelay $0x1  }
0x99: {  	s20 =	simm.s32 $_scs_section_size  }
0x9a: {  	s4 =	simm.s32 $_size__tile_overlayer_lowered;
	s5 =	simm.s32 $_tile_overlayer_lowered  }
0x9b: {  	s6 =	simm.s32 $0x1BFF;
	s21 =	sshll.u32 s5, $0x1;
	s3 =	sadd.s32 s20, s19  }
0x9c: {  	s22 =	simm.s32 $0x0;
	s4 =	sshll.u32 s4, $0x1;
	s5 =	sadd.s32 s21, s3  }
0x9d: {  	[timem:s22], [sflag:s6] =	dma.local [hbm:s5], s4  }
0x9e: {  	_ =	swait.ge [sflag:s6], s4  }
0x9f: {  	s4 =	ssub.s32 $0x0, s4;
	[sflag:s6] =	ssyncset.done $0x0  }
0xa0: {  	[sflag:s6] =	ssyncadd.s32 s4;
	_ =	sdelay $0x1  }
0xa1: {  	s23 =	simm.s32 $0x1B8B  }
0xa2: {  	_ =	swait.ge [sflag:s23], $0x1  }
0xa3: {  	[sflag:s23] =	ssyncset.done $0x0  }
0xa4: {  	[sflag:s23] =	ssyncadd.s32 $0xFFFFFFFF  }
0xa5: {  	s4 =	sld [smem:$0x0]  }
0xa6: {  	s5 =	sand.u32 $0xFFFFFFFE, s1  }
0xa7: {  	p0 =	sne.s32 s1, s5  }
0xa8: {  	s5 =	sshll.u32 @p0 s5, $0xE  }
0xa9: {  	s5 =	sadd.s32 @p0 $0x11B8D, s5;
	s6 =	sshll.u32 @p0 s4, $0x11  }
0xaa: {  	s5 =	sor.u32 @p0 s6, s5  }
0xab: {  	[sflag:s5] =	ssyncadd.remote.s32 @p0 $0x1;
	_ =	sdelay $0x1  }
0xac: {  	s5 =	simm.s32 @p0 $0x1B8D  }
0xad: {  	_ =	swait.eq @p0 [sflag:s5], $0x1  }
0xae: {  	[sflag:s5] =	ssyncadd.s32 @p0 $0xFFFFFFFF  }
0xaf: {  	s6 =	sshll.u32 @!p0 s1, $0xE  }
0xb0: {  	s6 =	sor.u32 @!p0 $0x4000, s6;
	s5 =	simm.s32 @!p0 $0x1B8D  }
0xb1: {  	s4 =	sshll.u32 @!p0 s4, $0x11;
	s6 =	sadd.s32 @!p0 $0x11B8D, s6;
	_ =	swait.eq @!p0 [sflag:s5], $0x1  }
0xb2: {  	s4 =	sor.u32 @!p0 s4, s6;
	[sflag:s5] =	ssyncadd.s32 @!p0 $0xFFFFFFFF  }
0xb3: {  	s25 =	simm.s32 $0x1B8E;
	s24 =	sld [smem:$0x3FFE];
	[sflag:s4] =	ssyncadd.remote.s32 @!p0 $0x1  }
0xb4: {  	s26 =	simm.s32 $execute0_lowered;
	[smem:$0x3FD2] =	sst s25  }
0xb5: {  	s5 =	sshll.u32 s26, $0x1;
	_ =	strace $0x8000004C;
	[dreg:$0x1] =	wrdreg $0xFFFFFFFF  }
0xb6: {  	s28 =	simm.s32 $_size_execute0_lowered;
	s3 =	sadd.s32 s3, s5;
	[dreg:$0x0] =	wrdreg $0x0  }
0xb7: {  	s5 =	sshll.u32 s28, $0x1;
	[dreg:$0x2] =	wrdreg s3  }
0xb8: {  	[dreg:$0x3] =	wrdreg s5  }
0xb9: {  	[dreg:$0x4] =	wrdreg $0xC0  }
0xba: {  	_ =	task [dreg:s22], $0x5FFFF  }
0xbb: {  	[dreg:$0x1] =	wrdreg $0xFFFFFFFF  }
0xbc: {  	[dreg:$0x0] =	wrdreg $0x60  }
0xbd: {  	[dreg:$0x2] =	wrdreg s24  }
0xbe: {  	[dreg:$0x3] =	wrdreg $0x98000  }
0xbf: {  	[dreg:$0x4] =	wrdreg $0x9  }
0xc0: {  	_ =	task.clear_ibuf [dreg:s22], $0x5FFFF;
	_ =	strace $0x9000004C  }
0xc1: {  	s29 =	simm.s32 $0x9;
	_ =	strace $0x8000004E  }
0xc2: {  	_ =	swait.ge [sflag:s29], $0x1  }
0xc3: {  	[sflag:s29] =	ssyncadd.s32 $0xFFFFFFFF  }
0xc4: {  	_ =	strace $0x9000004E  }
0xc5: {  	_ =	sfence  }
0xc6: {  	s30 =	sld [smem:$0x0];
	_ =	sdelay $0x2  }
0xc7: {  	s31 =	sshll.u32 s1, $0xD;
	s1 =	sshrl.u32 s1, $0x2  }
0xc8: {  	s4 =	sand.u32 $0x4000, s31;
	s1 =	sadd.s32 s1, s30  }
0xc9: {  	s0 =	sor.u32 s4, s0;
	s1 =	sshll.u32 s1, $0x11  }
0xca: {  	s0 =	sor.u32 s1, s0  }
0xcb: {  	s0 =	sadd.s32 $0x8F2B, s0  }
0xcc: {  	[sflag:s0] =	ssyncadd.remote.s32 $0x1  }
0xcd: {  	_ =	sfence.sel $0xFFFF  }
0xce: {  	[dreg:$0x0] =	wrdreg $0xFFFFFFFF;
	(pc) =	sbr.abs _section_cstart, $3  }
0xcf: {  	[dreg:$0x1] =	wrdreg $0xFFFFFFFF  }
0xd0: {  	_ =	task.clear_ibuf [dreg:s22], $0x2FFFF;
	_ =	strace $0x9FFFFFFF  }
0xd1: {  	(tm) =	ssettm $0x7FFFFFFF  }
tec
execute0_lowered:
.L_overlay_start_1:
0x0: {  	(tag) =	ssettag $0x1  }
0x1: {  	s4 =	rddreg [dreg:$0x0]  }
0x2: {  	s2 =	rddreg [dreg:$0x1]  }
0x3: {  	s0 =	srdreg.scid;
	s1 =	rddreg [dreg:$0x2]  }
0x4: {  	s3 =	simm.s32 $0x0;
	s15 =	simm.s32 $0x1;
	s16 =	simm.s32 $0x4800  }
0x5: {  	s17 =	simm.s32 $0x50;
	s18 =	simm.s32 $0x2;
	s7 =	sand.u32 $0x1, s0  }
0x6: {  	s19 =	simm.s32 $0x1F00;
	s0 =	stileid.u32;
	s5 =	smul.u32 $0x138800, s7  }
0x7: {  	s20 =	simm.s32 $0x1F80;
	s21 =	simm.s32 $0x0;
	s6 =	smul.u32 $0x14000, s0  }
0x8: {  	[smem:$0x7FF] =	sst s3;
	s9 =	sadd.s32 $0x7CCC00, s4;
	s12 =	smul.u32 $0x50000, s0  }
0x9: {  	s8 =	sshll.u32 s0, $0x1;
	_ =	strace $0x8000004D;
	s13 =	smul.u32 $0x28000, s0  }
0xa: {  	s26 =	ssub.s32 $0x2, s7;
	s28 =	sshll.u32 s0, $0x3;
	s14 =	smul.u32 $0x14000, s7  }
0xb: {  	s8 =	sor.u32 s7, s8;
	s10 =	sshrl.u32 s26, $0x1;
	s5 =	sadd.s32 s6, s5  }
0xc: {  	s25 =	sshll.u32 s8, $0xA;
	s8 =	smul.u32 $0x14000, s8;
	s10 =	ssub.s32 s26, s10  }
0xd: {  	s29 =	sshrl.u32 s12, $0x2;
	s30 =	sadd.s32 s13, s9;
	s12 =	simm.s32 $0x7000  }
0xe: {  	s13 =	simm.s32 $0x3;
	s5 =	sshrl.u32 s5, $0x3;
	s6 =	sadd.s32 s25, s4  }
0xf: {  	s7 =	smax.u32 s10, $0x1;
	s31 =	sadd.s32 s14, s30;
	s14 =	simm.s32 $0x2000  }
0x10: {  	s11 =	sadd.s32 s5, s4;
	s5 =	sxor.u32 $0x7D, s28;
	s10 =	sadd.s32 $0x500, s31  }
0x11: {  	s4 =	smin.u32 s5, $0x8;
	s5 =	sadd.s32 $0x4800, s6;
	s6 =	sadd.s32 s9, s8  }
0x12: {  	v0 =	vimm.f32 $0.0e+00;
	s9 =	sadd.s32 s29, s2;
	s11 =	sadd.s32 $0x5AC00, s11;
	s8 =	sadd.s32 $0x13B00, s6  }
.LBB2_1:
0x13: {  	s22 =	simm.s32 $0x0;
	s23 =	simm.s32 $0x200  }
.LBB2_2:
0x14: {  	p0 =	sne.s32 s23, $0x9E00;
	[tilespmem:s22+$0x7070] =	vst v0  }
0x15: {  	[tilespmem:s22+$0x7000] =	vst v0  }
0x16: {  	[tilespmem:s22+$0x7010] =	vst v0  }
.Ltmp0:
0x17: {  	[tilespmem:s22+$0x7020] =	vst v0;
	(pc) =	sbr.rel @p0 .LBB2_2-.Ltmp0, $4  }
0x18: {  	[tilespmem:s22+$0x7030] =	vst v0  }
0x19: {  	[tilespmem:s22+$0x7040] =	vst v0  }
0x1a: {  	[tilespmem:s22+$0x7050] =	vst v0  }
0x1b: {  	[tilespmem:s22+$0x7060] =	vst v0;
	s22 =	sshra.s32 s23, $0x2;
	s23 =	sadd.s32 $0x200, s23  }
0x1c: {  	[tilespmem:s22+$0x7070] =	vst v0  }
0x1d: {  	[tilespmem:s22+$0x7000] =	vst v0  }
0x1e: {  	[tilespmem:s22+$0x7010] =	vst v0  }
0x1f: {  	[tilespmem:s22+$0x7020] =	vst v0  }
0x20: {  	[tilespmem:s22+$0x7030] =	vst v0  }
0x21: {  	[tilespmem:s22+$0x7040] =	vst v0;
	p0 =	sne.s32 s4, $0x1  }
.Ltmp1:
0x22: {  	[tilespmem:s22+$0x7050] =	vst v0;
	(pc) =	sbr.rel @!p0 .LBB2_5-.Ltmp1, $4  }
0x23: {  	[tilespmem:s22+$0x7060] =	vst v0  }
0x24: {  	[spmem:s9] =	stream.linear.scatter [tilespmem:s12], [sflag:$0x3], $0x2800, $0x38;
	[tilespmem:$0x1D080] =	vst v63  }
0x25: {  	_ =	swait.ge [sflag:s13], $0x2800  }
0x26: {  	s22 =	sadd.s32 $0xFFFFFFFF, s4;
	s23 =	smov.u32 s9;
	[sflag:s13] =	ssyncset.done $0x0  }
.LBB2_4:
0x27: {  	p1 =	sne.s32 s22, $0x1;
	[sflag:s13] =	ssyncadd.s32 $0xFFFFD800;
	s23 =	sadd.s32 $0x2800, s23  }
.Ltmp2:
0x28: {  	s22 =	sadd.s32 $0xFFFFFFFF, s22;
	(pc) =	sbr.rel @p1 .LBB2_4-.Ltmp2, $4  }
0x29: {  	_ = 	snop  }
0x2a: {  	[spmem:s23] =	stream.linear.scatter [tilespmem:s12], [sflag:$0x3], $0x2800, $0x38;
	[tilespmem:$0x1D080] =	vst v63  }
0x2b: {  	_ =	swait.ge [sflag:s13], $0x2800  }
0x2c: {  	[sflag:s13] =	ssyncset.done $0x0  }
.LBB2_5:
0x2d: {  	[sflag:s13] =	ssyncadd.s32 $0xFFFFD800  }
0x2e: {  	s22 =	simm.s32 $0x0;
	[bflag:$0x0] =	sbarrier.arrive $0xFFFF  }
0x2f: {  	[tilespmem:s22], [sflag:$0x3] =	stream.linear.gather [hbm4b:s5+s22], $0x2000, $0x38;
	[tilespmem:$0x1D080] =	vst v63  }
0x30: {  	_ =	swait.ge [sflag:s13], $0x2000  }
0x31: {  	[sflag:s13] =	ssyncset.done $0x0  }
0x32: {  	[sflag:s13] =	ssyncadd.s32 $0xFFFFE000  }
0x33: {  	[tilespmem:s14], [sflag:$0x1] =	stream.linear.gather [hbm4b:s6+s22], $0x2800, $0x38;
	[tilespmem:$0x1D080] =	vst v63  }
0x34: {  	_ =	swait.ge [sflag:s15], $0x2800  }
0x35: {  	[sflag:s15] =	ssyncset.done $0x0  }
0x36: {  	[sflag:s15] =	ssyncadd.s32 $0xFFFFD800  }
0x37: {  	[tilespmem:s16], [sflag:$0x2] =	stream.linear.gather [hbm4b:s10+s3], $0x2800, $0x38;
	[tilespmem:$0x1D080] =	vst v63  }
0x38: {  	s29 =	simm.s32 $0x0  }
0x39: {  	[spmem:s2] =	stream.indirect.scatter.add.f32 [tilespmem:s14], [sflag:$0x3], $0x80, s29, s17, $0xb8;
	[tilespmem:$0x1D080] =	vst v63  }
0x3a: {  	_ =	swait.ge [sflag:s13], $0x2800  }
0x3b: {  	[sflag:s13] =	ssyncset.done $0x0  }
0x3c: {  	[sflag:s13] =	ssyncadd.s32 $0xFFFFD800  }
0x3d: {  	_ =	swait.ge [sflag:s18], $0x2800  }
0x3e: {  	[sflag:s18] =	ssyncset.done $0x0  }
0x3f: {  	s30 =	sadd.s32 $0x500, s10;
	[sflag:s18] =	ssyncadd.s32 $0xFFFFD800  }
0x40: {  	[tilespmem:s14], [sflag:$0x1] =	stream.linear.gather [hbm4b:s30+s3], $0x2800, $0x38;
	[tilespmem:$0x1D080] =	vst v63  }
0x41: {  	s31 =	simm.s32 $0x80  }
0x42: {  	[spmem:s2] =	stream.indirect.scatter.add.f32 [tilespmem:s16], [sflag:$0x3], $0x80, s31, s17, $0xb8;
	[tilespmem:$0x1D080] =	vst v63  }
0x43: {  	_ =	swait.ge [sflag:s13], $0x2800  }
0x44: {  	s23 =	smov.u32 s10;
	s22 =	simm.s32 $0x400;
	[sflag:s13] =	ssyncset.done $0x0  }
.LBB2_6:
0x45: {  	p1 =	sne.s32 s22, $0x7800;
	[sflag:s13] =	ssyncadd.s32 $0xFFFFD800;
	s23 =	sadd.s32 $0xA00, s23  }
0x46: {  	s24 =	smov.u32 s22;
	s22 =	sadd.s32 $0x400, s22  }
0x47: {  	_ =	swait.ge [sflag:s15], $0x2800  }
0x48: {  	[sflag:s15] =	ssyncset.done $0x0  }
0x49: {  	[sflag:s15] =	ssyncadd.s32 $0xFFFFD800  }
0x4a: {  	[tilespmem:s16], [sflag:$0x2] =	stream.linear.gather [hbm4b:s23+s3], $0x2800, $0x38;
	[tilespmem:$0x1D080] =	vst v63  }
0x4b: {  	s24 =	sshra.s32 s24, $0x2  }
0x4c: {  	[spmem:s2] =	stream.indirect.scatter.add.f32 [tilespmem:s14], [sflag:$0x3], $0x80, s24, s17, $0xb8;
	[tilespmem:$0x1D080] =	vst v63  }
0x4d: {  	_ =	swait.ge [sflag:s13], $0x2800  }
0x4e: {  	[sflag:s13] =	ssyncset.done $0x0  }
0x4f: {  	[sflag:s13] =	ssyncadd.s32 $0xFFFFD800  }
0x50: {  	_ =	swait.ge [sflag:s18], $0x2800  }
0x51: {  	[sflag:s18] =	ssyncset.done $0x0  }
0x52: {  	s25 =	sadd.s32 $0x500, s23;
	[sflag:s18] =	ssyncadd.s32 $0xFFFFD800  }
0x53: {  	[tilespmem:s14], [sflag:$0x1] =	stream.linear.gather [hbm4b:s25+s3], $0x2800, $0x38;
	[tilespmem:$0x1D080] =	vst v63  }
.Ltmp3:
0x54: {  	_ = 	snop;
	(pc) =	sbr.rel @p1 .LBB2_6-.Ltmp3, $4  }
0x55: {  	s24 =	sadd.s32 $0x80, s24  }
0x56: {  	[spmem:s2] =	stream.indirect.scatter.add.f32 [tilespmem:s16], [sflag:$0x3], $0x80, s24, s17, $0xb8;
	[tilespmem:$0x1D080] =	vst v63  }
0x57: {  	_ =	swait.ge [sflag:s13], $0x2800  }
0x58: {  	[sflag:s13] =	ssyncset.done $0x0  }
0x59: {  	[sflag:s13] =	ssyncadd.s32 $0xFFFFD800  }
0x5a: {  	_ =	swait.ge [sflag:s15], $0x2800  }
0x5b: {  	[sflag:s15] =	ssyncset.done $0x0  }
0x5c: {  	[sflag:s15] =	ssyncadd.s32 $0xFFFFD800  }
0x5d: {  	[tilespmem:s16], [sflag:$0x2] =	stream.linear.gather [hbm4b:s8+s3], $0x2800, $0x38;
	[tilespmem:$0x1D080] =	vst v63  }
0x5e: {  	_ = 	snop  }
0x5f: {  	[spmem:s2] =	stream.indirect.scatter.add.f32 [tilespmem:s14], [sflag:$0x3], $0x80, s19, s17, $0xb8;
	[tilespmem:$0x1D080] =	vst v63  }
0x60: {  	_ =	swait.ge [sflag:s13], $0x2800  }
0x61: {  	[sflag:s13] =	ssyncset.done $0x0  }
0x62: {  	[sflag:s13] =	ssyncadd.s32 $0xFFFFD800  }
0x63: {  	_ =	swait.ge [sflag:s18], $0x2800  }
0x64: {  	[sflag:s18] =	ssyncset.done $0x0  }
0x65: {  	[sflag:s18] =	ssyncadd.s32 $0xFFFFD800  }
0x66: {  	[spmem:s2] =	stream.indirect.scatter.add.f32 [tilespmem:s16], [sflag:$0x3], $0x80, s20, s17, $0xb8;
	[tilespmem:$0x1D080] =	vst v63  }
0x67: {  	_ =	swait.ge [sflag:s13], $0x2800  }
0x68: {  	[sflag:s13] =	ssyncset.done $0x0  }
0x69: {  	[sflag:s13] =	ssyncadd.s32 $0xFFFFD800  }
0x6a: {  	[bflag:$0x0] =	sbarrier.arrive $0xFFFF  }
0x6b: {  	[tilespmem:s12], [sflag:$0x3] =	stream.linear.gather [spmem:s9], $0x2800, $0x38;
	[tilespmem:$0x1D080] =	vst v63  }
0x6c: {  	_ =	swait.ge [sflag:s13], $0x2800  }
.Ltmp4:
0x6d: {  	[sflag:s13] =	ssyncset.done $0x0;
	(pc) =	sbr.rel @!p0 .LBB2_9-.Ltmp4, $4  }
0x6e: {  	[sflag:s13] =	ssyncadd.s32 $0xFFFFD800  }
0x6f: {  	[hbm4b:s11+s3] =	stream.linear.scatter [tilespmem:s12], [sflag:$0x3], $0x2800, $0x38;
	[tilespmem:$0x1D080] =	vst v63  }
0x70: {  	s22 =	sadd.s32 $0xFFFFFFFF, s4;
	_ =	swait.ge [sflag:s13], $0x2800  }
0x71: {  	s23 =	smov.u32 s11;
	s24 =	smov.u32 s9;
	[sflag:s13] =	ssyncset.done $0x0  }
.LBB2_8:
0x72: {  	[sflag:s13] =	ssyncadd.s32 $0xFFFFD800;
	s23 =	sadd.s32 $0x500, s23;
	s24 =	sadd.s32 $0x2800, s24  }
0x73: {  	[tilespmem:s12], [sflag:$0x3] =	stream.linear.gather [spmem:s24], $0x2800, $0x38;
	[tilespmem:$0x1D080] =	vst v63  }
0x74: {  	p0 =	sne.s32 s22, $0x1;
	s22 =	sadd.s32 $0xFFFFFFFF, s22;
	_ =	swait.ge [sflag:s13], $0x2800  }
.Ltmp5:
0x75: {  	[sflag:s13] =	ssyncset.done $0x0;
	(pc) =	sbr.rel @p0 .LBB2_8-.Ltmp5, $4  }
0x76: {  	[sflag:s13] =	ssyncadd.s32 $0xFFFFD800  }
0x77: {  	[hbm4b:s23+s3] =	stream.linear.scatter [tilespmem:s12], [sflag:$0x3], $0x2800, $0x38;
	[tilespmem:$0x1D080] =	vst v63  }
0x78: {  	_ =	swait.ge [sflag:s13], $0x2800  }
0x79: {  	[sflag:s13] =	ssyncset.done $0x0  }
.LBB2_9:
0x7a: {  	s21 =	sadd.s32 $0x1, s21  }
0x7b: {  	p0 =	sne.s32 s21, s7  }
.Ltmp6:
0x7c: {  	_ = 	snop;
	(pc) =	sbr.rel @p0 .LBB2_1-.Ltmp6, $2  }
0x7d: {  	_ =	sdelay $0x2  }
0x7e: {  	[sflag:s13] =	ssyncadd.s32 $0xFFFFD800  }
0x7f: {  	_ =	sfence.sel $0x180000  }
0x80: {  	[bflag:$0x0] =	sbarrier.arrive $0xFFFF  }
0x81: {  	p0 =	sne.s32 s0, $0x0;
	_ =	strace $0x9000004D  }
0x82: {  	s0 =	sadd.s32 @!p0 $0x100000, s1;
	[bflag:$0x2] =	sbarrier.arrive $0xFFFF  }
0x83: {  	[sflag:s0] =	ssyncadd.tile.s32 @!p0 $0x1;
	_ =	shalt  }
.Lfunc_end2:
_tile_overlayer_lowered:
.L_overlay_start_2:
0x84: {  	(tag) =	ssettag $0x2  }
0x85: {  	s0 =	rddreg [dreg:$0x0];
	s2 =	stileid.u32  }
0x86: {  	s1 =	rddreg [dreg:$0x1];
	p0 =	sne.s32 s2, $0x0  }
0x87: {  	s3 =	rddreg [dreg:$0x2];
	[bflag:$0x3] =	sbarrier.arrive $0xFFFF;
	s2 =	simm.s32 @!p0 $0x1C03  }
0x88: {  	[timem:s3], [sflag:s2] =	dma.local @!p0 [hbm:s0], s1  }
0x89: {  	s0 =	simm.s32 @!p0 $0x3  }
0x8a: {  	_ =	swait.ge @!p0 [sflag:s0], s1  }
0x8b: {  	s1 =	ssub.s32 @!p0 $0x0, s1;
	[sflag:s0] =	ssyncset.done @!p0 $0x0  }
0x8c: {  	[sflag:s0] =	ssyncadd.s32 @!p0 s1  }
0x8d: {  	[bflag:$0x3] =	sbarrier.arrive $0xFFFF  }
0x8e: {  	_ =	shalt  }

// kernel: kernel.16.cloned.1.call-start
scs
__scs_entry_jumppad:
0x0: {  	(pc) =	sbr.rel $0x88, $3  }
0x1: {  	(tag) =	ssettag $0x0;
	lr =	simm.s32 $0x1  }
0x2: {  	[smem:$0x3F8A] =	sst lr;
	_ =	strace $0xD0000000  }
0x3: {  	_ = 	snop  }
0x4: {  	_ = 	snop  }
0x5: {  	_ = 	snop  }
0x6: {  	_ = 	snop  }
0x7: {  	_ = 	snop  }
__scs_overlays_trampoline_lowered:
0x8: {  	[smem:$0x3F99] =	sst s0  }
0x9: {  	[smem:$0x3F9A] =	sst s1  }
0xa: {  	[smem:$0x3F9B] =	sst s2  }
0xb: {  	[smem:$0x3F9C] =	sst s3  }
0xc: {  	[smem:$0x3F9D] =	sst s4  }
0xd: {  	[smem:$0x3F9E] =	sst s5  }
0xe: {  	[smem:$0x3F9F] =	sst s6  }
0xf: {  	[smem:$0x3FA0] =	sst s7  }
0x10: {  	[smem:$0x3FA1] =	sst s8  }
0x11: {  	[smem:$0x3FA2] =	sst s9;
	s0 =	simm.s32 @!p0 $0x0  }
0x12: {  	s1 =	sld [smem:$0x3F88];
	s0 =	simm.s32 @p0 $0x1  }
0x13: {  	[smem:$0x3FA3] =	sst s0;
	s0 =	simm.s32 @!p1 $0x0  }
0x14: {  	s2 =	sld [smem:$0x3F87];
	s0 =	simm.s32 @p1 $0x1  }
0x15: {  	[smem:$0x3FA4] =	sst s0;
	s0 =	simm.s32 @!p2 $0x0  }
0x16: {  	s3 =	sld [smem:$0x3FDB];
	s0 =	simm.s32 @p2 $0x1  }
0x17: {  	s4 =	simm.s32 $0x1BF5;
	[smem:$0x3FA6] =	sst s0  }
0x18: {  	s0 =	sld [smem:$0x3F89];
	_ =	swait.ge [sflag:s4], $0x0  }
0x19: {  	s7 =	sld [smem:$0x3F8A]  }
0x1a: {  	s8 =	sadd.s32 $0xFFFFE003, lr  }
0x1b: {  	s9 =	sadd.s32 $0xFFFFFEF7, lr;
	s5 =	simm.s32 $0xFFFFFFFF;
	p2 =	slt.u32 s8, $0xFFFFF086  }
0x1c: {  	p1 =	slt.u32 s9, $0xF7A;
	s5 =	simm.s32 @!p2 $0x0  }
0x1d: {  	s5 =	simm.s32 @p1 $0x1;
	p0 =	seq.s32 s7, s2  }
0x1e: {  	s7 =	smul.u32 @!p0 $0xF7A, s2;
	p2 =	seq.s32 @!p0 s5, $0x0  }
0x1f: {  	s9 =	smul.u32 $0xF7A, s1;
	s8 =	simm.s32 @!p0 $0x1BF5;
	p2 =	por !p2, p0  }
0x20: {  	[sflag:s8] =	ssyncset.s32 @!p0 $0xFFFFF086;
	s6 =	sadd.s32 @!p0 s3, s7;
	s7 =	simm.s32 @!p0 $0x108  }
0x21: {  	s3 =	sadd.s32 s3, s9;
	s6 =	sadd.s32 @!p0 $0x88, s6;
	s7 =	simm.s32 @p2 $0x1082  }
0x22: {  	[simem:s7], [sflag:s8] =	dma.local @!p0 [hbm:s6], $0xF7A  }
0x23: {  	s9 =	sor.u32 $0xD0000000, s2;
	s6 =	simm.s32 $0x108;
	_ =	swait.ge @!p0 [sflag:s8], $0x0  }
0x24: {  	s3 =	sadd.s32 $0x88, s3;
	s6 =	simm.s32 @!p1 $0x1082;
	[sflag:s4] =	ssyncset.s32 $0xFFFFF086  }
0x25: {  	[simem:s6], [sflag:s4] =	dma.local [hbm:s3], $0xF7A  }
0x26: {  	[smem:$0x3F8A] =	sst s1;
	(tag) =	ssettag s2;
	_ =	strace s9  }
0x27: {  	s1 =	sld [smem:$0x3F9A]  }
0x28: {  	s2 =	sld [smem:$0x3F9B]  }
0x29: {  	s4 =	sld [smem:$0x3F9D]  }
0x2a: {  	p0 =	seq.s32 s5, $0x0;
	s5 =	sld [smem:$0x3F9E]  }
0x2b: {  	s6 =	sld [smem:$0x3F9F]  }
0x2c: {  	s7 =	sld [smem:$0x3FA0]  }
0x2d: {  	s3 =	simm.s32 $0x108;
	s8 =	sld [smem:$0x3FA1]  }
0x2e: {  	s3 =	simm.s32 @!p0 $0x1082;
	s9 =	sld [smem:$0x3FA2]  }
0x2f: {  	lr =	sadd.s32 s0, s3;
	s0 =	sld [smem:$0x3F99]  }
0x30: {  	s3 =	sld [smem:$0x3F9C]  }
0x31: {  	[smem:$0x3FA5] =	sst s10  }
0x32: {  	s10 =	sld [smem:$0x3FA3];
	_ =	sdelay $0x3  }
0x33: {  	p0 =	seq.s32 s10, $0x1;
	s10 =	sld [smem:$0x3FA5];
	_ =	sdelay $0x3  }
0x34: {  	[smem:$0x3FA5] =	sst s10  }
0x35: {  	s10 =	sld [smem:$0x3FA4];
	_ =	sdelay $0x3  }
0x36: {  	p1 =	seq.s32 s10, $0x1;
	s10 =	sld [smem:$0x3FA5];
	_ =	sdelay $0x3  }
0x37: {  	[smem:$0x3FA5] =	sst s10  }
0x38: {  	s10 =	sld [smem:$0x3FA6]  }
0x39: {  	_ = 	snop;
	(pc) =	sbr.ind lr, $3  }
0x3a: {  	_ = 	snop  }
0x3b: {  	_ = 	snop  }
0x3c: {  	p2 =	seq.s32 s10, $0x1;
	s10 =	sld [smem:$0x3FA5]  }
0x3d: {  	_ =	shalt  }
0x3e: {  	_ =	shalt  }
0x3f: {  	_ =	shalt  }
0x40: {  	_ =	shalt  }
0x41: {  	_ =	shalt  }
0x42: {  	_ =	shalt  }
0x43: {  	_ =	shalt  }
0x44: {  	_ =	shalt  }
0x45: {  	_ =	shalt  }
0x46: {  	_ =	shalt  }
0x47: {  	_ =	shalt  }
0x48: {  	_ =	shalt  }
0x49: {  	_ =	shalt  }
0x4a: {  	_ =	shalt  }
0x4b: {  	_ =	shalt  }
0x4c: {  	_ =	shalt  }
0x4d: {  	_ =	shalt  }
0x4e: {  	_ =	shalt  }
0x4f: {  	_ =	shalt  }
0x50: {  	_ =	shalt  }
0x51: {  	_ =	shalt  }
0x52: {  	_ =	shalt  }
0x53: {  	_ =	shalt  }
0x54: {  	_ =	shalt  }
0x55: {  	_ =	shalt  }
0x56: {  	_ =	shalt  }
0x57: {  	_ =	shalt  }
0x58: {  	_ =	shalt  }
0x59: {  	_ =	shalt  }
0x5a: {  	_ =	shalt  }
0x5b: {  	_ =	shalt  }
0x5c: {  	_ =	shalt  }
0x5d: {  	_ =	shalt  }
0x5e: {  	_ =	shalt  }
0x5f: {  	_ =	shalt  }
0x60: {  	_ =	shalt  }
0x61: {  	_ =	shalt  }
0x62: {  	_ =	shalt  }
0x63: {  	_ =	shalt  }
0x64: {  	_ =	shalt  }
0x65: {  	_ =	shalt  }
0x66: {  	_ =	shalt  }
0x67: {  	_ =	shalt  }
0x68: {  	_ =	shalt  }
0x69: {  	_ =	shalt  }
0x6a: {  	_ =	shalt  }
0x6b: {  	_ =	shalt  }
0x6c: {  	_ =	shalt  }
0x6d: {  	_ =	shalt  }
0x6e: {  	_ =	shalt  }
0x6f: {  	_ =	shalt  }
0x70: {  	_ =	shalt  }
0x71: {  	_ =	shalt  }
0x72: {  	_ =	shalt  }
0x73: {  	_ =	shalt  }
0x74: {  	_ =	shalt  }
0x75: {  	_ =	shalt  }
0x76: {  	_ =	shalt  }
0x77: {  	_ =	shalt  }
0x78: {  	_ =	shalt  }
0x79: {  	_ =	shalt  }
0x7a: {  	_ =	shalt  }
0x7b: {  	_ =	shalt  }
0x7c: {  	_ =	shalt  }
0x7d: {  	_ =	shalt  }
0x7e: {  	_ =	shalt  }
0x7f: {  	_ =	shalt  }
0x80: {  	_ =	shalt  }
0x81: {  	_ =	shalt  }
0x82: {  	_ =	shalt  }
0x83: {  	_ =	shalt  }
0x84: {  	_ =	shalt  }
0x85: {  	_ =	shalt  }
0x86: {  	_ =	shalt  }
0x87: {  	_ =	shalt  }
.Lfunc_end0:
.L_simem_size_0:
called_computation.2_lowered:
.L_overlay_start_0:
0x88: {  	s2 =	sld [smem:$0x3FD9]  }
0x89: {  	s3 =	sld [smem:$0x3FFE];
	_ =	sdelay $0x1  }
0x8a: {  	s1 =	srdreg.scid  }
0x8b: {  	s0 =	sand.u32 $0x1, s1  }
0x8c: {  	s17 =	sshll.u32 s0, $0xA;
	s2 =	sadd.s32 s3, s2  }
0x8d: {  	s2 =	sadd.s32 s2, s17  }
0x8e: {  	[smem:$0x3FB1] =	sst s2  }
0x8f: {  	_ = 	snop  }
0x90: {  	(tm) =	ssettm $0x1  }
0x91: {  	s18 =	sld [smem:$0x3FFB];
	_ =	sdelay $0x3  }
0x92: {  	_ =	strace s18  }
0x93: {  	s2 =	sld [smem:$0x3FFC];
	_ =	sdelay $0x3  }
0x94: {  	_ =	strace s2  }
0x95: {  	s2 =	sld [smem:$0x3FFD];
	_ =	sdelay $0x3  }
0x96: {  	_ =	strace s2  }
0x97: {  	_ =	strace $0x8FFFFFFF  }
0x98: {  	s19 =	sld [smem:$0x3FDB];
	_ =	sdelay $0x1  }
0x99: {  	s20 =	simm.s32 $_scs_section_size  }
0x9a: {  	s4 =	simm.s32 $_size__tile_overlayer_lowered;
	s5 =	simm.s32 $_tile_overlayer_lowered  }
0x9b: {  	s6 =	simm.s32 $0x1BFF;
	s21 =	sshll.u32 s5, $0x1;
	s3 =	sadd.s32 s20, s19  }
0x9c: {  	s22 =	simm.s32 $0x0;
	s4 =	sshll.u32 s4, $0x1;
	s5 =	sadd.s32 s21, s3  }
0x9d: {  	[timem:s22], [sflag:s6] =	dma.local [hbm:s5], s4  }
0x9e: {  	_ =	swait.ge [sflag:s6], s4  }
0x9f: {  	s4 =	ssub.s32 $0x0, s4;
	[sflag:s6] =	ssyncset.done $0x0  }
0xa0: {  	[sflag:s6] =	ssyncadd.s32 s4;
	_ =	sdelay $0x1  }
0xa1: {  	s23 =	simm.s32 $0x1B8B  }
0xa2: {  	_ =	swait.ge [sflag:s23], $0x1  }
0xa3: {  	[sflag:s23] =	ssyncset.done $0x0  }
0xa4: {  	[sflag:s23] =	ssyncadd.s32 $0xFFFFFFFF  }
0xa5: {  	s4 =	sld [smem:$0x0]  }
0xa6: {  	s5 =	sand.u32 $0xFFFFFFFE, s1  }
0xa7: {  	p0 =	sne.s32 s1, s5  }
0xa8: {  	s5 =	sshll.u32 @p0 s5, $0xE  }
0xa9: {  	s5 =	sadd.s32 @p0 $0x11B8D, s5;
	s6 =	sshll.u32 @p0 s4, $0x11  }
0xaa: {  	s5 =	sor.u32 @p0 s6, s5  }
0xab: {  	[sflag:s5] =	ssyncadd.remote.s32 @p0 $0x1;
	_ =	sdelay $0x1  }
0xac: {  	s5 =	simm.s32 @p0 $0x1B8D  }
0xad: {  	_ =	swait.eq @p0 [sflag:s5], $0x1  }
0xae: {  	[sflag:s5] =	ssyncadd.s32 @p0 $0xFFFFFFFF  }
0xaf: {  	s6 =	sshll.u32 @!p0 s1, $0xE  }
0xb0: {  	s6 =	sor.u32 @!p0 $0x4000, s6;
	s5 =	simm.s32 @!p0 $0x1B8D  }
0xb1: {  	s4 =	sshll.u32 @!p0 s4, $0x11;
	s6 =	sadd.s32 @!p0 $0x11B8D, s6;
	_ =	swait.eq @!p0 [sflag:s5], $0x1  }
0xb2: {  	s4 =	sor.u32 @!p0 s4, s6;
	[sflag:s5] =	ssyncadd.s32 @!p0 $0xFFFFFFFF  }
0xb3: {  	s25 =	simm.s32 $0x1B8E;
	s24 =	sld [smem:$0x3FFE];
	[sflag:s4] =	ssyncadd.remote.s32 @!p0 $0x1  }
0xb4: {  	s26 =	simm.s32 $execute0_lowered;
	[smem:$0x3FD2] =	sst s25  }
0xb5: {  	s5 =	sshll.u32 s26, $0x1;
	_ =	strace $0x80000049;
	[dreg:$0x1] =	wrdreg $0xFFFFFFFF  }
0xb6: {  	s28 =	simm.s32 $_size_execute0_lowered;
	s3 =	sadd.s32 s3, s5;
	[dreg:$0x0] =	wrdreg $0x0  }
0xb7: {  	s5 =	sshll.u32 s28, $0x1;
	[dreg:$0x2] =	wrdreg s3  }
0xb8: {  	[dreg:$0x3] =	wrdreg s5  }
0xb9: {  	[dreg:$0x4] =	wrdreg $0xC0  }
0xba: {  	_ =	task [dreg:s22], $0x5FFFF  }
0xbb: {  	[dreg:$0x1] =	wrdreg $0xFFFFFFFF  }
0xbc: {  	[dreg:$0x0] =	wrdreg $0x60  }
0xbd: {  	[dreg:$0x2] =	wrdreg s24  }
0xbe: {  	[dreg:$0x3] =	wrdreg $0xA  }
0xbf: {  	_ =	task.clear_ibuf [dreg:s22], $0x4FFFF;
	_ =	strace $0x90000049  }
0xc0: {  	s29 =	simm.s32 $0xA;
	_ =	strace $0x8000004B  }
0xc1: {  	_ =	swait.ge [sflag:s29], $0x1  }
0xc2: {  	[sflag:s29] =	ssyncadd.s32 $0xFFFFFFFF  }
0xc3: {  	_ =	strace $0x9000004B  }
0xc4: {  	_ =	sfence  }
0xc5: {  	s30 =	sld [smem:$0x0];
	_ =	sdelay $0x2  }
0xc6: {  	s31 =	sshll.u32 s1, $0xD;
	s1 =	sshrl.u32 s1, $0x2  }
0xc7: {  	s4 =	sand.u32 $0x4000, s31;
	s1 =	sadd.s32 s1, s30  }
0xc8: {  	s0 =	sor.u32 s4, s0;
	s1 =	sshll.u32 s1, $0x11  }
0xc9: {  	s0 =	sor.u32 s1, s0  }
0xca: {  	s0 =	sadd.s32 $0x8F2B, s0  }
0xcb: {  	[sflag:s0] =	ssyncadd.remote.s32 $0x1  }
0xcc: {  	_ =	sfence.sel $0xFFFF  }
0xcd: {  	[dreg:$0x0] =	wrdreg $0xFFFFFFFF;
	(pc) =	sbr.abs _section_cstart, $3  }
0xce: {  	[dreg:$0x1] =	wrdreg $0xFFFFFFFF  }
0xcf: {  	_ =	task.clear_ibuf [dreg:s22], $0x2FFFF;
	_ =	strace $0x9FFFFFFF  }
0xd0: {  	(tm) =	ssettm $0x7FFFFFFF  }
0xd1: {  	_ =	shalt  }
tec
execute0_lowered:
.L_overlay_start_1:
0x0: {  	(tag) =	ssettag $0x1  }
0x1: {  	s4 =	rddreg [dreg:$0x0]  }
0x2: {  	s0 =	rddreg [dreg:$0x1]  }
0x3: {  	s2 =	simm.s32 $0x0;
	s3 =	srdreg.scid;
	s1 =	stileid.u32  }
0x4: {  	s10 =	simm.s32 $0x7;
	s11 =	simm.s32 $0x2000;
	s12 =	simm.s32 $0x50  }
0x5: {  	s13 =	simm.s32 $0x4000;
	s14 =	simm.s32 $0x6800;
	s15 =	simm.s32 $0x1  }
0x6: {  	s16 =	simm.s32 $0x2;
	s17 =	simm.s32 $0xB800;
	s18 =	simm.s32 $0xE000  }
0x7: {  	s19 =	simm.s32 $0x9000;
	s20 =	simm.s32 $0x4;
	s21 =	simm.s32 $0x5  }
0x8: {  	s22 =	simm.s32 $0x10800;
	s23 =	simm.s32 $0x3;
	s24 =	simm.s32 $0x6  }
0x9: {  	s25 =	simm.s32 $0x0;
	s5 =	sand.u32 $0x1, s3;
	s6 =	sshll.u32 s1, $0x1  }
0xa: {  	[smem:$0x7FF] =	sst s2;
	s3 =	sadd.s32 $0xC800, s4;
	s6 =	sor.u32 s5, s6  }
0xb: {  	s5 =	ssub.s32 $0x2, s5;
	s7 =	sshll.u32 s6, $0xA;
	s8 =	smul.u32 $0x98800, s6  }
0xc: {  	_ =	strace $0x8000004A;
	s9 =	sshrl.u32 s5, $0x1;
	s7 =	sadd.s32 s7, s4  }
0xd: {  	s4 =	sadd.s32 $0x2EAC00, s4;
	s9 =	ssub.s32 s5, s9;
	s8 =	sshrl.u32 s8, $0x3  }
0xe: {  	s5 =	smul.u32 $0x1310, s6;
	s6 =	sadd.s32 $0x2DAC00, s7;
	s8 =	sadd.s32 s4, s8  }
0xf: {  	s7 =	sadd.s32 $0x2E2C00, s7;
	s9 =	smax.u32 s9, $0x1;
	s8 =	sadd.s32 $0x12C00, s8  }
.LBB2_1:
0x10: {  	[tilespmem:s2], [sflag:$0x7] =	stream.linear.gather [hbm4b:s6+s2], $0x1E80, $0x38;
	[tilespmem:$0x13000] =	vst v63  }
0x11: {  	_ =	swait.ge [sflag:s10], $0x1E80  }
0x12: {  	[sflag:s10] =	ssyncset.done $0x0  }
0x13: {  	[sflag:s10] =	ssyncadd.s32 $0xFFFFE180  }
0x14: {  	[tilespmem:s11], [sflag:$0x7] =	stream.linear.gather [hbm4b:s7+s2], $0x1E80, $0x38;
	[tilespmem:$0x13000] =	vst v63  }
0x15: {  	_ =	swait.ge [sflag:s10], $0x1E80  }
0x16: {  	[sflag:s10] =	ssyncset.done $0x0  }
0x17: {  	[sflag:s10] =	ssyncadd.s32 $0xFFFFE180  }
0x18: {  	[tilespmem:s13], [sflag:$0x1] =	stream.indirect.gather [hbm4b:s3+s12], $0x80, s2, s12, $0xb8;
	[tilespmem:$0x13000] =	vst v63  }
0x19: {  	s26 =	simm.s32 $0x0  }
0x1a: {  	[tilespmem:s14], [sflag:$0x2] =	stream.indirect.gather [hbm4b:s3+s12], $0x80, s11, s12, $0xb8;
	[tilespmem:$0x13000] =	vst v63  }
.LBB2_2:
0x1b: {  	_ =	swait.ge [sflag:s15], $0x2800  }
0x1c: {  	[sflag:s15] =	ssyncset.done $0x0  }
0x1d: {  	[sflag:s15] =	ssyncadd.s32 $0xFFFFD800  }
0x1e: {  	_ =	swait.ge [sflag:s16], $0x2800  }
0x1f: {  	s28 =	sshllo.u32 s26, $0x1;
	[sflag:s16] =	ssyncset.done $0x0  }
0x20: {  	s29 =	sshll.u32 s28, $0x7;
	[sflag:s16] =	ssyncadd.s32 $0xFFFFD800  }
0x21: {  	[tilespmem:s17], [sflag:$0x4] =	stream.indirect.gather [hbm4b:s3+s12], $0x80, s29, s12, $0xb8;
	[tilespmem:$0x13000] =	vst v63  }
0x22: {  	p0 =	seq.s32 s26, $0x0;
	s29 =	sadd.s32 $0x2000, s29  }
0x23: {  	[tilespmem:s18], [sflag:$0x5] =	stream.indirect.gather [hbm4b:s3+s12], $0x80, s29, s12, $0xb8;
	[tilespmem:$0x13000] =	vst v63  }
0x24: {  	s29 =	simm.s32 @!p0 $0x3  }
0x25: {  	_ =	swait.ge @!p0 [sflag:s29], $0x2800  }
0x26: {  	[sflag:s29] =	ssyncset.done @!p0 $0x0  }
0x27: {  	[sflag:s29] =	ssyncadd.s32 @!p0 $0xFFFFD800;
	s29 =	simm.s32 $0x0  }
0x28: {  	v0 =	vld [tilespmem:s29+$0x4070]  }
0x29: {  	v1 =	vld [tilespmem:s29+$0x6830]  }
0x2a: {  	v2 =	vld [tilespmem:s29+$0x4000]  }
0x2b: {  	v3 =	vld [tilespmem:s29+$0x6840]  }
0x2c: {  	v4 =	vld [tilespmem:s29+$0x4040]  }
0x2d: {  	v5 =	vld [tilespmem:s29+$0x6800]  }
0x2e: {  	v6 =	vld [tilespmem:s29+$0x4010]  }
0x2f: {  	v0 =	vadd.f32 v1, v0;
	v1 =	vld [tilespmem:s29+$0x6850]  }
0x30: {  	v7 =	vld [tilespmem:s29+$0x4050]  }
0x31: {  	v8 =	vld [tilespmem:s29+$0x6810];
	v2 =	vadd.f32 v3, v2  }
0x32: {  	v9 =	vld [tilespmem:s29+$0x4020];
	v0 =	vmax.f32 v0, $0.0e+00  }
0x33: {  	[tilespmem:s29+$0x9070] =	vst v0;
	v0 =	vmax.f32 v2, $0.0e+00;
	v2 =	vadd.f32 v5, v4;
	v5 =	vld [tilespmem:s29+$0x6860]  }
0x34: {  	v3 =	vld [tilespmem:s29+$0x6820];
	v1 =	vadd.f32 v1, v6  }
0x35: {  	[tilespmem:s29+$0x9000] =	vst v0;
	v0 =	vld [tilespmem:s29+$0x4060];
	v2 =	vmax.f32 v2, $0.0e+00  }
0x36: {  	v4 =	vld [tilespmem:s29+$0x6870];
	v6 =	vadd.f32 v8, v7;
	[tilespmem:s29+$0x9040] =	vst v2;
	v2 =	vmax.f32 v1, $0.0e+00  }
0x37: {  	s30 =	simm.s32 $0x80;
	v1 =	vld [tilespmem:s29+$0x4030];
	[tilespmem:s29+$0x9010] =	vst v2  }
0x38: {  	s31 =	simm.s32 $0x400;
	v6 =	vmax.f32 v6, $0.0e+00;
	v5 =	vadd.f32 v5, v9;
	v2 =	vld [tilespmem:s30+$0x4070]  }
.LBB2_3:
0x39: {  	p1 =	sne.s32 s31, $0x9E00;
	v7 =	vld [tilespmem:s30+$0x6830];
	[tilespmem:s29+$0x9050] =	vst v6  }
0x3a: {  	v6 =	vld [tilespmem:s30+$0x4000];
	v5 =	vmax.f32 v5, $0.0e+00;
	v0 =	vadd.f32 v3, v0  }
0x3b: {  	v3 =	vld [tilespmem:s30+$0x6840];
	[tilespmem:s29+$0x9020] =	vst v5  }
0x3c: {  	v5 =	vld [tilespmem:s30+$0x4040];
	v0 =	vmax.f32 v0, $0.0e+00;
	v1 =	vadd.f32 v4, v1  }
0x3d: {  	v4 =	vld [tilespmem:s30+$0x6800];
	[tilespmem:s29+$0x9060] =	vst v0  }
0x3e: {  	v0 =	vld [tilespmem:s30+$0x4010];
	v2 =	vadd.f32 v7, v2;
	v1 =	vmax.f32 v1, $0.0e+00  }
0x3f: {  	v7 =	vld [tilespmem:s30+$0x6850];
	[tilespmem:s29+$0x9030] =	vst v1;
	s29 =	smov.u32 s30  }
0x40: {  	v1 =	vadd.f32 v3, v6;
	v6 =	vld [tilespmem:s29+$0x4050];
	v2 =	vmax.f32 v2, $0.0e+00  }
0x41: {  	v8 =	vld [tilespmem:s29+$0x6810];
	[tilespmem:s29+$0x9070] =	vst v2  }
0x42: {  	v1 =	vmax.f32 v1, $0.0e+00;
	v2 =	vadd.f32 v4, v5;
	v5 =	vld [tilespmem:s29+$0x4020]  }
0x43: {  	[tilespmem:s29+$0x9000] =	vst v1;
	v9 =	vld [tilespmem:s29+$0x6860]  }
.Ltmp0:
0x44: {  	v1 =	vmax.f32 v2, $0.0e+00;
	v2 =	vadd.f32 v7, v0;
	v0 =	vld [tilespmem:s29+$0x4060];
	(pc) =	sbr.rel @p1 .LBB2_3-.Ltmp0, $4  }
0x45: {  	[tilespmem:s29+$0x9040] =	vst v1;
	v3 =	vld [tilespmem:s29+$0x6820]  }
0x46: {  	v2 =	vmax.f32 v2, $0.0e+00;
	v6 =	vadd.f32 v8, v6;
	v1 =	vld [tilespmem:s29+$0x4030]  }
0x47: {  	s30 =	sshra.s32 s31, $0x2;
	[tilespmem:s29+$0x9010] =	vst v2;
	v4 =	vld [tilespmem:s29+$0x6870]  }
0x48: {  	s31 =	sadd.s32 $0x200, s31;
	v2 =	vld [tilespmem:s30+$0x4070];
	v6 =	vmax.f32 v6, $0.0e+00;
	v5 =	vadd.f32 v9, v5  }
0x49: {  	v7 =	vld [tilespmem:s30+$0x6830];
	[tilespmem:s29+$0x9050] =	vst v6  }
0x4a: {  	v6 =	vld [tilespmem:s30+$0x4000];
	v5 =	vmax.f32 v5, $0.0e+00;
	v0 =	vadd.f32 v3, v0  }
0x4b: {  	v8 =	vld [tilespmem:s30+$0x6840];
	[tilespmem:s29+$0x9020] =	vst v5  }
0x4c: {  	v3 =	vld [tilespmem:s30+$0x4040];
	v0 =	vmax.f32 v0, $0.0e+00;
	v1 =	vadd.f32 v4, v1  }
0x4d: {  	v5 =	vld [tilespmem:s30+$0x6800];
	[tilespmem:s29+$0x9060] =	vst v0  }
0x4e: {  	v0 =	vld [tilespmem:s30+$0x4010];
	v1 =	vmax.f32 v1, $0.0e+00  }
0x4f: {  	v4 =	vld [tilespmem:s30+$0x6850];
	v2 =	vadd.f32 v7, v2;
	[tilespmem:s29+$0x9030] =	vst v1  }
0x50: {  	v6 =	vadd.f32 v8, v6;
	v1 =	vld [tilespmem:s30+$0x4050]  }
0x51: {  	v2 =	vmax.f32 v2, $0.0e+00;
	v7 =	vld [tilespmem:s30+$0x6810]  }
0x52: {  	[tilespmem:s30+$0x9070] =	vst v2;
	v2 =	vmax.f32 v6, $0.0e+00;
	v6 =	vld [tilespmem:s30+$0x4020]  }
0x53: {  	v3 =	vadd.f32 v5, v3;
	v5 =	vld [tilespmem:s30+$0x4060]  }
0x54: {  	[tilespmem:s30+$0x9000] =	vst v2;
	v2 =	vld [tilespmem:s30+$0x6860];
	v0 =	vadd.f32 v4, v0  }
0x55: {  	v3 =	vmax.f32 v3, $0.0e+00;
	v4 =	vld [tilespmem:s30+$0x4030]  }
0x56: {  	[tilespmem:s30+$0x9040] =	vst v3;
	v3 =	vld [tilespmem:s30+$0x6820];
	v0 =	vmax.f32 v0, $0.0e+00  }
0x57: {  	[tilespmem:s30+$0x9010] =	vst v0;
	v0 =	vld [tilespmem:s30+$0x6870];
	_ =	sdelay $0x1  }
0x58: {  	v1 =	vadd.f32 v7, v1  }
0x59: {  	v2 =	vadd.f32 v2, v6  }
0x5a: {  	s29 =	smul.u32 $0xA0, s26;
	v1 =	vmax.f32 v1, $0.0e+00;
	v3 =	vadd.f32 v3, v5  }
0x5b: {  	[tilespmem:s30+$0x9050] =	vst v1;
	v1 =	vmax.f32 v2, $0.0e+00;
	v0 =	vadd.f32 v0, v4  }
0x5c: {  	s29 =	sadd.s32 s5, s29;
	[tilespmem:s30+$0x9020] =	vst v1;
	v1 =	vmax.f32 v3, $0.0e+00  }
0x5d: {  	s29 =	sshll.u32 s29, $0x4;
	[tilespmem:s30+$0x9060] =	vst v1;
	v0 =	vmax.f32 v0, $0.0e+00  }
0x5e: {  	s29 =	sadd.s32 s4, s29;
	[tilespmem:s30+$0x9030] =	vst v0  }
0x5f: {  	[hbm4b:s29+s2] =	stream.linear.scatter [tilespmem:s19], [sflag:$0x3], $0x2800, $0x38;
	[tilespmem:$0x13000] =	vst v63  }
0x60: {  	_ =	swait.ge [sflag:s20], $0x2800  }
0x61: {  	[sflag:s20] =	ssyncset.done $0x0  }
0x62: {  	[sflag:s20] =	ssyncadd.s32 $0xFFFFD800  }
0x63: {  	_ =	swait.ge [sflag:s21], $0x2800  }
0x64: {  	s29 =	sshll.u32 s26, $0x8;
	[sflag:s21] =	ssyncset.done $0x0  }
0x65: {  	s30 =	sadd.s32 $0x100, s29;
	[sflag:s21] =	ssyncadd.s32 $0xFFFFD800  }
0x66: {  	[tilespmem:s13], [sflag:$0x1] =	stream.indirect.gather [hbm4b:s3+s12], $0x80, s30, s12, $0xb8;
	[tilespmem:$0x13000] =	vst v63  }
0x67: {  	s29 =	sadd.s32 $0x2100, s29  }
0x68: {  	[tilespmem:s14], [sflag:$0x2] =	stream.indirect.gather [hbm4b:s3+s12], $0x80, s29, s12, $0xb8;
	[tilespmem:$0x13000] =	vst v63  }
0x69: {  	s29 =	simm.s32 @!p0 $0x6  }
0x6a: {  	_ =	swait.ge @!p0 [sflag:s29], $0x2800  }
0x6b: {  	[sflag:s29] =	ssyncset.done @!p0 $0x0  }
0x6c: {  	[sflag:s29] =	ssyncadd.s32 @!p0 $0xFFFFD800;
	s29 =	simm.s32 $0x0  }
0x6d: {  	v0 =	vld [tilespmem:s29+$0xB870]  }
0x6e: {  	v1 =	vld [tilespmem:s29+$0xE030]  }
0x6f: {  	v2 =	vld [tilespmem:s29+$0xB800]  }
0x70: {  	v3 =	vld [tilespmem:s29+$0xE040]  }
0x71: {  	v4 =	vld [tilespmem:s29+$0xB840]  }
0x72: {  	v5 =	vld [tilespmem:s29+$0xE000]  }
0x73: {  	v6 =	vld [tilespmem:s29+$0xB810]  }
0x74: {  	v0 =	vadd.f32 v1, v0;
	v1 =	vld [tilespmem:s29+$0xE050]  }
0x75: {  	v7 =	vld [tilespmem:s29+$0xB850]  }
0x76: {  	v8 =	vld [tilespmem:s29+$0xE010];
	v2 =	vadd.f32 v3, v2  }
0x77: {  	v9 =	vld [tilespmem:s29+$0xB820];
	v0 =	vmax.f32 v0, $0.0e+00  }
0x78: {  	[tilespmem:s29+$0x10870] =	vst v0;
	v0 =	vmax.f32 v2, $0.0e+00;
	v2 =	vadd.f32 v5, v4;
	v5 =	vld [tilespmem:s29+$0xE060]  }
0x79: {  	v3 =	vld [tilespmem:s29+$0xE020];
	v1 =	vadd.f32 v1, v6  }
0x7a: {  	[tilespmem:s29+$0x10800] =	vst v0;
	v0 =	vld [tilespmem:s29+$0xB860];
	v2 =	vmax.f32 v2, $0.0e+00  }
0x7b: {  	v4 =	vld [tilespmem:s29+$0xE070];
	v6 =	vadd.f32 v8, v7;
	[tilespmem:s29+$0x10840] =	vst v2;
	v2 =	vmax.f32 v1, $0.0e+00  }
0x7c: {  	s30 =	simm.s32 $0x80;
	v1 =	vld [tilespmem:s29+$0xB830];
	[tilespmem:s29+$0x10810] =	vst v2  }
0x7d: {  	s31 =	simm.s32 $0x400;
	v6 =	vmax.f32 v6, $0.0e+00;
	v5 =	vadd.f32 v5, v9;
	v2 =	vld [tilespmem:s30+$0xB870]  }
.LBB2_5:
0x7e: {  	p0 =	sne.s32 s31, $0x9E00;
	v7 =	vld [tilespmem:s30+$0xE030];
	[tilespmem:s29+$0x10850] =	vst v6  }
0x7f: {  	v6 =	vld [tilespmem:s30+$0xB800];
	v5 =	vmax.f32 v5, $0.0e+00;
	v0 =	vadd.f32 v3, v0  }
0x80: {  	v3 =	vld [tilespmem:s30+$0xE040];
	[tilespmem:s29+$0x10820] =	vst v5  }
0x81: {  	v5 =	vld [tilespmem:s30+$0xB840];
	v0 =	vmax.f32 v0, $0.0e+00;
	v1 =	vadd.f32 v4, v1  }
0x82: {  	v4 =	vld [tilespmem:s30+$0xE000];
	[tilespmem:s29+$0x10860] =	vst v0  }
0x83: {  	v0 =	vld [tilespmem:s30+$0xB810];
	v2 =	vadd.f32 v7, v2;
	v1 =	vmax.f32 v1, $0.0e+00  }
0x84: {  	v7 =	vld [tilespmem:s30+$0xE050];
	[tilespmem:s29+$0x10830] =	vst v1;
	s29 =	smov.u32 s30  }
0x85: {  	v1 =	vadd.f32 v3, v6;
	v6 =	vld [tilespmem:s29+$0xB850];
	v2 =	vmax.f32 v2, $0.0e+00  }
0x86: {  	v8 =	vld [tilespmem:s29+$0xE010];
	[tilespmem:s29+$0x10870] =	vst v2  }
0x87: {  	v1 =	vmax.f32 v1, $0.0e+00;
	v2 =	vadd.f32 v4, v5;
	v5 =	vld [tilespmem:s29+$0xB820]  }
0x88: {  	[tilespmem:s29+$0x10800] =	vst v1;
	v9 =	vld [tilespmem:s29+$0xE060]  }
.Ltmp1:
0x89: {  	v1 =	vmax.f32 v2, $0.0e+00;
	v2 =	vadd.f32 v7, v0;
	v0 =	vld [tilespmem:s29+$0xB860];
	(pc) =	sbr.rel @p0 .LBB2_5-.Ltmp1, $4  }
0x8a: {  	[tilespmem:s29+$0x10840] =	vst v1;
	v3 =	vld [tilespmem:s29+$0xE020]  }
0x8b: {  	v2 =	vmax.f32 v2, $0.0e+00;
	v6 =	vadd.f32 v8, v6;
	v1 =	vld [tilespmem:s29+$0xB830]  }
0x8c: {  	s30 =	sshra.s32 s31, $0x2;
	[tilespmem:s29+$0x10810] =	vst v2;
	v4 =	vld [tilespmem:s29+$0xE070]  }
0x8d: {  	s31 =	sadd.s32 $0x200, s31;
	v2 =	vld [tilespmem:s30+$0xB870];
	v6 =	vmax.f32 v6, $0.0e+00;
	v5 =	vadd.f32 v9, v5  }
0x8e: {  	v7 =	vld [tilespmem:s30+$0xE030];
	[tilespmem:s29+$0x10850] =	vst v6  }
0x8f: {  	v6 =	vld [tilespmem:s30+$0xB800];
	v5 =	vmax.f32 v5, $0.0e+00;
	v0 =	vadd.f32 v3, v0  }
0x90: {  	v8 =	vld [tilespmem:s30+$0xE040];
	[tilespmem:s29+$0x10820] =	vst v5  }
0x91: {  	v52 =	vld [tilespmem:s30+$0xB840];
	v0 =	vmax.f32 v0, $0.0e+00;
	v1 =	vadd.f32 v4, v1  }
0x92: {  	v5 =	vld [tilespmem:s30+$0xE000];
	[tilespmem:s29+$0x10860] =	vst v0  }
0x93: {  	v0 =	vld [tilespmem:s30+$0xB810];
	v1 =	vmax.f32 v1, $0.0e+00  }
0x94: {  	v53 =	vld [tilespmem:s30+$0xE050];
	[tilespmem:s29+$0x10830] =	vst v1  }
0x95: {  	v1 =	vld [tilespmem:s30+$0xB850]  }
0x96: {  	v54 =	vld [tilespmem:s30+$0xE010]  }
0x97: {  	v56 =	vld [tilespmem:s30+$0xB820]  }
0x98: {  	v57 =	vld [tilespmem:s30+$0xE060]  }
0x99: {  	v58 =	vld [tilespmem:s30+$0xB860]  }
0x9a: {  	v2 =	vadd.f32 v7, v2;
	v59 =	vld [tilespmem:s30+$0xE020]  }
0x9b: {  	v6 =	vadd.f32 v8, v6;
	v60 =	vld [tilespmem:s30+$0xB830]  }
0x9c: {  	v2 =	vmax.f32 v2, $0.0e+00;
	v61 =	vld [tilespmem:s30+$0xE070];
	v3 =	vadd.f32 v5, v52  }
0x9d: {  	[tilespmem:s30+$0x10870] =	vst v2;
	v55 =	vmax.f32 v6, $0.0e+00;
	v0 =	vadd.f32 v53, v0  }
0x9e: {  	[tilespmem:s30+$0x10800] =	vst v55;
	v3 =	vmax.f32 v3, $0.0e+00;
	v1 =	vadd.f32 v54, v1  }
0x9f: {  	s26 =	sadd.s32 $0x1, s26;
	[tilespmem:s30+$0x10840] =	vst v3;
	v0 =	vmax.f32 v0, $0.0e+00;
	v2 =	vadd.f32 v57, v56  }
0xa0: {  	s28 =	smul.u32 $0x50, s28;
	p0 =	sne.s32 s26, $0x1E;
	v3 =	vadd.f32 v59, v58;
	[tilespmem:s30+$0x10810] =	vst v0;
	v1 =	vmax.f32 v1, $0.0e+00  }
.Ltmp2:
0xa1: {  	v0 =	vadd.f32 v61, v60;
	v62 =	vmax.f32 v2, $0.0e+00;
	[tilespmem:s30+$0x10850] =	vst v1;
	(pc) =	sbr.rel @p0 .LBB2_2-.Ltmp2, $4  }
0xa2: {  	s28 =	sadd.s32 s5, s28;
	v63 =	vmax.f32 v3, $0.0e+00;
	[tilespmem:s30+$0x10820] =	vst v62  }
0xa3: {  	s28 =	sshll.u32 s28, $0x4;
	[tilespmem:s30+$0x10860] =	vst v63;
	v0 =	vmax.f32 v0, $0.0e+00  }
0xa4: {  	s28 =	sadd.s32 s4, s28;
	[tilespmem:s30+$0x10830] =	vst v0  }
0xa5: {  	[hbm4b:s28+s2] =	stream.linear.scatter [tilespmem:s22], [sflag:$0x6], $0x2800, $0x38;
	[tilespmem:$0x13000] =	vst v63  }
0xa6: {  	_ =	swait.ge [sflag:s15], $0x2800  }
0xa7: {  	[sflag:s15] =	ssyncset.done $0x0  }
0xa8: {  	[sflag:s15] =	ssyncadd.s32 $0xFFFFD800  }
0xa9: {  	_ =	swait.ge [sflag:s16], $0x2800  }
0xaa: {  	[sflag:s16] =	ssyncset.done $0x0  }
0xab: {  	[sflag:s16] =	ssyncadd.s32 $0xFFFFD800  }
0xac: {  	_ =	swait.ge [sflag:s23], $0x2800  }
0xad: {  	[sflag:s23] =	ssyncset.done $0x0  }
0xae: {  	s26 =	simm.s32 $0x0;
	[sflag:s23] =	ssyncadd.s32 $0xFFFFD800  }
0xaf: {  	v0 =	vld [tilespmem:s26+$0x4070]  }
0xb0: {  	v1 =	vld [tilespmem:s26+$0x6830]  }
0xb1: {  	v2 =	vld [tilespmem:s26+$0x4000]  }
0xb2: {  	v3 =	vld [tilespmem:s26+$0x6840]  }
0xb3: {  	v4 =	vld [tilespmem:s26+$0x4040]  }
0xb4: {  	v5 =	vld [tilespmem:s26+$0x6800]  }
0xb5: {  	v6 =	vld [tilespmem:s26+$0x4010]  }
0xb6: {  	v0 =	vadd.f32 v1, v0;
	v1 =	vld [tilespmem:s26+$0x6850]  }
0xb7: {  	v7 =	vld [tilespmem:s26+$0x4050]  }
0xb8: {  	v8 =	vld [tilespmem:s26+$0x6810];
	v2 =	vadd.f32 v3, v2  }
0xb9: {  	v9 =	vld [tilespmem:s26+$0x4020];
	v0 =	vmax.f32 v0, $0.0e+00  }
0xba: {  	[tilespmem:s26+$0x9070] =	vst v0;
	v0 =	vmax.f32 v2, $0.0e+00;
	v2 =	vadd.f32 v5, v4;
	v5 =	vld [tilespmem:s26+$0x6860]  }
0xbb: {  	v3 =	vld [tilespmem:s26+$0x6820];
	v1 =	vadd.f32 v1, v6  }
0xbc: {  	[tilespmem:s26+$0x9000] =	vst v0;
	v0 =	vld [tilespmem:s26+$0x4060];
	v2 =	vmax.f32 v2, $0.0e+00  }
0xbd: {  	v4 =	vld [tilespmem:s26+$0x6870];
	v6 =	vadd.f32 v8, v7;
	[tilespmem:s26+$0x9040] =	vst v2;
	v2 =	vmax.f32 v1, $0.0e+00  }
0xbe: {  	s28 =	simm.s32 $0x80;
	v1 =	vld [tilespmem:s26+$0x4030];
	[tilespmem:s26+$0x9010] =	vst v2  }
0xbf: {  	s29 =	simm.s32 $0x400;
	v6 =	vmax.f32 v6, $0.0e+00;
	v5 =	vadd.f32 v5, v9;
	v2 =	vld [tilespmem:s28+$0x4070]  }
.LBB2_8:
0xc0: {  	p0 =	sne.s32 s29, $0x9E00;
	v7 =	vld [tilespmem:s28+$0x6830];
	[tilespmem:s26+$0x9050] =	vst v6  }
0xc1: {  	v6 =	vld [tilespmem:s28+$0x4000];
	v5 =	vmax.f32 v5, $0.0e+00;
	v0 =	vadd.f32 v3, v0  }
0xc2: {  	v3 =	vld [tilespmem:s28+$0x6840];
	[tilespmem:s26+$0x9020] =	vst v5  }
0xc3: {  	v5 =	vld [tilespmem:s28+$0x4040];
	v0 =	vmax.f32 v0, $0.0e+00;
	v1 =	vadd.f32 v4, v1  }
0xc4: {  	v4 =	vld [tilespmem:s28+$0x6800];
	[tilespmem:s26+$0x9060] =	vst v0  }
0xc5: {  	v0 =	vld [tilespmem:s28+$0x4010];
	v2 =	vadd.f32 v7, v2;
	v1 =	vmax.f32 v1, $0.0e+00  }
0xc6: {  	v7 =	vld [tilespmem:s28+$0x6850];
	[tilespmem:s26+$0x9030] =	vst v1;
	s26 =	smov.u32 s28  }
0xc7: {  	v1 =	vadd.f32 v3, v6;
	v6 =	vld [tilespmem:s26+$0x4050];
	v2 =	vmax.f32 v2, $0.0e+00  }
0xc8: {  	v8 =	vld [tilespmem:s26+$0x6810];
	[tilespmem:s26+$0x9070] =	vst v2  }
0xc9: {  	v1 =	vmax.f32 v1, $0.0e+00;
	v2 =	vadd.f32 v4, v5;
	v5 =	vld [tilespmem:s26+$0x4020]  }
0xca: {  	[tilespmem:s26+$0x9000] =	vst v1;
	v9 =	vld [tilespmem:s26+$0x6860]  }
.Ltmp3:
0xcb: {  	v1 =	vmax.f32 v2, $0.0e+00;
	v2 =	vadd.f32 v7, v0;
	v0 =	vld [tilespmem:s26+$0x4060];
	(pc) =	sbr.rel @p0 .LBB2_8-.Ltmp3, $4  }
0xcc: {  	[tilespmem:s26+$0x9040] =	vst v1;
	v3 =	vld [tilespmem:s26+$0x6820]  }
0xcd: {  	v2 =	vmax.f32 v2, $0.0e+00;
	v6 =	vadd.f32 v8, v6;
	v1 =	vld [tilespmem:s26+$0x4030]  }
0xce: {  	s28 =	sshra.s32 s29, $0x2;
	[tilespmem:s26+$0x9010] =	vst v2;
	v4 =	vld [tilespmem:s26+$0x6870]  }
0xcf: {  	s29 =	sadd.s32 $0x200, s29;
	v2 =	vld [tilespmem:s28+$0x4070];
	v6 =	vmax.f32 v6, $0.0e+00;
	v5 =	vadd.f32 v9, v5  }
0xd0: {  	v7 =	vld [tilespmem:s28+$0x6830];
	[tilespmem:s26+$0x9050] =	vst v6  }
0xd1: {  	v6 =	vld [tilespmem:s28+$0x4000];
	v5 =	vmax.f32 v5, $0.0e+00;
	v0 =	vadd.f32 v3, v0  }
0xd2: {  	v8 =	vld [tilespmem:s28+$0x6840];
	[tilespmem:s26+$0x9020] =	vst v5  }
0xd3: {  	v52 =	vld [tilespmem:s28+$0x4040];
	v0 =	vmax.f32 v0, $0.0e+00;
	v1 =	vadd.f32 v4, v1  }
0xd4: {  	v5 =	vld [tilespmem:s28+$0x6800];
	[tilespmem:s26+$0x9060] =	vst v0  }
0xd5: {  	v0 =	vld [tilespmem:s28+$0x4010];
	v1 =	vmax.f32 v1, $0.0e+00  }
0xd6: {  	v53 =	vld [tilespmem:s28+$0x6850];
	[tilespmem:s26+$0x9030] =	vst v1  }
0xd7: {  	v1 =	vld [tilespmem:s28+$0x4050]  }
0xd8: {  	v54 =	vld [tilespmem:s28+$0x6810]  }
0xd9: {  	v56 =	vld [tilespmem:s28+$0x4020]  }
0xda: {  	v57 =	vld [tilespmem:s28+$0x6860]  }
0xdb: {  	v58 =	vld [tilespmem:s28+$0x4060]  }
0xdc: {  	v2 =	vadd.f32 v7, v2;
	v59 =	vld [tilespmem:s28+$0x6820]  }
0xdd: {  	v6 =	vadd.f32 v8, v6;
	v60 =	vld [tilespmem:s28+$0x4030]  }
0xde: {  	v2 =	vmax.f32 v2, $0.0e+00;
	v61 =	vld [tilespmem:s28+$0x6870];
	v3 =	vadd.f32 v5, v52  }
0xdf: {  	[tilespmem:s28+$0x9070] =	vst v2;
	v55 =	vmax.f32 v6, $0.0e+00;
	v0 =	vadd.f32 v53, v0  }
0xe0: {  	[tilespmem:s28+$0x9000] =	vst v55;
	v3 =	vmax.f32 v3, $0.0e+00;
	v1 =	vadd.f32 v54, v1  }
0xe1: {  	[tilespmem:s28+$0x9040] =	vst v3;
	v0 =	vmax.f32 v0, $0.0e+00;
	v2 =	vadd.f32 v57, v56  }
0xe2: {  	v3 =	vadd.f32 v59, v58;
	[tilespmem:s28+$0x9010] =	vst v0;
	v1 =	vmax.f32 v1, $0.0e+00  }
0xe3: {  	v0 =	vadd.f32 v61, v60;
	v62 =	vmax.f32 v2, $0.0e+00;
	[tilespmem:s28+$0x9050] =	vst v1  }
0xe4: {  	v63 =	vmax.f32 v3, $0.0e+00;
	[tilespmem:s28+$0x9020] =	vst v62  }
0xe5: {  	[tilespmem:s28+$0x9060] =	vst v63;
	v0 =	vmax.f32 v0, $0.0e+00  }
0xe6: {  	s25 =	sadd.s32 $0x1, s25;
	[tilespmem:s28+$0x9030] =	vst v0  }
0xe7: {  	[hbm4b:s8+s2] =	stream.linear.scatter [tilespmem:s19], [sflag:$0x3], $0x2800, $0x38;
	[tilespmem:$0x13000] =	vst v63  }
0xe8: {  	p0 =	sne.s32 s25, s9;
	_ =	swait.ge [sflag:s23], $0x2800  }
.Ltmp4:
0xe9: {  	[sflag:s23] =	ssyncset.done $0x0;
	(pc) =	sbr.rel @p0 .LBB2_1-.Ltmp4, $4  }
0xea: {  	[sflag:s23] =	ssyncadd.s32 $0xFFFFD800  }
0xeb: {  	_ =	swait.ge [sflag:s24], $0x2800  }
0xec: {  	[sflag:s24] =	ssyncset.done $0x0  }
0xed: {  	[sflag:s24] =	ssyncadd.s32 $0xFFFFD800  }
0xee: {  	_ =	sfence.sel $0x180000  }
0xef: {  	[bflag:$0x0] =	sbarrier.arrive $0xFFFF  }
0xf0: {  	p0 =	sne.s32 s1, $0x0;
	_ =	strace $0x9000004A  }
0xf1: {  	s0 =	sadd.s32 @!p0 $0x100000, s0;
	[bflag:$0x2] =	sbarrier.arrive $0xFFFF  }
0xf2: {  	[sflag:s0] =	ssyncadd.tile.s32 @!p0 $0x1;
	_ =	shalt  }
.Lfunc_end2:
_tile_overlayer_lowered:
.L_overlay_start_2:
0xf3: {  	(tag) =	ssettag $0x2  }
0xf4: {  	s0 =	rddreg [dreg:$0x0];
	s2 =	stileid.u32  }
0xf5: {  	s1 =	rddreg [dreg:$0x1];
	p0 =	sne.s32 s2, $0x0  }
0xf6: {  	s3 =	rddreg [dreg:$0x2];
	[bflag:$0x3] =	sbarrier.arrive $0xFFFF;
	s2 =	simm.s32 @!p0 $0x1C07  }
0xf7: {  	[timem:s3], [sflag:s2] =	dma.local @!p0 [hbm:s0], s1  }
0xf8: {  	s0 =	simm.s32 @!p0 $0x7  }
0xf9: {  	_ =	swait.ge @!p0 [sflag:s0], s1  }
0xfa: {  	s1 =	ssub.s32 @!p0 $0x0, s1;
	[sflag:s0] =	ssyncset.done @!p0 $0x0  }
0xfb: {  	[sflag:s0] =	ssyncadd.s32 @!p0 s1  }
0xfc: {  	[bflag:$0x3] =	sbarrier.arrive $0xFFFF  }
0xfd: {  	_ =	shalt  }

// kernel: kernel.19.cloned.1.call-start
scs
__scs_entry_jumppad:
0x0: {  	(pc) =	sbr.rel $0x88, $3  }
0x1: {  	(tag) =	ssettag $0x0;
	lr =	simm.s32 $0x1  }
0x2: {  	[smem:$0x3F8A] =	sst lr;
	_ =	strace $0xD0000000  }
0x3: {  	_ = 	snop  }
0x4: {  	_ = 	snop  }
0x5: {  	_ = 	snop  }
0x6: {  	_ = 	snop  }
0x7: {  	_ = 	snop  }
__scs_overlays_trampoline_lowered:
0x8: {  	[smem:$0x3F99] =	sst s0  }
0x9: {  	[smem:$0x3F9A] =	sst s1  }
0xa: {  	[smem:$0x3F9B] =	sst s2  }
0xb: {  	[smem:$0x3F9C] =	sst s3  }
0xc: {  	[smem:$0x3F9D] =	sst s4  }
0xd: {  	[smem:$0x3F9E] =	sst s5  }
0xe: {  	[smem:$0x3F9F] =	sst s6  }
0xf: {  	[smem:$0x3FA0] =	sst s7  }
0x10: {  	[smem:$0x3FA1] =	sst s8  }
0x11: {  	[smem:$0x3FA2] =	sst s9;
	s0 =	simm.s32 @!p0 $0x0  }
0x12: {  	s1 =	sld [smem:$0x3F88];
	s0 =	simm.s32 @p0 $0x1  }
0x13: {  	[smem:$0x3FA3] =	sst s0;
	s0 =	simm.s32 @!p1 $0x0  }
0x14: {  	s2 =	sld [smem:$0x3F87];
	s0 =	simm.s32 @p1 $0x1  }
0x15: {  	[smem:$0x3FA4] =	sst s0;
	s0 =	simm.s32 @!p2 $0x0  }
0x16: {  	s3 =	sld [smem:$0x3FDB];
	s0 =	simm.s32 @p2 $0x1  }
0x17: {  	s4 =	simm.s32 $0x1BF5;
	[smem:$0x3FA6] =	sst s0  }
0x18: {  	s0 =	sld [smem:$0x3F89];
	_ =	swait.ge [sflag:s4], $0x0  }
0x19: {  	s7 =	sld [smem:$0x3F8A]  }
0x1a: {  	s8 =	sadd.s32 $0xFFFFE003, lr  }
0x1b: {  	s9 =	sadd.s32 $0xFFFFFEF7, lr;
	s5 =	simm.s32 $0xFFFFFFFF;
	p2 =	slt.u32 s8, $0xFFFFF086  }
0x1c: {  	p1 =	slt.u32 s9, $0xF7A;
	s5 =	simm.s32 @!p2 $0x0  }
0x1d: {  	s5 =	simm.s32 @p1 $0x1;
	p0 =	seq.s32 s7, s2  }
0x1e: {  	s7 =	smul.u32 @!p0 $0xF7A, s2;
	p2 =	seq.s32 @!p0 s5, $0x0  }
0x1f: {  	s9 =	smul.u32 $0xF7A, s1;
	s8 =	simm.s32 @!p0 $0x1BF5;
	p2 =	por !p2, p0  }
0x20: {  	[sflag:s8] =	ssyncset.s32 @!p0 $0xFFFFF086;
	s6 =	sadd.s32 @!p0 s3, s7;
	s7 =	simm.s32 @!p0 $0x108  }
0x21: {  	s3 =	sadd.s32 s3, s9;
	s6 =	sadd.s32 @!p0 $0x88, s6;
	s7 =	simm.s32 @p2 $0x1082  }
0x22: {  	[simem:s7], [sflag:s8] =	dma.local @!p0 [hbm:s6], $0xF7A  }
0x23: {  	s9 =	sor.u32 $0xD0000000, s2;
	s6 =	simm.s32 $0x108;
	_ =	swait.ge @!p0 [sflag:s8], $0x0  }
0x24: {  	s3 =	sadd.s32 $0x88, s3;
	s6 =	simm.s32 @!p1 $0x1082;
	[sflag:s4] =	ssyncset.s32 $0xFFFFF086  }
0x25: {  	[simem:s6], [sflag:s4] =	dma.local [hbm:s3], $0xF7A  }
0x26: {  	[smem:$0x3F8A] =	sst s1;
	(tag) =	ssettag s2;
	_ =	strace s9  }
0x27: {  	s1 =	sld [smem:$0x3F9A]  }
0x28: {  	s2 =	sld [smem:$0x3F9B]  }
0x29: {  	s4 =	sld [smem:$0x3F9D]  }
0x2a: {  	p0 =	seq.s32 s5, $0x0;
	s5 =	sld [smem:$0x3F9E]  }
0x2b: {  	s6 =	sld [smem:$0x3F9F]  }
0x2c: {  	s7 =	sld [smem:$0x3FA0]  }
0x2d: {  	s3 =	simm.s32 $0x108;
	s8 =	sld [smem:$0x3FA1]  }
0x2e: {  	s3 =	simm.s32 @!p0 $0x1082;
	s9 =	sld [smem:$0x3FA2]  }
0x2f: {  	lr =	sadd.s32 s0, s3;
	s0 =	sld [smem:$0x3F99]  }
0x30: {  	s3 =	sld [smem:$0x3F9C]  }
0x31: {  	[smem:$0x3FA5] =	sst s10  }
0x32: {  	s10 =	sld [smem:$0x3FA3];
	_ =	sdelay $0x3  }
0x33: {  	p0 =	seq.s32 s10, $0x1;
	s10 =	sld [smem:$0x3FA5];
	_ =	sdelay $0x3  }
0x34: {  	[smem:$0x3FA5] =	sst s10  }
0x35: {  	s10 =	sld [smem:$0x3FA4];
	_ =	sdelay $0x3  }
0x36: {  	p1 =	seq.s32 s10, $0x1;
	s10 =	sld [smem:$0x3FA5];
	_ =	sdelay $0x3  }
0x37: {  	[smem:$0x3FA5] =	sst s10  }
0x38: {  	s10 =	sld [smem:$0x3FA6]  }
0x39: {  	_ = 	snop;
	(pc) =	sbr.ind lr, $3  }
0x3a: {  	_ = 	snop  }
0x3b: {  	_ = 	snop  }
0x3c: {  	p2 =	seq.s32 s10, $0x1;
	s10 =	sld [smem:$0x3FA5]  }
0x3d: {  	_ =	shalt  }
0x3e: {  	_ =	shalt  }
0x3f: {  	_ =	shalt  }
0x40: {  	_ =	shalt  }
0x41: {  	_ =	shalt  }
0x42: {  	_ =	shalt  }
0x43: {  	_ =	shalt  }
0x44: {  	_ =	shalt  }
0x45: {  	_ =	shalt  }
0x46: {  	_ =	shalt  }
0x47: {  	_ =	shalt  }
0x48: {  	_ =	shalt  }
0x49: {  	_ =	shalt  }
0x4a: {  	_ =	shalt  }
0x4b: {  	_ =	shalt  }
0x4c: {  	_ =	shalt  }
0x4d: {  	_ =	shalt  }
0x4e: {  	_ =	shalt  }
0x4f: {  	_ =	shalt  }
0x50: {  	_ =	shalt  }
0x51: {  	_ =	shalt  }
0x52: {  	_ =	shalt  }
0x53: {  	_ =	shalt  }
0x54: {  	_ =	shalt  }
0x55: {  	_ =	shalt  }
0x56: {  	_ =	shalt  }
0x57: {  	_ =	shalt  }
0x58: {  	_ =	shalt  }
0x59: {  	_ =	shalt  }
0x5a: {  	_ =	shalt  }
0x5b: {  	_ =	shalt  }
0x5c: {  	_ =	shalt  }
0x5d: {  	_ =	shalt  }
0x5e: {  	_ =	shalt  }
0x5f: {  	_ =	shalt  }
0x60: {  	_ =	shalt  }
0x61: {  	_ =	shalt  }
0x62: {  	_ =	shalt  }
0x63: {  	_ =	shalt  }
0x64: {  	_ =	shalt  }
0x65: {  	_ =	shalt  }
0x66: {  	_ =	shalt  }
0x67: {  	_ =	shalt  }
0x68: {  	_ =	shalt  }
0x69: {  	_ =	shalt  }
0x6a: {  	_ =	shalt  }
0x6b: {  	_ =	shalt  }
0x6c: {  	_ =	shalt  }
0x6d: {  	_ =	shalt  }
0x6e: {  	_ =	shalt  }
0x6f: {  	_ =	shalt  }
0x70: {  	_ =	shalt  }
0x71: {  	_ =	shalt  }
0x72: {  	_ =	shalt  }
0x73: {  	_ =	shalt  }
0x74: {  	_ =	shalt  }
0x75: {  	_ =	shalt  }
0x76: {  	_ =	shalt  }
0x77: {  	_ =	shalt  }
0x78: {  	_ =	shalt  }
0x79: {  	_ =	shalt  }
0x7a: {  	_ =	shalt  }
0x7b: {  	_ =	shalt  }
0x7c: {  	_ =	shalt  }
0x7d: {  	_ =	shalt  }
0x7e: {  	_ =	shalt  }
0x7f: {  	_ =	shalt  }
0x80: {  	_ =	shalt  }
0x81: {  	_ =	shalt  }
0x82: {  	_ =	shalt  }
0x83: {  	_ =	shalt  }
0x84: {  	_ =	shalt  }
0x85: {  	_ =	shalt  }
0x86: {  	_ =	shalt  }
0x87: {  	_ =	shalt  }
.Lfunc_end0:
.L_simem_size_0:
called_computation.3_lowered:
.L_overlay_start_0:
0x88: {  	s2 =	sld [smem:$0x3FD9]  }
0x89: {  	s3 =	sld [smem:$0x3FFE];
	_ =	sdelay $0x1  }
0x8a: {  	s1 =	srdreg.scid  }
0x8b: {  	s0 =	sand.u32 $0x1, s1  }
0x8c: {  	s17 =	sshll.u32 s0, $0xA;
	s2 =	sadd.s32 s3, s2  }
0x8d: {  	s2 =	sadd.s32 s2, s17  }
0x8e: {  	[smem:$0x3FB1] =	sst s2  }
0x8f: {  	_ = 	snop  }
0x90: {  	(tm) =	ssettm $0x1  }
0x91: {  	s18 =	sld [smem:$0x3FFB];
	_ =	sdelay $0x3  }
0x92: {  	_ =	strace s18  }
0x93: {  	s2 =	sld [smem:$0x3FFC];
	_ =	sdelay $0x3  }
0x94: {  	_ =	strace s2  }
0x95: {  	s2 =	sld [smem:$0x3FFD];
	_ =	sdelay $0x3  }
0x96: {  	_ =	strace s2  }
0x97: {  	_ =	strace $0x8FFFFFFF  }
0x98: {  	s19 =	sld [smem:$0x3FDB];
	_ =	sdelay $0x1  }
0x99: {  	s20 =	simm.s32 $_scs_section_size  }
0x9a: {  	s4 =	simm.s32 $_size__tile_overlayer_lowered;
	s5 =	simm.s32 $_tile_overlayer_lowered  }
0x9b: {  	s6 =	simm.s32 $0x1BFF;
	s21 =	sshll.u32 s5, $0x1;
	s3 =	sadd.s32 s20, s19  }
0x9c: {  	s22 =	simm.s32 $0x0;
	s4 =	sshll.u32 s4, $0x1;
	s5 =	sadd.s32 s21, s3  }
0x9d: {  	[timem:s22], [sflag:s6] =	dma.local [hbm:s5], s4  }
0x9e: {  	_ =	swait.ge [sflag:s6], s4  }
0x9f: {  	s4 =	ssub.s32 $0x0, s4;
	[sflag:s6] =	ssyncset.done $0x0  }
0xa0: {  	[sflag:s6] =	ssyncadd.s32 s4;
	_ =	sdelay $0x1  }
0xa1: {  	s23 =	simm.s32 $0x1B8B  }
0xa2: {  	_ =	swait.ge [sflag:s23], $0x1  }
0xa3: {  	[sflag:s23] =	ssyncset.done $0x0  }
0xa4: {  	[sflag:s23] =	ssyncadd.s32 $0xFFFFFFFF  }
0xa5: {  	s4 =	sld [smem:$0x0]  }
0xa6: {  	s5 =	sand.u32 $0xFFFFFFFE, s1  }
0xa7: {  	p0 =	sne.s32 s1, s5  }
0xa8: {  	s5 =	sshll.u32 @p0 s5, $0xE  }
0xa9: {  	s5 =	sadd.s32 @p0 $0x11B8D, s5;
	s6 =	sshll.u32 @p0 s4, $0x11  }
0xaa: {  	s5 =	sor.u32 @p0 s6, s5  }
0xab: {  	[sflag:s5] =	ssyncadd.remote.s32 @p0 $0x1;
	_ =	sdelay $0x1  }
0xac: {  	s5 =	simm.s32 @p0 $0x1B8D  }
0xad: {  	_ =	swait.eq @p0 [sflag:s5], $0x1  }
0xae: {  	[sflag:s5] =	ssyncadd.s32 @p0 $0xFFFFFFFF  }
0xaf: {  	s6 =	sshll.u32 @!p0 s1, $0xE  }
0xb0: {  	s6 =	sor.u32 @!p0 $0x4000, s6;
	s5 =	simm.s32 @!p0 $0x1B8D  }
0xb1: {  	s4 =	sshll.u32 @!p0 s4, $0x11;
	s6 =	sadd.s32 @!p0 $0x11B8D, s6;
	_ =	swait.eq @!p0 [sflag:s5], $0x1  }
0xb2: {  	s4 =	sor.u32 @!p0 s4, s6;
	[sflag:s5] =	ssyncadd.s32 @!p0 $0xFFFFFFFF  }
0xb3: {  	s25 =	simm.s32 $0x1B8E;
	s24 =	sld [smem:$0x3FFE];
	[sflag:s4] =	ssyncadd.remote.s32 @!p0 $0x1  }
0xb4: {  	s26 =	simm.s32 $execute0_lowered;
	[smem:$0x3FD2] =	sst s25  }
0xb5: {  	s5 =	sshll.u32 s26, $0x1;
	_ =	strace $0x8000004F;
	[dreg:$0x1] =	wrdreg $0xFFFFFFFF  }
0xb6: {  	s28 =	simm.s32 $_size_execute0_lowered;
	s3 =	sadd.s32 s3, s5;
	[dreg:$0x0] =	wrdreg $0x0  }
0xb7: {  	s5 =	sshll.u32 s28, $0x1;
	[dreg:$0x2] =	wrdreg s3  }
0xb8: {  	[dreg:$0x3] =	wrdreg s5  }
0xb9: {  	[dreg:$0x4] =	wrdreg $0xC0  }
0xba: {  	_ =	task [dreg:s22], $0x5FFFF  }
0xbb: {  	[dreg:$0x1] =	wrdreg $0xFFFFFFFF  }
0xbc: {  	[dreg:$0x0] =	wrdreg $0x60  }
0xbd: {  	[dreg:$0x2] =	wrdreg s24  }
0xbe: {  	[dreg:$0x3] =	wrdreg $0x98000  }
0xbf: {  	[dreg:$0x4] =	wrdreg $0xA  }
0xc0: {  	_ =	task.clear_ibuf [dreg:s22], $0x5FFFF;
	_ =	strace $0x9000004F  }
0xc1: {  	s29 =	simm.s32 $0xA;
	_ =	strace $0x80000051  }
0xc2: {  	_ =	swait.ge [sflag:s29], $0x1  }
0xc3: {  	[sflag:s29] =	ssyncadd.s32 $0xFFFFFFFF  }
0xc4: {  	_ =	strace $0x90000051  }
0xc5: {  	_ =	sfence  }
0xc6: {  	s30 =	sld [smem:$0x0];
	_ =	sdelay $0x2  }
0xc7: {  	s31 =	sshll.u32 s1, $0xD;
	s1 =	sshrl.u32 s1, $0x2  }
0xc8: {  	s4 =	sand.u32 $0x4000, s31;
	s1 =	sadd.s32 s1, s30  }
0xc9: {  	s0 =	sor.u32 s4, s0;
	s1 =	sshll.u32 s1, $0x11  }
0xca: {  	s0 =	sor.u32 s1, s0  }
0xcb: {  	s0 =	sadd.s32 $0x8F2B, s0  }
0xcc: {  	[sflag:s0] =	ssyncadd.remote.s32 $0x1  }
0xcd: {  	_ =	sfence.sel $0xFFFF  }
0xce: {  	[dreg:$0x0] =	wrdreg $0xFFFFFFFF;
	(pc) =	sbr.abs _section_cstart, $3  }
0xcf: {  	[dreg:$0x1] =	wrdreg $0xFFFFFFFF  }
0xd0: {  	_ =	task.clear_ibuf [dreg:s22], $0x2FFFF;
	_ =	strace $0x9FFFFFFF  }
0xd1: {  	(tm) =	ssettm $0x7FFFFFFF  }
tec
execute0_lowered:
.L_overlay_start_1:
0x0: {  	(tag) =	ssettag $0x1  }
0x1: {  	s4 =	rddreg [dreg:$0x0];
	s0 =	srdreg.scid  }
0x2: {  	s2 =	rddreg [dreg:$0x1];
	s1 =	stileid.u32;
	s3 =	simm.s32 $0x0  }
0x3: {  	s14 =	simm.s32 $0x1;
	s15 =	simm.s32 $0x4800;
	s16 =	simm.s32 $0x50  }
0x4: {  	s17 =	simm.s32 $0x2;
	s18 =	simm.s32 $0x1E00;
	s19 =	simm.s32 $0x0  }
0x5: {  	s5 =	sand.u32 $0x1, s0;
	s0 =	rddreg [dreg:$0x2];
	s7 =	smul.u32 $0x14000, s1  }
0x6: {  	[smem:$0x7FF] =	sst s3;
	s8 =	sshll.u32 s1, $0x1;
	s11 =	smul.u32 $0x50000, s1  }
0x7: {  	s25 =	sadd.s32 $0xA4CC00, s4;
	s29 =	sshll.u32 s1, $0x3;
	s13 =	smul.u32 $0x26200, s1  }
0x8: {  	s6 =	smul.u32 $0x138800, s5;
	_ =	strace $0x80000050;
	s8 =	sor.u32 s5, s8  }
0x9: {  	s28 =	ssub.s32 $0x2, s5;
	s30 =	smul.u32 $0x13100, s5;
	s9 =	sshll.u32 s8, $0xA  }
0xa: {  	s26 =	smul.u32 $0x13100, s8;
	s12 =	sshrl.u32 s28, $0x1;
	s8 =	sxor.u32 $0x7D, s29  }
0xb: {  	s31 =	sadd.s32 s13, s25;
	s11 =	sshrl.u32 s11, $0x2;
	s13 =	simm.s32 $0x2000  }
0xc: {  	s6 =	sadd.s32 s7, s6;
	s9 =	sadd.s32 s9, s4;
	s12 =	ssub.s32 s28, s12  }
0xd: {  	s6 =	sshrl.u32 s6, $0x3;
	s5 =	sadd.s32 $0x2E2C00, s9;
	s7 =	smax.u32 s12, $0x1  }
0xe: {  	s9 =	sadd.s32 s30, s31;
	s12 =	simm.s32 $0x3;
	s10 =	sadd.s32 s6, s4  }
0xf: {  	s4 =	smin.u32 s8, $0x8;
	s6 =	sadd.s32 s25, s26;
	s8 =	sadd.s32 s11, s2  }
0x10: {  	v0 =	vimm.f32 $0.0e+00;
	s9 =	sadd.s32 $0x500, s9;
	s11 =	simm.s32 $0x7000;
	s10 =	sadd.s32 $0xA8E00, s10  }
.LBB2_1:
0x11: {  	s20 =	simm.s32 $0x0;
	s21 =	simm.s32 $0x200  }
.LBB2_2:
0x12: {  	p0 =	sne.s32 s21, $0x9E00;
	[tilespmem:s20+$0x7070] =	vst v0  }
0x13: {  	[tilespmem:s20+$0x7000] =	vst v0  }
0x14: {  	[tilespmem:s20+$0x7010] =	vst v0  }
.Ltmp0:
0x15: {  	[tilespmem:s20+$0x7020] =	vst v0;
	(pc) =	sbr.rel @p0 .LBB2_2-.Ltmp0, $4  }
0x16: {  	[tilespmem:s20+$0x7030] =	vst v0  }
0x17: {  	[tilespmem:s20+$0x7040] =	vst v0  }
0x18: {  	[tilespmem:s20+$0x7050] =	vst v0  }
0x19: {  	[tilespmem:s20+$0x7060] =	vst v0;
	s20 =	sshra.s32 s21, $0x2;
	s21 =	sadd.s32 $0x200, s21  }
0x1a: {  	[tilespmem:s20+$0x7070] =	vst v0  }
0x1b: {  	[tilespmem:s20+$0x7000] =	vst v0  }
0x1c: {  	[tilespmem:s20+$0x7010] =	vst v0  }
0x1d: {  	[tilespmem:s20+$0x7020] =	vst v0  }
0x1e: {  	[tilespmem:s20+$0x7030] =	vst v0  }
0x1f: {  	[tilespmem:s20+$0x7040] =	vst v0;
	p0 =	sne.s32 s4, $0x1  }
.Ltmp1:
0x20: {  	[tilespmem:s20+$0x7050] =	vst v0;
	(pc) =	sbr.rel @!p0 .LBB2_5-.Ltmp1, $4  }
0x21: {  	[tilespmem:s20+$0x7060] =	vst v0  }
0x22: {  	[spmem:s8] =	stream.linear.scatter [tilespmem:s11], [sflag:$0x3], $0x2800, $0x38;
	[tilespmem:$0x1D080] =	vst v63  }
0x23: {  	_ =	swait.ge [sflag:s12], $0x2800  }
0x24: {  	s20 =	sadd.s32 $0xFFFFFFFF, s4;
	s21 =	smov.u32 s8;
	[sflag:s12] =	ssyncset.done $0x0  }
.LBB2_4:
0x25: {  	p1 =	sne.s32 s20, $0x1;
	[sflag:s12] =	ssyncadd.s32 $0xFFFFD800;
	s21 =	sadd.s32 $0x2800, s21  }
.Ltmp2:
0x26: {  	s20 =	sadd.s32 $0xFFFFFFFF, s20;
	(pc) =	sbr.rel @p1 .LBB2_4-.Ltmp2, $4  }
0x27: {  	_ = 	snop  }
0x28: {  	[spmem:s21] =	stream.linear.scatter [tilespmem:s11], [sflag:$0x3], $0x2800, $0x38;
	[tilespmem:$0x1D080] =	vst v63  }
0x29: {  	_ =	swait.ge [sflag:s12], $0x2800  }
0x2a: {  	[sflag:s12] =	ssyncset.done $0x0  }
.LBB2_5:
0x2b: {  	[sflag:s12] =	ssyncadd.s32 $0xFFFFD800  }
0x2c: {  	s20 =	simm.s32 $0x0;
	[bflag:$0x0] =	sbarrier.arrive $0xFFFF  }
0x2d: {  	[tilespmem:s20], [sflag:$0x3] =	stream.linear.gather [hbm4b:s5+s20], $0x1E80, $0x38;
	[tilespmem:$0x1D080] =	vst v63  }
0x2e: {  	_ =	swait.ge [sflag:s12], $0x1E80  }
0x2f: {  	[sflag:s12] =	ssyncset.done $0x0  }
0x30: {  	[sflag:s12] =	ssyncadd.s32 $0xFFFFE180  }
0x31: {  	[tilespmem:s13], [sflag:$0x1] =	stream.linear.gather [hbm4b:s6+s20], $0x2800, $0x38;
	[tilespmem:$0x1D080] =	vst v63  }
0x32: {  	_ =	swait.ge [sflag:s14], $0x2800  }
0x33: {  	[sflag:s14] =	ssyncset.done $0x0  }
0x34: {  	[sflag:s14] =	ssyncadd.s32 $0xFFFFD800  }
0x35: {  	[tilespmem:s15], [sflag:$0x2] =	stream.linear.gather [hbm4b:s9+s3], $0x2800, $0x38;
	[tilespmem:$0x1D080] =	vst v63  }
0x36: {  	s29 =	simm.s32 $0x0  }
0x37: {  	[spmem:s2] =	stream.indirect.scatter.add.f32 [tilespmem:s13], [sflag:$0x3], $0x80, s29, s16, $0xb8;
	[tilespmem:$0x1D080] =	vst v63  }
0x38: {  	_ =	swait.ge [sflag:s12], $0x2800  }
0x39: {  	[sflag:s12] =	ssyncset.done $0x0  }
0x3a: {  	[sflag:s12] =	ssyncadd.s32 $0xFFFFD800  }
0x3b: {  	_ =	swait.ge [sflag:s17], $0x2800  }
0x3c: {  	[sflag:s17] =	ssyncset.done $0x0  }
0x3d: {  	s30 =	sadd.s32 $0x500, s9;
	[sflag:s17] =	ssyncadd.s32 $0xFFFFD800  }
0x3e: {  	[tilespmem:s13], [sflag:$0x1] =	stream.linear.gather [hbm4b:s30+s3], $0x2800, $0x38;
	[tilespmem:$0x1D080] =	vst v63  }
0x3f: {  	s31 =	simm.s32 $0x80  }
0x40: {  	[spmem:s2] =	stream.indirect.scatter.add.f32 [tilespmem:s15], [sflag:$0x3], $0x80, s31, s16, $0xb8;
	[tilespmem:$0x1D080] =	vst v63  }
0x41: {  	_ =	swait.ge [sflag:s12], $0x2800  }
0x42: {  	s21 =	smov.u32 s9;
	s20 =	simm.s32 $0x400;
	[sflag:s12] =	ssyncset.done $0x0  }
.LBB2_6:
0x43: {  	p1 =	sne.s32 s20, $0x7400;
	[sflag:s12] =	ssyncadd.s32 $0xFFFFD800;
	s21 =	sadd.s32 $0xA00, s21  }
0x44: {  	s22 =	smov.u32 s20;
	s20 =	sadd.s32 $0x400, s20  }
0x45: {  	_ =	swait.ge [sflag:s14], $0x2800  }
0x46: {  	[sflag:s14] =	ssyncset.done $0x0  }
0x47: {  	[sflag:s14] =	ssyncadd.s32 $0xFFFFD800  }
0x48: {  	[tilespmem:s15], [sflag:$0x2] =	stream.linear.gather [hbm4b:s21+s3], $0x2800, $0x38;
	[tilespmem:$0x1D080] =	vst v63  }
0x49: {  	s22 =	sshra.s32 s22, $0x2  }
0x4a: {  	[spmem:s2] =	stream.indirect.scatter.add.f32 [tilespmem:s13], [sflag:$0x3], $0x80, s22, s16, $0xb8;
	[tilespmem:$0x1D080] =	vst v63  }
0x4b: {  	_ =	swait.ge [sflag:s12], $0x2800  }
0x4c: {  	[sflag:s12] =	ssyncset.done $0x0  }
0x4d: {  	[sflag:s12] =	ssyncadd.s32 $0xFFFFD800  }
0x4e: {  	_ =	swait.ge [sflag:s17], $0x2800  }
0x4f: {  	[sflag:s17] =	ssyncset.done $0x0  }
0x50: {  	s23 =	sadd.s32 $0x500, s21;
	[sflag:s17] =	ssyncadd.s32 $0xFFFFD800  }
0x51: {  	[tilespmem:s13], [sflag:$0x1] =	stream.linear.gather [hbm4b:s23+s3], $0x2800, $0x38;
	[tilespmem:$0x1D080] =	vst v63  }
.Ltmp3:
0x52: {  	_ = 	snop;
	(pc) =	sbr.rel @p1 .LBB2_6-.Ltmp3, $4  }
0x53: {  	s22 =	sadd.s32 $0x80, s22  }
0x54: {  	[spmem:s2] =	stream.indirect.scatter.add.f32 [tilespmem:s15], [sflag:$0x3], $0x80, s22, s16, $0xb8;
	[tilespmem:$0x1D080] =	vst v63  }
0x55: {  	_ =	swait.ge [sflag:s12], $0x2800  }
0x56: {  	[sflag:s12] =	ssyncset.done $0x0  }
0x57: {  	[sflag:s12] =	ssyncadd.s32 $0xFFFFD800  }
0x58: {  	_ =	swait.ge [sflag:s14], $0x2800  }
0x59: {  	[sflag:s14] =	ssyncset.done $0x0  }
0x5a: {  	[sflag:s14] =	ssyncadd.s32 $0xFFFFD800  }
0x5b: {  	[spmem:s2] =	stream.indirect.scatter.add.f32 [tilespmem:s13], [sflag:$0x3], $0x80, s18, s16, $0xb8;
	[tilespmem:$0x1D080] =	vst v63  }
0x5c: {  	_ =	swait.ge [sflag:s12], $0x2800  }
0x5d: {  	[sflag:s12] =	ssyncset.done $0x0  }
0x5e: {  	[sflag:s12] =	ssyncadd.s32 $0xFFFFD800  }
0x5f: {  	[bflag:$0x0] =	sbarrier.arrive $0xFFFF  }
0x60: {  	[tilespmem:s11], [sflag:$0x3] =	stream.linear.gather [spmem:s8], $0x2800, $0x38;
	[tilespmem:$0x1D080] =	vst v63  }
0x61: {  	_ =	swait.ge [sflag:s12], $0x2800  }
.Ltmp4:
0x62: {  	[sflag:s12] =	ssyncset.done $0x0;
	(pc) =	sbr.rel @!p0 .LBB2_9-.Ltmp4, $4  }
0x63: {  	[sflag:s12] =	ssyncadd.s32 $0xFFFFD800  }
0x64: {  	[hbm4b:s10+s3] =	stream.linear.scatter [tilespmem:s11], [sflag:$0x3], $0x2800, $0x38;
	[tilespmem:$0x1D080] =	vst v63  }
0x65: {  	s20 =	sadd.s32 $0xFFFFFFFF, s4;
	_ =	swait.ge [sflag:s12], $0x2800  }
0x66: {  	s21 =	smov.u32 s10;
	s22 =	smov.u32 s8;
	[sflag:s12] =	ssyncset.done $0x0  }
.LBB2_8:
0x67: {  	[sflag:s12] =	ssyncadd.s32 $0xFFFFD800;
	s21 =	sadd.s32 $0x500, s21;
	s22 =	sadd.s32 $0x2800, s22  }
0x68: {  	[tilespmem:s11], [sflag:$0x3] =	stream.linear.gather [spmem:s22], $0x2800, $0x38;
	[tilespmem:$0x1D080] =	vst v63  }
0x69: {  	p0 =	sne.s32 s20, $0x1;
	s20 =	sadd.s32 $0xFFFFFFFF, s20;
	_ =	swait.ge [sflag:s12], $0x2800  }
.Ltmp5:
0x6a: {  	[sflag:s12] =	ssyncset.done $0x0;
	(pc) =	sbr.rel @p0 .LBB2_8-.Ltmp5, $4  }
0x6b: {  	[sflag:s12] =	ssyncadd.s32 $0xFFFFD800  }
0x6c: {  	[hbm4b:s21+s3] =	stream.linear.scatter [tilespmem:s11], [sflag:$0x3], $0x2800, $0x38;
	[tilespmem:$0x1D080] =	vst v63  }
0x6d: {  	_ =	swait.ge [sflag:s12], $0x2800  }
0x6e: {  	[sflag:s12] =	ssyncset.done $0x0  }
.LBB2_9:
0x6f: {  	s19 =	sadd.s32 $0x1, s19  }
0x70: {  	p0 =	sne.s32 s19, s7  }
.Ltmp6:
0x71: {  	_ = 	snop;
	(pc) =	sbr.rel @p0 .LBB2_1-.Ltmp6, $2  }
0x72: {  	_ =	sdelay $0x2  }
0x73: {  	[sflag:s12] =	ssyncadd.s32 $0xFFFFD800  }
0x74: {  	_ =	sfence.sel $0x180000  }
0x75: {  	[bflag:$0x0] =	sbarrier.arrive $0xFFFF  }
0x76: {  	p0 =	sne.s32 s1, $0x0;
	_ =	strace $0x90000050  }
0x77: {  	s0 =	sadd.s32 @!p0 $0x100000, s0;
	[bflag:$0x2] =	sbarrier.arrive $0xFFFF  }
0x78: {  	[sflag:s0] =	ssyncadd.tile.s32 @!p0 $0x1;
	_ =	shalt  }
.Lfunc_end2:
_tile_overlayer_lowered:
.L_overlay_start_2:
0x79: {  	(tag) =	ssettag $0x2  }
0x7a: {  	s0 =	rddreg [dreg:$0x0];
	s2 =	stileid.u32  }
0x7b: {  	s1 =	rddreg [dreg:$0x1];
	p0 =	sne.s32 s2, $0x0  }
0x7c: {  	s3 =	rddreg [dreg:$0x2];
	[bflag:$0x3] =	sbarrier.arrive $0xFFFF;
	s2 =	simm.s32 @!p0 $0x1C03  }
0x7d: {  	[timem:s3], [sflag:s2] =	dma.local @!p0 [hbm:s0], s1  }
0x7e: {  	s0 =	simm.s32 @!p0 $0x3  }
0x7f: {  	_ =	swait.ge @!p0 [sflag:s0], s1  }
0x80: {  	s1 =	ssub.s32 @!p0 $0x0, s1;
	[sflag:s0] =	ssyncset.done @!p0 $0x0  }
0x81: {  	[sflag:s0] =	ssyncadd.s32 @!p0 s1  }
0x82: {  	[bflag:$0x3] =	sbarrier.arrive $0xFFFF  }
0x83: {  	_ =	shalt  }

</sc_bundles>
